<compile_context>
chip_gen: v7x
topology: tpu7x:2x2x1
jax: 0.10.2.dev20260603
libtpu: 0.0.44.dev20260713+nightly
codegen_flags: <defaults>
</compile_context>

<pallas_src>
import functools

import jax
import jax.numpy as jnp
from jax import lax
from jax.experimental import pallas as pl
from jax.experimental.pallas import tpu as pltpu
from jax.experimental.pallas import tpu_sc as plsc

N_NODES = 10000
D_IN = 128
D_HID = 256
D_OUT = 64

NC = 2
NS = 16
NW = NC * NS

K = 128
RPW = 80
E_PAD = NW * RPW * K
NROWS = E_PAD // K

ROWS_PER_TILE = 640
NACC = NS * ROWS_PER_TILE
DEGW = 8


def _mesh():
    return plsc.VectorSubcoreMesh(
        core_axis_name="c", subcore_axis_name="s", num_cores=NC, num_subcores=NS
    )


def _sc_degree(dst2d, ones8, zeros8):

    @functools.partial(
        pl.kernel,
        out_type=jax.ShapeDtypeStruct((NC, NACC, DEGW), jnp.float32),
        mesh=_mesh(),
        scratch_types=[
            pltpu.VMEM((RPW, K), jnp.int32),
            pltpu.VMEM((K, DEGW), jnp.float32),
            pltpu.VMEM_SHARED((NACC, DEGW), jnp.float32),
        ],
        compiler_params=pltpu.CompilerParams(use_tc_tiling_on_sc=False),
    )
    def deg_kernel(dst_hbm, ones_hbm, zeros_hbm, out_hbm, dst_v, ones_v, acc):
        c = lax.axis_index("c")
        s = lax.axis_index("s")
        w = s * NC + c
        pltpu.sync_copy(zeros_hbm, acc.at[pl.ds(s * ROWS_PER_TILE, ROWS_PER_TILE)])
        pltpu.sync_copy(dst_hbm.at[pl.ds(w * RPW, RPW)], dst_v)
        pltpu.sync_copy(ones_hbm, ones_v)
        plsc.subcore_barrier()

        def body(j, carry):
            pltpu.sync_copy(ones_v, acc.at[dst_v.at[j]], add=True)
            return carry

        lax.fori_loop(0, RPW, body, 0)
        plsc.subcore_barrier()
        pltpu.sync_copy(
            acc.at[pl.ds(s * ROWS_PER_TILE, ROWS_PER_TILE)],
            out_hbm.at[c, pl.ds(s * ROWS_PER_TILE, ROWS_PER_TILE)],
        )

    return deg_kernel(dst2d, ones8, zeros8)


def _sc_prop(feat, src2d, dst2d, zerosD, d_feat):

    if d_feat > 64:
        NBUF, PPH, R0, R1 = 2, 48, 144, 16
    else:
        NBUF, PPH, R0, R1 = 4, 48, 144, 16
    C0TOT = NS * R0

    @functools.partial(
        pl.kernel,
        out_type=jax.ShapeDtypeStruct((NC, NACC, d_feat), jnp.float32),
        mesh=_mesh(),
        scratch_types=(
            [
                pltpu.VMEM((PPH, K), jnp.int32),
                pltpu.VMEM((PPH, K), jnp.int32),
            ]
            + [pltpu.VMEM((K, d_feat), jnp.float32) for _ in range(NBUF)]
            + [pltpu.VMEM_SHARED((NACC, d_feat), jnp.float32)]
            + [pltpu.SemaphoreType.DMA for _ in range(NBUF)]
        ),
        compiler_params=pltpu.CompilerParams(use_tc_tiling_on_sc=False),
    )
    def prop_kernel(feat_hbm, src_hbm, dst_hbm, zeros_hbm, out_hbm,
                    src_v, dst_v, *rest):
        bufs = rest[:NBUF]
        acc = rest[NBUF]
        gsems = rest[NBUF + 1:]
        c = lax.axis_index("c")
        s = lax.axis_index("s")
        pltpu.sync_copy(zeros_hbm, acc.at[pl.ds(s * ROWS_PER_TILE, ROWS_PER_TILE)])
        plsc.subcore_barrier()

        def run_phase(base, rows):
            pltpu.sync_copy(src_hbm.at[pl.ds(base, rows)], src_v.at[pl.ds(0, rows)])
            pltpu.sync_copy(dst_hbm.at[pl.ds(base, rows)], dst_v.at[pl.ds(0, rows)])
            for t in range(NBUF):
                pltpu.async_copy(feat_hbm.at[src_v.at[t]], bufs[t], gsems[t])

            def body(g, carry):
                for t in range(NBUF):
                    j = g * NBUF + t
                    pltpu.make_async_copy(
                        feat_hbm.at[pl.ds(0, K)], bufs[t], gsems[t]
                    ).wait()
                    pltpu.sync_copy(bufs[t], acc.at[dst_v.at[j]], add=True)

                    @pl.when(j + NBUF < rows)
                    def _():
                        pltpu.async_copy(
                            feat_hbm.at[src_v.at[j + NBUF]], bufs[t], gsems[t]
                        )

                return carry

            lax.fori_loop(0, rows // NBUF, body, 0)

        @pl.when(c == 0)
        def _():
            for p in range(R0 // PPH):
                run_phase(s * R0 + p * PPH, PPH)

        if R1 > 0:
            @pl.when(c == 1)
            def _():
                run_phase(C0TOT + s * R1, R1)

        plsc.subcore_barrier()
        pltpu.sync_copy(
            acc.at[pl.ds(s * ROWS_PER_TILE, ROWS_PER_TILE)],
            out_hbm.at[c, pl.ds(s * ROWS_PER_TILE, ROWS_PER_TILE)],
        )

    return prop_kernel(feat, src2d, dst2d, zerosD)


_BLK = 1000
_NBLK = N_NODES // _BLK


def _tc_pre(degA, degB, x):

    def body(degA_ref, degB_ref, x_ref, xs_ref, dinv_ref):
        dinv = lax.rsqrt(degA_ref[...] + degB_ref[...] + 1.0)
        dinv_ref[...] = dinv
        xs_ref[...] = x_ref[...] * dinv[:, 0:1]

    return pl.pallas_call(
        body,
        grid=(_NBLK,),
        in_specs=[
            pl.BlockSpec((_BLK, DEGW), lambda i: (i, 0)),
            pl.BlockSpec((_BLK, DEGW), lambda i: (i, 0)),
            pl.BlockSpec((_BLK, D_IN), lambda i: (i, 0)),
        ],
        out_specs=[
            pl.BlockSpec((_BLK, D_IN), lambda i: (i, 0)),
            pl.BlockSpec((_BLK, DEGW), lambda i: (i, 0)),
        ],
        out_shape=[
            jax.ShapeDtypeStruct((N_NODES, D_IN), jnp.float32),
            jax.ShapeDtypeStruct((N_NODES, DEGW), jnp.float32),
        ],
    )(degA, degB, x)


def _tc_mid(yA, yB, xs, dinv, W1, b1, W2):

    def body(yA_ref, yB_ref, xs_ref, dinv_ref, W1_ref, b1_ref, W2_ref, gs_ref):
        d = dinv_ref[...][:, 0:1]
        t = (yA_ref[...] + yB_ref[...] + xs_ref[...]) * d
        z = jnp.dot(t, W1_ref[...], preferred_element_type=jnp.float32)
        z = jnp.maximum(z + b1_ref[...], 0.0)
        g = jnp.dot(z, W2_ref[...], preferred_element_type=jnp.float32)
        gs_ref[...] = g * d

    return pl.pallas_call(
        body,
        grid=(_NBLK,),
        in_specs=[
            pl.BlockSpec((_BLK, D_IN), lambda i: (i, 0)),
            pl.BlockSpec((_BLK, D_IN), lambda i: (i, 0)),
            pl.BlockSpec((_BLK, D_IN), lambda i: (i, 0)),
            pl.BlockSpec((_BLK, DEGW), lambda i: (i, 0)),
            pl.BlockSpec((D_IN, D_HID), lambda i: (0, 0)),
            pl.BlockSpec((1, D_HID), lambda i: (0, 0)),
            pl.BlockSpec((D_HID, D_OUT), lambda i: (0, 0)),
        ],
        out_specs=pl.BlockSpec((_BLK, D_OUT), lambda i: (i, 0)),
        out_shape=jax.ShapeDtypeStruct((N_NODES, D_OUT), jnp.float32),
    )(yA, yB, xs, dinv, W1, b1, W2)


def _tc_post(uA, uB, gs, dinv, b2):

    def body(uA_ref, uB_ref, gs_ref, dinv_ref, b2_ref, out_ref):
        d = dinv_ref[...][:, 0:1]
        o = (uA_ref[...] + uB_ref[...] + gs_ref[...]) * d + b2_ref[...]
        m = jnp.max(o, axis=1, keepdims=True)
        e = o - m
        out_ref[...] = e - jnp.log(jnp.sum(jnp.exp(e), axis=1, keepdims=True))

    return pl.pallas_call(
        body,
        grid=(_NBLK,),
        in_specs=[
            pl.BlockSpec((_BLK, D_OUT), lambda i: (i, 0)),
            pl.BlockSpec((_BLK, D_OUT), lambda i: (i, 0)),
            pl.BlockSpec((_BLK, D_OUT), lambda i: (i, 0)),
            pl.BlockSpec((_BLK, DEGW), lambda i: (i, 0)),
            pl.BlockSpec((1, D_OUT), lambda i: (0, 0)),
        ],
        out_specs=pl.BlockSpec((_BLK, D_OUT), lambda i: (i, 0)),
        out_shape=jax.ShapeDtypeStruct((N_NODES, D_OUT), jnp.float32),
    )(uA, uB, gs, dinv, b2)


def kernel(x, edge_index, W1, b1, W2, b2):
    n = x.shape[0]
    src = edge_index[0].astype(jnp.int32)
    dst = edge_index[1].astype(jnp.int32)
    e = src.shape[0]
    pad = E_PAD - e
    src2d = jnp.concatenate([src, jnp.full((pad,), n, jnp.int32)]).reshape(NROWS, K)
    dst2d = jnp.concatenate([dst, jnp.full((pad,), n, jnp.int32)]).reshape(NROWS, K)

    ones8 = jnp.ones((K, DEGW), jnp.float32)
    zeros8 = jnp.zeros((ROWS_PER_TILE, DEGW), jnp.float32)
    zeros128 = jnp.zeros((ROWS_PER_TILE, D_IN), jnp.float32)
    zeros64 = jnp.zeros((ROWS_PER_TILE, D_OUT), jnp.float32)

    deg2 = _sc_degree(dst2d, ones8, zeros8)
    xs, dinv = _tc_pre(deg2[0, :n], deg2[1, :n], x)

    xs_pad = jnp.concatenate([xs, jnp.zeros((NACC - n, D_IN), jnp.float32)], axis=0)
    y2 = _sc_prop(xs_pad, src2d, dst2d, zeros128, D_IN)
    gs = _tc_mid(y2[0, :n], y2[1, :n], xs, dinv, W1, b1.reshape(1, -1), W2)

    gs_pad = jnp.concatenate([gs, jnp.zeros((NACC - n, D_OUT), jnp.float32)], axis=0)
    u2 = _sc_prop(gs_pad, src2d, dst2d, zeros64, D_OUT)
    return _tc_post(u2[0, :n], u2[1, :n], gs, dinv, b2.reshape(1, -1))

# --- scband reference (transcript-rebuilt; emitter-appended) ---
"""Pipeline reference for scband-gcn-69750268887169 (READ-ONLY COPY).

The authoritative reference and input builder live on the scoring server;
editing this copy changes nothing except your own understanding.
"""

import jax, jax.numpy as jnp
import numpy as np

N_NODES = 10000
N_EDGES = 320000
D_IN = 128
D_HID = 256
D_OUT = 64


def gcn_conv(x, src, dst, W, b, n_nodes):
    # linear transform first (PyG GCNConv: lin then propagate)
    h = x @ W
    # symmetric normalization with self-loops already included in src/dst
    deg = jnp.zeros((n_nodes,), dtype=h.dtype).at[dst].add(1.0)
    deg_inv_sqrt = jnp.where(deg > 0, deg ** -0.5, 0.0)
    norm = deg_inv_sqrt[src] * deg_inv_sqrt[dst]
    msg = h[src] * norm[:, None]
    out = jnp.zeros((n_nodes, h.shape[1]), dtype=h.dtype).at[dst].add(msg)
    return out + b


def setup_inputs(seed: int = 0) -> dict:
    key = jax.random.key(seed)
    k_x, k_e, k_w1, k_b1, k_w2, k_b2 = jax.random.split(key, 6)
    x = jax.random.normal(k_x, (N_NODES, D_IN), dtype=jnp.float32)
    edge_index = jax.random.randint(k_e, (2, N_EDGES), 0, N_NODES, dtype=jnp.int64)
    s1 = (1.0 / np.sqrt(D_IN)).astype(np.float32) if isinstance(np.sqrt(D_IN), np.ndarray) else np.float32(1.0 / np.sqrt(D_IN))
    s2 = np.float32(1.0 / np.sqrt(D_HID))
    W1 = jax.random.uniform(k_w1, (D_IN, D_HID), dtype=jnp.float32, minval=-s1, maxval=s1)
    b1 = jnp.zeros((D_HID,), dtype=jnp.float32)
    W2 = jax.random.uniform(k_w2, (D_HID, D_OUT), dtype=jnp.float32, minval=-s2, maxval=s2)
    b2 = jnp.zeros((D_OUT,), dtype=jnp.float32)
    return {"x": x, "edge_index": edge_index, "W1": W1, "b1": b1, "W2": W2, "b2": b2}


def reference(x, edge_index, W1, b1, W2, b2):
    n_nodes = x.shape[0]
    # add self-loops once (shared by both conv layers)
    loop = jnp.arange(n_nodes, dtype=edge_index.dtype)
    src = jnp.concatenate([edge_index[0], loop])
    dst = jnp.concatenate([edge_index[1], loop])
    h = gcn_conv(x, src, dst, W1, b1, n_nodes)
    h = jax.nn.relu(h)
    h = gcn_conv(h, src, dst, W2, b2, n_nodes)
    return jax.nn.log_softmax(h, axis=1)

if __name__ == "__main__":
    import jax
    _d = setup_inputs()
    print(jax.jit(kernel)(*tuple(_d.values())))

</pallas_src>

<mosaic_0001>
#map = affine_map<(d0, d1) -> (0, 0)>
#map1 = affine_map<(d0, d1) -> (0, 0, 0)>
module attributes {stable_mosaic.version = 14 : i64} {
  func.func @deg_kernel(%arg0: i32, %arg1: i32, %arg2: memref<2560x128xi32, #tpu.memory_space<hbm>>, %arg3: memref<128x8xf32, #tpu.memory_space<hbm>>, %arg4: memref<640x8xf32, #tpu.memory_space<hbm>>, %arg5: memref<2x10240x8xf32, #tpu.memory_space<hbm>>, %arg6: memref<80x128xi32, #tpu.memory_space<vmem>>, %arg7: memref<128x8xf32, #tpu.memory_space<vmem>>, %arg8: memref<10240x8xf32, #tpu.memory_space<vmem_shared>>) attributes {dimension_semantics = [#tpu.dimension_semantics<core_parallel>, #tpu.dimension_semantics<subcore_parallel>], iteration_bounds = array<i64: 2, 16>, scalar_prefetch = 0 : i64, scratch_operands = 3 : i64, tpu.core_type = #tpu.core_type<sc_vector_subcore>, window_params = [{transform_indices = #map}, {transform_indices = #map}, {transform_indices = #map}, {transform_indices = #map1}]} {
    %mul3A = arith.constant 2 : i32
    %mul3A_0 = arith.muli %arg1, %mul3A : i32
    %add3A = arith.addi %mul3A_0, %arg0 : i32
    %mul3A_1 = arith.constant 640 : i32
    %mul3A_2 = arith.muli %arg1, %mul3A_1 : i32
    "tpu.region"() ({
      %run_scoped3A = tpu.sem_alloc : memref<!tpu.dma_semaphore, #tpu.memory_space<semaphore_mem>>
      %dma_start3A = arith.constant 0 : i32
      %dma_start3A_15 = tpu.memref_slice %arg8[%mul3A_2, %dma_start3A] : memref<10240x8xf32, #tpu.memory_space<vmem_shared>> -> memref<640x8xf32, #tpu.memory_space<vmem_shared>>
      tpu.enqueue_dma source(%arg4 : memref<640x8xf32, #tpu.memory_space<hbm>>) target(%dma_start3A_15 : memref<640x8xf32, #tpu.memory_space<vmem_shared>>) target_semaphore(%run_scoped3A : memref<!tpu.dma_semaphore, #tpu.memory_space<semaphore_mem>>)
      %dma_wait3A = arith.constant 0 : i32
      %dma_wait3A_16 = tpu.memref_slice %arg8[%mul3A_2, %dma_wait3A] : memref<10240x8xf32, #tpu.memory_space<vmem_shared>> -> memref<640x8xf32, #tpu.memory_space<vmem_shared>>
      tpu.wait_dma2 semaphore(%run_scoped3A : memref<!tpu.dma_semaphore, #tpu.memory_space<semaphore_mem>>) src(%arg4 : memref<640x8xf32, #tpu.memory_space<hbm>>) dst(%dma_wait3A_16 : memref<640x8xf32, #tpu.memory_space<vmem_shared>>)
      tpu.yield
    }) : () -> ()
    %mul3A_3 = arith.constant 80 : i32
    %mul3A_4 = arith.muli %add3A, %mul3A_3 : i32
    "tpu.region"() ({
      %run_scoped3A = tpu.sem_alloc : memref<!tpu.dma_semaphore, #tpu.memory_space<semaphore_mem>>
      %dma_start3A = arith.constant 0 : i32
      %dma_start3A_15 = tpu.memref_slice %arg2[%mul3A_4, %dma_start3A] : memref<2560x128xi32, #tpu.memory_space<hbm>> -> memref<80x128xi32, #tpu.memory_space<hbm>>
      %dma_start3A_16 = arith.constant 0 : i32
      %dma_start3A_17 = tpu.memref_slice %arg2[%mul3A_4, %dma_start3A_16] : memref<2560x128xi32, #tpu.memory_space<hbm>> -> memref<80x128xi32, #tpu.memory_space<hbm>>
      tpu.enqueue_dma source(%dma_start3A_17 : memref<80x128xi32, #tpu.memory_space<hbm>>) target(%arg6 : memref<80x128xi32, #tpu.memory_space<vmem>>) target_semaphore(%run_scoped3A : memref<!tpu.dma_semaphore, #tpu.memory_space<semaphore_mem>>)
      %dma_wait3A = arith.constant 0 : i32
      %dma_wait3A_18 = tpu.memref_slice %arg2[%mul3A_4, %dma_wait3A] : memref<2560x128xi32, #tpu.memory_space<hbm>> -> memref<80x128xi32, #tpu.memory_space<hbm>>
      %dma_wait3A_19 = arith.constant 0 : i32
      %dma_wait3A_20 = tpu.memref_slice %arg2[%mul3A_4, %dma_wait3A_19] : memref<2560x128xi32, #tpu.memory_space<hbm>> -> memref<80x128xi32, #tpu.memory_space<hbm>>
      tpu.wait_dma2 semaphore(%run_scoped3A : memref<!tpu.dma_semaphore, #tpu.memory_space<semaphore_mem>>) src(%dma_wait3A_20 : memref<80x128xi32, #tpu.memory_space<hbm>>) dst(%arg6 : memref<80x128xi32, #tpu.memory_space<vmem>>)
      tpu.yield
    }) : () -> ()
    "tpu.region"() ({
      %run_scoped3A = tpu.sem_alloc : memref<!tpu.dma_semaphore, #tpu.memory_space<semaphore_mem>>
      tpu.enqueue_dma source(%arg3 : memref<128x8xf32, #tpu.memory_space<hbm>>) target(%arg7 : memref<128x8xf32, #tpu.memory_space<vmem>>) target_semaphore(%run_scoped3A : memref<!tpu.dma_semaphore, #tpu.memory_space<semaphore_mem>>)
      tpu.wait_dma2 semaphore(%run_scoped3A : memref<!tpu.dma_semaphore, #tpu.memory_space<semaphore_mem>>) src(%arg3 : memref<128x8xf32, #tpu.memory_space<hbm>>) dst(%arg7 : memref<128x8xf32, #tpu.memory_space<vmem>>)
      tpu.yield
    }) : () -> ()
    %barrier3A = arith.constant 0 : index
    tpu.barrier barrier_id(%barrier3A)
    %scan3A = arith.constant 0 : i32
    %scan3A_5 = arith.constant 0 : i32
    %scan3A_6 = arith.constant 80 : i32
    %scan3A_7 = arith.addi %scan3A_5, %scan3A_6 : i32
    %scan3A_8 = arith.constant 1 : i32
    scf.for %scan3A_15 = %scan3A_5 to %scan3A_7 step %scan3A_8  : i32 {
      "tpu.region"() ({
        %run_scoped3A = tpu.sem_alloc : memref<!tpu.dma_semaphore, #tpu.memory_space<semaphore_mem>>
        %dma_start3A = arith.constant 0 : i32
        %dma_start3A_16 = tpu.memref_slice %arg6[%scan3A_15, %dma_start3A] : memref<80x128xi32, #tpu.memory_space<vmem>> -> memref<1x128xi32, #tpu.memory_space<vmem>>
        %dma_start3A_17 = tpu.memref_squeeze %dma_start3A_16 : memref<1x128xi32, #tpu.memory_space<vmem>> -> memref<128xi32, #tpu.memory_space<vmem>>
        %dma_start3A_18 = arith.constant 0 : i32
        %dma_start3A_19 = arith.constant 0 : i32
        %dma_start3A_20 = tpu.memref_slice %arg8[%dma_start3A_18, %dma_start3A_19] : memref<10240x8xf32, #tpu.memory_space<vmem_shared>> -> memref<10240x8xf32, #tpu.memory_space<vmem_shared>>
        tpu.enqueue_indirect_dma source(%arg7 : memref<128x8xf32, #tpu.memory_space<vmem>>) target(%dma_start3A_20 : memref<10240x8xf32, #tpu.memory_space<vmem_shared>>) offsets(%dma_start3A_17 : memref<128xi32, #tpu.memory_space<vmem>>) semaphore(%run_scoped3A : memref<!tpu.dma_semaphore, #tpu.memory_space<semaphore_mem>>) {add = true}
        %dma_wait3A = arith.constant 0 : i32
        %dma_wait3A_21 = tpu.memref_slice %arg6[%scan3A_15, %dma_wait3A] : memref<80x128xi32, #tpu.memory_space<vmem>> -> memref<1x128xi32, #tpu.memory_space<vmem>>
        %dma_wait3A_22 = tpu.memref_squeeze %dma_wait3A_21 : memref<1x128xi32, #tpu.memory_space<vmem>> -> memref<128xi32, #tpu.memory_space<vmem>>
        %dma_wait3A_23 = arith.constant 0 : i32
        %dma_wait3A_24 = arith.constant 0 : i32
        %dma_wait3A_25 = tpu.memref_slice %arg8[%dma_wait3A_23, %dma_wait3A_24] : memref<10240x8xf32, #tpu.memory_space<vmem_shared>> -> memref<10240x8xf32, #tpu.memory_space<vmem_shared>>
        tpu.wait_indirect_dma semaphore(%run_scoped3A : memref<!tpu.dma_semaphore, #tpu.memory_space<semaphore_mem>>) src(%arg7 : memref<128x8xf32, #tpu.memory_space<vmem>>) dst(%dma_wait3A_25 : memref<10240x8xf32, #tpu.memory_space<vmem_shared>>)
        tpu.yield
      }) : () -> ()
    }
    %scan3A_9 = arith.constant 80 : i32
    %barrier3A_10 = arith.constant 0 : index
    tpu.barrier barrier_id(%barrier3A_10)
    %mul3A_11 = arith.constant 640 : i32
    %mul3A_12 = arith.muli %arg1, %mul3A_11 : i32
    %mul3A_13 = arith.constant 640 : i32
    %mul3A_14 = arith.muli %arg1, %mul3A_13 : i32
    "tpu.region"() ({
      %run_scoped3A = tpu.sem_alloc : memref<!tpu.dma_semaphore, #tpu.memory_space<semaphore_mem>>
      %dma_start3A = arith.constant 0 : i32
      %dma_start3A_15 = tpu.memref_slice %arg5[%arg0, %mul3A_14, %dma_start3A] : memref<2x10240x8xf32, #tpu.memory_space<hbm>> -> memref<1x640x8xf32, #tpu.memory_space<hbm>>
      %dma_start3A_16 = tpu.memref_squeeze %dma_start3A_15 : memref<1x640x8xf32, #tpu.memory_space<hbm>> -> memref<640x8xf32, #tpu.memory_space<hbm>>
      %dma_start3A_17 = arith.constant 0 : i32
      %dma_start3A_18 = tpu.memref_slice %arg8[%mul3A_12, %dma_start3A_17] : memref<10240x8xf32, #tpu.memory_space<vmem_shared>> -> memref<640x8xf32, #tpu.memory_space<vmem_shared>>
      tpu.enqueue_dma source(%dma_start3A_18 : memref<640x8xf32, #tpu.memory_space<vmem_shared>>) target(%dma_start3A_16 : memref<640x8xf32, #tpu.memory_space<hbm>>) target_semaphore(%run_scoped3A : memref<!tpu.dma_semaphore, #tpu.memory_space<semaphore_mem>>)
      %dma_wait3A = arith.constant 0 : i32
      %dma_wait3A_19 = tpu.memref_slice %arg5[%arg0, %mul3A_14, %dma_wait3A] : memref<2x10240x8xf32, #tpu.memory_space<hbm>> -> memref<1x640x8xf32, #tpu.memory_space<hbm>>
      %dma_wait3A_20 = tpu.memref_squeeze %dma_wait3A_19 : memref<1x640x8xf32, #tpu.memory_space<hbm>> -> memref<640x8xf32, #tpu.memory_space<hbm>>
      %dma_wait3A_21 = arith.constant 0 : i32
      %dma_wait3A_22 = tpu.memref_slice %arg8[%mul3A_12, %dma_wait3A_21] : memref<10240x8xf32, #tpu.memory_space<vmem_shared>> -> memref<640x8xf32, #tpu.memory_space<vmem_shared>>
      tpu.wait_dma2 semaphore(%run_scoped3A : memref<!tpu.dma_semaphore, #tpu.memory_space<semaphore_mem>>) src(%dma_wait3A_22 : memref<640x8xf32, #tpu.memory_space<vmem_shared>>) dst(%dma_wait3A_20 : memref<640x8xf32, #tpu.memory_space<hbm>>)
      tpu.yield
    }) : () -> ()
    return
  }
}

#map = affine_map<(d0, d1) -> (0, 0)>
#map1 = affine_map<(d0, d1) -> (0, 0, 0)>
module attributes {stable_mosaic.version = 14 : i64} {
  func.func @prop_kernel(%arg0: i32, %arg1: i32, %arg2: memref<10240x128xf32, #tpu.memory_space<hbm>>, %arg3: memref<2560x128xi32, #tpu.memory_space<hbm>>, %arg4: memref<2560x128xi32, #tpu.memory_space<hbm>>, %arg5: memref<640x128xf32, #tpu.memory_space<hbm>>, %arg6: memref<2x10240x128xf32, #tpu.memory_space<hbm>>, %arg7: memref<48x128xi32, #tpu.memory_space<vmem>>, %arg8: memref<48x128xi32, #tpu.memory_space<vmem>>, %arg9: memref<128x128xf32, #tpu.memory_space<vmem>>, %arg10: memref<128x128xf32, #tpu.memory_space<vmem>>, %arg11: memref<10240x128xf32, #tpu.memory_space<vmem_shared>>, %arg12: memref<!tpu.dma_semaphore, #tpu.memory_space<semaphore_mem>>, %arg13: memref<!tpu.dma_semaphore, #tpu.memory_space<semaphore_mem>>) attributes {dimension_semantics = [#tpu.dimension_semantics<core_parallel>, #tpu.dimension_semantics<subcore_parallel>], iteration_bounds = array<i64: 2, 16>, scalar_prefetch = 0 : i64, scratch_operands = 7 : i64, tpu.core_type = #tpu.core_type<sc_vector_subcore>, window_params = [{transform_indices = #map}, {transform_indices = #map}, {transform_indices = #map}, {transform_indices = #map}, {transform_indices = #map1}]} {
    %mul3A = arith.constant 640 : i32
    %mul3A_0 = arith.muli %arg1, %mul3A : i32
    "tpu.region"() ({
      %run_scoped3A = tpu.sem_alloc : memref<!tpu.dma_semaphore, #tpu.memory_space<semaphore_mem>>
      %dma_start3A = arith.constant 0 : i32
      %dma_start3A_13 = tpu.memref_slice %arg11[%mul3A_0, %dma_start3A] : memref<10240x128xf32, #tpu.memory_space<vmem_shared>> -> memref<640x128xf32, #tpu.memory_space<vmem_shared>>
      tpu.enqueue_dma source(%arg5 : memref<640x128xf32, #tpu.memory_space<hbm>>) target(%dma_start3A_13 : memref<640x128xf32, #tpu.memory_space<vmem_shared>>) target_semaphore(%run_scoped3A : memref<!tpu.dma_semaphore, #tpu.memory_space<semaphore_mem>>)
      %dma_wait3A = arith.constant 0 : i32
      %dma_wait3A_14 = tpu.memref_slice %arg11[%mul3A_0, %dma_wait3A] : memref<10240x128xf32, #tpu.memory_space<vmem_shared>> -> memref<640x128xf32, #tpu.memory_space<vmem_shared>>
      tpu.wait_dma2 semaphore(%run_scoped3A : memref<!tpu.dma_semaphore, #tpu.memory_space<semaphore_mem>>) src(%arg5 : memref<640x128xf32, #tpu.memory_space<hbm>>) dst(%dma_wait3A_14 : memref<640x128xf32, #tpu.memory_space<vmem_shared>>)
      tpu.yield
    }) : () -> ()
    %barrier3A = arith.constant 0 : index
    tpu.barrier barrier_id(%barrier3A)
    %eq3A = arith.constant 0 : i32
    %eq3A_1 = arith.cmpi eq, %arg0, %eq3A : i32
    %convert_element_type3A = arith.extui %eq3A_1 : i1 to i32
    %cond3A = arith.constant 0 : i32
    %cond3A_2 = arith.cmpi ne, %convert_element_type3A, %cond3A : i32
    scf.if %cond3A_2 {
      %mul3A_13 = arith.constant 144 : i32
      %mul3A_14 = arith.muli %arg1, %mul3A_13 : i32
      %add3A = arith.constant 0 : i32
      %add3A_15 = arith.addi %mul3A_14, %add3A : i32
      "tpu.region"() ({
        %run_scoped3A = tpu.sem_alloc : memref<!tpu.dma_semaphore, #tpu.memory_space<semaphore_mem>>
        %dma_start3A_82 = arith.constant 0 : i32
        %dma_start3A_83 = arith.constant 0 : i32
        %dma_start3A_84 = tpu.memref_slice %arg7[%dma_start3A_82, %dma_start3A_83] : memref<48x128xi32, #tpu.memory_space<vmem>> -> memref<48x128xi32, #tpu.memory_space<vmem>>
        %dma_start3A_85 = arith.constant 0 : i32
        %dma_start3A_86 = tpu.memref_slice %arg3[%add3A_15, %dma_start3A_85] : memref<2560x128xi32, #tpu.memory_space<hbm>> -> memref<48x128xi32, #tpu.memory_space<hbm>>
        %dma_start3A_87 = arith.constant 0 : i32
        %dma_start3A_88 = arith.constant 0 : i32
        %dma_start3A_89 = tpu.memref_slice %arg7[%dma_start3A_87, %dma_start3A_88] : memref<48x128xi32, #tpu.memory_space<vmem>> -> memref<48x128xi32, #tpu.memory_space<vmem>>
        %dma_start3A_90 = arith.constant 0 : i32
        %dma_start3A_91 = tpu.memref_slice %arg3[%add3A_15, %dma_start3A_90] : memref<2560x128xi32, #tpu.memory_space<hbm>> -> memref<48x128xi32, #tpu.memory_space<hbm>>
        tpu.enqueue_dma source(%dma_start3A_91 : memref<48x128xi32, #tpu.memory_space<hbm>>) target(%dma_start3A_89 : memref<48x128xi32, #tpu.memory_space<vmem>>) target_semaphore(%run_scoped3A : memref<!tpu.dma_semaphore, #tpu.memory_space<semaphore_mem>>)
        %dma_wait3A = arith.constant 0 : i32
        %dma_wait3A_92 = arith.constant 0 : i32
        %dma_wait3A_93 = tpu.memref_slice %arg7[%dma_wait3A, %dma_wait3A_92] : memref<48x128xi32, #tpu.memory_space<vmem>> -> memref<48x128xi32, #tpu.memory_space<vmem>>
        %dma_wait3A_94 = arith.constant 0 : i32
        %dma_wait3A_95 = tpu.memref_slice %arg3[%add3A_15, %dma_wait3A_94] : memref<2560x128xi32, #tpu.memory_space<hbm>> -> memref<48x128xi32, #tpu.memory_space<hbm>>
        %dma_wait3A_96 = arith.constant 0 : i32
        %dma_wait3A_97 = arith.constant 0 : i32
        %dma_wait3A_98 = tpu.memref_slice %arg7[%dma_wait3A_96, %dma_wait3A_97] : memref<48x128xi32, #tpu.memory_space<vmem>> -> memref<48x128xi32, #tpu.memory_space<vmem>>
        %dma_wait3A_99 = arith.constant 0 : i32
        %dma_wait3A_100 = tpu.memref_slice %arg3[%add3A_15, %dma_wait3A_99] : memref<2560x128xi32, #tpu.memory_space<hbm>> -> memref<48x128xi32, #tpu.memory_space<hbm>>
        tpu.wait_dma2 semaphore(%run_scoped3A : memref<!tpu.dma_semaphore, #tpu.memory_space<semaphore_mem>>) src(%dma_wait3A_100 : memref<48x128xi32, #tpu.memory_space<hbm>>) dst(%dma_wait3A_98 : memref<48x128xi32, #tpu.memory_space<vmem>>)
        tpu.yield
      }) : () -> ()
      "tpu.region"() ({
        %run_scoped3A = tpu.sem_alloc : memref<!tpu.dma_semaphore, #tpu.memory_space<semaphore_mem>>
        %dma_start3A_82 = arith.constant 0 : i32
        %dma_start3A_83 = arith.constant 0 : i32
        %dma_start3A_84 = tpu.memref_slice %arg8[%dma_start3A_82, %dma_start3A_83] : memref<48x128xi32, #tpu.memory_space<vmem>> -> memref<48x128xi32, #tpu.memory_space<vmem>>
        %dma_start3A_85 = arith.constant 0 : i32
        %dma_start3A_86 = tpu.memref_slice %arg4[%add3A_15, %dma_start3A_85] : memref<2560x128xi32, #tpu.memory_space<hbm>> -> memref<48x128xi32, #tpu.memory_space<hbm>>
        %dma_start3A_87 = arith.constant 0 : i32
        %dma_start3A_88 = arith.constant 0 : i32
        %dma_start3A_89 = tpu.memref_slice %arg8[%dma_start3A_87, %dma_start3A_88] : memref<48x128xi32, #tpu.memory_space<vmem>> -> memref<48x128xi32, #tpu.memory_space<vmem>>
        %dma_start3A_90 = arith.constant 0 : i32
        %dma_start3A_91 = tpu.memref_slice %arg4[%add3A_15, %dma_start3A_90] : memref<2560x128xi32, #tpu.memory_space<hbm>> -> memref<48x128xi32, #tpu.memory_space<hbm>>
        tpu.enqueue_dma source(%dma_start3A_91 : memref<48x128xi32, #tpu.memory_space<hbm>>) target(%dma_start3A_89 : memref<48x128xi32, #tpu.memory_space<vmem>>) target_semaphore(%run_scoped3A : memref<!tpu.dma_semaphore, #tpu.memory_space<semaphore_mem>>)
        %dma_wait3A = arith.constant 0 : i32
        %dma_wait3A_92 = arith.constant 0 : i32
        %dma_wait3A_93 = tpu.memref_slice %arg8[%dma_wait3A, %dma_wait3A_92] : memref<48x128xi32, #tpu.memory_space<vmem>> -> memref<48x128xi32, #tpu.memory_space<vmem>>
        %dma_wait3A_94 = arith.constant 0 : i32
        %dma_wait3A_95 = tpu.memref_slice %arg4[%add3A_15, %dma_wait3A_94] : memref<2560x128xi32, #tpu.memory_space<hbm>> -> memref<48x128xi32, #tpu.memory_space<hbm>>
        %dma_wait3A_96 = arith.constant 0 : i32
        %dma_wait3A_97 = arith.constant 0 : i32
        %dma_wait3A_98 = tpu.memref_slice %arg8[%dma_wait3A_96, %dma_wait3A_97] : memref<48x128xi32, #tpu.memory_space<vmem>> -> memref<48x128xi32, #tpu.memory_space<vmem>>
        %dma_wait3A_99 = arith.constant 0 : i32
        %dma_wait3A_100 = tpu.memref_slice %arg4[%add3A_15, %dma_wait3A_99] : memref<2560x128xi32, #tpu.memory_space<hbm>> -> memref<48x128xi32, #tpu.memory_space<hbm>>
        tpu.wait_dma2 semaphore(%run_scoped3A : memref<!tpu.dma_semaphore, #tpu.memory_space<semaphore_mem>>) src(%dma_wait3A_100 : memref<48x128xi32, #tpu.memory_space<hbm>>) dst(%dma_wait3A_98 : memref<48x128xi32, #tpu.memory_space<vmem>>)
        tpu.yield
      }) : () -> ()
      %dma_start3A = arith.constant 0 : i32
      %dma_start3A_16 = arith.constant 0 : i32
      %dma_start3A_17 = tpu.memref_slice %arg7[%dma_start3A, %dma_start3A_16] : memref<48x128xi32, #tpu.memory_space<vmem>> -> memref<1x128xi32, #tpu.memory_space<vmem>>
      %dma_start3A_18 = tpu.memref_squeeze %dma_start3A_17 : memref<1x128xi32, #tpu.memory_space<vmem>> -> memref<128xi32, #tpu.memory_space<vmem>>
      %dma_start3A_19 = arith.constant 0 : i32
      %dma_start3A_20 = arith.constant 0 : i32
      %dma_start3A_21 = tpu.memref_slice %arg2[%dma_start3A_19, %dma_start3A_20] : memref<10240x128xf32, #tpu.memory_space<hbm>> -> memref<10240x128xf32, #tpu.memory_space<hbm>>
      tpu.enqueue_indirect_dma source(%dma_start3A_21 : memref<10240x128xf32, #tpu.memory_space<hbm>>) target(%arg9 : memref<128x128xf32, #tpu.memory_space<vmem>>) offsets(%dma_start3A_18 : memref<128xi32, #tpu.memory_space<vmem>>) semaphore(%arg12 : memref<!tpu.dma_semaphore, #tpu.memory_space<semaphore_mem>>)
      %dma_start3A_22 = arith.constant 1 : i32
      %dma_start3A_23 = arith.constant 0 : i32
      %dma_start3A_24 = tpu.memref_slice %arg7[%dma_start3A_22, %dma_start3A_23] : memref<48x128xi32, #tpu.memory_space<vmem>> -> memref<1x128xi32, #tpu.memory_space<vmem>>
      %dma_start3A_25 = tpu.memref_squeeze %dma_start3A_24 : memref<1x128xi32, #tpu.memory_space<vmem>> -> memref<128xi32, #tpu.memory_space<vmem>>
      %dma_start3A_26 = arith.constant 0 : i32
      %dma_start3A_27 = arith.constant 0 : i32
      %dma_start3A_28 = tpu.memref_slice %arg2[%dma_start3A_26, %dma_start3A_27] : memref<10240x128xf32, #tpu.memory_space<hbm>> -> memref<10240x128xf32, #tpu.memory_space<hbm>>
      tpu.enqueue_indirect_dma source(%dma_start3A_28 : memref<10240x128xf32, #tpu.memory_space<hbm>>) target(%arg10 : memref<128x128xf32, #tpu.memory_space<vmem>>) offsets(%dma_start3A_25 : memref<128xi32, #tpu.memory_space<vmem>>) semaphore(%arg13 : memref<!tpu.dma_semaphore, #tpu.memory_space<semaphore_mem>>)
      %scan3A = arith.constant 0 : i32
      %scan3A_29 = arith.constant 0 : i32
      %scan3A_30 = arith.constant 24 : i32
      %scan3A_31 = arith.addi %scan3A_29, %scan3A_30 : i32
      %scan3A_32 = arith.constant 1 : i32
      scf.for %scan3A_82 = %scan3A_29 to %scan3A_31 step %scan3A_32  : i32 {
        %mul3A_83 = arith.constant 2 : i32
        %mul3A_84 = arith.muli %scan3A_82, %mul3A_83 : i32
        %add3A_85 = arith.constant 0 : i32
        %add3A_86 = arith.addi %mul3A_84, %add3A_85 : i32
        %dma_wait3A = arith.constant 0 : i32
        %dma_wait3A_87 = arith.constant 0 : i32
        %dma_wait3A_88 = tpu.memref_slice %arg2[%dma_wait3A, %dma_wait3A_87] : memref<10240x128xf32, #tpu.memory_space<hbm>> -> memref<128x128xf32, #tpu.memory_space<hbm>>
        %dma_wait3A_89 = arith.constant 0 : i32
        %dma_wait3A_90 = arith.constant 0 : i32
        %dma_wait3A_91 = tpu.memref_slice %arg2[%dma_wait3A_89, %dma_wait3A_90] : memref<10240x128xf32, #tpu.memory_space<hbm>> -> memref<128x128xf32, #tpu.memory_space<hbm>>
        tpu.wait_dma2 semaphore(%arg12 : memref<!tpu.dma_semaphore, #tpu.memory_space<semaphore_mem>>) src(%dma_wait3A_91 : memref<128x128xf32, #tpu.memory_space<hbm>>) dst(%arg9 : memref<128x128xf32, #tpu.memory_space<vmem>>)
        "tpu.region"() ({
          %run_scoped3A = tpu.sem_alloc : memref<!tpu.dma_semaphore, #tpu.memory_space<semaphore_mem>>
          %dma_start3A_115 = arith.constant 0 : i32
          %dma_start3A_116 = tpu.memref_slice %arg8[%add3A_86, %dma_start3A_115] : memref<48x128xi32, #tpu.memory_space<vmem>> -> memref<1x128xi32, #tpu.memory_space<vmem>>
          %dma_start3A_117 = tpu.memref_squeeze %dma_start3A_116 : memref<1x128xi32, #tpu.memory_space<vmem>> -> memref<128xi32, #tpu.memory_space<vmem>>
          %dma_start3A_118 = arith.constant 0 : i32
          %dma_start3A_119 = arith.constant 0 : i32
          %dma_start3A_120 = tpu.memref_slice %arg11[%dma_start3A_118, %dma_start3A_119] : memref<10240x128xf32, #tpu.memory_space<vmem_shared>> -> memref<10240x128xf32, #tpu.memory_space<vmem_shared>>
          tpu.enqueue_indirect_dma source(%arg9 : memref<128x128xf32, #tpu.memory_space<vmem>>) target(%dma_start3A_120 : memref<10240x128xf32, #tpu.memory_space<vmem_shared>>) offsets(%dma_start3A_117 : memref<128xi32, #tpu.memory_space<vmem>>) semaphore(%run_scoped3A : memref<!tpu.dma_semaphore, #tpu.memory_space<semaphore_mem>>) {add = true}
          %dma_wait3A_121 = arith.constant 0 : i32
          %dma_wait3A_122 = tpu.memref_slice %arg8[%add3A_86, %dma_wait3A_121] : memref<48x128xi32, #tpu.memory_space<vmem>> -> memref<1x128xi32, #tpu.memory_space<vmem>>
          %dma_wait3A_123 = tpu.memref_squeeze %dma_wait3A_122 : memref<1x128xi32, #tpu.memory_space<vmem>> -> memref<128xi32, #tpu.memory_space<vmem>>
          %dma_wait3A_124 = arith.constant 0 : i32
          %dma_wait3A_125 = arith.constant 0 : i32
          %dma_wait3A_126 = tpu.memref_slice %arg11[%dma_wait3A_124, %dma_wait3A_125] : memref<10240x128xf32, #tpu.memory_space<vmem_shared>> -> memref<10240x128xf32, #tpu.memory_space<vmem_shared>>
          tpu.wait_indirect_dma semaphore(%run_scoped3A : memref<!tpu.dma_semaphore, #tpu.memory_space<semaphore_mem>>) src(%arg9 : memref<128x128xf32, #tpu.memory_space<vmem>>) dst(%dma_wait3A_126 : memref<10240x128xf32, #tpu.memory_space<vmem_shared>>)
          tpu.yield
        }) : () -> ()
        %add3A_92 = arith.constant 2 : i32
        %add3A_93 = arith.addi %add3A_86, %add3A_92 : i32
        %lt3A = arith.constant 48 : i32
        %lt3A_94 = arith.cmpi slt, %add3A_93, %lt3A : i32
        %convert_element_type3A_95 = arith.extui %lt3A_94 : i1 to i32
        %cond3A_96 = arith.constant 0 : i32
        %cond3A_97 = arith.cmpi ne, %convert_element_type3A_95, %cond3A_96 : i32
        scf.if %cond3A_97 {
          %add3A_115 = arith.constant 2 : i32
          %add3A_116 = arith.addi %add3A_86, %add3A_115 : i32
          %dma_start3A_117 = arith.constant 0 : i32
          %dma_start3A_118 = tpu.memref_slice %arg7[%add3A_116, %dma_start3A_117] : memref<48x128xi32, #tpu.memory_space<vmem>> -> memref<1x128xi32, #tpu.memory_space<vmem>>
          %dma_start3A_119 = tpu.memref_squeeze %dma_start3A_118 : memref<1x128xi32, #tpu.memory_space<vmem>> -> memref<128xi32, #tpu.memory_space<vmem>>
          %dma_start3A_120 = arith.constant 0 : i32
          %dma_start3A_121 = arith.constant 0 : i32
          %dma_start3A_122 = tpu.memref_slice %arg2[%dma_start3A_120, %dma_start3A_121] : memref<10240x128xf32, #tpu.memory_space<hbm>> -> memref<10240x128xf32, #tpu.memory_space<hbm>>
          tpu.enqueue_indirect_dma source(%dma_start3A_122 : memref<10240x128xf32, #tpu.memory_space<hbm>>) target(%arg9 : memref<128x128xf32, #tpu.memory_space<vmem>>) offsets(%dma_start3A_119 : memref<128xi32, #tpu.memory_space<vmem>>) semaphore(%arg12 : memref<!tpu.dma_semaphore, #tpu.memory_space<semaphore_mem>>)
        } else {
        }
        %mul3A_98 = arith.constant 2 : i32
        %mul3A_99 = arith.muli %scan3A_82, %mul3A_98 : i32
        %add3A_100 = arith.constant 1 : i32
        %add3A_101 = arith.addi %mul3A_99, %add3A_100 : i32
        %dma_wait3A_102 = arith.constant 0 : i32
        %dma_wait3A_103 = arith.constant 0 : i32
        %dma_wait3A_104 = tpu.memref_slice %arg2[%dma_wait3A_102, %dma_wait3A_103] : memref<10240x128xf32, #tpu.memory_space<hbm>> -> memref<128x128xf32, #tpu.memory_space<hbm>>
        %dma_wait3A_105 = arith.constant 0 : i32
        %dma_wait3A_106 = arith.constant 0 : i32
        %dma_wait3A_107 = tpu.memref_slice %arg2[%dma_wait3A_105, %dma_wait3A_106] : memref<10240x128xf32, #tpu.memory_space<hbm>> -> memref<128x128xf32, #tpu.memory_space<hbm>>
        tpu.wait_dma2 semaphore(%arg13 : memref<!tpu.dma_semaphore, #tpu.memory_space<semaphore_mem>>) src(%dma_wait3A_107 : memref<128x128xf32, #tpu.memory_space<hbm>>) dst(%arg10 : memref<128x128xf32, #tpu.memory_space<vmem>>)
        "tpu.region"() ({
          %run_scoped3A = tpu.sem_alloc : memref<!tpu.dma_semaphore, #tpu.memory_space<semaphore_mem>>
          %dma_start3A_115 = arith.constant 0 : i32
          %dma_start3A_116 = tpu.memref_slice %arg8[%add3A_101, %dma_start3A_115] : memref<48x128xi32, #tpu.memory_space<vmem>> -> memref<1x128xi32, #tpu.memory_space<vmem>>
          %dma_start3A_117 = tpu.memref_squeeze %dma_start3A_116 : memref<1x128xi32, #tpu.memory_space<vmem>> -> memref<128xi32, #tpu.memory_space<vmem>>
          %dma_start3A_118 = arith.constant 0 : i32
          %dma_start3A_119 = arith.constant 0 : i32
          %dma_start3A_120 = tpu.memref_slice %arg11[%dma_start3A_118, %dma_start3A_119] : memref<10240x128xf32, #tpu.memory_space<vmem_shared>> -> memref<10240x128xf32, #tpu.memory_space<vmem_shared>>
          tpu.enqueue_indirect_dma source(%arg10 : memref<128x128xf32, #tpu.memory_space<vmem>>) target(%dma_start3A_120 : memref<10240x128xf32, #tpu.memory_space<vmem_shared>>) offsets(%dma_start3A_117 : memref<128xi32, #tpu.memory_space<vmem>>) semaphore(%run_scoped3A : memref<!tpu.dma_semaphore, #tpu.memory_space<semaphore_mem>>) {add = true}
          %dma_wait3A_121 = arith.constant 0 : i32
          %dma_wait3A_122 = tpu.memref_slice %arg8[%add3A_101, %dma_wait3A_121] : memref<48x128xi32, #tpu.memory_space<vmem>> -> memref<1x128xi32, #tpu.memory_space<vmem>>
          %dma_wait3A_123 = tpu.memref_squeeze %dma_wait3A_122 : memref<1x128xi32, #tpu.memory_space<vmem>> -> memref<128xi32, #tpu.memory_space<vmem>>
          %dma_wait3A_124 = arith.constant 0 : i32
          %dma_wait3A_125 = arith.constant 0 : i32
          %dma_wait3A_126 = tpu.memref_slice %arg11[%dma_wait3A_124, %dma_wait3A_125] : memref<10240x128xf32, #tpu.memory_space<vmem_shared>> -> memref<10240x128xf32, #tpu.memory_space<vmem_shared>>
          tpu.wait_indirect_dma semaphore(%run_scoped3A : memref<!tpu.dma_semaphore, #tpu.memory_space<semaphore_mem>>) src(%arg10 : memref<128x128xf32, #tpu.memory_space<vmem>>) dst(%dma_wait3A_126 : memref<10240x128xf32, #tpu.memory_space<vmem_shared>>)
          tpu.yield
        }) : () -> ()
        %add3A_108 = arith.constant 2 : i32
        %add3A_109 = arith.addi %add3A_101, %add3A_108 : i32
        %lt3A_110 = arith.constant 48 : i32
        %lt3A_111 = arith.cmpi slt, %add3A_109, %lt3A_110 : i32
        %convert_element_type3A_112 = arith.extui %lt3A_111 : i1 to i32
        %cond3A_113 = arith.constant 0 : i32
        %cond3A_114 = arith.cmpi ne, %convert_element_type3A_112, %cond3A_113 : i32
        scf.if %cond3A_114 {
          %add3A_115 = arith.constant 2 : i32
          %add3A_116 = arith.addi %add3A_101, %add3A_115 : i32
          %dma_start3A_117 = arith.constant 0 : i32
          %dma_start3A_118 = tpu.memref_slice %arg7[%add3A_116, %dma_start3A_117] : memref<48x128xi32, #tpu.memory_space<vmem>> -> memref<1x128xi32, #tpu.memory_space<vmem>>
          %dma_start3A_119 = tpu.memref_squeeze %dma_start3A_118 : memref<1x128xi32, #tpu.memory_space<vmem>> -> memref<128xi32, #tpu.memory_space<vmem>>
          %dma_start3A_120 = arith.constant 0 : i32
          %dma_start3A_121 = arith.constant 0 : i32
          %dma_start3A_122 = tpu.memref_slice %arg2[%dma_start3A_120, %dma_start3A_121] : memref<10240x128xf32, #tpu.memory_space<hbm>> -> memref<10240x128xf32, #tpu.memory_space<hbm>>
          tpu.enqueue_indirect_dma source(%dma_start3A_122 : memref<10240x128xf32, #tpu.memory_space<hbm>>) target(%arg10 : memref<128x128xf32, #tpu.memory_space<vmem>>) offsets(%dma_start3A_119 : memref<128xi32, #tpu.memory_space<vmem>>) semaphore(%arg13 : memref<!tpu.dma_semaphore, #tpu.memory_space<semaphore_mem>>)
        } else {
        }
      }
      %scan3A_33 = arith.constant 24 : i32
      %mul3A_34 = arith.constant 144 : i32
      %mul3A_35 = arith.muli %arg1, %mul3A_34 : i32
      %add3A_36 = arith.constant 48 : i32
      %add3A_37 = arith.addi %mul3A_35, %add3A_36 : i32
      "tpu.region"() ({
        %run_scoped3A = tpu.sem_alloc : memref<!tpu.dma_semaphore, #tpu.memory_space<semaphore_mem>>
        %dma_start3A_82 = arith.constant 0 : i32
        %dma_start3A_83 = arith.constant 0 : i32
        %dma_start3A_84 = tpu.memref_slice %arg7[%dma_start3A_82, %dma_start3A_83] : memref<48x128xi32, #tpu.memory_space<vmem>> -> memref<48x128xi32, #tpu.memory_space<vmem>>
        %dma_start3A_85 = arith.constant 0 : i32
        %dma_start3A_86 = tpu.memref_slice %arg3[%add3A_37, %dma_start3A_85] : memref<2560x128xi32, #tpu.memory_space<hbm>> -> memref<48x128xi32, #tpu.memory_space<hbm>>
        %dma_start3A_87 = arith.constant 0 : i32
        %dma_start3A_88 = arith.constant 0 : i32
        %dma_start3A_89 = tpu.memref_slice %arg7[%dma_start3A_87, %dma_start3A_88] : memref<48x128xi32, #tpu.memory_space<vmem>> -> memref<48x128xi32, #tpu.memory_space<vmem>>
        %dma_start3A_90 = arith.constant 0 : i32
        %dma_start3A_91 = tpu.memref_slice %arg3[%add3A_37, %dma_start3A_90] : memref<2560x128xi32, #tpu.memory_space<hbm>> -> memref<48x128xi32, #tpu.memory_space<hbm>>
        tpu.enqueue_dma source(%dma_start3A_91 : memref<48x128xi32, #tpu.memory_space<hbm>>) target(%dma_start3A_89 : memref<48x128xi32, #tpu.memory_space<vmem>>) target_semaphore(%run_scoped3A : memref<!tpu.dma_semaphore, #tpu.memory_space<semaphore_mem>>)
        %dma_wait3A = arith.constant 0 : i32
        %dma_wait3A_92 = arith.constant 0 : i32
        %dma_wait3A_93 = tpu.memref_slice %arg7[%dma_wait3A, %dma_wait3A_92] : memref<48x128xi32, #tpu.memory_space<vmem>> -> memref<48x128xi32, #tpu.memory_space<vmem>>
        %dma_wait3A_94 = arith.constant 0 : i32
        %dma_wait3A_95 = tpu.memref_slice %arg3[%add3A_37, %dma_wait3A_94] : memref<2560x128xi32, #tpu.memory_space<hbm>> -> memref<48x128xi32, #tpu.memory_space<hbm>>
        %dma_wait3A_96 = arith.constant 0 : i32
        %dma_wait3A_97 = arith.constant 0 : i32
        %dma_wait3A_98 = tpu.memref_slice %arg7[%dma_wait3A_96, %dma_wait3A_97] : memref<48x128xi32, #tpu.memory_space<vmem>> -> memref<48x128xi32, #tpu.memory_space<vmem>>
        %dma_wait3A_99 = arith.constant 0 : i32
        %dma_wait3A_100 = tpu.memref_slice %arg3[%add3A_37, %dma_wait3A_99] : memref<2560x128xi32, #tpu.memory_space<hbm>> -> memref<48x128xi32, #tpu.memory_space<hbm>>
        tpu.wait_dma2 semaphore(%run_scoped3A : memref<!tpu.dma_semaphore, #tpu.memory_space<semaphore_mem>>) src(%dma_wait3A_100 : memref<48x128xi32, #tpu.memory_space<hbm>>) dst(%dma_wait3A_98 : memref<48x128xi32, #tpu.memory_space<vmem>>)
        tpu.yield
      }) : () -> ()
      "tpu.region"() ({
        %run_scoped3A = tpu.sem_alloc : memref<!tpu.dma_semaphore, #tpu.memory_space<semaphore_mem>>
        %dma_start3A_82 = arith.constant 0 : i32
        %dma_start3A_83 = arith.constant 0 : i32
        %dma_start3A_84 = tpu.memref_slice %arg8[%dma_start3A_82, %dma_start3A_83] : memref<48x128xi32, #tpu.memory_space<vmem>> -> memref<48x128xi32, #tpu.memory_space<vmem>>
        %dma_start3A_85 = arith.constant 0 : i32
        %dma_start3A_86 = tpu.memref_slice %arg4[%add3A_37, %dma_start3A_85] : memref<2560x128xi32, #tpu.memory_space<hbm>> -> memref<48x128xi32, #tpu.memory_space<hbm>>
        %dma_start3A_87 = arith.constant 0 : i32
        %dma_start3A_88 = arith.constant 0 : i32
        %dma_start3A_89 = tpu.memref_slice %arg8[%dma_start3A_87, %dma_start3A_88] : memref<48x128xi32, #tpu.memory_space<vmem>> -> memref<48x128xi32, #tpu.memory_space<vmem>>
        %dma_start3A_90 = arith.constant 0 : i32
        %dma_start3A_91 = tpu.memref_slice %arg4[%add3A_37, %dma_start3A_90] : memref<2560x128xi32, #tpu.memory_space<hbm>> -> memref<48x128xi32, #tpu.memory_space<hbm>>
        tpu.enqueue_dma source(%dma_start3A_91 : memref<48x128xi32, #tpu.memory_space<hbm>>) target(%dma_start3A_89 : memref<48x128xi32, #tpu.memory_space<vmem>>) target_semaphore(%run_scoped3A : memref<!tpu.dma_semaphore, #tpu.memory_space<semaphore_mem>>)
        %dma_wait3A = arith.constant 0 : i32
        %dma_wait3A_92 = arith.constant 0 : i32
        %dma_wait3A_93 = tpu.memref_slice %arg8[%dma_wait3A, %dma_wait3A_92] : memref<48x128xi32, #tpu.memory_space<vmem>> -> memref<48x128xi32, #tpu.memory_space<vmem>>
        %dma_wait3A_94 = arith.constant 0 : i32
        %dma_wait3A_95 = tpu.memref_slice %arg4[%add3A_37, %dma_wait3A_94] : memref<2560x128xi32, #tpu.memory_space<hbm>> -> memref<48x128xi32, #tpu.memory_space<hbm>>
        %dma_wait3A_96 = arith.constant 0 : i32
        %dma_wait3A_97 = arith.constant 0 : i32
        %dma_wait3A_98 = tpu.memref_slice %arg8[%dma_wait3A_96, %dma_wait3A_97] : memref<48x128xi32, #tpu.memory_space<vmem>> -> memref<48x128xi32, #tpu.memory_space<vmem>>
        %dma_wait3A_99 = arith.constant 0 : i32
        %dma_wait3A_100 = tpu.memref_slice %arg4[%add3A_37, %dma_wait3A_99] : memref<2560x128xi32, #tpu.memory_space<hbm>> -> memref<48x128xi32, #tpu.memory_space<hbm>>
        tpu.wait_dma2 semaphore(%run_scoped3A : memref<!tpu.dma_semaphore, #tpu.memory_space<semaphore_mem>>) src(%dma_wait3A_100 : memref<48x128xi32, #tpu.memory_space<hbm>>) dst(%dma_wait3A_98 : memref<48x128xi32, #tpu.memory_space<vmem>>)
        tpu.yield
      }) : () -> ()
      %dma_start3A_38 = arith.constant 0 : i32
      %dma_start3A_39 = arith.constant 0 : i32
      %dma_start3A_40 = tpu.memref_slice %arg7[%dma_start3A_38, %dma_start3A_39] : memref<48x128xi32, #tpu.memory_space<vmem>> -> memref<1x128xi32, #tpu.memory_space<vmem>>
      %dma_start3A_41 = tpu.memref_squeeze %dma_start3A_40 : memref<1x128xi32, #tpu.memory_space<vmem>> -> memref<128xi32, #tpu.memory_space<vmem>>
      %dma_start3A_42 = arith.constant 0 : i32
      %dma_start3A_43 = arith.constant 0 : i32
      %dma_start3A_44 = tpu.memref_slice %arg2[%dma_start3A_42, %dma_start3A_43] : memref<10240x128xf32, #tpu.memory_space<hbm>> -> memref<10240x128xf32, #tpu.memory_space<hbm>>
      tpu.enqueue_indirect_dma source(%dma_start3A_44 : memref<10240x128xf32, #tpu.memory_space<hbm>>) target(%arg9 : memref<128x128xf32, #tpu.memory_space<vmem>>) offsets(%dma_start3A_41 : memref<128xi32, #tpu.memory_space<vmem>>) semaphore(%arg12 : memref<!tpu.dma_semaphore, #tpu.memory_space<semaphore_mem>>)
      %dma_start3A_45 = arith.constant 1 : i32
      %dma_start3A_46 = arith.constant 0 : i32
      %dma_start3A_47 = tpu.memref_slice %arg7[%dma_start3A_45, %dma_start3A_46] : memref<48x128xi32, #tpu.memory_space<vmem>> -> memref<1x128xi32, #tpu.memory_space<vmem>>
      %dma_start3A_48 = tpu.memref_squeeze %dma_start3A_47 : memref<1x128xi32, #tpu.memory_space<vmem>> -> memref<128xi32, #tpu.memory_space<vmem>>
      %dma_start3A_49 = arith.constant 0 : i32
      %dma_start3A_50 = arith.constant 0 : i32
      %dma_start3A_51 = tpu.memref_slice %arg2[%dma_start3A_49, %dma_start3A_50] : memref<10240x128xf32, #tpu.memory_space<hbm>> -> memref<10240x128xf32, #tpu.memory_space<hbm>>
      tpu.enqueue_indirect_dma source(%dma_start3A_51 : memref<10240x128xf32, #tpu.memory_space<hbm>>) target(%arg10 : memref<128x128xf32, #tpu.memory_space<vmem>>) offsets(%dma_start3A_48 : memref<128xi32, #tpu.memory_space<vmem>>) semaphore(%arg13 : memref<!tpu.dma_semaphore, #tpu.memory_space<semaphore_mem>>)
      %scan3A_52 = arith.constant 0 : i32
      %scan3A_53 = arith.constant 0 : i32
      %scan3A_54 = arith.constant 24 : i32
      %scan3A_55 = arith.addi %scan3A_53, %scan3A_54 : i32
      %scan3A_56 = arith.constant 1 : i32
      scf.for %scan3A_82 = %scan3A_53 to %scan3A_55 step %scan3A_56  : i32 {
        %mul3A_83 = arith.constant 2 : i32
        %mul3A_84 = arith.muli %scan3A_82, %mul3A_83 : i32
        %add3A_85 = arith.constant 0 : i32
        %add3A_86 = arith.addi %mul3A_84, %add3A_85 : i32
        %dma_wait3A = arith.constant 0 : i32
        %dma_wait3A_87 = arith.constant 0 : i32
        %dma_wait3A_88 = tpu.memref_slice %arg2[%dma_wait3A, %dma_wait3A_87] : memref<10240x128xf32, #tpu.memory_space<hbm>> -> memref<128x128xf32, #tpu.memory_space<hbm>>
        %dma_wait3A_89 = arith.constant 0 : i32
        %dma_wait3A_90 = arith.constant 0 : i32
        %dma_wait3A_91 = tpu.memref_slice %arg2[%dma_wait3A_89, %dma_wait3A_90] : memref<10240x128xf32, #tpu.memory_space<hbm>> -> memref<128x128xf32, #tpu.memory_space<hbm>>
        tpu.wait_dma2 semaphore(%arg12 : memref<!tpu.dma_semaphore, #tpu.memory_space<semaphore_mem>>) src(%dma_wait3A_91 : memref<128x128xf32, #tpu.memory_space<hbm>>) dst(%arg9 : memref<128x128xf32, #tpu.memory_space<vmem>>)
        "tpu.region"() ({
          %run_scoped3A = tpu.sem_alloc : memref<!tpu.dma_semaphore, #tpu.memory_space<semaphore_mem>>
          %dma_start3A_115 = arith.constant 0 : i32
          %dma_start3A_116 = tpu.memref_slice %arg8[%add3A_86, %dma_start3A_115] : memref<48x128xi32, #tpu.memory_space<vmem>> -> memref<1x128xi32, #tpu.memory_space<vmem>>
          %dma_start3A_117 = tpu.memref_squeeze %dma_start3A_116 : memref<1x128xi32, #tpu.memory_space<vmem>> -> memref<128xi32, #tpu.memory_space<vmem>>
          %dma_start3A_118 = arith.constant 0 : i32
          %dma_start3A_119 = arith.constant 0 : i32
          %dma_start3A_120 = tpu.memref_slice %arg11[%dma_start3A_118, %dma_start3A_119] : memref<10240x128xf32, #tpu.memory_space<vmem_shared>> -> memref<10240x128xf32, #tpu.memory_space<vmem_shared>>
          tpu.enqueue_indirect_dma source(%arg9 : memref<128x128xf32, #tpu.memory_space<vmem>>) target(%dma_start3A_120 : memref<10240x128xf32, #tpu.memory_space<vmem_shared>>) offsets(%dma_start3A_117 : memref<128xi32, #tpu.memory_space<vmem>>) semaphore(%run_scoped3A : memref<!tpu.dma_semaphore, #tpu.memory_space<semaphore_mem>>) {add = true}
          %dma_wait3A_121 = arith.constant 0 : i32
          %dma_wait3A_122 = tpu.memref_slice %arg8[%add3A_86, %dma_wait3A_121] : memref<48x128xi32, #tpu.memory_space<vmem>> -> memref<1x128xi32, #tpu.memory_space<vmem>>
          %dma_wait3A_123 = tpu.memref_squeeze %dma_wait3A_122 : memref<1x128xi32, #tpu.memory_space<vmem>> -> memref<128xi32, #tpu.memory_space<vmem>>
          %dma_wait3A_124 = arith.constant 0 : i32
          %dma_wait3A_125 = arith.constant 0 : i32
          %dma_wait3A_126 = tpu.memref_slice %arg11[%dma_wait3A_124, %dma_wait3A_125] : memref<10240x128xf32, #tpu.memory_space<vmem_shared>> -> memref<10240x128xf32, #tpu.memory_space<vmem_shared>>
          tpu.wait_indirect_dma semaphore(%run_scoped3A : memref<!tpu.dma_semaphore, #tpu.memory_space<semaphore_mem>>) src(%arg9 : memref<128x128xf32, #tpu.memory_space<vmem>>) dst(%dma_wait3A_126 : memref<10240x128xf32, #tpu.memory_space<vmem_shared>>)
          tpu.yield
        }) : () -> ()
        %add3A_92 = arith.constant 2 : i32
        %add3A_93 = arith.addi %add3A_86, %add3A_92 : i32
        %lt3A = arith.constant 48 : i32
        %lt3A_94 = arith.cmpi slt, %add3A_93, %lt3A : i32
        %convert_element_type3A_95 = arith.extui %lt3A_94 : i1 to i32
        %cond3A_96 = arith.constant 0 : i32
        %cond3A_97 = arith.cmpi ne, %convert_element_type3A_95, %cond3A_96 : i32
        scf.if %cond3A_97 {
          %add3A_115 = arith.constant 2 : i32
          %add3A_116 = arith.addi %add3A_86, %add3A_115 : i32
          %dma_start3A_117 = arith.constant 0 : i32
          %dma_start3A_118 = tpu.memref_slice %arg7[%add3A_116, %dma_start3A_117] : memref<48x128xi32, #tpu.memory_space<vmem>> -> memref<1x128xi32, #tpu.memory_space<vmem>>
          %dma_start3A_119 = tpu.memref_squeeze %dma_start3A_118 : memref<1x128xi32, #tpu.memory_space<vmem>> -> memref<128xi32, #tpu.memory_space<vmem>>
          %dma_start3A_120 = arith.constant 0 : i32
          %dma_start3A_121 = arith.constant 0 : i32
          %dma_start3A_122 = tpu.memref_slice %arg2[%dma_start3A_120, %dma_start3A_121] : memref<10240x128xf32, #tpu.memory_space<hbm>> -> memref<10240x128xf32, #tpu.memory_space<hbm>>
          tpu.enqueue_indirect_dma source(%dma_start3A_122 : memref<10240x128xf32, #tpu.memory_space<hbm>>) target(%arg9 : memref<128x128xf32, #tpu.memory_space<vmem>>) offsets(%dma_start3A_119 : memref<128xi32, #tpu.memory_space<vmem>>) semaphore(%arg12 : memref<!tpu.dma_semaphore, #tpu.memory_space<semaphore_mem>>)
        } else {
        }
        %mul3A_98 = arith.constant 2 : i32
        %mul3A_99 = arith.muli %scan3A_82, %mul3A_98 : i32
        %add3A_100 = arith.constant 1 : i32
        %add3A_101 = arith.addi %mul3A_99, %add3A_100 : i32
        %dma_wait3A_102 = arith.constant 0 : i32
        %dma_wait3A_103 = arith.constant 0 : i32
        %dma_wait3A_104 = tpu.memref_slice %arg2[%dma_wait3A_102, %dma_wait3A_103] : memref<10240x128xf32, #tpu.memory_space<hbm>> -> memref<128x128xf32, #tpu.memory_space<hbm>>
        %dma_wait3A_105 = arith.constant 0 : i32
        %dma_wait3A_106 = arith.constant 0 : i32
        %dma_wait3A_107 = tpu.memref_slice %arg2[%dma_wait3A_105, %dma_wait3A_106] : memref<10240x128xf32, #tpu.memory_space<hbm>> -> memref<128x128xf32, #tpu.memory_space<hbm>>
        tpu.wait_dma2 semaphore(%arg13 : memref<!tpu.dma_semaphore, #tpu.memory_space<semaphore_mem>>) src(%dma_wait3A_107 : memref<128x128xf32, #tpu.memory_space<hbm>>) dst(%arg10 : memref<128x128xf32, #tpu.memory_space<vmem>>)
        "tpu.region"() ({
          %run_scoped3A = tpu.sem_alloc : memref<!tpu.dma_semaphore, #tpu.memory_space<semaphore_mem>>
          %dma_start3A_115 = arith.constant 0 : i32
          %dma_start3A_116 = tpu.memref_slice %arg8[%add3A_101, %dma_start3A_115] : memref<48x128xi32, #tpu.memory_space<vmem>> -> memref<1x128xi32, #tpu.memory_space<vmem>>
          %dma_start3A_117 = tpu.memref_squeeze %dma_start3A_116 : memref<1x128xi32, #tpu.memory_space<vmem>> -> memref<128xi32, #tpu.memory_space<vmem>>
          %dma_start3A_118 = arith.constant 0 : i32
          %dma_start3A_119 = arith.constant 0 : i32
          %dma_start3A_120 = tpu.memref_slice %arg11[%dma_start3A_118, %dma_start3A_119] : memref<10240x128xf32, #tpu.memory_space<vmem_shared>> -> memref<10240x128xf32, #tpu.memory_space<vmem_shared>>
          tpu.enqueue_indirect_dma source(%arg10 : memref<128x128xf32, #tpu.memory_space<vmem>>) target(%dma_start3A_120 : memref<10240x128xf32, #tpu.memory_space<vmem_shared>>) offsets(%dma_start3A_117 : memref<128xi32, #tpu.memory_space<vmem>>) semaphore(%run_scoped3A : memref<!tpu.dma_semaphore, #tpu.memory_space<semaphore_mem>>) {add = true}
          %dma_wait3A_121 = arith.constant 0 : i32
          %dma_wait3A_122 = tpu.memref_slice %arg8[%add3A_101, %dma_wait3A_121] : memref<48x128xi32, #tpu.memory_space<vmem>> -> memref<1x128xi32, #tpu.memory_space<vmem>>
          %dma_wait3A_123 = tpu.memref_squeeze %dma_wait3A_122 : memref<1x128xi32, #tpu.memory_space<vmem>> -> memref<128xi32, #tpu.memory_space<vmem>>
          %dma_wait3A_124 = arith.constant 0 : i32
          %dma_wait3A_125 = arith.constant 0 : i32
          %dma_wait3A_126 = tpu.memref_slice %arg11[%dma_wait3A_124, %dma_wait3A_125] : memref<10240x128xf32, #tpu.memory_space<vmem_shared>> -> memref<10240x128xf32, #tpu.memory_space<vmem_shared>>
          tpu.wait_indirect_dma semaphore(%run_scoped3A : memref<!tpu.dma_semaphore, #tpu.memory_space<semaphore_mem>>) src(%arg10 : memref<128x128xf32, #tpu.memory_space<vmem>>) dst(%dma_wait3A_126 : memref<10240x128xf32, #tpu.memory_space<vmem_shared>>)
          tpu.yield
        }) : () -> ()
        %add3A_108 = arith.constant 2 : i32
        %add3A_109 = arith.addi %add3A_101, %add3A_108 : i32
        %lt3A_110 = arith.constant 48 : i32
        %lt3A_111 = arith.cmpi slt, %add3A_109, %lt3A_110 : i32
        %convert_element_type3A_112 = arith.extui %lt3A_111 : i1 to i32
        %cond3A_113 = arith.constant 0 : i32
        %cond3A_114 = arith.cmpi ne, %convert_element_type3A_112, %cond3A_113 : i32
        scf.if %cond3A_114 {
          %add3A_115 = arith.constant 2 : i32
          %add3A_116 = arith.addi %add3A_101, %add3A_115 : i32
          %dma_start3A_117 = arith.constant 0 : i32
          %dma_start3A_118 = tpu.memref_slice %arg7[%add3A_116, %dma_start3A_117] : memref<48x128xi32, #tpu.memory_space<vmem>> -> memref<1x128xi32, #tpu.memory_space<vmem>>
          %dma_start3A_119 = tpu.memref_squeeze %dma_start3A_118 : memref<1x128xi32, #tpu.memory_space<vmem>> -> memref<128xi32, #tpu.memory_space<vmem>>
          %dma_start3A_120 = arith.constant 0 : i32
          %dma_start3A_121 = arith.constant 0 : i32
          %dma_start3A_122 = tpu.memref_slice %arg2[%dma_start3A_120, %dma_start3A_121] : memref<10240x128xf32, #tpu.memory_space<hbm>> -> memref<10240x128xf32, #tpu.memory_space<hbm>>
          tpu.enqueue_indirect_dma source(%dma_start3A_122 : memref<10240x128xf32, #tpu.memory_space<hbm>>) target(%arg10 : memref<128x128xf32, #tpu.memory_space<vmem>>) offsets(%dma_start3A_119 : memref<128xi32, #tpu.memory_space<vmem>>) semaphore(%arg13 : memref<!tpu.dma_semaphore, #tpu.memory_space<semaphore_mem>>)
        } else {
        }
      }
      %scan3A_57 = arith.constant 24 : i32
      %mul3A_58 = arith.constant 144 : i32
      %mul3A_59 = arith.muli %arg1, %mul3A_58 : i32
      %add3A_60 = arith.constant 96 : i32
      %add3A_61 = arith.addi %mul3A_59, %add3A_60 : i32
      "tpu.region"() ({
        %run_scoped3A = tpu.sem_alloc : memref<!tpu.dma_semaphore, #tpu.memory_space<semaphore_mem>>
        %dma_start3A_82 = arith.constant 0 : i32
        %dma_start3A_83 = arith.constant 0 : i32
        %dma_start3A_84 = tpu.memref_slice %arg7[%dma_start3A_82, %dma_start3A_83] : memref<48x128xi32, #tpu.memory_space<vmem>> -> memref<48x128xi32, #tpu.memory_space<vmem>>
        %dma_start3A_85 = arith.constant 0 : i32
        %dma_start3A_86 = tpu.memref_slice %arg3[%add3A_61, %dma_start3A_85] : memref<2560x128xi32, #tpu.memory_space<hbm>> -> memref<48x128xi32, #tpu.memory_space<hbm>>
        %dma_start3A_87 = arith.constant 0 : i32
        %dma_start3A_88 = arith.constant 0 : i32
        %dma_start3A_89 = tpu.memref_slice %arg7[%dma_start3A_87, %dma_start3A_88] : memref<48x128xi32, #tpu.memory_space<vmem>> -> memref<48x128xi32, #tpu.memory_space<vmem>>
        %dma_start3A_90 = arith.constant 0 : i32
        %dma_start3A_91 = tpu.memref_slice %arg3[%add3A_61, %dma_start3A_90] : memref<2560x128xi32, #tpu.memory_space<hbm>> -> memref<48x128xi32, #tpu.memory_space<hbm>>
        tpu.enqueue_dma source(%dma_start3A_91 : memref<48x128xi32, #tpu.memory_space<hbm>>) target(%dma_start3A_89 : memref<48x128xi32, #tpu.memory_space<vmem>>) target_semaphore(%run_scoped3A : memref<!tpu.dma_semaphore, #tpu.memory_space<semaphore_mem>>)
        %dma_wait3A = arith.constant 0 : i32
        %dma_wait3A_92 = arith.constant 0 : i32
        %dma_wait3A_93 = tpu.memref_slice %arg7[%dma_wait3A, %dma_wait3A_92] : memref<48x128xi32, #tpu.memory_space<vmem>> -> memref<48x128xi32, #tpu.memory_space<vmem>>
        %dma_wait3A_94 = arith.constant 0 : i32
        %dma_wait3A_95 = tpu.memref_slice %arg3[%add3A_61, %dma_wait3A_94] : memref<2560x128xi32, #tpu.memory_space<hbm>> -> memref<48x128xi32, #tpu.memory_space<hbm>>
        %dma_wait3A_96 = arith.constant 0 : i32
        %dma_wait3A_97 = arith.constant 0 : i32
        %dma_wait3A_98 = tpu.memref_slice %arg7[%dma_wait3A_96, %dma_wait3A_97] : memref<48x128xi32, #tpu.memory_space<vmem>> -> memref<48x128xi32, #tpu.memory_space<vmem>>
        %dma_wait3A_99 = arith.constant 0 : i32
        %dma_wait3A_100 = tpu.memref_slice %arg3[%add3A_61, %dma_wait3A_99] : memref<2560x128xi32, #tpu.memory_space<hbm>> -> memref<48x128xi32, #tpu.memory_space<hbm>>
        tpu.wait_dma2 semaphore(%run_scoped3A : memref<!tpu.dma_semaphore, #tpu.memory_space<semaphore_mem>>) src(%dma_wait3A_100 : memref<48x128xi32, #tpu.memory_space<hbm>>) dst(%dma_wait3A_98 : memref<48x128xi32, #tpu.memory_space<vmem>>)
        tpu.yield
      }) : () -> ()
      "tpu.region"() ({
        %run_scoped3A = tpu.sem_alloc : memref<!tpu.dma_semaphore, #tpu.memory_space<semaphore_mem>>
        %dma_start3A_82 = arith.constant 0 : i32
        %dma_start3A_83 = arith.constant 0 : i32
        %dma_start3A_84 = tpu.memref_slice %arg8[%dma_start3A_82, %dma_start3A_83] : memref<48x128xi32, #tpu.memory_space<vmem>> -> memref<48x128xi32, #tpu.memory_space<vmem>>
        %dma_start3A_85 = arith.constant 0 : i32
        %dma_start3A_86 = tpu.memref_slice %arg4[%add3A_61, %dma_start3A_85] : memref<2560x128xi32, #tpu.memory_space<hbm>> -> memref<48x128xi32, #tpu.memory_space<hbm>>
        %dma_start3A_87 = arith.constant 0 : i32
        %dma_start3A_88 = arith.constant 0 : i32
        %dma_start3A_89 = tpu.memref_slice %arg8[%dma_start3A_87, %dma_start3A_88] : memref<48x128xi32, #tpu.memory_space<vmem>> -> memref<48x128xi32, #tpu.memory_space<vmem>>
        %dma_start3A_90 = arith.constant 0 : i32
        %dma_start3A_91 = tpu.memref_slice %arg4[%add3A_61, %dma_start3A_90] : memref<2560x128xi32, #tpu.memory_space<hbm>> -> memref<48x128xi32, #tpu.memory_space<hbm>>
        tpu.enqueue_dma source(%dma_start3A_91 : memref<48x128xi32, #tpu.memory_space<hbm>>) target(%dma_start3A_89 : memref<48x128xi32, #tpu.memory_space<vmem>>) target_semaphore(%run_scoped3A : memref<!tpu.dma_semaphore, #tpu.memory_space<semaphore_mem>>)
        %dma_wait3A = arith.constant 0 : i32
        %dma_wait3A_92 = arith.constant 0 : i32
        %dma_wait3A_93 = tpu.memref_slice %arg8[%dma_wait3A, %dma_wait3A_92] : memref<48x128xi32, #tpu.memory_space<vmem>> -> memref<48x128xi32, #tpu.memory_space<vmem>>
        %dma_wait3A_94 = arith.constant 0 : i32
        %dma_wait3A_95 = tpu.memref_slice %arg4[%add3A_61, %dma_wait3A_94] : memref<2560x128xi32, #tpu.memory_space<hbm>> -> memref<48x128xi32, #tpu.memory_space<hbm>>
        %dma_wait3A_96 = arith.constant 0 : i32
        %dma_wait3A_97 = arith.constant 0 : i32
        %dma_wait3A_98 = tpu.memref_slice %arg8[%dma_wait3A_96, %dma_wait3A_97] : memref<48x128xi32, #tpu.memory_space<vmem>> -> memref<48x128xi32, #tpu.memory_space<vmem>>
        %dma_wait3A_99 = arith.constant 0 : i32
        %dma_wait3A_100 = tpu.memref_slice %arg4[%add3A_61, %dma_wait3A_99] : memref<2560x128xi32, #tpu.memory_space<hbm>> -> memref<48x128xi32, #tpu.memory_space<hbm>>
        tpu.wait_dma2 semaphore(%run_scoped3A : memref<!tpu.dma_semaphore, #tpu.memory_space<semaphore_mem>>) src(%dma_wait3A_100 : memref<48x128xi32, #tpu.memory_space<hbm>>) dst(%dma_wait3A_98 : memref<48x128xi32, #tpu.memory_space<vmem>>)
        tpu.yield
      }) : () -> ()
      %dma_start3A_62 = arith.constant 0 : i32
      %dma_start3A_63 = arith.constant 0 : i32
      %dma_start3A_64 = tpu.memref_slice %arg7[%dma_start3A_62, %dma_start3A_63] : memref<48x128xi32, #tpu.memory_space<vmem>> -> memref<1x128xi32, #tpu.memory_space<vmem>>
      %dma_start3A_65 = tpu.memref_squeeze %dma_start3A_64 : memref<1x128xi32, #tpu.memory_space<vmem>> -> memref<128xi32, #tpu.memory_space<vmem>>
      %dma_start3A_66 = arith.constant 0 : i32
      %dma_start3A_67 = arith.constant 0 : i32
      %dma_start3A_68 = tpu.memref_slice %arg2[%dma_start3A_66, %dma_start3A_67] : memref<10240x128xf32, #tpu.memory_space<hbm>> -> memref<10240x128xf32, #tpu.memory_space<hbm>>
      tpu.enqueue_indirect_dma source(%dma_start3A_68 : memref<10240x128xf32, #tpu.memory_space<hbm>>) target(%arg9 : memref<128x128xf32, #tpu.memory_space<vmem>>) offsets(%dma_start3A_65 : memref<128xi32, #tpu.memory_space<vmem>>) semaphore(%arg12 : memref<!tpu.dma_semaphore, #tpu.memory_space<semaphore_mem>>)
      %dma_start3A_69 = arith.constant 1 : i32
      %dma_start3A_70 = arith.constant 0 : i32
      %dma_start3A_71 = tpu.memref_slice %arg7[%dma_start3A_69, %dma_start3A_70] : memref<48x128xi32, #tpu.memory_space<vmem>> -> memref<1x128xi32, #tpu.memory_space<vmem>>
      %dma_start3A_72 = tpu.memref_squeeze %dma_start3A_71 : memref<1x128xi32, #tpu.memory_space<vmem>> -> memref<128xi32, #tpu.memory_space<vmem>>
      %dma_start3A_73 = arith.constant 0 : i32
      %dma_start3A_74 = arith.constant 0 : i32
      %dma_start3A_75 = tpu.memref_slice %arg2[%dma_start3A_73, %dma_start3A_74] : memref<10240x128xf32, #tpu.memory_space<hbm>> -> memref<10240x128xf32, #tpu.memory_space<hbm>>
      tpu.enqueue_indirect_dma source(%dma_start3A_75 : memref<10240x128xf32, #tpu.memory_space<hbm>>) target(%arg10 : memref<128x128xf32, #tpu.memory_space<vmem>>) offsets(%dma_start3A_72 : memref<128xi32, #tpu.memory_space<vmem>>) semaphore(%arg13 : memref<!tpu.dma_semaphore, #tpu.memory_space<semaphore_mem>>)
      %scan3A_76 = arith.constant 0 : i32
      %scan3A_77 = arith.constant 0 : i32
      %scan3A_78 = arith.constant 24 : i32
      %scan3A_79 = arith.addi %scan3A_77, %scan3A_78 : i32
      %scan3A_80 = arith.constant 1 : i32
      scf.for %scan3A_82 = %scan3A_77 to %scan3A_79 step %scan3A_80  : i32 {
        %mul3A_83 = arith.constant 2 : i32
        %mul3A_84 = arith.muli %scan3A_82, %mul3A_83 : i32
        %add3A_85 = arith.constant 0 : i32
        %add3A_86 = arith.addi %mul3A_84, %add3A_85 : i32
        %dma_wait3A = arith.constant 0 : i32
        %dma_wait3A_87 = arith.constant 0 : i32
        %dma_wait3A_88 = tpu.memref_slice %arg2[%dma_wait3A, %dma_wait3A_87] : memref<10240x128xf32, #tpu.memory_space<hbm>> -> memref<128x128xf32, #tpu.memory_space<hbm>>
        %dma_wait3A_89 = arith.constant 0 : i32
        %dma_wait3A_90 = arith.constant 0 : i32
        %dma_wait3A_91 = tpu.memref_slice %arg2[%dma_wait3A_89, %dma_wait3A_90] : memref<10240x128xf32, #tpu.memory_space<hbm>> -> memref<128x128xf32, #tpu.memory_space<hbm>>
        tpu.wait_dma2 semaphore(%arg12 : memref<!tpu.dma_semaphore, #tpu.memory_space<semaphore_mem>>) src(%dma_wait3A_91 : memref<128x128xf32, #tpu.memory_space<hbm>>) dst(%arg9 : memref<128x128xf32, #tpu.memory_space<vmem>>)
        "tpu.region"() ({
          %run_scoped3A = tpu.sem_alloc : memref<!tpu.dma_semaphore, #tpu.memory_space<semaphore_mem>>
          %dma_start3A_115 = arith.constant 0 : i32
          %dma_start3A_116 = tpu.memref_slice %arg8[%add3A_86, %dma_start3A_115] : memref<48x128xi32, #tpu.memory_space<vmem>> -> memref<1x128xi32, #tpu.memory_space<vmem>>
          %dma_start3A_117 = tpu.memref_squeeze %dma_start3A_116 : memref<1x128xi32, #tpu.memory_space<vmem>> -> memref<128xi32, #tpu.memory_space<vmem>>
          %dma_start3A_118 = arith.constant 0 : i32
          %dma_start3A_119 = arith.constant 0 : i32
          %dma_start3A_120 = tpu.memref_slice %arg11[%dma_start3A_118, %dma_start3A_119] : memref<10240x128xf32, #tpu.memory_space<vmem_shared>> -> memref<10240x128xf32, #tpu.memory_space<vmem_shared>>
          tpu.enqueue_indirect_dma source(%arg9 : memref<128x128xf32, #tpu.memory_space<vmem>>) target(%dma_start3A_120 : memref<10240x128xf32, #tpu.memory_space<vmem_shared>>) offsets(%dma_start3A_117 : memref<128xi32, #tpu.memory_space<vmem>>) semaphore(%run_scoped3A : memref<!tpu.dma_semaphore, #tpu.memory_space<semaphore_mem>>) {add = true}
          %dma_wait3A_121 = arith.constant 0 : i32
          %dma_wait3A_122 = tpu.memref_slice %arg8[%add3A_86, %dma_wait3A_121] : memref<48x128xi32, #tpu.memory_space<vmem>> -> memref<1x128xi32, #tpu.memory_space<vmem>>
          %dma_wait3A_123 = tpu.memref_squeeze %dma_wait3A_122 : memref<1x128xi32, #tpu.memory_space<vmem>> -> memref<128xi32, #tpu.memory_space<vmem>>
          %dma_wait3A_124 = arith.constant 0 : i32
          %dma_wait3A_125 = arith.constant 0 : i32
          %dma_wait3A_126 = tpu.memref_slice %arg11[%dma_wait3A_124, %dma_wait3A_125] : memref<10240x128xf32, #tpu.memory_space<vmem_shared>> -> memref<10240x128xf32, #tpu.memory_space<vmem_shared>>
          tpu.wait_indirect_dma semaphore(%run_scoped3A : memref<!tpu.dma_semaphore, #tpu.memory_space<semaphore_mem>>) src(%arg9 : memref<128x128xf32, #tpu.memory_space<vmem>>) dst(%dma_wait3A_126 : memref<10240x128xf32, #tpu.memory_space<vmem_shared>>)
          tpu.yield
        }) : () -> ()
        %add3A_92 = arith.constant 2 : i32
        %add3A_93 = arith.addi %add3A_86, %add3A_92 : i32
        %lt3A = arith.constant 48 : i32
        %lt3A_94 = arith.cmpi slt, %add3A_93, %lt3A : i32
        %convert_element_type3A_95 = arith.extui %lt3A_94 : i1 to i32
        %cond3A_96 = arith.constant 0 : i32
        %cond3A_97 = arith.cmpi ne, %convert_element_type3A_95, %cond3A_96 : i32
        scf.if %cond3A_97 {
          %add3A_115 = arith.constant 2 : i32
          %add3A_116 = arith.addi %add3A_86, %add3A_115 : i32
          %dma_start3A_117 = arith.constant 0 : i32
          %dma_start3A_118 = tpu.memref_slice %arg7[%add3A_116, %dma_start3A_117] : memref<48x128xi32, #tpu.memory_space<vmem>> -> memref<1x128xi32, #tpu.memory_space<vmem>>
          %dma_start3A_119 = tpu.memref_squeeze %dma_start3A_118 : memref<1x128xi32, #tpu.memory_space<vmem>> -> memref<128xi32, #tpu.memory_space<vmem>>
          %dma_start3A_120 = arith.constant 0 : i32
          %dma_start3A_121 = arith.constant 0 : i32
          %dma_start3A_122 = tpu.memref_slice %arg2[%dma_start3A_120, %dma_start3A_121] : memref<10240x128xf32, #tpu.memory_space<hbm>> -> memref<10240x128xf32, #tpu.memory_space<hbm>>
          tpu.enqueue_indirect_dma source(%dma_start3A_122 : memref<10240x128xf32, #tpu.memory_space<hbm>>) target(%arg9 : memref<128x128xf32, #tpu.memory_space<vmem>>) offsets(%dma_start3A_119 : memref<128xi32, #tpu.memory_space<vmem>>) semaphore(%arg12 : memref<!tpu.dma_semaphore, #tpu.memory_space<semaphore_mem>>)
        } else {
        }
        %mul3A_98 = arith.constant 2 : i32
        %mul3A_99 = arith.muli %scan3A_82, %mul3A_98 : i32
        %add3A_100 = arith.constant 1 : i32
        %add3A_101 = arith.addi %mul3A_99, %add3A_100 : i32
        %dma_wait3A_102 = arith.constant 0 : i32
        %dma_wait3A_103 = arith.constant 0 : i32
        %dma_wait3A_104 = tpu.memref_slice %arg2[%dma_wait3A_102, %dma_wait3A_103] : memref<10240x128xf32, #tpu.memory_space<hbm>> -> memref<128x128xf32, #tpu.memory_space<hbm>>
        %dma_wait3A_105 = arith.constant 0 : i32
        %dma_wait3A_106 = arith.constant 0 : i32
        %dma_wait3A_107 = tpu.memref_slice %arg2[%dma_wait3A_105, %dma_wait3A_106] : memref<10240x128xf32, #tpu.memory_space<hbm>> -> memref<128x128xf32, #tpu.memory_space<hbm>>
        tpu.wait_dma2 semaphore(%arg13 : memref<!tpu.dma_semaphore, #tpu.memory_space<semaphore_mem>>) src(%dma_wait3A_107 : memref<128x128xf32, #tpu.memory_space<hbm>>) dst(%arg10 : memref<128x128xf32, #tpu.memory_space<vmem>>)
        "tpu.region"() ({
          %run_scoped3A = tpu.sem_alloc : memref<!tpu.dma_semaphore, #tpu.memory_space<semaphore_mem>>
          %dma_start3A_115 = arith.constant 0 : i32
          %dma_start3A_116 = tpu.memref_slice %arg8[%add3A_101, %dma_start3A_115] : memref<48x128xi32, #tpu.memory_space<vmem>> -> memref<1x128xi32, #tpu.memory_space<vmem>>
          %dma_start3A_117 = tpu.memref_squeeze %dma_start3A_116 : memref<1x128xi32, #tpu.memory_space<vmem>> -> memref<128xi32, #tpu.memory_space<vmem>>
          %dma_start3A_118 = arith.constant 0 : i32
          %dma_start3A_119 = arith.constant 0 : i32
          %dma_start3A_120 = tpu.memref_slice %arg11[%dma_start3A_118, %dma_start3A_119] : memref<10240x128xf32, #tpu.memory_space<vmem_shared>> -> memref<10240x128xf32, #tpu.memory_space<vmem_shared>>
          tpu.enqueue_indirect_dma source(%arg10 : memref<128x128xf32, #tpu.memory_space<vmem>>) target(%dma_start3A_120 : memref<10240x128xf32, #tpu.memory_space<vmem_shared>>) offsets(%dma_start3A_117 : memref<128xi32, #tpu.memory_space<vmem>>) semaphore(%run_scoped3A : memref<!tpu.dma_semaphore, #tpu.memory_space<semaphore_mem>>) {add = true}
          %dma_wait3A_121 = arith.constant 0 : i32
          %dma_wait3A_122 = tpu.memref_slice %arg8[%add3A_101, %dma_wait3A_121] : memref<48x128xi32, #tpu.memory_space<vmem>> -> memref<1x128xi32, #tpu.memory_space<vmem>>
          %dma_wait3A_123 = tpu.memref_squeeze %dma_wait3A_122 : memref<1x128xi32, #tpu.memory_space<vmem>> -> memref<128xi32, #tpu.memory_space<vmem>>
          %dma_wait3A_124 = arith.constant 0 : i32
          %dma_wait3A_125 = arith.constant 0 : i32
          %dma_wait3A_126 = tpu.memref_slice %arg11[%dma_wait3A_124, %dma_wait3A_125] : memref<10240x128xf32, #tpu.memory_space<vmem_shared>> -> memref<10240x128xf32, #tpu.memory_space<vmem_shared>>
          tpu.wait_indirect_dma semaphore(%run_scoped3A : memref<!tpu.dma_semaphore, #tpu.memory_space<semaphore_mem>>) src(%arg10 : memref<128x128xf32, #tpu.memory_space<vmem>>) dst(%dma_wait3A_126 : memref<10240x128xf32, #tpu.memory_space<vmem_shared>>)
          tpu.yield
        }) : () -> ()
        %add3A_108 = arith.constant 2 : i32
        %add3A_109 = arith.addi %add3A_101, %add3A_108 : i32
        %lt3A_110 = arith.constant 48 : i32
        %lt3A_111 = arith.cmpi slt, %add3A_109, %lt3A_110 : i32
        %convert_element_type3A_112 = arith.extui %lt3A_111 : i1 to i32
        %cond3A_113 = arith.constant 0 : i32
        %cond3A_114 = arith.cmpi ne, %convert_element_type3A_112, %cond3A_113 : i32
        scf.if %cond3A_114 {
          %add3A_115 = arith.constant 2 : i32
          %add3A_116 = arith.addi %add3A_101, %add3A_115 : i32
          %dma_start3A_117 = arith.constant 0 : i32
          %dma_start3A_118 = tpu.memref_slice %arg7[%add3A_116, %dma_start3A_117] : memref<48x128xi32, #tpu.memory_space<vmem>> -> memref<1x128xi32, #tpu.memory_space<vmem>>
          %dma_start3A_119 = tpu.memref_squeeze %dma_start3A_118 : memref<1x128xi32, #tpu.memory_space<vmem>> -> memref<128xi32, #tpu.memory_space<vmem>>
          %dma_start3A_120 = arith.constant 0 : i32
          %dma_start3A_121 = arith.constant 0 : i32
          %dma_start3A_122 = tpu.memref_slice %arg2[%dma_start3A_120, %dma_start3A_121] : memref<10240x128xf32, #tpu.memory_space<hbm>> -> memref<10240x128xf32, #tpu.memory_space<hbm>>
          tpu.enqueue_indirect_dma source(%dma_start3A_122 : memref<10240x128xf32, #tpu.memory_space<hbm>>) target(%arg10 : memref<128x128xf32, #tpu.memory_space<vmem>>) offsets(%dma_start3A_119 : memref<128xi32, #tpu.memory_space<vmem>>) semaphore(%arg13 : memref<!tpu.dma_semaphore, #tpu.memory_space<semaphore_mem>>)
        } else {
        }
      }
      %scan3A_81 = arith.constant 24 : i32
    } else {
    }
    %eq3A_3 = arith.constant 1 : i32
    %eq3A_4 = arith.cmpi eq, %arg0, %eq3A_3 : i32
    %convert_element_type3A_5 = arith.extui %eq3A_4 : i1 to i32
    %cond3A_6 = arith.constant 0 : i32
    %cond3A_7 = arith.cmpi ne, %convert_element_type3A_5, %cond3A_6 : i32
    scf.if %cond3A_7 {
      %mul3A_13 = arith.constant 16 : i32
      %mul3A_14 = arith.muli %arg1, %mul3A_13 : i32
      %add3A = arith.constant 2304 : i32
      %add3A_15 = arith.addi %add3A, %mul3A_14 : i32
      "tpu.region"() ({
        %run_scoped3A = tpu.sem_alloc : memref<!tpu.dma_semaphore, #tpu.memory_space<semaphore_mem>>
        %dma_start3A_34 = arith.constant 0 : i32
        %dma_start3A_35 = arith.constant 0 : i32
        %dma_start3A_36 = tpu.memref_slice %arg7[%dma_start3A_34, %dma_start3A_35] : memref<48x128xi32, #tpu.memory_space<vmem>> -> memref<16x128xi32, #tpu.memory_space<vmem>>
        %dma_start3A_37 = arith.constant 0 : i32
        %dma_start3A_38 = tpu.memref_slice %arg3[%add3A_15, %dma_start3A_37] : memref<2560x128xi32, #tpu.memory_space<hbm>> -> memref<16x128xi32, #tpu.memory_space<hbm>>
        %dma_start3A_39 = arith.constant 0 : i32
        %dma_start3A_40 = arith.constant 0 : i32
        %dma_start3A_41 = tpu.memref_slice %arg7[%dma_start3A_39, %dma_start3A_40] : memref<48x128xi32, #tpu.memory_space<vmem>> -> memref<16x128xi32, #tpu.memory_space<vmem>>
        %dma_start3A_42 = arith.constant 0 : i32
        %dma_start3A_43 = tpu.memref_slice %arg3[%add3A_15, %dma_start3A_42] : memref<2560x128xi32, #tpu.memory_space<hbm>> -> memref<16x128xi32, #tpu.memory_space<hbm>>
        tpu.enqueue_dma source(%dma_start3A_43 : memref<16x128xi32, #tpu.memory_space<hbm>>) target(%dma_start3A_41 : memref<16x128xi32, #tpu.memory_space<vmem>>) target_semaphore(%run_scoped3A : memref<!tpu.dma_semaphore, #tpu.memory_space<semaphore_mem>>)
        %dma_wait3A = arith.constant 0 : i32
        %dma_wait3A_44 = arith.constant 0 : i32
        %dma_wait3A_45 = tpu.memref_slice %arg7[%dma_wait3A, %dma_wait3A_44] : memref<48x128xi32, #tpu.memory_space<vmem>> -> memref<16x128xi32, #tpu.memory_space<vmem>>
        %dma_wait3A_46 = arith.constant 0 : i32
        %dma_wait3A_47 = tpu.memref_slice %arg3[%add3A_15, %dma_wait3A_46] : memref<2560x128xi32, #tpu.memory_space<hbm>> -> memref<16x128xi32, #tpu.memory_space<hbm>>
        %dma_wait3A_48 = arith.constant 0 : i32
        %dma_wait3A_49 = arith.constant 0 : i32
        %dma_wait3A_50 = tpu.memref_slice %arg7[%dma_wait3A_48, %dma_wait3A_49] : memref<48x128xi32, #tpu.memory_space<vmem>> -> memref<16x128xi32, #tpu.memory_space<vmem>>
        %dma_wait3A_51 = arith.constant 0 : i32
        %dma_wait3A_52 = tpu.memref_slice %arg3[%add3A_15, %dma_wait3A_51] : memref<2560x128xi32, #tpu.memory_space<hbm>> -> memref<16x128xi32, #tpu.memory_space<hbm>>
        tpu.wait_dma2 semaphore(%run_scoped3A : memref<!tpu.dma_semaphore, #tpu.memory_space<semaphore_mem>>) src(%dma_wait3A_52 : memref<16x128xi32, #tpu.memory_space<hbm>>) dst(%dma_wait3A_50 : memref<16x128xi32, #tpu.memory_space<vmem>>)
        tpu.yield
      }) : () -> ()
      "tpu.region"() ({
        %run_scoped3A = tpu.sem_alloc : memref<!tpu.dma_semaphore, #tpu.memory_space<semaphore_mem>>
        %dma_start3A_34 = arith.constant 0 : i32
        %dma_start3A_35 = arith.constant 0 : i32
        %dma_start3A_36 = tpu.memref_slice %arg8[%dma_start3A_34, %dma_start3A_35] : memref<48x128xi32, #tpu.memory_space<vmem>> -> memref<16x128xi32, #tpu.memory_space<vmem>>
        %dma_start3A_37 = arith.constant 0 : i32
        %dma_start3A_38 = tpu.memref_slice %arg4[%add3A_15, %dma_start3A_37] : memref<2560x128xi32, #tpu.memory_space<hbm>> -> memref<16x128xi32, #tpu.memory_space<hbm>>
        %dma_start3A_39 = arith.constant 0 : i32
        %dma_start3A_40 = arith.constant 0 : i32
        %dma_start3A_41 = tpu.memref_slice %arg8[%dma_start3A_39, %dma_start3A_40] : memref<48x128xi32, #tpu.memory_space<vmem>> -> memref<16x128xi32, #tpu.memory_space<vmem>>
        %dma_start3A_42 = arith.constant 0 : i32
        %dma_start3A_43 = tpu.memref_slice %arg4[%add3A_15, %dma_start3A_42] : memref<2560x128xi32, #tpu.memory_space<hbm>> -> memref<16x128xi32, #tpu.memory_space<hbm>>
        tpu.enqueue_dma source(%dma_start3A_43 : memref<16x128xi32, #tpu.memory_space<hbm>>) target(%dma_start3A_41 : memref<16x128xi32, #tpu.memory_space<vmem>>) target_semaphore(%run_scoped3A : memref<!tpu.dma_semaphore, #tpu.memory_space<semaphore_mem>>)
        %dma_wait3A = arith.constant 0 : i32
        %dma_wait3A_44 = arith.constant 0 : i32
        %dma_wait3A_45 = tpu.memref_slice %arg8[%dma_wait3A, %dma_wait3A_44] : memref<48x128xi32, #tpu.memory_space<vmem>> -> memref<16x128xi32, #tpu.memory_space<vmem>>
        %dma_wait3A_46 = arith.constant 0 : i32
        %dma_wait3A_47 = tpu.memref_slice %arg4[%add3A_15, %dma_wait3A_46] : memref<2560x128xi32, #tpu.memory_space<hbm>> -> memref<16x128xi32, #tpu.memory_space<hbm>>
        %dma_wait3A_48 = arith.constant 0 : i32
        %dma_wait3A_49 = arith.constant 0 : i32
        %dma_wait3A_50 = tpu.memref_slice %arg8[%dma_wait3A_48, %dma_wait3A_49] : memref<48x128xi32, #tpu.memory_space<vmem>> -> memref<16x128xi32, #tpu.memory_space<vmem>>
        %dma_wait3A_51 = arith.constant 0 : i32
        %dma_wait3A_52 = tpu.memref_slice %arg4[%add3A_15, %dma_wait3A_51] : memref<2560x128xi32, #tpu.memory_space<hbm>> -> memref<16x128xi32, #tpu.memory_space<hbm>>
        tpu.wait_dma2 semaphore(%run_scoped3A : memref<!tpu.dma_semaphore, #tpu.memory_space<semaphore_mem>>) src(%dma_wait3A_52 : memref<16x128xi32, #tpu.memory_space<hbm>>) dst(%dma_wait3A_50 : memref<16x128xi32, #tpu.memory_space<vmem>>)
        tpu.yield
      }) : () -> ()
      %dma_start3A = arith.constant 0 : i32
      %dma_start3A_16 = arith.constant 0 : i32
      %dma_start3A_17 = tpu.memref_slice %arg7[%dma_start3A, %dma_start3A_16] : memref<48x128xi32, #tpu.memory_space<vmem>> -> memref<1x128xi32, #tpu.memory_space<vmem>>
      %dma_start3A_18 = tpu.memref_squeeze %dma_start3A_17 : memref<1x128xi32, #tpu.memory_space<vmem>> -> memref<128xi32, #tpu.memory_space<vmem>>
      %dma_start3A_19 = arith.constant 0 : i32
      %dma_start3A_20 = arith.constant 0 : i32
      %dma_start3A_21 = tpu.memref_slice %arg2[%dma_start3A_19, %dma_start3A_20] : memref<10240x128xf32, #tpu.memory_space<hbm>> -> memref<10240x128xf32, #tpu.memory_space<hbm>>
      tpu.enqueue_indirect_dma source(%dma_start3A_21 : memref<10240x128xf32, #tpu.memory_space<hbm>>) target(%arg9 : memref<128x128xf32, #tpu.memory_space<vmem>>) offsets(%dma_start3A_18 : memref<128xi32, #tpu.memory_space<vmem>>) semaphore(%arg12 : memref<!tpu.dma_semaphore, #tpu.memory_space<semaphore_mem>>)
      %dma_start3A_22 = arith.constant 1 : i32
      %dma_start3A_23 = arith.constant 0 : i32
      %dma_start3A_24 = tpu.memref_slice %arg7[%dma_start3A_22, %dma_start3A_23] : memref<48x128xi32, #tpu.memory_space<vmem>> -> memref<1x128xi32, #tpu.memory_space<vmem>>
      %dma_start3A_25 = tpu.memref_squeeze %dma_start3A_24 : memref<1x128xi32, #tpu.memory_space<vmem>> -> memref<128xi32, #tpu.memory_space<vmem>>
      %dma_start3A_26 = arith.constant 0 : i32
      %dma_start3A_27 = arith.constant 0 : i32
      %dma_start3A_28 = tpu.memref_slice %arg2[%dma_start3A_26, %dma_start3A_27] : memref<10240x128xf32, #tpu.memory_space<hbm>> -> memref<10240x128xf32, #tpu.memory_space<hbm>>
      tpu.enqueue_indirect_dma source(%dma_start3A_28 : memref<10240x128xf32, #tpu.memory_space<hbm>>) target(%arg10 : memref<128x128xf32, #tpu.memory_space<vmem>>) offsets(%dma_start3A_25 : memref<128xi32, #tpu.memory_space<vmem>>) semaphore(%arg13 : memref<!tpu.dma_semaphore, #tpu.memory_space<semaphore_mem>>)
      %scan3A = arith.constant 0 : i32
      %scan3A_29 = arith.constant 0 : i32
      %scan3A_30 = arith.constant 8 : i32
      %scan3A_31 = arith.addi %scan3A_29, %scan3A_30 : i32
      %scan3A_32 = arith.constant 1 : i32
      scf.for %scan3A_34 = %scan3A_29 to %scan3A_31 step %scan3A_32  : i32 {
        %mul3A_35 = arith.constant 2 : i32
        %mul3A_36 = arith.muli %scan3A_34, %mul3A_35 : i32
        %add3A_37 = arith.constant 0 : i32
        %add3A_38 = arith.addi %mul3A_36, %add3A_37 : i32
        %dma_wait3A = arith.constant 0 : i32
        %dma_wait3A_39 = arith.constant 0 : i32
        %dma_wait3A_40 = tpu.memref_slice %arg2[%dma_wait3A, %dma_wait3A_39] : memref<10240x128xf32, #tpu.memory_space<hbm>> -> memref<128x128xf32, #tpu.memory_space<hbm>>
        %dma_wait3A_41 = arith.constant 0 : i32
        %dma_wait3A_42 = arith.constant 0 : i32
        %dma_wait3A_43 = tpu.memref_slice %arg2[%dma_wait3A_41, %dma_wait3A_42] : memref<10240x128xf32, #tpu.memory_space<hbm>> -> memref<128x128xf32, #tpu.memory_space<hbm>>
        tpu.wait_dma2 semaphore(%arg12 : memref<!tpu.dma_semaphore, #tpu.memory_space<semaphore_mem>>) src(%dma_wait3A_43 : memref<128x128xf32, #tpu.memory_space<hbm>>) dst(%arg9 : memref<128x128xf32, #tpu.memory_space<vmem>>)
        "tpu.region"() ({
          %run_scoped3A = tpu.sem_alloc : memref<!tpu.dma_semaphore, #tpu.memory_space<semaphore_mem>>
          %dma_start3A_67 = arith.constant 0 : i32
          %dma_start3A_68 = tpu.memref_slice %arg8[%add3A_38, %dma_start3A_67] : memref<48x128xi32, #tpu.memory_space<vmem>> -> memref<1x128xi32, #tpu.memory_space<vmem>>
          %dma_start3A_69 = tpu.memref_squeeze %dma_start3A_68 : memref<1x128xi32, #tpu.memory_space<vmem>> -> memref<128xi32, #tpu.memory_space<vmem>>
          %dma_start3A_70 = arith.constant 0 : i32
          %dma_start3A_71 = arith.constant 0 : i32
          %dma_start3A_72 = tpu.memref_slice %arg11[%dma_start3A_70, %dma_start3A_71] : memref<10240x128xf32, #tpu.memory_space<vmem_shared>> -> memref<10240x128xf32, #tpu.memory_space<vmem_shared>>
          tpu.enqueue_indirect_dma source(%arg9 : memref<128x128xf32, #tpu.memory_space<vmem>>) target(%dma_start3A_72 : memref<10240x128xf32, #tpu.memory_space<vmem_shared>>) offsets(%dma_start3A_69 : memref<128xi32, #tpu.memory_space<vmem>>) semaphore(%run_scoped3A : memref<!tpu.dma_semaphore, #tpu.memory_space<semaphore_mem>>) {add = true}
          %dma_wait3A_73 = arith.constant 0 : i32
          %dma_wait3A_74 = tpu.memref_slice %arg8[%add3A_38, %dma_wait3A_73] : memref<48x128xi32, #tpu.memory_space<vmem>> -> memref<1x128xi32, #tpu.memory_space<vmem>>
          %dma_wait3A_75 = tpu.memref_squeeze %dma_wait3A_74 : memref<1x128xi32, #tpu.memory_space<vmem>> -> memref<128xi32, #tpu.memory_space<vmem>>
          %dma_wait3A_76 = arith.constant 0 : i32
          %dma_wait3A_77 = arith.constant 0 : i32
          %dma_wait3A_78 = tpu.memref_slice %arg11[%dma_wait3A_76, %dma_wait3A_77] : memref<10240x128xf32, #tpu.memory_space<vmem_shared>> -> memref<10240x128xf32, #tpu.memory_space<vmem_shared>>
          tpu.wait_indirect_dma semaphore(%run_scoped3A : memref<!tpu.dma_semaphore, #tpu.memory_space<semaphore_mem>>) src(%arg9 : memref<128x128xf32, #tpu.memory_space<vmem>>) dst(%dma_wait3A_78 : memref<10240x128xf32, #tpu.memory_space<vmem_shared>>)
          tpu.yield
        }) : () -> ()
        %add3A_44 = arith.constant 2 : i32
        %add3A_45 = arith.addi %add3A_38, %add3A_44 : i32
        %lt3A = arith.constant 16 : i32
        %lt3A_46 = arith.cmpi slt, %add3A_45, %lt3A : i32
        %convert_element_type3A_47 = arith.extui %lt3A_46 : i1 to i32
        %cond3A_48 = arith.constant 0 : i32
        %cond3A_49 = arith.cmpi ne, %convert_element_type3A_47, %cond3A_48 : i32
        scf.if %cond3A_49 {
          %add3A_67 = arith.constant 2 : i32
          %add3A_68 = arith.addi %add3A_38, %add3A_67 : i32
          %dma_start3A_69 = arith.constant 0 : i32
          %dma_start3A_70 = tpu.memref_slice %arg7[%add3A_68, %dma_start3A_69] : memref<48x128xi32, #tpu.memory_space<vmem>> -> memref<1x128xi32, #tpu.memory_space<vmem>>
          %dma_start3A_71 = tpu.memref_squeeze %dma_start3A_70 : memref<1x128xi32, #tpu.memory_space<vmem>> -> memref<128xi32, #tpu.memory_space<vmem>>
          %dma_start3A_72 = arith.constant 0 : i32
          %dma_start3A_73 = arith.constant 0 : i32
          %dma_start3A_74 = tpu.memref_slice %arg2[%dma_start3A_72, %dma_start3A_73] : memref<10240x128xf32, #tpu.memory_space<hbm>> -> memref<10240x128xf32, #tpu.memory_space<hbm>>
          tpu.enqueue_indirect_dma source(%dma_start3A_74 : memref<10240x128xf32, #tpu.memory_space<hbm>>) target(%arg9 : memref<128x128xf32, #tpu.memory_space<vmem>>) offsets(%dma_start3A_71 : memref<128xi32, #tpu.memory_space<vmem>>) semaphore(%arg12 : memref<!tpu.dma_semaphore, #tpu.memory_space<semaphore_mem>>)
        } else {
        }
        %mul3A_50 = arith.constant 2 : i32
        %mul3A_51 = arith.muli %scan3A_34, %mul3A_50 : i32
        %add3A_52 = arith.constant 1 : i32
        %add3A_53 = arith.addi %mul3A_51, %add3A_52 : i32
        %dma_wait3A_54 = arith.constant 0 : i32
        %dma_wait3A_55 = arith.constant 0 : i32
        %dma_wait3A_56 = tpu.memref_slice %arg2[%dma_wait3A_54, %dma_wait3A_55] : memref<10240x128xf32, #tpu.memory_space<hbm>> -> memref<128x128xf32, #tpu.memory_space<hbm>>
        %dma_wait3A_57 = arith.constant 0 : i32
        %dma_wait3A_58 = arith.constant 0 : i32
        %dma_wait3A_59 = tpu.memref_slice %arg2[%dma_wait3A_57, %dma_wait3A_58] : memref<10240x128xf32, #tpu.memory_space<hbm>> -> memref<128x128xf32, #tpu.memory_space<hbm>>
        tpu.wait_dma2 semaphore(%arg13 : memref<!tpu.dma_semaphore, #tpu.memory_space<semaphore_mem>>) src(%dma_wait3A_59 : memref<128x128xf32, #tpu.memory_space<hbm>>) dst(%arg10 : memref<128x128xf32, #tpu.memory_space<vmem>>)
        "tpu.region"() ({
          %run_scoped3A = tpu.sem_alloc : memref<!tpu.dma_semaphore, #tpu.memory_space<semaphore_mem>>
          %dma_start3A_67 = arith.constant 0 : i32
          %dma_start3A_68 = tpu.memref_slice %arg8[%add3A_53, %dma_start3A_67] : memref<48x128xi32, #tpu.memory_space<vmem>> -> memref<1x128xi32, #tpu.memory_space<vmem>>
          %dma_start3A_69 = tpu.memref_squeeze %dma_start3A_68 : memref<1x128xi32, #tpu.memory_space<vmem>> -> memref<128xi32, #tpu.memory_space<vmem>>
          %dma_start3A_70 = arith.constant 0 : i32
          %dma_start3A_71 = arith.constant 0 : i32
          %dma_start3A_72 = tpu.memref_slice %arg11[%dma_start3A_70, %dma_start3A_71] : memref<10240x128xf32, #tpu.memory_space<vmem_shared>> -> memref<10240x128xf32, #tpu.memory_space<vmem_shared>>
          tpu.enqueue_indirect_dma source(%arg10 : memref<128x128xf32, #tpu.memory_space<vmem>>) target(%dma_start3A_72 : memref<10240x128xf32, #tpu.memory_space<vmem_shared>>) offsets(%dma_start3A_69 : memref<128xi32, #tpu.memory_space<vmem>>) semaphore(%run_scoped3A : memref<!tpu.dma_semaphore, #tpu.memory_space<semaphore_mem>>) {add = true}
          %dma_wait3A_73 = arith.constant 0 : i32
          %dma_wait3A_74 = tpu.memref_slice %arg8[%add3A_53, %dma_wait3A_73] : memref<48x128xi32, #tpu.memory_space<vmem>> -> memref<1x128xi32, #tpu.memory_space<vmem>>
          %dma_wait3A_75 = tpu.memref_squeeze %dma_wait3A_74 : memref<1x128xi32, #tpu.memory_space<vmem>> -> memref<128xi32, #tpu.memory_space<vmem>>
          %dma_wait3A_76 = arith.constant 0 : i32
          %dma_wait3A_77 = arith.constant 0 : i32
          %dma_wait3A_78 = tpu.memref_slice %arg11[%dma_wait3A_76, %dma_wait3A_77] : memref<10240x128xf32, #tpu.memory_space<vmem_shared>> -> memref<10240x128xf32, #tpu.memory_space<vmem_shared>>
          tpu.wait_indirect_dma semaphore(%run_scoped3A : memref<!tpu.dma_semaphore, #tpu.memory_space<semaphore_mem>>) src(%arg10 : memref<128x128xf32, #tpu.memory_space<vmem>>) dst(%dma_wait3A_78 : memref<10240x128xf32, #tpu.memory_space<vmem_shared>>)
          tpu.yield
        }) : () -> ()
        %add3A_60 = arith.constant 2 : i32
        %add3A_61 = arith.addi %add3A_53, %add3A_60 : i32
        %lt3A_62 = arith.constant 16 : i32
        %lt3A_63 = arith.cmpi slt, %add3A_61, %lt3A_62 : i32
        %convert_element_type3A_64 = arith.extui %lt3A_63 : i1 to i32
        %cond3A_65 = arith.constant 0 : i32
        %cond3A_66 = arith.cmpi ne, %convert_element_type3A_64, %cond3A_65 : i32
        scf.if %cond3A_66 {
          %add3A_67 = arith.constant 2 : i32
          %add3A_68 = arith.addi %add3A_53, %add3A_67 : i32
          %dma_start3A_69 = arith.constant 0 : i32
          %dma_start3A_70 = tpu.memref_slice %arg7[%add3A_68, %dma_start3A_69] : memref<48x128xi32, #tpu.memory_space<vmem>> -> memref<1x128xi32, #tpu.memory_space<vmem>>
          %dma_start3A_71 = tpu.memref_squeeze %dma_start3A_70 : memref<1x128xi32, #tpu.memory_space<vmem>> -> memref<128xi32, #tpu.memory_space<vmem>>
          %dma_start3A_72 = arith.constant 0 : i32
          %dma_start3A_73 = arith.constant 0 : i32
          %dma_start3A_74 = tpu.memref_slice %arg2[%dma_start3A_72, %dma_start3A_73] : memref<10240x128xf32, #tpu.memory_space<hbm>> -> memref<10240x128xf32, #tpu.memory_space<hbm>>
          tpu.enqueue_indirect_dma source(%dma_start3A_74 : memref<10240x128xf32, #tpu.memory_space<hbm>>) target(%arg10 : memref<128x128xf32, #tpu.memory_space<vmem>>) offsets(%dma_start3A_71 : memref<128xi32, #tpu.memory_space<vmem>>) semaphore(%arg13 : memref<!tpu.dma_semaphore, #tpu.memory_space<semaphore_mem>>)
        } else {
        }
      }
      %scan3A_33 = arith.constant 8 : i32
    } else {
    }
    %barrier3A_8 = arith.constant 0 : index
    tpu.barrier barrier_id(%barrier3A_8)
    %mul3A_9 = arith.constant 640 : i32
    %mul3A_10 = arith.muli %arg1, %mul3A_9 : i32
    %mul3A_11 = arith.constant 640 : i32
    %mul3A_12 = arith.muli %arg1, %mul3A_11 : i32
    "tpu.region"() ({
      %run_scoped3A = tpu.sem_alloc : memref<!tpu.dma_semaphore, #tpu.memory_space<semaphore_mem>>
      %dma_start3A = arith.constant 0 : i32
      %dma_start3A_13 = tpu.memref_slice %arg6[%arg0, %mul3A_12, %dma_start3A] : memref<2x10240x128xf32, #tpu.memory_space<hbm>> -> memref<1x640x128xf32, #tpu.memory_space<hbm>>
      %dma_start3A_14 = tpu.memref_squeeze %dma_start3A_13 : memref<1x640x128xf32, #tpu.memory_space<hbm>> -> memref<640x128xf32, #tpu.memory_space<hbm>>
      %dma_start3A_15 = arith.constant 0 : i32
      %dma_start3A_16 = tpu.memref_slice %arg11[%mul3A_10, %dma_start3A_15] : memref<10240x128xf32, #tpu.memory_space<vmem_shared>> -> memref<640x128xf32, #tpu.memory_space<vmem_shared>>
      tpu.enqueue_dma source(%dma_start3A_16 : memref<640x128xf32, #tpu.memory_space<vmem_shared>>) target(%dma_start3A_14 : memref<640x128xf32, #tpu.memory_space<hbm>>) target_semaphore(%run_scoped3A : memref<!tpu.dma_semaphore, #tpu.memory_space<semaphore_mem>>)
      %dma_wait3A = arith.constant 0 : i32
      %dma_wait3A_17 = tpu.memref_slice %arg6[%arg0, %mul3A_12, %dma_wait3A] : memref<2x10240x128xf32, #tpu.memory_space<hbm>> -> memref<1x640x128xf32, #tpu.memory_space<hbm>>
      %dma_wait3A_18 = tpu.memref_squeeze %dma_wait3A_17 : memref<1x640x128xf32, #tpu.memory_space<hbm>> -> memref<640x128xf32, #tpu.memory_space<hbm>>
      %dma_wait3A_19 = arith.constant 0 : i32
      %dma_wait3A_20 = tpu.memref_slice %arg11[%mul3A_10, %dma_wait3A_19] : memref<10240x128xf32, #tpu.memory_space<vmem_shared>> -> memref<640x128xf32, #tpu.memory_space<vmem_shared>>
      tpu.wait_dma2 semaphore(%run_scoped3A : memref<!tpu.dma_semaphore, #tpu.memory_space<semaphore_mem>>) src(%dma_wait3A_20 : memref<640x128xf32, #tpu.memory_space<vmem_shared>>) dst(%dma_wait3A_18 : memref<640x128xf32, #tpu.memory_space<hbm>>)
      tpu.yield
    }) : () -> ()
    return
  }
}

#map = affine_map<(d0, d1) -> (0, 0)>
#map1 = affine_map<(d0, d1) -> (0, 0, 0)>
module attributes {stable_mosaic.version = 14 : i64} {
  func.func @prop_kernel(%arg0: i32, %arg1: i32, %arg2: memref<10240x64xf32, #tpu.memory_space<hbm>>, %arg3: memref<2560x128xi32, #tpu.memory_space<hbm>>, %arg4: memref<2560x128xi32, #tpu.memory_space<hbm>>, %arg5: memref<640x64xf32, #tpu.memory_space<hbm>>, %arg6: memref<2x10240x64xf32, #tpu.memory_space<hbm>>, %arg7: memref<48x128xi32, #tpu.memory_space<vmem>>, %arg8: memref<48x128xi32, #tpu.memory_space<vmem>>, %arg9: memref<128x64xf32, #tpu.memory_space<vmem>>, %arg10: memref<128x64xf32, #tpu.memory_space<vmem>>, %arg11: memref<128x64xf32, #tpu.memory_space<vmem>>, %arg12: memref<128x64xf32, #tpu.memory_space<vmem>>, %arg13: memref<10240x64xf32, #tpu.memory_space<vmem_shared>>, %arg14: memref<!tpu.dma_semaphore, #tpu.memory_space<semaphore_mem>>, %arg15: memref<!tpu.dma_semaphore, #tpu.memory_space<semaphore_mem>>, %arg16: memref<!tpu.dma_semaphore, #tpu.memory_space<semaphore_mem>>, %arg17: memref<!tpu.dma_semaphore, #tpu.memory_space<semaphore_mem>>) attributes {dimension_semantics = [#tpu.dimension_semantics<core_parallel>, #tpu.dimension_semantics<subcore_parallel>], iteration_bounds = array<i64: 2, 16>, scalar_prefetch = 0 : i64, scratch_operands = 11 : i64, tpu.core_type = #tpu.core_type<sc_vector_subcore>, window_params = [{transform_indices = #map}, {transform_indices = #map}, {transform_indices = #map}, {transform_indices = #map}, {transform_indices = #map1}]} {
    %mul3A = arith.constant 640 : i32
    %mul3A_0 = arith.muli %arg1, %mul3A : i32
    "tpu.region"() ({
      %run_scoped3A = tpu.sem_alloc : memref<!tpu.dma_semaphore, #tpu.memory_space<semaphore_mem>>
      %dma_start3A = arith.constant 0 : i32
      %dma_start3A_13 = tpu.memref_slice %arg13[%mul3A_0, %dma_start3A] : memref<10240x64xf32, #tpu.memory_space<vmem_shared>> -> memref<640x64xf32, #tpu.memory_space<vmem_shared>>
      tpu.enqueue_dma source(%arg5 : memref<640x64xf32, #tpu.memory_space<hbm>>) target(%dma_start3A_13 : memref<640x64xf32, #tpu.memory_space<vmem_shared>>) target_semaphore(%run_scoped3A : memref<!tpu.dma_semaphore, #tpu.memory_space<semaphore_mem>>)
      %dma_wait3A = arith.constant 0 : i32
      %dma_wait3A_14 = tpu.memref_slice %arg13[%mul3A_0, %dma_wait3A] : memref<10240x64xf32, #tpu.memory_space<vmem_shared>> -> memref<640x64xf32, #tpu.memory_space<vmem_shared>>
      tpu.wait_dma2 semaphore(%run_scoped3A : memref<!tpu.dma_semaphore, #tpu.memory_space<semaphore_mem>>) src(%arg5 : memref<640x64xf32, #tpu.memory_space<hbm>>) dst(%dma_wait3A_14 : memref<640x64xf32, #tpu.memory_space<vmem_shared>>)
      tpu.yield
    }) : () -> ()
    %barrier3A = arith.constant 0 : index
    tpu.barrier barrier_id(%barrier3A)
    %eq3A = arith.constant 0 : i32
    %eq3A_1 = arith.cmpi eq, %arg0, %eq3A : i32
    %convert_element_type3A = arith.extui %eq3A_1 : i1 to i32
    %cond3A = arith.constant 0 : i32
    %cond3A_2 = arith.cmpi ne, %convert_element_type3A, %cond3A : i32
    scf.if %cond3A_2 {
      %mul3A_13 = arith.constant 144 : i32
      %mul3A_14 = arith.muli %arg1, %mul3A_13 : i32
      %add3A = arith.constant 0 : i32
      %add3A_15 = arith.addi %mul3A_14, %add3A : i32
      "tpu.region"() ({
        %run_scoped3A = tpu.sem_alloc : memref<!tpu.dma_semaphore, #tpu.memory_space<semaphore_mem>>
        %dma_start3A_124 = arith.constant 0 : i32
        %dma_start3A_125 = arith.constant 0 : i32
        %dma_start3A_126 = tpu.memref_slice %arg7[%dma_start3A_124, %dma_start3A_125] : memref<48x128xi32, #tpu.memory_space<vmem>> -> memref<48x128xi32, #tpu.memory_space<vmem>>
        %dma_start3A_127 = arith.constant 0 : i32
        %dma_start3A_128 = tpu.memref_slice %arg3[%add3A_15, %dma_start3A_127] : memref<2560x128xi32, #tpu.memory_space<hbm>> -> memref<48x128xi32, #tpu.memory_space<hbm>>
        %dma_start3A_129 = arith.constant 0 : i32
        %dma_start3A_130 = arith.constant 0 : i32
        %dma_start3A_131 = tpu.memref_slice %arg7[%dma_start3A_129, %dma_start3A_130] : memref<48x128xi32, #tpu.memory_space<vmem>> -> memref<48x128xi32, #tpu.memory_space<vmem>>
        %dma_start3A_132 = arith.constant 0 : i32
        %dma_start3A_133 = tpu.memref_slice %arg3[%add3A_15, %dma_start3A_132] : memref<2560x128xi32, #tpu.memory_space<hbm>> -> memref<48x128xi32, #tpu.memory_space<hbm>>
        tpu.enqueue_dma source(%dma_start3A_133 : memref<48x128xi32, #tpu.memory_space<hbm>>) target(%dma_start3A_131 : memref<48x128xi32, #tpu.memory_space<vmem>>) target_semaphore(%run_scoped3A : memref<!tpu.dma_semaphore, #tpu.memory_space<semaphore_mem>>)
        %dma_wait3A = arith.constant 0 : i32
        %dma_wait3A_134 = arith.constant 0 : i32
        %dma_wait3A_135 = tpu.memref_slice %arg7[%dma_wait3A, %dma_wait3A_134] : memref<48x128xi32, #tpu.memory_space<vmem>> -> memref<48x128xi32, #tpu.memory_space<vmem>>
        %dma_wait3A_136 = arith.constant 0 : i32
        %dma_wait3A_137 = tpu.memref_slice %arg3[%add3A_15, %dma_wait3A_136] : memref<2560x128xi32, #tpu.memory_space<hbm>> -> memref<48x128xi32, #tpu.memory_space<hbm>>
        %dma_wait3A_138 = arith.constant 0 : i32
        %dma_wait3A_139 = arith.constant 0 : i32
        %dma_wait3A_140 = tpu.memref_slice %arg7[%dma_wait3A_138, %dma_wait3A_139] : memref<48x128xi32, #tpu.memory_space<vmem>> -> memref<48x128xi32, #tpu.memory_space<vmem>>
        %dma_wait3A_141 = arith.constant 0 : i32
        %dma_wait3A_142 = tpu.memref_slice %arg3[%add3A_15, %dma_wait3A_141] : memref<2560x128xi32, #tpu.memory_space<hbm>> -> memref<48x128xi32, #tpu.memory_space<hbm>>
        tpu.wait_dma2 semaphore(%run_scoped3A : memref<!tpu.dma_semaphore, #tpu.memory_space<semaphore_mem>>) src(%dma_wait3A_142 : memref<48x128xi32, #tpu.memory_space<hbm>>) dst(%dma_wait3A_140 : memref<48x128xi32, #tpu.memory_space<vmem>>)
        tpu.yield
      }) : () -> ()
      "tpu.region"() ({
        %run_scoped3A = tpu.sem_alloc : memref<!tpu.dma_semaphore, #tpu.memory_space<semaphore_mem>>
        %dma_start3A_124 = arith.constant 0 : i32
        %dma_start3A_125 = arith.constant 0 : i32
        %dma_start3A_126 = tpu.memref_slice %arg8[%dma_start3A_124, %dma_start3A_125] : memref<48x128xi32, #tpu.memory_space<vmem>> -> memref<48x128xi32, #tpu.memory_space<vmem>>
        %dma_start3A_127 = arith.constant 0 : i32
        %dma_start3A_128 = tpu.memref_slice %arg4[%add3A_15, %dma_start3A_127] : memref<2560x128xi32, #tpu.memory_space<hbm>> -> memref<48x128xi32, #tpu.memory_space<hbm>>
        %dma_start3A_129 = arith.constant 0 : i32
        %dma_start3A_130 = arith.constant 0 : i32
        %dma_start3A_131 = tpu.memref_slice %arg8[%dma_start3A_129, %dma_start3A_130] : memref<48x128xi32, #tpu.memory_space<vmem>> -> memref<48x128xi32, #tpu.memory_space<vmem>>
        %dma_start3A_132 = arith.constant 0 : i32
        %dma_start3A_133 = tpu.memref_slice %arg4[%add3A_15, %dma_start3A_132] : memref<2560x128xi32, #tpu.memory_space<hbm>> -> memref<48x128xi32, #tpu.memory_space<hbm>>
        tpu.enqueue_dma source(%dma_start3A_133 : memref<48x128xi32, #tpu.memory_space<hbm>>) target(%dma_start3A_131 : memref<48x128xi32, #tpu.memory_space<vmem>>) target_semaphore(%run_scoped3A : memref<!tpu.dma_semaphore, #tpu.memory_space<semaphore_mem>>)
        %dma_wait3A = arith.constant 0 : i32
        %dma_wait3A_134 = arith.constant 0 : i32
        %dma_wait3A_135 = tpu.memref_slice %arg8[%dma_wait3A, %dma_wait3A_134] : memref<48x128xi32, #tpu.memory_space<vmem>> -> memref<48x128xi32, #tpu.memory_space<vmem>>
        %dma_wait3A_136 = arith.constant 0 : i32
        %dma_wait3A_137 = tpu.memref_slice %arg4[%add3A_15, %dma_wait3A_136] : memref<2560x128xi32, #tpu.memory_space<hbm>> -> memref<48x128xi32, #tpu.memory_space<hbm>>
        %dma_wait3A_138 = arith.constant 0 : i32
        %dma_wait3A_139 = arith.constant 0 : i32
        %dma_wait3A_140 = tpu.memref_slice %arg8[%dma_wait3A_138, %dma_wait3A_139] : memref<48x128xi32, #tpu.memory_space<vmem>> -> memref<48x128xi32, #tpu.memory_space<vmem>>
        %dma_wait3A_141 = arith.constant 0 : i32
        %dma_wait3A_142 = tpu.memref_slice %arg4[%add3A_15, %dma_wait3A_141] : memref<2560x128xi32, #tpu.memory_space<hbm>> -> memref<48x128xi32, #tpu.memory_space<hbm>>
        tpu.wait_dma2 semaphore(%run_scoped3A : memref<!tpu.dma_semaphore, #tpu.memory_space<semaphore_mem>>) src(%dma_wait3A_142 : memref<48x128xi32, #tpu.memory_space<hbm>>) dst(%dma_wait3A_140 : memref<48x128xi32, #tpu.memory_space<vmem>>)
        tpu.yield
      }) : () -> ()
      %dma_start3A = arith.constant 0 : i32
      %dma_start3A_16 = arith.constant 0 : i32
      %dma_start3A_17 = tpu.memref_slice %arg7[%dma_start3A, %dma_start3A_16] : memref<48x128xi32, #tpu.memory_space<vmem>> -> memref<1x128xi32, #tpu.memory_space<vmem>>
      %dma_start3A_18 = tpu.memref_squeeze %dma_start3A_17 : memref<1x128xi32, #tpu.memory_space<vmem>> -> memref<128xi32, #tpu.memory_space<vmem>>
      %dma_start3A_19 = arith.constant 0 : i32
      %dma_start3A_20 = arith.constant 0 : i32
      %dma_start3A_21 = tpu.memref_slice %arg2[%dma_start3A_19, %dma_start3A_20] : memref<10240x64xf32, #tpu.memory_space<hbm>> -> memref<10240x64xf32, #tpu.memory_space<hbm>>
      tpu.enqueue_indirect_dma source(%dma_start3A_21 : memref<10240x64xf32, #tpu.memory_space<hbm>>) target(%arg9 : memref<128x64xf32, #tpu.memory_space<vmem>>) offsets(%dma_start3A_18 : memref<128xi32, #tpu.memory_space<vmem>>) semaphore(%arg14 : memref<!tpu.dma_semaphore, #tpu.memory_space<semaphore_mem>>)
      %dma_start3A_22 = arith.constant 1 : i32
      %dma_start3A_23 = arith.constant 0 : i32
      %dma_start3A_24 = tpu.memref_slice %arg7[%dma_start3A_22, %dma_start3A_23] : memref<48x128xi32, #tpu.memory_space<vmem>> -> memref<1x128xi32, #tpu.memory_space<vmem>>
      %dma_start3A_25 = tpu.memref_squeeze %dma_start3A_24 : memref<1x128xi32, #tpu.memory_space<vmem>> -> memref<128xi32, #tpu.memory_space<vmem>>
      %dma_start3A_26 = arith.constant 0 : i32
      %dma_start3A_27 = arith.constant 0 : i32
      %dma_start3A_28 = tpu.memref_slice %arg2[%dma_start3A_26, %dma_start3A_27] : memref<10240x64xf32, #tpu.memory_space<hbm>> -> memref<10240x64xf32, #tpu.memory_space<hbm>>
      tpu.enqueue_indirect_dma source(%dma_start3A_28 : memref<10240x64xf32, #tpu.memory_space<hbm>>) target(%arg10 : memref<128x64xf32, #tpu.memory_space<vmem>>) offsets(%dma_start3A_25 : memref<128xi32, #tpu.memory_space<vmem>>) semaphore(%arg15 : memref<!tpu.dma_semaphore, #tpu.memory_space<semaphore_mem>>)
      %dma_start3A_29 = arith.constant 2 : i32
      %dma_start3A_30 = arith.constant 0 : i32
      %dma_start3A_31 = tpu.memref_slice %arg7[%dma_start3A_29, %dma_start3A_30] : memref<48x128xi32, #tpu.memory_space<vmem>> -> memref<1x128xi32, #tpu.memory_space<vmem>>
      %dma_start3A_32 = tpu.memref_squeeze %dma_start3A_31 : memref<1x128xi32, #tpu.memory_space<vmem>> -> memref<128xi32, #tpu.memory_space<vmem>>
      %dma_start3A_33 = arith.constant 0 : i32
      %dma_start3A_34 = arith.constant 0 : i32
      %dma_start3A_35 = tpu.memref_slice %arg2[%dma_start3A_33, %dma_start3A_34] : memref<10240x64xf32, #tpu.memory_space<hbm>> -> memref<10240x64xf32, #tpu.memory_space<hbm>>
      tpu.enqueue_indirect_dma source(%dma_start3A_35 : memref<10240x64xf32, #tpu.memory_space<hbm>>) target(%arg11 : memref<128x64xf32, #tpu.memory_space<vmem>>) offsets(%dma_start3A_32 : memref<128xi32, #tpu.memory_space<vmem>>) semaphore(%arg16 : memref<!tpu.dma_semaphore, #tpu.memory_space<semaphore_mem>>)
      %dma_start3A_36 = arith.constant 3 : i32
      %dma_start3A_37 = arith.constant 0 : i32
      %dma_start3A_38 = tpu.memref_slice %arg7[%dma_start3A_36, %dma_start3A_37] : memref<48x128xi32, #tpu.memory_space<vmem>> -> memref<1x128xi32, #tpu.memory_space<vmem>>
      %dma_start3A_39 = tpu.memref_squeeze %dma_start3A_38 : memref<1x128xi32, #tpu.memory_space<vmem>> -> memref<128xi32, #tpu.memory_space<vmem>>
      %dma_start3A_40 = arith.constant 0 : i32
      %dma_start3A_41 = arith.constant 0 : i32
      %dma_start3A_42 = tpu.memref_slice %arg2[%dma_start3A_40, %dma_start3A_41] : memref<10240x64xf32, #tpu.memory_space<hbm>> -> memref<10240x64xf32, #tpu.memory_space<hbm>>
      tpu.enqueue_indirect_dma source(%dma_start3A_42 : memref<10240x64xf32, #tpu.memory_space<hbm>>) target(%arg12 : memref<128x64xf32, #tpu.memory_space<vmem>>) offsets(%dma_start3A_39 : memref<128xi32, #tpu.memory_space<vmem>>) semaphore(%arg17 : memref<!tpu.dma_semaphore, #tpu.memory_space<semaphore_mem>>)
      %scan3A = arith.constant 0 : i32
      %scan3A_43 = arith.constant 0 : i32
      %scan3A_44 = arith.constant 12 : i32
      %scan3A_45 = arith.addi %scan3A_43, %scan3A_44 : i32
      %scan3A_46 = arith.constant 1 : i32
      scf.for %scan3A_124 = %scan3A_43 to %scan3A_45 step %scan3A_46  : i32 {
        %mul3A_125 = arith.constant 4 : i32
        %mul3A_126 = arith.muli %scan3A_124, %mul3A_125 : i32
        %add3A_127 = arith.constant 0 : i32
        %add3A_128 = arith.addi %mul3A_126, %add3A_127 : i32
        %dma_wait3A = arith.constant 0 : i32
        %dma_wait3A_129 = arith.constant 0 : i32
        %dma_wait3A_130 = tpu.memref_slice %arg2[%dma_wait3A, %dma_wait3A_129] : memref<10240x64xf32, #tpu.memory_space<hbm>> -> memref<128x64xf32, #tpu.memory_space<hbm>>
        %dma_wait3A_131 = arith.constant 0 : i32
        %dma_wait3A_132 = arith.constant 0 : i32
        %dma_wait3A_133 = tpu.memref_slice %arg2[%dma_wait3A_131, %dma_wait3A_132] : memref<10240x64xf32, #tpu.memory_space<hbm>> -> memref<128x64xf32, #tpu.memory_space<hbm>>
        tpu.wait_dma2 semaphore(%arg14 : memref<!tpu.dma_semaphore, #tpu.memory_space<semaphore_mem>>) src(%dma_wait3A_133 : memref<128x64xf32, #tpu.memory_space<hbm>>) dst(%arg9 : memref<128x64xf32, #tpu.memory_space<vmem>>)
        "tpu.region"() ({
          %run_scoped3A = tpu.sem_alloc : memref<!tpu.dma_semaphore, #tpu.memory_space<semaphore_mem>>
          %dma_start3A_191 = arith.constant 0 : i32
          %dma_start3A_192 = tpu.memref_slice %arg8[%add3A_128, %dma_start3A_191] : memref<48x128xi32, #tpu.memory_space<vmem>> -> memref<1x128xi32, #tpu.memory_space<vmem>>
          %dma_start3A_193 = tpu.memref_squeeze %dma_start3A_192 : memref<1x128xi32, #tpu.memory_space<vmem>> -> memref<128xi32, #tpu.memory_space<vmem>>
          %dma_start3A_194 = arith.constant 0 : i32
          %dma_start3A_195 = arith.constant 0 : i32
          %dma_start3A_196 = tpu.memref_slice %arg13[%dma_start3A_194, %dma_start3A_195] : memref<10240x64xf32, #tpu.memory_space<vmem_shared>> -> memref<10240x64xf32, #tpu.memory_space<vmem_shared>>
          tpu.enqueue_indirect_dma source(%arg9 : memref<128x64xf32, #tpu.memory_space<vmem>>) target(%dma_start3A_196 : memref<10240x64xf32, #tpu.memory_space<vmem_shared>>) offsets(%dma_start3A_193 : memref<128xi32, #tpu.memory_space<vmem>>) semaphore(%run_scoped3A : memref<!tpu.dma_semaphore, #tpu.memory_space<semaphore_mem>>) {add = true}
          %dma_wait3A_197 = arith.constant 0 : i32
          %dma_wait3A_198 = tpu.memref_slice %arg8[%add3A_128, %dma_wait3A_197] : memref<48x128xi32, #tpu.memory_space<vmem>> -> memref<1x128xi32, #tpu.memory_space<vmem>>
          %dma_wait3A_199 = tpu.memref_squeeze %dma_wait3A_198 : memref<1x128xi32, #tpu.memory_space<vmem>> -> memref<128xi32, #tpu.memory_space<vmem>>
          %dma_wait3A_200 = arith.constant 0 : i32
          %dma_wait3A_201 = arith.constant 0 : i32
          %dma_wait3A_202 = tpu.memref_slice %arg13[%dma_wait3A_200, %dma_wait3A_201] : memref<10240x64xf32, #tpu.memory_space<vmem_shared>> -> memref<10240x64xf32, #tpu.memory_space<vmem_shared>>
          tpu.wait_indirect_dma semaphore(%run_scoped3A : memref<!tpu.dma_semaphore, #tpu.memory_space<semaphore_mem>>) src(%arg9 : memref<128x64xf32, #tpu.memory_space<vmem>>) dst(%dma_wait3A_202 : memref<10240x64xf32, #tpu.memory_space<vmem_shared>>)
          tpu.yield
        }) : () -> ()
        %add3A_134 = arith.constant 4 : i32
        %add3A_135 = arith.addi %add3A_128, %add3A_134 : i32
        %lt3A = arith.constant 48 : i32
        %lt3A_136 = arith.cmpi slt, %add3A_135, %lt3A : i32
        %convert_element_type3A_137 = arith.extui %lt3A_136 : i1 to i32
        %cond3A_138 = arith.constant 0 : i32
        %cond3A_139 = arith.cmpi ne, %convert_element_type3A_137, %cond3A_138 : i32
        scf.if %cond3A_139 {
          %add3A_191 = arith.constant 4 : i32
          %add3A_192 = arith.addi %add3A_128, %add3A_191 : i32
          %dma_start3A_193 = arith.constant 0 : i32
          %dma_start3A_194 = tpu.memref_slice %arg7[%add3A_192, %dma_start3A_193] : memref<48x128xi32, #tpu.memory_space<vmem>> -> memref<1x128xi32, #tpu.memory_space<vmem>>
          %dma_start3A_195 = tpu.memref_squeeze %dma_start3A_194 : memref<1x128xi32, #tpu.memory_space<vmem>> -> memref<128xi32, #tpu.memory_space<vmem>>
          %dma_start3A_196 = arith.constant 0 : i32
          %dma_start3A_197 = arith.constant 0 : i32
          %dma_start3A_198 = tpu.memref_slice %arg2[%dma_start3A_196, %dma_start3A_197] : memref<10240x64xf32, #tpu.memory_space<hbm>> -> memref<10240x64xf32, #tpu.memory_space<hbm>>
          tpu.enqueue_indirect_dma source(%dma_start3A_198 : memref<10240x64xf32, #tpu.memory_space<hbm>>) target(%arg9 : memref<128x64xf32, #tpu.memory_space<vmem>>) offsets(%dma_start3A_195 : memref<128xi32, #tpu.memory_space<vmem>>) semaphore(%arg14 : memref<!tpu.dma_semaphore, #tpu.memory_space<semaphore_mem>>)
        } else {
        }
        %mul3A_140 = arith.constant 4 : i32
        %mul3A_141 = arith.muli %scan3A_124, %mul3A_140 : i32
        %add3A_142 = arith.constant 1 : i32
        %add3A_143 = arith.addi %mul3A_141, %add3A_142 : i32
        %dma_wait3A_144 = arith.constant 0 : i32
        %dma_wait3A_145 = arith.constant 0 : i32
        %dma_wait3A_146 = tpu.memref_slice %arg2[%dma_wait3A_144, %dma_wait3A_145] : memref<10240x64xf32, #tpu.memory_space<hbm>> -> memref<128x64xf32, #tpu.memory_space<hbm>>
        %dma_wait3A_147 = arith.constant 0 : i32
        %dma_wait3A_148 = arith.constant 0 : i32
        %dma_wait3A_149 = tpu.memref_slice %arg2[%dma_wait3A_147, %dma_wait3A_148] : memref<10240x64xf32, #tpu.memory_space<hbm>> -> memref<128x64xf32, #tpu.memory_space<hbm>>
        tpu.wait_dma2 semaphore(%arg15 : memref<!tpu.dma_semaphore, #tpu.memory_space<semaphore_mem>>) src(%dma_wait3A_149 : memref<128x64xf32, #tpu.memory_space<hbm>>) dst(%arg10 : memref<128x64xf32, #tpu.memory_space<vmem>>)
        "tpu.region"() ({
          %run_scoped3A = tpu.sem_alloc : memref<!tpu.dma_semaphore, #tpu.memory_space<semaphore_mem>>
          %dma_start3A_191 = arith.constant 0 : i32
          %dma_start3A_192 = tpu.memref_slice %arg8[%add3A_143, %dma_start3A_191] : memref<48x128xi32, #tpu.memory_space<vmem>> -> memref<1x128xi32, #tpu.memory_space<vmem>>
          %dma_start3A_193 = tpu.memref_squeeze %dma_start3A_192 : memref<1x128xi32, #tpu.memory_space<vmem>> -> memref<128xi32, #tpu.memory_space<vmem>>
          %dma_start3A_194 = arith.constant 0 : i32
          %dma_start3A_195 = arith.constant 0 : i32
          %dma_start3A_196 = tpu.memref_slice %arg13[%dma_start3A_194, %dma_start3A_195] : memref<10240x64xf32, #tpu.memory_space<vmem_shared>> -> memref<10240x64xf32, #tpu.memory_space<vmem_shared>>
          tpu.enqueue_indirect_dma source(%arg10 : memref<128x64xf32, #tpu.memory_space<vmem>>) target(%dma_start3A_196 : memref<10240x64xf32, #tpu.memory_space<vmem_shared>>) offsets(%dma_start3A_193 : memref<128xi32, #tpu.memory_space<vmem>>) semaphore(%run_scoped3A : memref<!tpu.dma_semaphore, #tpu.memory_space<semaphore_mem>>) {add = true}
          %dma_wait3A_197 = arith.constant 0 : i32
          %dma_wait3A_198 = tpu.memref_slice %arg8[%add3A_143, %dma_wait3A_197] : memref<48x128xi32, #tpu.memory_space<vmem>> -> memref<1x128xi32, #tpu.memory_space<vmem>>
          %dma_wait3A_199 = tpu.memref_squeeze %dma_wait3A_198 : memref<1x128xi32, #tpu.memory_space<vmem>> -> memref<128xi32, #tpu.memory_space<vmem>>
          %dma_wait3A_200 = arith.constant 0 : i32
          %dma_wait3A_201 = arith.constant 0 : i32
          %dma_wait3A_202 = tpu.memref_slice %arg13[%dma_wait3A_200, %dma_wait3A_201] : memref<10240x64xf32, #tpu.memory_space<vmem_shared>> -> memref<10240x64xf32, #tpu.memory_space<vmem_shared>>
          tpu.wait_indirect_dma semaphore(%run_scoped3A : memref<!tpu.dma_semaphore, #tpu.memory_space<semaphore_mem>>) src(%arg10 : memref<128x64xf32, #tpu.memory_space<vmem>>) dst(%dma_wait3A_202 : memref<10240x64xf32, #tpu.memory_space<vmem_shared>>)
          tpu.yield
        }) : () -> ()
        %add3A_150 = arith.constant 4 : i32
        %add3A_151 = arith.addi %add3A_143, %add3A_150 : i32
        %lt3A_152 = arith.constant 48 : i32
        %lt3A_153 = arith.cmpi slt, %add3A_151, %lt3A_152 : i32
        %convert_element_type3A_154 = arith.extui %lt3A_153 : i1 to i32
        %cond3A_155 = arith.constant 0 : i32
        %cond3A_156 = arith.cmpi ne, %convert_element_type3A_154, %cond3A_155 : i32
        scf.if %cond3A_156 {
          %add3A_191 = arith.constant 4 : i32
          %add3A_192 = arith.addi %add3A_143, %add3A_191 : i32
          %dma_start3A_193 = arith.constant 0 : i32
          %dma_start3A_194 = tpu.memref_slice %arg7[%add3A_192, %dma_start3A_193] : memref<48x128xi32, #tpu.memory_space<vmem>> -> memref<1x128xi32, #tpu.memory_space<vmem>>
          %dma_start3A_195 = tpu.memref_squeeze %dma_start3A_194 : memref<1x128xi32, #tpu.memory_space<vmem>> -> memref<128xi32, #tpu.memory_space<vmem>>
          %dma_start3A_196 = arith.constant 0 : i32
          %dma_start3A_197 = arith.constant 0 : i32
          %dma_start3A_198 = tpu.memref_slice %arg2[%dma_start3A_196, %dma_start3A_197] : memref<10240x64xf32, #tpu.memory_space<hbm>> -> memref<10240x64xf32, #tpu.memory_space<hbm>>
          tpu.enqueue_indirect_dma source(%dma_start3A_198 : memref<10240x64xf32, #tpu.memory_space<hbm>>) target(%arg10 : memref<128x64xf32, #tpu.memory_space<vmem>>) offsets(%dma_start3A_195 : memref<128xi32, #tpu.memory_space<vmem>>) semaphore(%arg15 : memref<!tpu.dma_semaphore, #tpu.memory_space<semaphore_mem>>)
        } else {
        }
        %mul3A_157 = arith.constant 4 : i32
        %mul3A_158 = arith.muli %scan3A_124, %mul3A_157 : i32
        %add3A_159 = arith.constant 2 : i32
        %add3A_160 = arith.addi %mul3A_158, %add3A_159 : i32
        %dma_wait3A_161 = arith.constant 0 : i32
        %dma_wait3A_162 = arith.constant 0 : i32
        %dma_wait3A_163 = tpu.memref_slice %arg2[%dma_wait3A_161, %dma_wait3A_162] : memref<10240x64xf32, #tpu.memory_space<hbm>> -> memref<128x64xf32, #tpu.memory_space<hbm>>
        %dma_wait3A_164 = arith.constant 0 : i32
        %dma_wait3A_165 = arith.constant 0 : i32
        %dma_wait3A_166 = tpu.memref_slice %arg2[%dma_wait3A_164, %dma_wait3A_165] : memref<10240x64xf32, #tpu.memory_space<hbm>> -> memref<128x64xf32, #tpu.memory_space<hbm>>
        tpu.wait_dma2 semaphore(%arg16 : memref<!tpu.dma_semaphore, #tpu.memory_space<semaphore_mem>>) src(%dma_wait3A_166 : memref<128x64xf32, #tpu.memory_space<hbm>>) dst(%arg11 : memref<128x64xf32, #tpu.memory_space<vmem>>)
        "tpu.region"() ({
          %run_scoped3A = tpu.sem_alloc : memref<!tpu.dma_semaphore, #tpu.memory_space<semaphore_mem>>
          %dma_start3A_191 = arith.constant 0 : i32
          %dma_start3A_192 = tpu.memref_slice %arg8[%add3A_160, %dma_start3A_191] : memref<48x128xi32, #tpu.memory_space<vmem>> -> memref<1x128xi32, #tpu.memory_space<vmem>>
          %dma_start3A_193 = tpu.memref_squeeze %dma_start3A_192 : memref<1x128xi32, #tpu.memory_space<vmem>> -> memref<128xi32, #tpu.memory_space<vmem>>
          %dma_start3A_194 = arith.constant 0 : i32
          %dma_start3A_195 = arith.constant 0 : i32
          %dma_start3A_196 = tpu.memref_slice %arg13[%dma_start3A_194, %dma_start3A_195] : memref<10240x64xf32, #tpu.memory_space<vmem_shared>> -> memref<10240x64xf32, #tpu.memory_space<vmem_shared>>
          tpu.enqueue_indirect_dma source(%arg11 : memref<128x64xf32, #tpu.memory_space<vmem>>) target(%dma_start3A_196 : memref<10240x64xf32, #tpu.memory_space<vmem_shared>>) offsets(%dma_start3A_193 : memref<128xi32, #tpu.memory_space<vmem>>) semaphore(%run_scoped3A : memref<!tpu.dma_semaphore, #tpu.memory_space<semaphore_mem>>) {add = true}
          %dma_wait3A_197 = arith.constant 0 : i32
          %dma_wait3A_198 = tpu.memref_slice %arg8[%add3A_160, %dma_wait3A_197] : memref<48x128xi32, #tpu.memory_space<vmem>> -> memref<1x128xi32, #tpu.memory_space<vmem>>
          %dma_wait3A_199 = tpu.memref_squeeze %dma_wait3A_198 : memref<1x128xi32, #tpu.memory_space<vmem>> -> memref<128xi32, #tpu.memory_space<vmem>>
          %dma_wait3A_200 = arith.constant 0 : i32
          %dma_wait3A_201 = arith.constant 0 : i32
          %dma_wait3A_202 = tpu.memref_slice %arg13[%dma_wait3A_200, %dma_wait3A_201] : memref<10240x64xf32, #tpu.memory_space<vmem_shared>> -> memref<10240x64xf32, #tpu.memory_space<vmem_shared>>
          tpu.wait_indirect_dma semaphore(%run_scoped3A : memref<!tpu.dma_semaphore, #tpu.memory_space<semaphore_mem>>) src(%arg11 : memref<128x64xf32, #tpu.memory_space<vmem>>) dst(%dma_wait3A_202 : memref<10240x64xf32, #tpu.memory_space<vmem_shared>>)
          tpu.yield
        }) : () -> ()
        %add3A_167 = arith.constant 4 : i32
        %add3A_168 = arith.addi %add3A_160, %add3A_167 : i32
        %lt3A_169 = arith.constant 48 : i32
        %lt3A_170 = arith.cmpi slt, %add3A_168, %lt3A_169 : i32
        %convert_element_type3A_171 = arith.extui %lt3A_170 : i1 to i32
        %cond3A_172 = arith.constant 0 : i32
        %cond3A_173 = arith.cmpi ne, %convert_element_type3A_171, %cond3A_172 : i32
        scf.if %cond3A_173 {
          %add3A_191 = arith.constant 4 : i32
          %add3A_192 = arith.addi %add3A_160, %add3A_191 : i32
          %dma_start3A_193 = arith.constant 0 : i32
          %dma_start3A_194 = tpu.memref_slice %arg7[%add3A_192, %dma_start3A_193] : memref<48x128xi32, #tpu.memory_space<vmem>> -> memref<1x128xi32, #tpu.memory_space<vmem>>
          %dma_start3A_195 = tpu.memref_squeeze %dma_start3A_194 : memref<1x128xi32, #tpu.memory_space<vmem>> -> memref<128xi32, #tpu.memory_space<vmem>>
          %dma_start3A_196 = arith.constant 0 : i32
          %dma_start3A_197 = arith.constant 0 : i32
          %dma_start3A_198 = tpu.memref_slice %arg2[%dma_start3A_196, %dma_start3A_197] : memref<10240x64xf32, #tpu.memory_space<hbm>> -> memref<10240x64xf32, #tpu.memory_space<hbm>>
          tpu.enqueue_indirect_dma source(%dma_start3A_198 : memref<10240x64xf32, #tpu.memory_space<hbm>>) target(%arg11 : memref<128x64xf32, #tpu.memory_space<vmem>>) offsets(%dma_start3A_195 : memref<128xi32, #tpu.memory_space<vmem>>) semaphore(%arg16 : memref<!tpu.dma_semaphore, #tpu.memory_space<semaphore_mem>>)
        } else {
        }
        %mul3A_174 = arith.constant 4 : i32
        %mul3A_175 = arith.muli %scan3A_124, %mul3A_174 : i32
        %add3A_176 = arith.constant 3 : i32
        %add3A_177 = arith.addi %mul3A_175, %add3A_176 : i32
        %dma_wait3A_178 = arith.constant 0 : i32
        %dma_wait3A_179 = arith.constant 0 : i32
        %dma_wait3A_180 = tpu.memref_slice %arg2[%dma_wait3A_178, %dma_wait3A_179] : memref<10240x64xf32, #tpu.memory_space<hbm>> -> memref<128x64xf32, #tpu.memory_space<hbm>>
        %dma_wait3A_181 = arith.constant 0 : i32
        %dma_wait3A_182 = arith.constant 0 : i32
        %dma_wait3A_183 = tpu.memref_slice %arg2[%dma_wait3A_181, %dma_wait3A_182] : memref<10240x64xf32, #tpu.memory_space<hbm>> -> memref<128x64xf32, #tpu.memory_space<hbm>>
        tpu.wait_dma2 semaphore(%arg17 : memref<!tpu.dma_semaphore, #tpu.memory_space<semaphore_mem>>) src(%dma_wait3A_183 : memref<128x64xf32, #tpu.memory_space<hbm>>) dst(%arg12 : memref<128x64xf32, #tpu.memory_space<vmem>>)
        "tpu.region"() ({
          %run_scoped3A = tpu.sem_alloc : memref<!tpu.dma_semaphore, #tpu.memory_space<semaphore_mem>>
          %dma_start3A_191 = arith.constant 0 : i32
          %dma_start3A_192 = tpu.memref_slice %arg8[%add3A_177, %dma_start3A_191] : memref<48x128xi32, #tpu.memory_space<vmem>> -> memref<1x128xi32, #tpu.memory_space<vmem>>
          %dma_start3A_193 = tpu.memref_squeeze %dma_start3A_192 : memref<1x128xi32, #tpu.memory_space<vmem>> -> memref<128xi32, #tpu.memory_space<vmem>>
          %dma_start3A_194 = arith.constant 0 : i32
          %dma_start3A_195 = arith.constant 0 : i32
          %dma_start3A_196 = tpu.memref_slice %arg13[%dma_start3A_194, %dma_start3A_195] : memref<10240x64xf32, #tpu.memory_space<vmem_shared>> -> memref<10240x64xf32, #tpu.memory_space<vmem_shared>>
          tpu.enqueue_indirect_dma source(%arg12 : memref<128x64xf32, #tpu.memory_space<vmem>>) target(%dma_start3A_196 : memref<10240x64xf32, #tpu.memory_space<vmem_shared>>) offsets(%dma_start3A_193 : memref<128xi32, #tpu.memory_space<vmem>>) semaphore(%run_scoped3A : memref<!tpu.dma_semaphore, #tpu.memory_space<semaphore_mem>>) {add = true}
          %dma_wait3A_197 = arith.constant 0 : i32
          %dma_wait3A_198 = tpu.memref_slice %arg8[%add3A_177, %dma_wait3A_197] : memref<48x128xi32, #tpu.memory_space<vmem>> -> memref<1x128xi32, #tpu.memory_space<vmem>>
          %dma_wait3A_199 = tpu.memref_squeeze %dma_wait3A_198 : memref<1x128xi32, #tpu.memory_space<vmem>> -> memref<128xi32, #tpu.memory_space<vmem>>
          %dma_wait3A_200 = arith.constant 0 : i32
          %dma_wait3A_201 = arith.constant 0 : i32
          %dma_wait3A_202 = tpu.memref_slice %arg13[%dma_wait3A_200, %dma_wait3A_201] : memref<10240x64xf32, #tpu.memory_space<vmem_shared>> -> memref<10240x64xf32, #tpu.memory_space<vmem_shared>>
          tpu.wait_indirect_dma semaphore(%run_scoped3A : memref<!tpu.dma_semaphore, #tpu.memory_space<semaphore_mem>>) src(%arg12 : memref<128x64xf32, #tpu.memory_space<vmem>>) dst(%dma_wait3A_202 : memref<10240x64xf32, #tpu.memory_space<vmem_shared>>)
          tpu.yield
        }) : () -> ()
        %add3A_184 = arith.constant 4 : i32
        %add3A_185 = arith.addi %add3A_177, %add3A_184 : i32
        %lt3A_186 = arith.constant 48 : i32
        %lt3A_187 = arith.cmpi slt, %add3A_185, %lt3A_186 : i32
        %convert_element_type3A_188 = arith.extui %lt3A_187 : i1 to i32
        %cond3A_189 = arith.constant 0 : i32
        %cond3A_190 = arith.cmpi ne, %convert_element_type3A_188, %cond3A_189 : i32
        scf.if %cond3A_190 {
          %add3A_191 = arith.constant 4 : i32
          %add3A_192 = arith.addi %add3A_177, %add3A_191 : i32
          %dma_start3A_193 = arith.constant 0 : i32
          %dma_start3A_194 = tpu.memref_slice %arg7[%add3A_192, %dma_start3A_193] : memref<48x128xi32, #tpu.memory_space<vmem>> -> memref<1x128xi32, #tpu.memory_space<vmem>>
          %dma_start3A_195 = tpu.memref_squeeze %dma_start3A_194 : memref<1x128xi32, #tpu.memory_space<vmem>> -> memref<128xi32, #tpu.memory_space<vmem>>
          %dma_start3A_196 = arith.constant 0 : i32
          %dma_start3A_197 = arith.constant 0 : i32
          %dma_start3A_198 = tpu.memref_slice %arg2[%dma_start3A_196, %dma_start3A_197] : memref<10240x64xf32, #tpu.memory_space<hbm>> -> memref<10240x64xf32, #tpu.memory_space<hbm>>
          tpu.enqueue_indirect_dma source(%dma_start3A_198 : memref<10240x64xf32, #tpu.memory_space<hbm>>) target(%arg12 : memref<128x64xf32, #tpu.memory_space<vmem>>) offsets(%dma_start3A_195 : memref<128xi32, #tpu.memory_space<vmem>>) semaphore(%arg17 : memref<!tpu.dma_semaphore, #tpu.memory_space<semaphore_mem>>)
        } else {
        }
      }
      %scan3A_47 = arith.constant 12 : i32
      %mul3A_48 = arith.constant 144 : i32
      %mul3A_49 = arith.muli %arg1, %mul3A_48 : i32
      %add3A_50 = arith.constant 48 : i32
      %add3A_51 = arith.addi %mul3A_49, %add3A_50 : i32
      "tpu.region"() ({
        %run_scoped3A = tpu.sem_alloc : memref<!tpu.dma_semaphore, #tpu.memory_space<semaphore_mem>>
        %dma_start3A_124 = arith.constant 0 : i32
        %dma_start3A_125 = arith.constant 0 : i32
        %dma_start3A_126 = tpu.memref_slice %arg7[%dma_start3A_124, %dma_start3A_125] : memref<48x128xi32, #tpu.memory_space<vmem>> -> memref<48x128xi32, #tpu.memory_space<vmem>>
        %dma_start3A_127 = arith.constant 0 : i32
        %dma_start3A_128 = tpu.memref_slice %arg3[%add3A_51, %dma_start3A_127] : memref<2560x128xi32, #tpu.memory_space<hbm>> -> memref<48x128xi32, #tpu.memory_space<hbm>>
        %dma_start3A_129 = arith.constant 0 : i32
        %dma_start3A_130 = arith.constant 0 : i32
        %dma_start3A_131 = tpu.memref_slice %arg7[%dma_start3A_129, %dma_start3A_130] : memref<48x128xi32, #tpu.memory_space<vmem>> -> memref<48x128xi32, #tpu.memory_space<vmem>>
        %dma_start3A_132 = arith.constant 0 : i32
        %dma_start3A_133 = tpu.memref_slice %arg3[%add3A_51, %dma_start3A_132] : memref<2560x128xi32, #tpu.memory_space<hbm>> -> memref<48x128xi32, #tpu.memory_space<hbm>>
        tpu.enqueue_dma source(%dma_start3A_133 : memref<48x128xi32, #tpu.memory_space<hbm>>) target(%dma_start3A_131 : memref<48x128xi32, #tpu.memory_space<vmem>>) target_semaphore(%run_scoped3A : memref<!tpu.dma_semaphore, #tpu.memory_space<semaphore_mem>>)
        %dma_wait3A = arith.constant 0 : i32
        %dma_wait3A_134 = arith.constant 0 : i32
        %dma_wait3A_135 = tpu.memref_slice %arg7[%dma_wait3A, %dma_wait3A_134] : memref<48x128xi32, #tpu.memory_space<vmem>> -> memref<48x128xi32, #tpu.memory_space<vmem>>
        %dma_wait3A_136 = arith.constant 0 : i32
        %dma_wait3A_137 = tpu.memref_slice %arg3[%add3A_51, %dma_wait3A_136] : memref<2560x128xi32, #tpu.memory_space<hbm>> -> memref<48x128xi32, #tpu.memory_space<hbm>>
        %dma_wait3A_138 = arith.constant 0 : i32
        %dma_wait3A_139 = arith.constant 0 : i32
        %dma_wait3A_140 = tpu.memref_slice %arg7[%dma_wait3A_138, %dma_wait3A_139] : memref<48x128xi32, #tpu.memory_space<vmem>> -> memref<48x128xi32, #tpu.memory_space<vmem>>
        %dma_wait3A_141 = arith.constant 0 : i32
        %dma_wait3A_142 = tpu.memref_slice %arg3[%add3A_51, %dma_wait3A_141] : memref<2560x128xi32, #tpu.memory_space<hbm>> -> memref<48x128xi32, #tpu.memory_space<hbm>>
        tpu.wait_dma2 semaphore(%run_scoped3A : memref<!tpu.dma_semaphore, #tpu.memory_space<semaphore_mem>>) src(%dma_wait3A_142 : memref<48x128xi32, #tpu.memory_space<hbm>>) dst(%dma_wait3A_140 : memref<48x128xi32, #tpu.memory_space<vmem>>)
        tpu.yield
      }) : () -> ()
      "tpu.region"() ({
        %run_scoped3A = tpu.sem_alloc : memref<!tpu.dma_semaphore, #tpu.memory_space<semaphore_mem>>
        %dma_start3A_124 = arith.constant 0 : i32
        %dma_start3A_125 = arith.constant 0 : i32
        %dma_start3A_126 = tpu.memref_slice %arg8[%dma_start3A_124, %dma_start3A_125] : memref<48x128xi32, #tpu.memory_space<vmem>> -> memref<48x128xi32, #tpu.memory_space<vmem>>
        %dma_start3A_127 = arith.constant 0 : i32
        %dma_start3A_128 = tpu.memref_slice %arg4[%add3A_51, %dma_start3A_127] : memref<2560x128xi32, #tpu.memory_space<hbm>> -> memref<48x128xi32, #tpu.memory_space<hbm>>
        %dma_start3A_129 = arith.constant 0 : i32
        %dma_start3A_130 = arith.constant 0 : i32
        %dma_start3A_131 = tpu.memref_slice %arg8[%dma_start3A_129, %dma_start3A_130] : memref<48x128xi32, #tpu.memory_space<vmem>> -> memref<48x128xi32, #tpu.memory_space<vmem>>
        %dma_start3A_132 = arith.constant 0 : i32
        %dma_start3A_133 = tpu.memref_slice %arg4[%add3A_51, %dma_start3A_132] : memref<2560x128xi32, #tpu.memory_space<hbm>> -> memref<48x128xi32, #tpu.memory_space<hbm>>
        tpu.enqueue_dma source(%dma_start3A_133 : memref<48x128xi32, #tpu.memory_space<hbm>>) target(%dma_start3A_131 : memref<48x128xi32, #tpu.memory_space<vmem>>) target_semaphore(%run_scoped3A : memref<!tpu.dma_semaphore, #tpu.memory_space<semaphore_mem>>)
        %dma_wait3A = arith.constant 0 : i32
        %dma_wait3A_134 = arith.constant 0 : i32
        %dma_wait3A_135 = tpu.memref_slice %arg8[%dma_wait3A, %dma_wait3A_134] : memref<48x128xi32, #tpu.memory_space<vmem>> -> memref<48x128xi32, #tpu.memory_space<vmem>>
        %dma_wait3A_136 = arith.constant 0 : i32
        %dma_wait3A_137 = tpu.memref_slice %arg4[%add3A_51, %dma_wait3A_136] : memref<2560x128xi32, #tpu.memory_space<hbm>> -> memref<48x128xi32, #tpu.memory_space<hbm>>
        %dma_wait3A_138 = arith.constant 0 : i32
        %dma_wait3A_139 = arith.constant 0 : i32
        %dma_wait3A_140 = tpu.memref_slice %arg8[%dma_wait3A_138, %dma_wait3A_139] : memref<48x128xi32, #tpu.memory_space<vmem>> -> memref<48x128xi32, #tpu.memory_space<vmem>>
        %dma_wait3A_141 = arith.constant 0 : i32
        %dma_wait3A_142 = tpu.memref_slice %arg4[%add3A_51, %dma_wait3A_141] : memref<2560x128xi32, #tpu.memory_space<hbm>> -> memref<48x128xi32, #tpu.memory_space<hbm>>
        tpu.wait_dma2 semaphore(%run_scoped3A : memref<!tpu.dma_semaphore, #tpu.memory_space<semaphore_mem>>) src(%dma_wait3A_142 : memref<48x128xi32, #tpu.memory_space<hbm>>) dst(%dma_wait3A_140 : memref<48x128xi32, #tpu.memory_space<vmem>>)
        tpu.yield
      }) : () -> ()
      %dma_start3A_52 = arith.constant 0 : i32
      %dma_start3A_53 = arith.constant 0 : i32
      %dma_start3A_54 = tpu.memref_slice %arg7[%dma_start3A_52, %dma_start3A_53] : memref<48x128xi32, #tpu.memory_space<vmem>> -> memref<1x128xi32, #tpu.memory_space<vmem>>
      %dma_start3A_55 = tpu.memref_squeeze %dma_start3A_54 : memref<1x128xi32, #tpu.memory_space<vmem>> -> memref<128xi32, #tpu.memory_space<vmem>>
      %dma_start3A_56 = arith.constant 0 : i32
      %dma_start3A_57 = arith.constant 0 : i32
      %dma_start3A_58 = tpu.memref_slice %arg2[%dma_start3A_56, %dma_start3A_57] : memref<10240x64xf32, #tpu.memory_space<hbm>> -> memref<10240x64xf32, #tpu.memory_space<hbm>>
      tpu.enqueue_indirect_dma source(%dma_start3A_58 : memref<10240x64xf32, #tpu.memory_space<hbm>>) target(%arg9 : memref<128x64xf32, #tpu.memory_space<vmem>>) offsets(%dma_start3A_55 : memref<128xi32, #tpu.memory_space<vmem>>) semaphore(%arg14 : memref<!tpu.dma_semaphore, #tpu.memory_space<semaphore_mem>>)
      %dma_start3A_59 = arith.constant 1 : i32
      %dma_start3A_60 = arith.constant 0 : i32
      %dma_start3A_61 = tpu.memref_slice %arg7[%dma_start3A_59, %dma_start3A_60] : memref<48x128xi32, #tpu.memory_space<vmem>> -> memref<1x128xi32, #tpu.memory_space<vmem>>
      %dma_start3A_62 = tpu.memref_squeeze %dma_start3A_61 : memref<1x128xi32, #tpu.memory_space<vmem>> -> memref<128xi32, #tpu.memory_space<vmem>>
      %dma_start3A_63 = arith.constant 0 : i32
      %dma_start3A_64 = arith.constant 0 : i32
      %dma_start3A_65 = tpu.memref_slice %arg2[%dma_start3A_63, %dma_start3A_64] : memref<10240x64xf32, #tpu.memory_space<hbm>> -> memref<10240x64xf32, #tpu.memory_space<hbm>>
      tpu.enqueue_indirect_dma source(%dma_start3A_65 : memref<10240x64xf32, #tpu.memory_space<hbm>>) target(%arg10 : memref<128x64xf32, #tpu.memory_space<vmem>>) offsets(%dma_start3A_62 : memref<128xi32, #tpu.memory_space<vmem>>) semaphore(%arg15 : memref<!tpu.dma_semaphore, #tpu.memory_space<semaphore_mem>>)
      %dma_start3A_66 = arith.constant 2 : i32
      %dma_start3A_67 = arith.constant 0 : i32
      %dma_start3A_68 = tpu.memref_slice %arg7[%dma_start3A_66, %dma_start3A_67] : memref<48x128xi32, #tpu.memory_space<vmem>> -> memref<1x128xi32, #tpu.memory_space<vmem>>
      %dma_start3A_69 = tpu.memref_squeeze %dma_start3A_68 : memref<1x128xi32, #tpu.memory_space<vmem>> -> memref<128xi32, #tpu.memory_space<vmem>>
      %dma_start3A_70 = arith.constant 0 : i32
      %dma_start3A_71 = arith.constant 0 : i32
      %dma_start3A_72 = tpu.memref_slice %arg2[%dma_start3A_70, %dma_start3A_71] : memref<10240x64xf32, #tpu.memory_space<hbm>> -> memref<10240x64xf32, #tpu.memory_space<hbm>>
      tpu.enqueue_indirect_dma source(%dma_start3A_72 : memref<10240x64xf32, #tpu.memory_space<hbm>>) target(%arg11 : memref<128x64xf32, #tpu.memory_space<vmem>>) offsets(%dma_start3A_69 : memref<128xi32, #tpu.memory_space<vmem>>) semaphore(%arg16 : memref<!tpu.dma_semaphore, #tpu.memory_space<semaphore_mem>>)
      %dma_start3A_73 = arith.constant 3 : i32
      %dma_start3A_74 = arith.constant 0 : i32
      %dma_start3A_75 = tpu.memref_slice %arg7[%dma_start3A_73, %dma_start3A_74] : memref<48x128xi32, #tpu.memory_space<vmem>> -> memref<1x128xi32, #tpu.memory_space<vmem>>
      %dma_start3A_76 = tpu.memref_squeeze %dma_start3A_75 : memref<1x128xi32, #tpu.memory_space<vmem>> -> memref<128xi32, #tpu.memory_space<vmem>>
      %dma_start3A_77 = arith.constant 0 : i32
      %dma_start3A_78 = arith.constant 0 : i32
      %dma_start3A_79 = tpu.memref_slice %arg2[%dma_start3A_77, %dma_start3A_78] : memref<10240x64xf32, #tpu.memory_space<hbm>> -> memref<10240x64xf32, #tpu.memory_space<hbm>>
      tpu.enqueue_indirect_dma source(%dma_start3A_79 : memref<10240x64xf32, #tpu.memory_space<hbm>>) target(%arg12 : memref<128x64xf32, #tpu.memory_space<vmem>>) offsets(%dma_start3A_76 : memref<128xi32, #tpu.memory_space<vmem>>) semaphore(%arg17 : memref<!tpu.dma_semaphore, #tpu.memory_space<semaphore_mem>>)
      %scan3A_80 = arith.constant 0 : i32
      %scan3A_81 = arith.constant 0 : i32
      %scan3A_82 = arith.constant 12 : i32
      %scan3A_83 = arith.addi %scan3A_81, %scan3A_82 : i32
      %scan3A_84 = arith.constant 1 : i32
      scf.for %scan3A_124 = %scan3A_81 to %scan3A_83 step %scan3A_84  : i32 {
        %mul3A_125 = arith.constant 4 : i32
        %mul3A_126 = arith.muli %scan3A_124, %mul3A_125 : i32
        %add3A_127 = arith.constant 0 : i32
        %add3A_128 = arith.addi %mul3A_126, %add3A_127 : i32
        %dma_wait3A = arith.constant 0 : i32
        %dma_wait3A_129 = arith.constant 0 : i32
        %dma_wait3A_130 = tpu.memref_slice %arg2[%dma_wait3A, %dma_wait3A_129] : memref<10240x64xf32, #tpu.memory_space<hbm>> -> memref<128x64xf32, #tpu.memory_space<hbm>>
        %dma_wait3A_131 = arith.constant 0 : i32
        %dma_wait3A_132 = arith.constant 0 : i32
        %dma_wait3A_133 = tpu.memref_slice %arg2[%dma_wait3A_131, %dma_wait3A_132] : memref<10240x64xf32, #tpu.memory_space<hbm>> -> memref<128x64xf32, #tpu.memory_space<hbm>>
        tpu.wait_dma2 semaphore(%arg14 : memref<!tpu.dma_semaphore, #tpu.memory_space<semaphore_mem>>) src(%dma_wait3A_133 : memref<128x64xf32, #tpu.memory_space<hbm>>) dst(%arg9 : memref<128x64xf32, #tpu.memory_space<vmem>>)
        "tpu.region"() ({
          %run_scoped3A = tpu.sem_alloc : memref<!tpu.dma_semaphore, #tpu.memory_space<semaphore_mem>>
          %dma_start3A_191 = arith.constant 0 : i32
          %dma_start3A_192 = tpu.memref_slice %arg8[%add3A_128, %dma_start3A_191] : memref<48x128xi32, #tpu.memory_space<vmem>> -> memref<1x128xi32, #tpu.memory_space<vmem>>
          %dma_start3A_193 = tpu.memref_squeeze %dma_start3A_192 : memref<1x128xi32, #tpu.memory_space<vmem>> -> memref<128xi32, #tpu.memory_space<vmem>>
          %dma_start3A_194 = arith.constant 0 : i32
          %dma_start3A_195 = arith.constant 0 : i32
          %dma_start3A_196 = tpu.memref_slice %arg13[%dma_start3A_194, %dma_start3A_195] : memref<10240x64xf32, #tpu.memory_space<vmem_shared>> -> memref<10240x64xf32, #tpu.memory_space<vmem_shared>>
          tpu.enqueue_indirect_dma source(%arg9 : memref<128x64xf32, #tpu.memory_space<vmem>>) target(%dma_start3A_196 : memref<10240x64xf32, #tpu.memory_space<vmem_shared>>) offsets(%dma_start3A_193 : memref<128xi32, #tpu.memory_space<vmem>>) semaphore(%run_scoped3A : memref<!tpu.dma_semaphore, #tpu.memory_space<semaphore_mem>>) {add = true}
          %dma_wait3A_197 = arith.constant 0 : i32
          %dma_wait3A_198 = tpu.memref_slice %arg8[%add3A_128, %dma_wait3A_197] : memref<48x128xi32, #tpu.memory_space<vmem>> -> memref<1x128xi32, #tpu.memory_space<vmem>>
          %dma_wait3A_199 = tpu.memref_squeeze %dma_wait3A_198 : memref<1x128xi32, #tpu.memory_space<vmem>> -> memref<128xi32, #tpu.memory_space<vmem>>
          %dma_wait3A_200 = arith.constant 0 : i32
          %dma_wait3A_201 = arith.constant 0 : i32
          %dma_wait3A_202 = tpu.memref_slice %arg13[%dma_wait3A_200, %dma_wait3A_201] : memref<10240x64xf32, #tpu.memory_space<vmem_shared>> -> memref<10240x64xf32, #tpu.memory_space<vmem_shared>>
          tpu.wait_indirect_dma semaphore(%run_scoped3A : memref<!tpu.dma_semaphore, #tpu.memory_space<semaphore_mem>>) src(%arg9 : memref<128x64xf32, #tpu.memory_space<vmem>>) dst(%dma_wait3A_202 : memref<10240x64xf32, #tpu.memory_space<vmem_shared>>)
          tpu.yield
        }) : () -> ()
        %add3A_134 = arith.constant 4 : i32
        %add3A_135 = arith.addi %add3A_128, %add3A_134 : i32
        %lt3A = arith.constant 48 : i32
        %lt3A_136 = arith.cmpi slt, %add3A_135, %lt3A : i32
        %convert_element_type3A_137 = arith.extui %lt3A_136 : i1 to i32
        %cond3A_138 = arith.constant 0 : i32
        %cond3A_139 = arith.cmpi ne, %convert_element_type3A_137, %cond3A_138 : i32
        scf.if %cond3A_139 {
          %add3A_191 = arith.constant 4 : i32
          %add3A_192 = arith.addi %add3A_128, %add3A_191 : i32
          %dma_start3A_193 = arith.constant 0 : i32
          %dma_start3A_194 = tpu.memref_slice %arg7[%add3A_192, %dma_start3A_193] : memref<48x128xi32, #tpu.memory_space<vmem>> -> memref<1x128xi32, #tpu.memory_space<vmem>>
          %dma_start3A_195 = tpu.memref_squeeze %dma_start3A_194 : memref<1x128xi32, #tpu.memory_space<vmem>> -> memref<128xi32, #tpu.memory_space<vmem>>
          %dma_start3A_196 = arith.constant 0 : i32
          %dma_start3A_197 = arith.constant 0 : i32
          %dma_start3A_198 = tpu.memref_slice %arg2[%dma_start3A_196, %dma_start3A_197] : memref<10240x64xf32, #tpu.memory_space<hbm>> -> memref<10240x64xf32, #tpu.memory_space<hbm>>
          tpu.enqueue_indirect_dma source(%dma_start3A_198 : memref<10240x64xf32, #tpu.memory_space<hbm>>) target(%arg9 : memref<128x64xf32, #tpu.memory_space<vmem>>) offsets(%dma_start3A_195 : memref<128xi32, #tpu.memory_space<vmem>>) semaphore(%arg14 : memref<!tpu.dma_semaphore, #tpu.memory_space<semaphore_mem>>)
        } else {
        }
        %mul3A_140 = arith.constant 4 : i32
        %mul3A_141 = arith.muli %scan3A_124, %mul3A_140 : i32
        %add3A_142 = arith.constant 1 : i32
        %add3A_143 = arith.addi %mul3A_141, %add3A_142 : i32
        %dma_wait3A_144 = arith.constant 0 : i32
        %dma_wait3A_145 = arith.constant 0 : i32
        %dma_wait3A_146 = tpu.memref_slice %arg2[%dma_wait3A_144, %dma_wait3A_145] : memref<10240x64xf32, #tpu.memory_space<hbm>> -> memref<128x64xf32, #tpu.memory_space<hbm>>
        %dma_wait3A_147 = arith.constant 0 : i32
        %dma_wait3A_148 = arith.constant 0 : i32
        %dma_wait3A_149 = tpu.memref_slice %arg2[%dma_wait3A_147, %dma_wait3A_148] : memref<10240x64xf32, #tpu.memory_space<hbm>> -> memref<128x64xf32, #tpu.memory_space<hbm>>
        tpu.wait_dma2 semaphore(%arg15 : memref<!tpu.dma_semaphore, #tpu.memory_space<semaphore_mem>>) src(%dma_wait3A_149 : memref<128x64xf32, #tpu.memory_space<hbm>>) dst(%arg10 : memref<128x64xf32, #tpu.memory_space<vmem>>)
        "tpu.region"() ({
          %run_scoped3A = tpu.sem_alloc : memref<!tpu.dma_semaphore, #tpu.memory_space<semaphore_mem>>
          %dma_start3A_191 = arith.constant 0 : i32
          %dma_start3A_192 = tpu.memref_slice %arg8[%add3A_143, %dma_start3A_191] : memref<48x128xi32, #tpu.memory_space<vmem>> -> memref<1x128xi32, #tpu.memory_space<vmem>>
          %dma_start3A_193 = tpu.memref_squeeze %dma_start3A_192 : memref<1x128xi32, #tpu.memory_space<vmem>> -> memref<128xi32, #tpu.memory_space<vmem>>
          %dma_start3A_194 = arith.constant 0 : i32
          %dma_start3A_195 = arith.constant 0 : i32
          %dma_start3A_196 = tpu.memref_slice %arg13[%dma_start3A_194, %dma_start3A_195] : memref<10240x64xf32, #tpu.memory_space<vmem_shared>> -> memref<10240x64xf32, #tpu.memory_space<vmem_shared>>
          tpu.enqueue_indirect_dma source(%arg10 : memref<128x64xf32, #tpu.memory_space<vmem>>) target(%dma_start3A_196 : memref<10240x64xf32, #tpu.memory_space<vmem_shared>>) offsets(%dma_start3A_193 : memref<128xi32, #tpu.memory_space<vmem>>) semaphore(%run_scoped3A : memref<!tpu.dma_semaphore, #tpu.memory_space<semaphore_mem>>) {add = true}
          %dma_wait3A_197 = arith.constant 0 : i32
          %dma_wait3A_198 = tpu.memref_slice %arg8[%add3A_143, %dma_wait3A_197] : memref<48x128xi32, #tpu.memory_space<vmem>> -> memref<1x128xi32, #tpu.memory_space<vmem>>
          %dma_wait3A_199 = tpu.memref_squeeze %dma_wait3A_198 : memref<1x128xi32, #tpu.memory_space<vmem>> -> memref<128xi32, #tpu.memory_space<vmem>>
          %dma_wait3A_200 = arith.constant 0 : i32
          %dma_wait3A_201 = arith.constant 0 : i32
          %dma_wait3A_202 = tpu.memref_slice %arg13[%dma_wait3A_200, %dma_wait3A_201] : memref<10240x64xf32, #tpu.memory_space<vmem_shared>> -> memref<10240x64xf32, #tpu.memory_space<vmem_shared>>
          tpu.wait_indirect_dma semaphore(%run_scoped3A : memref<!tpu.dma_semaphore, #tpu.memory_space<semaphore_mem>>) src(%arg10 : memref<128x64xf32, #tpu.memory_space<vmem>>) dst(%dma_wait3A_202 : memref<10240x64xf32, #tpu.memory_space<vmem_shared>>)
          tpu.yield
        }) : () -> ()
        %add3A_150 = arith.constant 4 : i32
        %add3A_151 = arith.addi %add3A_143, %add3A_150 : i32
        %lt3A_152 = arith.constant 48 : i32
        %lt3A_153 = arith.cmpi slt, %add3A_151, %lt3A_152 : i32
        %convert_element_type3A_154 = arith.extui %lt3A_153 : i1 to i32
        %cond3A_155 = arith.constant 0 : i32
        %cond3A_156 = arith.cmpi ne, %convert_element_type3A_154, %cond3A_155 : i32
        scf.if %cond3A_156 {
          %add3A_191 = arith.constant 4 : i32
          %add3A_192 = arith.addi %add3A_143, %add3A_191 : i32
          %dma_start3A_193 = arith.constant 0 : i32
          %dma_start3A_194 = tpu.memref_slice %arg7[%add3A_192, %dma_start3A_193] : memref<48x128xi32, #tpu.memory_space<vmem>> -> memref<1x128xi32, #tpu.memory_space<vmem>>
          %dma_start3A_195 = tpu.memref_squeeze %dma_start3A_194 : memref<1x128xi32, #tpu.memory_space<vmem>> -> memref<128xi32, #tpu.memory_space<vmem>>
          %dma_start3A_196 = arith.constant 0 : i32
          %dma_start3A_197 = arith.constant 0 : i32
          %dma_start3A_198 = tpu.memref_slice %arg2[%dma_start3A_196, %dma_start3A_197] : memref<10240x64xf32, #tpu.memory_space<hbm>> -> memref<10240x64xf32, #tpu.memory_space<hbm>>
          tpu.enqueue_indirect_dma source(%dma_start3A_198 : memref<10240x64xf32, #tpu.memory_space<hbm>>) target(%arg10 : memref<128x64xf32, #tpu.memory_space<vmem>>) offsets(%dma_start3A_195 : memref<128xi32, #tpu.memory_space<vmem>>) semaphore(%arg15 : memref<!tpu.dma_semaphore, #tpu.memory_space<semaphore_mem>>)
        } else {
        }
        %mul3A_157 = arith.constant 4 : i32
        %mul3A_158 = arith.muli %scan3A_124, %mul3A_157 : i32
        %add3A_159 = arith.constant 2 : i32
        %add3A_160 = arith.addi %mul3A_158, %add3A_159 : i32
        %dma_wait3A_161 = arith.constant 0 : i32
        %dma_wait3A_162 = arith.constant 0 : i32
        %dma_wait3A_163 = tpu.memref_slice %arg2[%dma_wait3A_161, %dma_wait3A_162] : memref<10240x64xf32, #tpu.memory_space<hbm>> -> memref<128x64xf32, #tpu.memory_space<hbm>>
        %dma_wait3A_164 = arith.constant 0 : i32
        %dma_wait3A_165 = arith.constant 0 : i32
        %dma_wait3A_166 = tpu.memref_slice %arg2[%dma_wait3A_164, %dma_wait3A_165] : memref<10240x64xf32, #tpu.memory_space<hbm>> -> memref<128x64xf32, #tpu.memory_space<hbm>>
        tpu.wait_dma2 semaphore(%arg16 : memref<!tpu.dma_semaphore, #tpu.memory_space<semaphore_mem>>) src(%dma_wait3A_166 : memref<128x64xf32, #tpu.memory_space<hbm>>) dst(%arg11 : memref<128x64xf32, #tpu.memory_space<vmem>>)
        "tpu.region"() ({
          %run_scoped3A = tpu.sem_alloc : memref<!tpu.dma_semaphore, #tpu.memory_space<semaphore_mem>>
          %dma_start3A_191 = arith.constant 0 : i32
          %dma_start3A_192 = tpu.memref_slice %arg8[%add3A_160, %dma_start3A_191] : memref<48x128xi32, #tpu.memory_space<vmem>> -> memref<1x128xi32, #tpu.memory_space<vmem>>
          %dma_start3A_193 = tpu.memref_squeeze %dma_start3A_192 : memref<1x128xi32, #tpu.memory_space<vmem>> -> memref<128xi32, #tpu.memory_space<vmem>>
          %dma_start3A_194 = arith.constant 0 : i32
          %dma_start3A_195 = arith.constant 0 : i32
          %dma_start3A_196 = tpu.memref_slice %arg13[%dma_start3A_194, %dma_start3A_195] : memref<10240x64xf32, #tpu.memory_space<vmem_shared>> -> memref<10240x64xf32, #tpu.memory_space<vmem_shared>>
          tpu.enqueue_indirect_dma source(%arg11 : memref<128x64xf32, #tpu.memory_space<vmem>>) target(%dma_start3A_196 : memref<10240x64xf32, #tpu.memory_space<vmem_shared>>) offsets(%dma_start3A_193 : memref<128xi32, #tpu.memory_space<vmem>>) semaphore(%run_scoped3A : memref<!tpu.dma_semaphore, #tpu.memory_space<semaphore_mem>>) {add = true}
          %dma_wait3A_197 = arith.constant 0 : i32
          %dma_wait3A_198 = tpu.memref_slice %arg8[%add3A_160, %dma_wait3A_197] : memref<48x128xi32, #tpu.memory_space<vmem>> -> memref<1x128xi32, #tpu.memory_space<vmem>>
          %dma_wait3A_199 = tpu.memref_squeeze %dma_wait3A_198 : memref<1x128xi32, #tpu.memory_space<vmem>> -> memref<128xi32, #tpu.memory_space<vmem>>
          %dma_wait3A_200 = arith.constant 0 : i32
          %dma_wait3A_201 = arith.constant 0 : i32
          %dma_wait3A_202 = tpu.memref_slice %arg13[%dma_wait3A_200, %dma_wait3A_201] : memref<10240x64xf32, #tpu.memory_space<vmem_shared>> -> memref<10240x64xf32, #tpu.memory_space<vmem_shared>>
          tpu.wait_indirect_dma semaphore(%run_scoped3A : memref<!tpu.dma_semaphore, #tpu.memory_space<semaphore_mem>>) src(%arg11 : memref<128x64xf32, #tpu.memory_space<vmem>>) dst(%dma_wait3A_202 : memref<10240x64xf32, #tpu.memory_space<vmem_shared>>)
          tpu.yield
        }) : () -> ()
        %add3A_167 = arith.constant 4 : i32
        %add3A_168 = arith.addi %add3A_160, %add3A_167 : i32
        %lt3A_169 = arith.constant 48 : i32
        %lt3A_170 = arith.cmpi slt, %add3A_168, %lt3A_169 : i32
        %convert_element_type3A_171 = arith.extui %lt3A_170 : i1 to i32
        %cond3A_172 = arith.constant 0 : i32
        %cond3A_173 = arith.cmpi ne, %convert_element_type3A_171, %cond3A_172 : i32
        scf.if %cond3A_173 {
          %add3A_191 = arith.constant 4 : i32
          %add3A_192 = arith.addi %add3A_160, %add3A_191 : i32
          %dma_start3A_193 = arith.constant 0 : i32
          %dma_start3A_194 = tpu.memref_slice %arg7[%add3A_192, %dma_start3A_193] : memref<48x128xi32, #tpu.memory_space<vmem>> -> memref<1x128xi32, #tpu.memory_space<vmem>>
          %dma_start3A_195 = tpu.memref_squeeze %dma_start3A_194 : memref<1x128xi32, #tpu.memory_space<vmem>> -> memref<128xi32, #tpu.memory_space<vmem>>
          %dma_start3A_196 = arith.constant 0 : i32
          %dma_start3A_197 = arith.constant 0 : i32
          %dma_start3A_198 = tpu.memref_slice %arg2[%dma_start3A_196, %dma_start3A_197] : memref<10240x64xf32, #tpu.memory_space<hbm>> -> memref<10240x64xf32, #tpu.memory_space<hbm>>
          tpu.enqueue_indirect_dma source(%dma_start3A_198 : memref<10240x64xf32, #tpu.memory_space<hbm>>) target(%arg11 : memref<128x64xf32, #tpu.memory_space<vmem>>) offsets(%dma_start3A_195 : memref<128xi32, #tpu.memory_space<vmem>>) semaphore(%arg16 : memref<!tpu.dma_semaphore, #tpu.memory_space<semaphore_mem>>)
        } else {
        }
        %mul3A_174 = arith.constant 4 : i32
        %mul3A_175 = arith.muli %scan3A_124, %mul3A_174 : i32
        %add3A_176 = arith.constant 3 : i32
        %add3A_177 = arith.addi %mul3A_175, %add3A_176 : i32
        %dma_wait3A_178 = arith.constant 0 : i32
        %dma_wait3A_179 = arith.constant 0 : i32
        %dma_wait3A_180 = tpu.memref_slice %arg2[%dma_wait3A_178, %dma_wait3A_179] : memref<10240x64xf32, #tpu.memory_space<hbm>> -> memref<128x64xf32, #tpu.memory_space<hbm>>
        %dma_wait3A_181 = arith.constant 0 : i32
        %dma_wait3A_182 = arith.constant 0 : i32
        %dma_wait3A_183 = tpu.memref_slice %arg2[%dma_wait3A_181, %dma_wait3A_182] : memref<10240x64xf32, #tpu.memory_space<hbm>> -> memref<128x64xf32, #tpu.memory_space<hbm>>
        tpu.wait_dma2 semaphore(%arg17 : memref<!tpu.dma_semaphore, #tpu.memory_space<semaphore_mem>>) src(%dma_wait3A_183 : memref<128x64xf32, #tpu.memory_space<hbm>>) dst(%arg12 : memref<128x64xf32, #tpu.memory_space<vmem>>)
        "tpu.region"() ({
          %run_scoped3A = tpu.sem_alloc : memref<!tpu.dma_semaphore, #tpu.memory_space<semaphore_mem>>
          %dma_start3A_191 = arith.constant 0 : i32
          %dma_start3A_192 = tpu.memref_slice %arg8[%add3A_177, %dma_start3A_191] : memref<48x128xi32, #tpu.memory_space<vmem>> -> memref<1x128xi32, #tpu.memory_space<vmem>>
          %dma_start3A_193 = tpu.memref_squeeze %dma_start3A_192 : memref<1x128xi32, #tpu.memory_space<vmem>> -> memref<128xi32, #tpu.memory_space<vmem>>
          %dma_start3A_194 = arith.constant 0 : i32
          %dma_start3A_195 = arith.constant 0 : i32
          %dma_start3A_196 = tpu.memref_slice %arg13[%dma_start3A_194, %dma_start3A_195] : memref<10240x64xf32, #tpu.memory_space<vmem_shared>> -> memref<10240x64xf32, #tpu.memory_space<vmem_shared>>
          tpu.enqueue_indirect_dma source(%arg12 : memref<128x64xf32, #tpu.memory_space<vmem>>) target(%dma_start3A_196 : memref<10240x64xf32, #tpu.memory_space<vmem_shared>>) offsets(%dma_start3A_193 : memref<128xi32, #tpu.memory_space<vmem>>) semaphore(%run_scoped3A : memref<!tpu.dma_semaphore, #tpu.memory_space<semaphore_mem>>) {add = true}
          %dma_wait3A_197 = arith.constant 0 : i32
          %dma_wait3A_198 = tpu.memref_slice %arg8[%add3A_177, %dma_wait3A_197] : memref<48x128xi32, #tpu.memory_space<vmem>> -> memref<1x128xi32, #tpu.memory_space<vmem>>
          %dma_wait3A_199 = tpu.memref_squeeze %dma_wait3A_198 : memref<1x128xi32, #tpu.memory_space<vmem>> -> memref<128xi32, #tpu.memory_space<vmem>>
          %dma_wait3A_200 = arith.constant 0 : i32
          %dma_wait3A_201 = arith.constant 0 : i32
          %dma_wait3A_202 = tpu.memref_slice %arg13[%dma_wait3A_200, %dma_wait3A_201] : memref<10240x64xf32, #tpu.memory_space<vmem_shared>> -> memref<10240x64xf32, #tpu.memory_space<vmem_shared>>
          tpu.wait_indirect_dma semaphore(%run_scoped3A : memref<!tpu.dma_semaphore, #tpu.memory_space<semaphore_mem>>) src(%arg12 : memref<128x64xf32, #tpu.memory_space<vmem>>) dst(%dma_wait3A_202 : memref<10240x64xf32, #tpu.memory_space<vmem_shared>>)
          tpu.yield
        }) : () -> ()
        %add3A_184 = arith.constant 4 : i32
        %add3A_185 = arith.addi %add3A_177, %add3A_184 : i32
        %lt3A_186 = arith.constant 48 : i32
        %lt3A_187 = arith.cmpi slt, %add3A_185, %lt3A_186 : i32
        %convert_element_type3A_188 = arith.extui %lt3A_187 : i1 to i32
        %cond3A_189 = arith.constant 0 : i32
        %cond3A_190 = arith.cmpi ne, %convert_element_type3A_188, %cond3A_189 : i32
        scf.if %cond3A_190 {
          %add3A_191 = arith.constant 4 : i32
          %add3A_192 = arith.addi %add3A_177, %add3A_191 : i32
          %dma_start3A_193 = arith.constant 0 : i32
          %dma_start3A_194 = tpu.memref_slice %arg7[%add3A_192, %dma_start3A_193] : memref<48x128xi32, #tpu.memory_space<vmem>> -> memref<1x128xi32, #tpu.memory_space<vmem>>
          %dma_start3A_195 = tpu.memref_squeeze %dma_start3A_194 : memref<1x128xi32, #tpu.memory_space<vmem>> -> memref<128xi32, #tpu.memory_space<vmem>>
          %dma_start3A_196 = arith.constant 0 : i32
          %dma_start3A_197 = arith.constant 0 : i32
          %dma_start3A_198 = tpu.memref_slice %arg2[%dma_start3A_196, %dma_start3A_197] : memref<10240x64xf32, #tpu.memory_space<hbm>> -> memref<10240x64xf32, #tpu.memory_space<hbm>>
          tpu.enqueue_indirect_dma source(%dma_start3A_198 : memref<10240x64xf32, #tpu.memory_space<hbm>>) target(%arg12 : memref<128x64xf32, #tpu.memory_space<vmem>>) offsets(%dma_start3A_195 : memref<128xi32, #tpu.memory_space<vmem>>) semaphore(%arg17 : memref<!tpu.dma_semaphore, #tpu.memory_space<semaphore_mem>>)
        } else {
        }
      }
      %scan3A_85 = arith.constant 12 : i32
      %mul3A_86 = arith.constant 144 : i32
      %mul3A_87 = arith.muli %arg1, %mul3A_86 : i32
      %add3A_88 = arith.constant 96 : i32
      %add3A_89 = arith.addi %mul3A_87, %add3A_88 : i32
      "tpu.region"() ({
        %run_scoped3A = tpu.sem_alloc : memref<!tpu.dma_semaphore, #tpu.memory_space<semaphore_mem>>
        %dma_start3A_124 = arith.constant 0 : i32
        %dma_start3A_125 = arith.constant 0 : i32
        %dma_start3A_126 = tpu.memref_slice %arg7[%dma_start3A_124, %dma_start3A_125] : memref<48x128xi32, #tpu.memory_space<vmem>> -> memref<48x128xi32, #tpu.memory_space<vmem>>
        %dma_start3A_127 = arith.constant 0 : i32
        %dma_start3A_128 = tpu.memref_slice %arg3[%add3A_89, %dma_start3A_127] : memref<2560x128xi32, #tpu.memory_space<hbm>> -> memref<48x128xi32, #tpu.memory_space<hbm>>
        %dma_start3A_129 = arith.constant 0 : i32
        %dma_start3A_130 = arith.constant 0 : i32
        %dma_start3A_131 = tpu.memref_slice %arg7[%dma_start3A_129, %dma_start3A_130] : memref<48x128xi32, #tpu.memory_space<vmem>> -> memref<48x128xi32, #tpu.memory_space<vmem>>
        %dma_start3A_132 = arith.constant 0 : i32
        %dma_start3A_133 = tpu.memref_slice %arg3[%add3A_89, %dma_start3A_132] : memref<2560x128xi32, #tpu.memory_space<hbm>> -> memref<48x128xi32, #tpu.memory_space<hbm>>
        tpu.enqueue_dma source(%dma_start3A_133 : memref<48x128xi32, #tpu.memory_space<hbm>>) target(%dma_start3A_131 : memref<48x128xi32, #tpu.memory_space<vmem>>) target_semaphore(%run_scoped3A : memref<!tpu.dma_semaphore, #tpu.memory_space<semaphore_mem>>)
        %dma_wait3A = arith.constant 0 : i32
        %dma_wait3A_134 = arith.constant 0 : i32
        %dma_wait3A_135 = tpu.memref_slice %arg7[%dma_wait3A, %dma_wait3A_134] : memref<48x128xi32, #tpu.memory_space<vmem>> -> memref<48x128xi32, #tpu.memory_space<vmem>>
        %dma_wait3A_136 = arith.constant 0 : i32
        %dma_wait3A_137 = tpu.memref_slice %arg3[%add3A_89, %dma_wait3A_136] : memref<2560x128xi32, #tpu.memory_space<hbm>> -> memref<48x128xi32, #tpu.memory_space<hbm>>
        %dma_wait3A_138 = arith.constant 0 : i32
        %dma_wait3A_139 = arith.constant 0 : i32
        %dma_wait3A_140 = tpu.memref_slice %arg7[%dma_wait3A_138, %dma_wait3A_139] : memref<48x128xi32, #tpu.memory_space<vmem>> -> memref<48x128xi32, #tpu.memory_space<vmem>>
        %dma_wait3A_141 = arith.constant 0 : i32
        %dma_wait3A_142 = tpu.memref_slice %arg3[%add3A_89, %dma_wait3A_141] : memref<2560x128xi32, #tpu.memory_space<hbm>> -> memref<48x128xi32, #tpu.memory_space<hbm>>
        tpu.wait_dma2 semaphore(%run_scoped3A : memref<!tpu.dma_semaphore, #tpu.memory_space<semaphore_mem>>) src(%dma_wait3A_142 : memref<48x128xi32, #tpu.memory_space<hbm>>) dst(%dma_wait3A_140 : memref<48x128xi32, #tpu.memory_space<vmem>>)
        tpu.yield
      }) : () -> ()
      "tpu.region"() ({
        %run_scoped3A = tpu.sem_alloc : memref<!tpu.dma_semaphore, #tpu.memory_space<semaphore_mem>>
        %dma_start3A_124 = arith.constant 0 : i32
        %dma_start3A_125 = arith.constant 0 : i32
        %dma_start3A_126 = tpu.memref_slice %arg8[%dma_start3A_124, %dma_start3A_125] : memref<48x128xi32, #tpu.memory_space<vmem>> -> memref<48x128xi32, #tpu.memory_space<vmem>>
        %dma_start3A_127 = arith.constant 0 : i32
        %dma_start3A_128 = tpu.memref_slice %arg4[%add3A_89, %dma_start3A_127] : memref<2560x128xi32, #tpu.memory_space<hbm>> -> memref<48x128xi32, #tpu.memory_space<hbm>>
        %dma_start3A_129 = arith.constant 0 : i32
        %dma_start3A_130 = arith.constant 0 : i32
        %dma_start3A_131 = tpu.memref_slice %arg8[%dma_start3A_129, %dma_start3A_130] : memref<48x128xi32, #tpu.memory_space<vmem>> -> memref<48x128xi32, #tpu.memory_space<vmem>>
        %dma_start3A_132 = arith.constant 0 : i32
        %dma_start3A_133 = tpu.memref_slice %arg4[%add3A_89, %dma_start3A_132] : memref<2560x128xi32, #tpu.memory_space<hbm>> -> memref<48x128xi32, #tpu.memory_space<hbm>>
        tpu.enqueue_dma source(%dma_start3A_133 : memref<48x128xi32, #tpu.memory_space<hbm>>) target(%dma_start3A_131 : memref<48x128xi32, #tpu.memory_space<vmem>>) target_semaphore(%run_scoped3A : memref<!tpu.dma_semaphore, #tpu.memory_space<semaphore_mem>>)
        %dma_wait3A = arith.constant 0 : i32
        %dma_wait3A_134 = arith.constant 0 : i32
        %dma_wait3A_135 = tpu.memref_slice %arg8[%dma_wait3A, %dma_wait3A_134] : memref<48x128xi32, #tpu.memory_space<vmem>> -> memref<48x128xi32, #tpu.memory_space<vmem>>
        %dma_wait3A_136 = arith.constant 0 : i32
        %dma_wait3A_137 = tpu.memref_slice %arg4[%add3A_89, %dma_wait3A_136] : memref<2560x128xi32, #tpu.memory_space<hbm>> -> memref<48x128xi32, #tpu.memory_space<hbm>>
        %dma_wait3A_138 = arith.constant 0 : i32
        %dma_wait3A_139 = arith.constant 0 : i32
        %dma_wait3A_140 = tpu.memref_slice %arg8[%dma_wait3A_138, %dma_wait3A_139] : memref<48x128xi32, #tpu.memory_space<vmem>> -> memref<48x128xi32, #tpu.memory_space<vmem>>
        %dma_wait3A_141 = arith.constant 0 : i32
        %dma_wait3A_142 = tpu.memref_slice %arg4[%add3A_89, %dma_wait3A_141] : memref<2560x128xi32, #tpu.memory_space<hbm>> -> memref<48x128xi32, #tpu.memory_space<hbm>>
        tpu.wait_dma2 semaphore(%run_scoped3A : memref<!tpu.dma_semaphore, #tpu.memory_space<semaphore_mem>>) src(%dma_wait3A_142 : memref<48x128xi32, #tpu.memory_space<hbm>>) dst(%dma_wait3A_140 : memref<48x128xi32, #tpu.memory_space<vmem>>)
        tpu.yield
      }) : () -> ()
      %dma_start3A_90 = arith.constant 0 : i32
      %dma_start3A_91 = arith.constant 0 : i32
      %dma_start3A_92 = tpu.memref_slice %arg7[%dma_start3A_90, %dma_start3A_91] : memref<48x128xi32, #tpu.memory_space<vmem>> -> memref<1x128xi32, #tpu.memory_space<vmem>>
      %dma_start3A_93 = tpu.memref_squeeze %dma_start3A_92 : memref<1x128xi32, #tpu.memory_space<vmem>> -> memref<128xi32, #tpu.memory_space<vmem>>
      %dma_start3A_94 = arith.constant 0 : i32
      %dma_start3A_95 = arith.constant 0 : i32
      %dma_start3A_96 = tpu.memref_slice %arg2[%dma_start3A_94, %dma_start3A_95] : memref<10240x64xf32, #tpu.memory_space<hbm>> -> memref<10240x64xf32, #tpu.memory_space<hbm>>
      tpu.enqueue_indirect_dma source(%dma_start3A_96 : memref<10240x64xf32, #tpu.memory_space<hbm>>) target(%arg9 : memref<128x64xf32, #tpu.memory_space<vmem>>) offsets(%dma_start3A_93 : memref<128xi32, #tpu.memory_space<vmem>>) semaphore(%arg14 : memref<!tpu.dma_semaphore, #tpu.memory_space<semaphore_mem>>)
      %dma_start3A_97 = arith.constant 1 : i32
      %dma_start3A_98 = arith.constant 0 : i32
      %dma_start3A_99 = tpu.memref_slice %arg7[%dma_start3A_97, %dma_start3A_98] : memref<48x128xi32, #tpu.memory_space<vmem>> -> memref<1x128xi32, #tpu.memory_space<vmem>>
      %dma_start3A_100 = tpu.memref_squeeze %dma_start3A_99 : memref<1x128xi32, #tpu.memory_space<vmem>> -> memref<128xi32, #tpu.memory_space<vmem>>
      %dma_start3A_101 = arith.constant 0 : i32
      %dma_start3A_102 = arith.constant 0 : i32
      %dma_start3A_103 = tpu.memref_slice %arg2[%dma_start3A_101, %dma_start3A_102] : memref<10240x64xf32, #tpu.memory_space<hbm>> -> memref<10240x64xf32, #tpu.memory_space<hbm>>
      tpu.enqueue_indirect_dma source(%dma_start3A_103 : memref<10240x64xf32, #tpu.memory_space<hbm>>) target(%arg10 : memref<128x64xf32, #tpu.memory_space<vmem>>) offsets(%dma_start3A_100 : memref<128xi32, #tpu.memory_space<vmem>>) semaphore(%arg15 : memref<!tpu.dma_semaphore, #tpu.memory_space<semaphore_mem>>)
      %dma_start3A_104 = arith.constant 2 : i32
      %dma_start3A_105 = arith.constant 0 : i32
      %dma_start3A_106 = tpu.memref_slice %arg7[%dma_start3A_104, %dma_start3A_105] : memref<48x128xi32, #tpu.memory_space<vmem>> -> memref<1x128xi32, #tpu.memory_space<vmem>>
      %dma_start3A_107 = tpu.memref_squeeze %dma_start3A_106 : memref<1x128xi32, #tpu.memory_space<vmem>> -> memref<128xi32, #tpu.memory_space<vmem>>
      %dma_start3A_108 = arith.constant 0 : i32
      %dma_start3A_109 = arith.constant 0 : i32
      %dma_start3A_110 = tpu.memref_slice %arg2[%dma_start3A_108, %dma_start3A_109] : memref<10240x64xf32, #tpu.memory_space<hbm>> -> memref<10240x64xf32, #tpu.memory_space<hbm>>
      tpu.enqueue_indirect_dma source(%dma_start3A_110 : memref<10240x64xf32, #tpu.memory_space<hbm>>) target(%arg11 : memref<128x64xf32, #tpu.memory_space<vmem>>) offsets(%dma_start3A_107 : memref<128xi32, #tpu.memory_space<vmem>>) semaphore(%arg16 : memref<!tpu.dma_semaphore, #tpu.memory_space<semaphore_mem>>)
      %dma_start3A_111 = arith.constant 3 : i32
      %dma_start3A_112 = arith.constant 0 : i32
      %dma_start3A_113 = tpu.memref_slice %arg7[%dma_start3A_111, %dma_start3A_112] : memref<48x128xi32, #tpu.memory_space<vmem>> -> memref<1x128xi32, #tpu.memory_space<vmem>>
      %dma_start3A_114 = tpu.memref_squeeze %dma_start3A_113 : memref<1x128xi32, #tpu.memory_space<vmem>> -> memref<128xi32, #tpu.memory_space<vmem>>
      %dma_start3A_115 = arith.constant 0 : i32
      %dma_start3A_116 = arith.constant 0 : i32
      %dma_start3A_117 = tpu.memref_slice %arg2[%dma_start3A_115, %dma_start3A_116] : memref<10240x64xf32, #tpu.memory_space<hbm>> -> memref<10240x64xf32, #tpu.memory_space<hbm>>
      tpu.enqueue_indirect_dma source(%dma_start3A_117 : memref<10240x64xf32, #tpu.memory_space<hbm>>) target(%arg12 : memref<128x64xf32, #tpu.memory_space<vmem>>) offsets(%dma_start3A_114 : memref<128xi32, #tpu.memory_space<vmem>>) semaphore(%arg17 : memref<!tpu.dma_semaphore, #tpu.memory_space<semaphore_mem>>)
      %scan3A_118 = arith.constant 0 : i32
      %scan3A_119 = arith.constant 0 : i32
      %scan3A_120 = arith.constant 12 : i32
      %scan3A_121 = arith.addi %scan3A_119, %scan3A_120 : i32
      %scan3A_122 = arith.constant 1 : i32
      scf.for %scan3A_124 = %scan3A_119 to %scan3A_121 step %scan3A_122  : i32 {
        %mul3A_125 = arith.constant 4 : i32
        %mul3A_126 = arith.muli %scan3A_124, %mul3A_125 : i32
        %add3A_127 = arith.constant 0 : i32
        %add3A_128 = arith.addi %mul3A_126, %add3A_127 : i32
        %dma_wait3A = arith.constant 0 : i32
        %dma_wait3A_129 = arith.constant 0 : i32
        %dma_wait3A_130 = tpu.memref_slice %arg2[%dma_wait3A, %dma_wait3A_129] : memref<10240x64xf32, #tpu.memory_space<hbm>> -> memref<128x64xf32, #tpu.memory_space<hbm>>
        %dma_wait3A_131 = arith.constant 0 : i32
        %dma_wait3A_132 = arith.constant 0 : i32
        %dma_wait3A_133 = tpu.memref_slice %arg2[%dma_wait3A_131, %dma_wait3A_132] : memref<10240x64xf32, #tpu.memory_space<hbm>> -> memref<128x64xf32, #tpu.memory_space<hbm>>
        tpu.wait_dma2 semaphore(%arg14 : memref<!tpu.dma_semaphore, #tpu.memory_space<semaphore_mem>>) src(%dma_wait3A_133 : memref<128x64xf32, #tpu.memory_space<hbm>>) dst(%arg9 : memref<128x64xf32, #tpu.memory_space<vmem>>)
        "tpu.region"() ({
          %run_scoped3A = tpu.sem_alloc : memref<!tpu.dma_semaphore, #tpu.memory_space<semaphore_mem>>
          %dma_start3A_191 = arith.constant 0 : i32
          %dma_start3A_192 = tpu.memref_slice %arg8[%add3A_128, %dma_start3A_191] : memref<48x128xi32, #tpu.memory_space<vmem>> -> memref<1x128xi32, #tpu.memory_space<vmem>>
          %dma_start3A_193 = tpu.memref_squeeze %dma_start3A_192 : memref<1x128xi32, #tpu.memory_space<vmem>> -> memref<128xi32, #tpu.memory_space<vmem>>
          %dma_start3A_194 = arith.constant 0 : i32
          %dma_start3A_195 = arith.constant 0 : i32
          %dma_start3A_196 = tpu.memref_slice %arg13[%dma_start3A_194, %dma_start3A_195] : memref<10240x64xf32, #tpu.memory_space<vmem_shared>> -> memref<10240x64xf32, #tpu.memory_space<vmem_shared>>
          tpu.enqueue_indirect_dma source(%arg9 : memref<128x64xf32, #tpu.memory_space<vmem>>) target(%dma_start3A_196 : memref<10240x64xf32, #tpu.memory_space<vmem_shared>>) offsets(%dma_start3A_193 : memref<128xi32, #tpu.memory_space<vmem>>) semaphore(%run_scoped3A : memref<!tpu.dma_semaphore, #tpu.memory_space<semaphore_mem>>) {add = true}
          %dma_wait3A_197 = arith.constant 0 : i32
          %dma_wait3A_198 = tpu.memref_slice %arg8[%add3A_128, %dma_wait3A_197] : memref<48x128xi32, #tpu.memory_space<vmem>> -> memref<1x128xi32, #tpu.memory_space<vmem>>
          %dma_wait3A_199 = tpu.memref_squeeze %dma_wait3A_198 : memref<1x128xi32, #tpu.memory_space<vmem>> -> memref<128xi32, #tpu.memory_space<vmem>>
          %dma_wait3A_200 = arith.constant 0 : i32
          %dma_wait3A_201 = arith.constant 0 : i32
          %dma_wait3A_202 = tpu.memref_slice %arg13[%dma_wait3A_200, %dma_wait3A_201] : memref<10240x64xf32, #tpu.memory_space<vmem_shared>> -> memref<10240x64xf32, #tpu.memory_space<vmem_shared>>
          tpu.wait_indirect_dma semaphore(%run_scoped3A : memref<!tpu.dma_semaphore, #tpu.memory_space<semaphore_mem>>) src(%arg9 : memref<128x64xf32, #tpu.memory_space<vmem>>) dst(%dma_wait3A_202 : memref<10240x64xf32, #tpu.memory_space<vmem_shared>>)
          tpu.yield
        }) : () -> ()
        %add3A_134 = arith.constant 4 : i32
        %add3A_135 = arith.addi %add3A_128, %add3A_134 : i32
        %lt3A = arith.constant 48 : i32
        %lt3A_136 = arith.cmpi slt, %add3A_135, %lt3A : i32
        %convert_element_type3A_137 = arith.extui %lt3A_136 : i1 to i32
        %cond3A_138 = arith.constant 0 : i32
        %cond3A_139 = arith.cmpi ne, %convert_element_type3A_137, %cond3A_138 : i32
        scf.if %cond3A_139 {
          %add3A_191 = arith.constant 4 : i32
          %add3A_192 = arith.addi %add3A_128, %add3A_191 : i32
          %dma_start3A_193 = arith.constant 0 : i32
          %dma_start3A_194 = tpu.memref_slice %arg7[%add3A_192, %dma_start3A_193] : memref<48x128xi32, #tpu.memory_space<vmem>> -> memref<1x128xi32, #tpu.memory_space<vmem>>
          %dma_start3A_195 = tpu.memref_squeeze %dma_start3A_194 : memref<1x128xi32, #tpu.memory_space<vmem>> -> memref<128xi32, #tpu.memory_space<vmem>>
          %dma_start3A_196 = arith.constant 0 : i32
          %dma_start3A_197 = arith.constant 0 : i32
          %dma_start3A_198 = tpu.memref_slice %arg2[%dma_start3A_196, %dma_start3A_197] : memref<10240x64xf32, #tpu.memory_space<hbm>> -> memref<10240x64xf32, #tpu.memory_space<hbm>>
          tpu.enqueue_indirect_dma source(%dma_start3A_198 : memref<10240x64xf32, #tpu.memory_space<hbm>>) target(%arg9 : memref<128x64xf32, #tpu.memory_space<vmem>>) offsets(%dma_start3A_195 : memref<128xi32, #tpu.memory_space<vmem>>) semaphore(%arg14 : memref<!tpu.dma_semaphore, #tpu.memory_space<semaphore_mem>>)
        } else {
        }
        %mul3A_140 = arith.constant 4 : i32
        %mul3A_141 = arith.muli %scan3A_124, %mul3A_140 : i32
        %add3A_142 = arith.constant 1 : i32
        %add3A_143 = arith.addi %mul3A_141, %add3A_142 : i32
        %dma_wait3A_144 = arith.constant 0 : i32
        %dma_wait3A_145 = arith.constant 0 : i32
        %dma_wait3A_146 = tpu.memref_slice %arg2[%dma_wait3A_144, %dma_wait3A_145] : memref<10240x64xf32, #tpu.memory_space<hbm>> -> memref<128x64xf32, #tpu.memory_space<hbm>>
        %dma_wait3A_147 = arith.constant 0 : i32
        %dma_wait3A_148 = arith.constant 0 : i32
        %dma_wait3A_149 = tpu.memref_slice %arg2[%dma_wait3A_147, %dma_wait3A_148] : memref<10240x64xf32, #tpu.memory_space<hbm>> -> memref<128x64xf32, #tpu.memory_space<hbm>>
        tpu.wait_dma2 semaphore(%arg15 : memref<!tpu.dma_semaphore, #tpu.memory_space<semaphore_mem>>) src(%dma_wait3A_149 : memref<128x64xf32, #tpu.memory_space<hbm>>) dst(%arg10 : memref<128x64xf32, #tpu.memory_space<vmem>>)
        "tpu.region"() ({
          %run_scoped3A = tpu.sem_alloc : memref<!tpu.dma_semaphore, #tpu.memory_space<semaphore_mem>>
          %dma_start3A_191 = arith.constant 0 : i32
          %dma_start3A_192 = tpu.memref_slice %arg8[%add3A_143, %dma_start3A_191] : memref<48x128xi32, #tpu.memory_space<vmem>> -> memref<1x128xi32, #tpu.memory_space<vmem>>
          %dma_start3A_193 = tpu.memref_squeeze %dma_start3A_192 : memref<1x128xi32, #tpu.memory_space<vmem>> -> memref<128xi32, #tpu.memory_space<vmem>>
          %dma_start3A_194 = arith.constant 0 : i32
          %dma_start3A_195 = arith.constant 0 : i32
          %dma_start3A_196 = tpu.memref_slice %arg13[%dma_start3A_194, %dma_start3A_195] : memref<10240x64xf32, #tpu.memory_space<vmem_shared>> -> memref<10240x64xf32, #tpu.memory_space<vmem_shared>>
          tpu.enqueue_indirect_dma source(%arg10 : memref<128x64xf32, #tpu.memory_space<vmem>>) target(%dma_start3A_196 : memref<10240x64xf32, #tpu.memory_space<vmem_shared>>) offsets(%dma_start3A_193 : memref<128xi32, #tpu.memory_space<vmem>>) semaphore(%run_scoped3A : memref<!tpu.dma_semaphore, #tpu.memory_space<semaphore_mem>>) {add = true}
          %dma_wait3A_197 = arith.constant 0 : i32
          %dma_wait3A_198 = tpu.memref_slice %arg8[%add3A_143, %dma_wait3A_197] : memref<48x128xi32, #tpu.memory_space<vmem>> -> memref<1x128xi32, #tpu.memory_space<vmem>>
          %dma_wait3A_199 = tpu.memref_squeeze %dma_wait3A_198 : memref<1x128xi32, #tpu.memory_space<vmem>> -> memref<128xi32, #tpu.memory_space<vmem>>
          %dma_wait3A_200 = arith.constant 0 : i32
          %dma_wait3A_201 = arith.constant 0 : i32
          %dma_wait3A_202 = tpu.memref_slice %arg13[%dma_wait3A_200, %dma_wait3A_201] : memref<10240x64xf32, #tpu.memory_space<vmem_shared>> -> memref<10240x64xf32, #tpu.memory_space<vmem_shared>>
          tpu.wait_indirect_dma semaphore(%run_scoped3A : memref<!tpu.dma_semaphore, #tpu.memory_space<semaphore_mem>>) src(%arg10 : memref<128x64xf32, #tpu.memory_space<vmem>>) dst(%dma_wait3A_202 : memref<10240x64xf32, #tpu.memory_space<vmem_shared>>)
          tpu.yield
        }) : () -> ()
        %add3A_150 = arith.constant 4 : i32
        %add3A_151 = arith.addi %add3A_143, %add3A_150 : i32
        %lt3A_152 = arith.constant 48 : i32
        %lt3A_153 = arith.cmpi slt, %add3A_151, %lt3A_152 : i32
        %convert_element_type3A_154 = arith.extui %lt3A_153 : i1 to i32
        %cond3A_155 = arith.constant 0 : i32
        %cond3A_156 = arith.cmpi ne, %convert_element_type3A_154, %cond3A_155 : i32
        scf.if %cond3A_156 {
          %add3A_191 = arith.constant 4 : i32
          %add3A_192 = arith.addi %add3A_143, %add3A_191 : i32
          %dma_start3A_193 = arith.constant 0 : i32
          %dma_start3A_194 = tpu.memref_slice %arg7[%add3A_192, %dma_start3A_193] : memref<48x128xi32, #tpu.memory_space<vmem>> -> memref<1x128xi32, #tpu.memory_space<vmem>>
          %dma_start3A_195 = tpu.memref_squeeze %dma_start3A_194 : memref<1x128xi32, #tpu.memory_space<vmem>> -> memref<128xi32, #tpu.memory_space<vmem>>
          %dma_start3A_196 = arith.constant 0 : i32
          %dma_start3A_197 = arith.constant 0 : i32
          %dma_start3A_198 = tpu.memref_slice %arg2[%dma_start3A_196, %dma_start3A_197] : memref<10240x64xf32, #tpu.memory_space<hbm>> -> memref<10240x64xf32, #tpu.memory_space<hbm>>
          tpu.enqueue_indirect_dma source(%dma_start3A_198 : memref<10240x64xf32, #tpu.memory_space<hbm>>) target(%arg10 : memref<128x64xf32, #tpu.memory_space<vmem>>) offsets(%dma_start3A_195 : memref<128xi32, #tpu.memory_space<vmem>>) semaphore(%arg15 : memref<!tpu.dma_semaphore, #tpu.memory_space<semaphore_mem>>)
        } else {
        }
        %mul3A_157 = arith.constant 4 : i32
        %mul3A_158 = arith.muli %scan3A_124, %mul3A_157 : i32
        %add3A_159 = arith.constant 2 : i32
        %add3A_160 = arith.addi %mul3A_158, %add3A_159 : i32
        %dma_wait3A_161 = arith.constant 0 : i32
        %dma_wait3A_162 = arith.constant 0 : i32
        %dma_wait3A_163 = tpu.memref_slice %arg2[%dma_wait3A_161, %dma_wait3A_162] : memref<10240x64xf32, #tpu.memory_space<hbm>> -> memref<128x64xf32, #tpu.memory_space<hbm>>
        %dma_wait3A_164 = arith.constant 0 : i32
        %dma_wait3A_165 = arith.constant 0 : i32
        %dma_wait3A_166 = tpu.memref_slice %arg2[%dma_wait3A_164, %dma_wait3A_165] : memref<10240x64xf32, #tpu.memory_space<hbm>> -> memref<128x64xf32, #tpu.memory_space<hbm>>
        tpu.wait_dma2 semaphore(%arg16 : memref<!tpu.dma_semaphore, #tpu.memory_space<semaphore_mem>>) src(%dma_wait3A_166 : memref<128x64xf32, #tpu.memory_space<hbm>>) dst(%arg11 : memref<128x64xf32, #tpu.memory_space<vmem>>)
        "tpu.region"() ({
          %run_scoped3A = tpu.sem_alloc : memref<!tpu.dma_semaphore, #tpu.memory_space<semaphore_mem>>
          %dma_start3A_191 = arith.constant 0 : i32
          %dma_start3A_192 = tpu.memref_slice %arg8[%add3A_160, %dma_start3A_191] : memref<48x128xi32, #tpu.memory_space<vmem>> -> memref<1x128xi32, #tpu.memory_space<vmem>>
          %dma_start3A_193 = tpu.memref_squeeze %dma_start3A_192 : memref<1x128xi32, #tpu.memory_space<vmem>> -> memref<128xi32, #tpu.memory_space<vmem>>
          %dma_start3A_194 = arith.constant 0 : i32
          %dma_start3A_195 = arith.constant 0 : i32
          %dma_start3A_196 = tpu.memref_slice %arg13[%dma_start3A_194, %dma_start3A_195] : memref<10240x64xf32, #tpu.memory_space<vmem_shared>> -> memref<10240x64xf32, #tpu.memory_space<vmem_shared>>
          tpu.enqueue_indirect_dma source(%arg11 : memref<128x64xf32, #tpu.memory_space<vmem>>) target(%dma_start3A_196 : memref<10240x64xf32, #tpu.memory_space<vmem_shared>>) offsets(%dma_start3A_193 : memref<128xi32, #tpu.memory_space<vmem>>) semaphore(%run_scoped3A : memref<!tpu.dma_semaphore, #tpu.memory_space<semaphore_mem>>) {add = true}
          %dma_wait3A_197 = arith.constant 0 : i32
          %dma_wait3A_198 = tpu.memref_slice %arg8[%add3A_160, %dma_wait3A_197] : memref<48x128xi32, #tpu.memory_space<vmem>> -> memref<1x128xi32, #tpu.memory_space<vmem>>
          %dma_wait3A_199 = tpu.memref_squeeze %dma_wait3A_198 : memref<1x128xi32, #tpu.memory_space<vmem>> -> memref<128xi32, #tpu.memory_space<vmem>>
          %dma_wait3A_200 = arith.constant 0 : i32
          %dma_wait3A_201 = arith.constant 0 : i32
          %dma_wait3A_202 = tpu.memref_slice %arg13[%dma_wait3A_200, %dma_wait3A_201] : memref<10240x64xf32, #tpu.memory_space<vmem_shared>> -> memref<10240x64xf32, #tpu.memory_space<vmem_shared>>
          tpu.wait_indirect_dma semaphore(%run_scoped3A : memref<!tpu.dma_semaphore, #tpu.memory_space<semaphore_mem>>) src(%arg11 : memref<128x64xf32, #tpu.memory_space<vmem>>) dst(%dma_wait3A_202 : memref<10240x64xf32, #tpu.memory_space<vmem_shared>>)
          tpu.yield
        }) : () -> ()
        %add3A_167 = arith.constant 4 : i32
        %add3A_168 = arith.addi %add3A_160, %add3A_167 : i32
        %lt3A_169 = arith.constant 48 : i32
        %lt3A_170 = arith.cmpi slt, %add3A_168, %lt3A_169 : i32
        %convert_element_type3A_171 = arith.extui %lt3A_170 : i1 to i32
        %cond3A_172 = arith.constant 0 : i32
        %cond3A_173 = arith.cmpi ne, %convert_element_type3A_171, %cond3A_172 : i32
        scf.if %cond3A_173 {
          %add3A_191 = arith.constant 4 : i32
          %add3A_192 = arith.addi %add3A_160, %add3A_191 : i32
          %dma_start3A_193 = arith.constant 0 : i32
          %dma_start3A_194 = tpu.memref_slice %arg7[%add3A_192, %dma_start3A_193] : memref<48x128xi32, #tpu.memory_space<vmem>> -> memref<1x128xi32, #tpu.memory_space<vmem>>
          %dma_start3A_195 = tpu.memref_squeeze %dma_start3A_194 : memref<1x128xi32, #tpu.memory_space<vmem>> -> memref<128xi32, #tpu.memory_space<vmem>>
          %dma_start3A_196 = arith.constant 0 : i32
          %dma_start3A_197 = arith.constant 0 : i32
          %dma_start3A_198 = tpu.memref_slice %arg2[%dma_start3A_196, %dma_start3A_197] : memref<10240x64xf32, #tpu.memory_space<hbm>> -> memref<10240x64xf32, #tpu.memory_space<hbm>>
          tpu.enqueue_indirect_dma source(%dma_start3A_198 : memref<10240x64xf32, #tpu.memory_space<hbm>>) target(%arg11 : memref<128x64xf32, #tpu.memory_space<vmem>>) offsets(%dma_start3A_195 : memref<128xi32, #tpu.memory_space<vmem>>) semaphore(%arg16 : memref<!tpu.dma_semaphore, #tpu.memory_space<semaphore_mem>>)
        } else {
        }
        %mul3A_174 = arith.constant 4 : i32
        %mul3A_175 = arith.muli %scan3A_124, %mul3A_174 : i32
        %add3A_176 = arith.constant 3 : i32
        %add3A_177 = arith.addi %mul3A_175, %add3A_176 : i32
        %dma_wait3A_178 = arith.constant 0 : i32
        %dma_wait3A_179 = arith.constant 0 : i32
        %dma_wait3A_180 = tpu.memref_slice %arg2[%dma_wait3A_178, %dma_wait3A_179] : memref<10240x64xf32, #tpu.memory_space<hbm>> -> memref<128x64xf32, #tpu.memory_space<hbm>>
        %dma_wait3A_181 = arith.constant 0 : i32
        %dma_wait3A_182 = arith.constant 0 : i32
        %dma_wait3A_183 = tpu.memref_slice %arg2[%dma_wait3A_181, %dma_wait3A_182] : memref<10240x64xf32, #tpu.memory_space<hbm>> -> memref<128x64xf32, #tpu.memory_space<hbm>>
        tpu.wait_dma2 semaphore(%arg17 : memref<!tpu.dma_semaphore, #tpu.memory_space<semaphore_mem>>) src(%dma_wait3A_183 : memref<128x64xf32, #tpu.memory_space<hbm>>) dst(%arg12 : memref<128x64xf32, #tpu.memory_space<vmem>>)
        "tpu.region"() ({
          %run_scoped3A = tpu.sem_alloc : memref<!tpu.dma_semaphore, #tpu.memory_space<semaphore_mem>>
          %dma_start3A_191 = arith.constant 0 : i32
          %dma_start3A_192 = tpu.memref_slice %arg8[%add3A_177, %dma_start3A_191] : memref<48x128xi32, #tpu.memory_space<vmem>> -> memref<1x128xi32, #tpu.memory_space<vmem>>
          %dma_start3A_193 = tpu.memref_squeeze %dma_start3A_192 : memref<1x128xi32, #tpu.memory_space<vmem>> -> memref<128xi32, #tpu.memory_space<vmem>>
          %dma_start3A_194 = arith.constant 0 : i32
          %dma_start3A_195 = arith.constant 0 : i32
          %dma_start3A_196 = tpu.memref_slice %arg13[%dma_start3A_194, %dma_start3A_195] : memref<10240x64xf32, #tpu.memory_space<vmem_shared>> -> memref<10240x64xf32, #tpu.memory_space<vmem_shared>>
          tpu.enqueue_indirect_dma source(%arg12 : memref<128x64xf32, #tpu.memory_space<vmem>>) target(%dma_start3A_196 : memref<10240x64xf32, #tpu.memory_space<vmem_shared>>) offsets(%dma_start3A_193 : memref<128xi32, #tpu.memory_space<vmem>>) semaphore(%run_scoped3A : memref<!tpu.dma_semaphore, #tpu.memory_space<semaphore_mem>>) {add = true}
          %dma_wait3A_197 = arith.constant 0 : i32
          %dma_wait3A_198 = tpu.memref_slice %arg8[%add3A_177, %dma_wait3A_197] : memref<48x128xi32, #tpu.memory_space<vmem>> -> memref<1x128xi32, #tpu.memory_space<vmem>>
          %dma_wait3A_199 = tpu.memref_squeeze %dma_wait3A_198 : memref<1x128xi32, #tpu.memory_space<vmem>> -> memref<128xi32, #tpu.memory_space<vmem>>
          %dma_wait3A_200 = arith.constant 0 : i32
          %dma_wait3A_201 = arith.constant 0 : i32
          %dma_wait3A_202 = tpu.memref_slice %arg13[%dma_wait3A_200, %dma_wait3A_201] : memref<10240x64xf32, #tpu.memory_space<vmem_shared>> -> memref<10240x64xf32, #tpu.memory_space<vmem_shared>>
          tpu.wait_indirect_dma semaphore(%run_scoped3A : memref<!tpu.dma_semaphore, #tpu.memory_space<semaphore_mem>>) src(%arg12 : memref<128x64xf32, #tpu.memory_space<vmem>>) dst(%dma_wait3A_202 : memref<10240x64xf32, #tpu.memory_space<vmem_shared>>)
          tpu.yield
        }) : () -> ()
        %add3A_184 = arith.constant 4 : i32
        %add3A_185 = arith.addi %add3A_177, %add3A_184 : i32
        %lt3A_186 = arith.constant 48 : i32
        %lt3A_187 = arith.cmpi slt, %add3A_185, %lt3A_186 : i32
        %convert_element_type3A_188 = arith.extui %lt3A_187 : i1 to i32
        %cond3A_189 = arith.constant 0 : i32
        %cond3A_190 = arith.cmpi ne, %convert_element_type3A_188, %cond3A_189 : i32
        scf.if %cond3A_190 {
          %add3A_191 = arith.constant 4 : i32
          %add3A_192 = arith.addi %add3A_177, %add3A_191 : i32
          %dma_start3A_193 = arith.constant 0 : i32
          %dma_start3A_194 = tpu.memref_slice %arg7[%add3A_192, %dma_start3A_193] : memref<48x128xi32, #tpu.memory_space<vmem>> -> memref<1x128xi32, #tpu.memory_space<vmem>>
          %dma_start3A_195 = tpu.memref_squeeze %dma_start3A_194 : memref<1x128xi32, #tpu.memory_space<vmem>> -> memref<128xi32, #tpu.memory_space<vmem>>
          %dma_start3A_196 = arith.constant 0 : i32
          %dma_start3A_197 = arith.constant 0 : i32
          %dma_start3A_198 = tpu.memref_slice %arg2[%dma_start3A_196, %dma_start3A_197] : memref<10240x64xf32, #tpu.memory_space<hbm>> -> memref<10240x64xf32, #tpu.memory_space<hbm>>
          tpu.enqueue_indirect_dma source(%dma_start3A_198 : memref<10240x64xf32, #tpu.memory_space<hbm>>) target(%arg12 : memref<128x64xf32, #tpu.memory_space<vmem>>) offsets(%dma_start3A_195 : memref<128xi32, #tpu.memory_space<vmem>>) semaphore(%arg17 : memref<!tpu.dma_semaphore, #tpu.memory_space<semaphore_mem>>)
        } else {
        }
      }
      %scan3A_123 = arith.constant 12 : i32
    } else {
    }
    %eq3A_3 = arith.constant 1 : i32
    %eq3A_4 = arith.cmpi eq, %arg0, %eq3A_3 : i32
    %convert_element_type3A_5 = arith.extui %eq3A_4 : i1 to i32
    %cond3A_6 = arith.constant 0 : i32
    %cond3A_7 = arith.cmpi ne, %convert_element_type3A_5, %cond3A_6 : i32
    scf.if %cond3A_7 {
      %mul3A_13 = arith.constant 16 : i32
      %mul3A_14 = arith.muli %arg1, %mul3A_13 : i32
      %add3A = arith.constant 2304 : i32
      %add3A_15 = arith.addi %add3A, %mul3A_14 : i32
      "tpu.region"() ({
        %run_scoped3A = tpu.sem_alloc : memref<!tpu.dma_semaphore, #tpu.memory_space<semaphore_mem>>
        %dma_start3A_48 = arith.constant 0 : i32
        %dma_start3A_49 = arith.constant 0 : i32
        %dma_start3A_50 = tpu.memref_slice %arg7[%dma_start3A_48, %dma_start3A_49] : memref<48x128xi32, #tpu.memory_space<vmem>> -> memref<16x128xi32, #tpu.memory_space<vmem>>
        %dma_start3A_51 = arith.constant 0 : i32
        %dma_start3A_52 = tpu.memref_slice %arg3[%add3A_15, %dma_start3A_51] : memref<2560x128xi32, #tpu.memory_space<hbm>> -> memref<16x128xi32, #tpu.memory_space<hbm>>
        %dma_start3A_53 = arith.constant 0 : i32
        %dma_start3A_54 = arith.constant 0 : i32
        %dma_start3A_55 = tpu.memref_slice %arg7[%dma_start3A_53, %dma_start3A_54] : memref<48x128xi32, #tpu.memory_space<vmem>> -> memref<16x128xi32, #tpu.memory_space<vmem>>
        %dma_start3A_56 = arith.constant 0 : i32
        %dma_start3A_57 = tpu.memref_slice %arg3[%add3A_15, %dma_start3A_56] : memref<2560x128xi32, #tpu.memory_space<hbm>> -> memref<16x128xi32, #tpu.memory_space<hbm>>
        tpu.enqueue_dma source(%dma_start3A_57 : memref<16x128xi32, #tpu.memory_space<hbm>>) target(%dma_start3A_55 : memref<16x128xi32, #tpu.memory_space<vmem>>) target_semaphore(%run_scoped3A : memref<!tpu.dma_semaphore, #tpu.memory_space<semaphore_mem>>)
        %dma_wait3A = arith.constant 0 : i32
        %dma_wait3A_58 = arith.constant 0 : i32
        %dma_wait3A_59 = tpu.memref_slice %arg7[%dma_wait3A, %dma_wait3A_58] : memref<48x128xi32, #tpu.memory_space<vmem>> -> memref<16x128xi32, #tpu.memory_space<vmem>>
        %dma_wait3A_60 = arith.constant 0 : i32
        %dma_wait3A_61 = tpu.memref_slice %arg3[%add3A_15, %dma_wait3A_60] : memref<2560x128xi32, #tpu.memory_space<hbm>> -> memref<16x128xi32, #tpu.memory_space<hbm>>
        %dma_wait3A_62 = arith.constant 0 : i32
        %dma_wait3A_63 = arith.constant 0 : i32
        %dma_wait3A_64 = tpu.memref_slice %arg7[%dma_wait3A_62, %dma_wait3A_63] : memref<48x128xi32, #tpu.memory_space<vmem>> -> memref<16x128xi32, #tpu.memory_space<vmem>>
        %dma_wait3A_65 = arith.constant 0 : i32
        %dma_wait3A_66 = tpu.memref_slice %arg3[%add3A_15, %dma_wait3A_65] : memref<2560x128xi32, #tpu.memory_space<hbm>> -> memref<16x128xi32, #tpu.memory_space<hbm>>
        tpu.wait_dma2 semaphore(%run_scoped3A : memref<!tpu.dma_semaphore, #tpu.memory_space<semaphore_mem>>) src(%dma_wait3A_66 : memref<16x128xi32, #tpu.memory_space<hbm>>) dst(%dma_wait3A_64 : memref<16x128xi32, #tpu.memory_space<vmem>>)
        tpu.yield
      }) : () -> ()
      "tpu.region"() ({
        %run_scoped3A = tpu.sem_alloc : memref<!tpu.dma_semaphore, #tpu.memory_space<semaphore_mem>>
        %dma_start3A_48 = arith.constant 0 : i32
        %dma_start3A_49 = arith.constant 0 : i32
        %dma_start3A_50 = tpu.memref_slice %arg8[%dma_start3A_48, %dma_start3A_49] : memref<48x128xi32, #tpu.memory_space<vmem>> -> memref<16x128xi32, #tpu.memory_space<vmem>>
        %dma_start3A_51 = arith.constant 0 : i32
        %dma_start3A_52 = tpu.memref_slice %arg4[%add3A_15, %dma_start3A_51] : memref<2560x128xi32, #tpu.memory_space<hbm>> -> memref<16x128xi32, #tpu.memory_space<hbm>>
        %dma_start3A_53 = arith.constant 0 : i32
        %dma_start3A_54 = arith.constant 0 : i32
        %dma_start3A_55 = tpu.memref_slice %arg8[%dma_start3A_53, %dma_start3A_54] : memref<48x128xi32, #tpu.memory_space<vmem>> -> memref<16x128xi32, #tpu.memory_space<vmem>>
        %dma_start3A_56 = arith.constant 0 : i32
        %dma_start3A_57 = tpu.memref_slice %arg4[%add3A_15, %dma_start3A_56] : memref<2560x128xi32, #tpu.memory_space<hbm>> -> memref<16x128xi32, #tpu.memory_space<hbm>>
        tpu.enqueue_dma source(%dma_start3A_57 : memref<16x128xi32, #tpu.memory_space<hbm>>) target(%dma_start3A_55 : memref<16x128xi32, #tpu.memory_space<vmem>>) target_semaphore(%run_scoped3A : memref<!tpu.dma_semaphore, #tpu.memory_space<semaphore_mem>>)
        %dma_wait3A = arith.constant 0 : i32
        %dma_wait3A_58 = arith.constant 0 : i32
        %dma_wait3A_59 = tpu.memref_slice %arg8[%dma_wait3A, %dma_wait3A_58] : memref<48x128xi32, #tpu.memory_space<vmem>> -> memref<16x128xi32, #tpu.memory_space<vmem>>
        %dma_wait3A_60 = arith.constant 0 : i32
        %dma_wait3A_61 = tpu.memref_slice %arg4[%add3A_15, %dma_wait3A_60] : memref<2560x128xi32, #tpu.memory_space<hbm>> -> memref<16x128xi32, #tpu.memory_space<hbm>>
        %dma_wait3A_62 = arith.constant 0 : i32
        %dma_wait3A_63 = arith.constant 0 : i32
        %dma_wait3A_64 = tpu.memref_slice %arg8[%dma_wait3A_62, %dma_wait3A_63] : memref<48x128xi32, #tpu.memory_space<vmem>> -> memref<16x128xi32, #tpu.memory_space<vmem>>
        %dma_wait3A_65 = arith.constant 0 : i32
        %dma_wait3A_66 = tpu.memref_slice %arg4[%add3A_15, %dma_wait3A_65] : memref<2560x128xi32, #tpu.memory_space<hbm>> -> memref<16x128xi32, #tpu.memory_space<hbm>>
        tpu.wait_dma2 semaphore(%run_scoped3A : memref<!tpu.dma_semaphore, #tpu.memory_space<semaphore_mem>>) src(%dma_wait3A_66 : memref<16x128xi32, #tpu.memory_space<hbm>>) dst(%dma_wait3A_64 : memref<16x128xi32, #tpu.memory_space<vmem>>)
        tpu.yield
      }) : () -> ()
      %dma_start3A = arith.constant 0 : i32
      %dma_start3A_16 = arith.constant 0 : i32
      %dma_start3A_17 = tpu.memref_slice %arg7[%dma_start3A, %dma_start3A_16] : memref<48x128xi32, #tpu.memory_space<vmem>> -> memref<1x128xi32, #tpu.memory_space<vmem>>
      %dma_start3A_18 = tpu.memref_squeeze %dma_start3A_17 : memref<1x128xi32, #tpu.memory_space<vmem>> -> memref<128xi32, #tpu.memory_space<vmem>>
      %dma_start3A_19 = arith.constant 0 : i32
      %dma_start3A_20 = arith.constant 0 : i32
      %dma_start3A_21 = tpu.memref_slice %arg2[%dma_start3A_19, %dma_start3A_20] : memref<10240x64xf32, #tpu.memory_space<hbm>> -> memref<10240x64xf32, #tpu.memory_space<hbm>>
      tpu.enqueue_indirect_dma source(%dma_start3A_21 : memref<10240x64xf32, #tpu.memory_space<hbm>>) target(%arg9 : memref<128x64xf32, #tpu.memory_space<vmem>>) offsets(%dma_start3A_18 : memref<128xi32, #tpu.memory_space<vmem>>) semaphore(%arg14 : memref<!tpu.dma_semaphore, #tpu.memory_space<semaphore_mem>>)
      %dma_start3A_22 = arith.constant 1 : i32
      %dma_start3A_23 = arith.constant 0 : i32
      %dma_start3A_24 = tpu.memref_slice %arg7[%dma_start3A_22, %dma_start3A_23] : memref<48x128xi32, #tpu.memory_space<vmem>> -> memref<1x128xi32, #tpu.memory_space<vmem>>
      %dma_start3A_25 = tpu.memref_squeeze %dma_start3A_24 : memref<1x128xi32, #tpu.memory_space<vmem>> -> memref<128xi32, #tpu.memory_space<vmem>>
      %dma_start3A_26 = arith.constant 0 : i32
      %dma_start3A_27 = arith.constant 0 : i32
      %dma_start3A_28 = tpu.memref_slice %arg2[%dma_start3A_26, %dma_start3A_27] : memref<10240x64xf32, #tpu.memory_space<hbm>> -> memref<10240x64xf32, #tpu.memory_space<hbm>>
      tpu.enqueue_indirect_dma source(%dma_start3A_28 : memref<10240x64xf32, #tpu.memory_space<hbm>>) target(%arg10 : memref<128x64xf32, #tpu.memory_space<vmem>>) offsets(%dma_start3A_25 : memref<128xi32, #tpu.memory_space<vmem>>) semaphore(%arg15 : memref<!tpu.dma_semaphore, #tpu.memory_space<semaphore_mem>>)
      %dma_start3A_29 = arith.constant 2 : i32
      %dma_start3A_30 = arith.constant 0 : i32
      %dma_start3A_31 = tpu.memref_slice %arg7[%dma_start3A_29, %dma_start3A_30] : memref<48x128xi32, #tpu.memory_space<vmem>> -> memref<1x128xi32, #tpu.memory_space<vmem>>
      %dma_start3A_32 = tpu.memref_squeeze %dma_start3A_31 : memref<1x128xi32, #tpu.memory_space<vmem>> -> memref<128xi32, #tpu.memory_space<vmem>>
      %dma_start3A_33 = arith.constant 0 : i32
      %dma_start3A_34 = arith.constant 0 : i32
      %dma_start3A_35 = tpu.memref_slice %arg2[%dma_start3A_33, %dma_start3A_34] : memref<10240x64xf32, #tpu.memory_space<hbm>> -> memref<10240x64xf32, #tpu.memory_space<hbm>>
      tpu.enqueue_indirect_dma source(%dma_start3A_35 : memref<10240x64xf32, #tpu.memory_space<hbm>>) target(%arg11 : memref<128x64xf32, #tpu.memory_space<vmem>>) offsets(%dma_start3A_32 : memref<128xi32, #tpu.memory_space<vmem>>) semaphore(%arg16 : memref<!tpu.dma_semaphore, #tpu.memory_space<semaphore_mem>>)
      %dma_start3A_36 = arith.constant 3 : i32
      %dma_start3A_37 = arith.constant 0 : i32
      %dma_start3A_38 = tpu.memref_slice %arg7[%dma_start3A_36, %dma_start3A_37] : memref<48x128xi32, #tpu.memory_space<vmem>> -> memref<1x128xi32, #tpu.memory_space<vmem>>
      %dma_start3A_39 = tpu.memref_squeeze %dma_start3A_38 : memref<1x128xi32, #tpu.memory_space<vmem>> -> memref<128xi32, #tpu.memory_space<vmem>>
      %dma_start3A_40 = arith.constant 0 : i32
      %dma_start3A_41 = arith.constant 0 : i32
      %dma_start3A_42 = tpu.memref_slice %arg2[%dma_start3A_40, %dma_start3A_41] : memref<10240x64xf32, #tpu.memory_space<hbm>> -> memref<10240x64xf32, #tpu.memory_space<hbm>>
      tpu.enqueue_indirect_dma source(%dma_start3A_42 : memref<10240x64xf32, #tpu.memory_space<hbm>>) target(%arg12 : memref<128x64xf32, #tpu.memory_space<vmem>>) offsets(%dma_start3A_39 : memref<128xi32, #tpu.memory_space<vmem>>) semaphore(%arg17 : memref<!tpu.dma_semaphore, #tpu.memory_space<semaphore_mem>>)
      %scan3A = arith.constant 0 : i32
      %scan3A_43 = arith.constant 0 : i32
      %scan3A_44 = arith.constant 4 : i32
      %scan3A_45 = arith.addi %scan3A_43, %scan3A_44 : i32
      %scan3A_46 = arith.constant 1 : i32
      scf.for %scan3A_48 = %scan3A_43 to %scan3A_45 step %scan3A_46  : i32 {
        %mul3A_49 = arith.constant 4 : i32
        %mul3A_50 = arith.muli %scan3A_48, %mul3A_49 : i32
        %add3A_51 = arith.constant 0 : i32
        %add3A_52 = arith.addi %mul3A_50, %add3A_51 : i32
        %dma_wait3A = arith.constant 0 : i32
        %dma_wait3A_53 = arith.constant 0 : i32
        %dma_wait3A_54 = tpu.memref_slice %arg2[%dma_wait3A, %dma_wait3A_53] : memref<10240x64xf32, #tpu.memory_space<hbm>> -> memref<128x64xf32, #tpu.memory_space<hbm>>
        %dma_wait3A_55 = arith.constant 0 : i32
        %dma_wait3A_56 = arith.constant 0 : i32
        %dma_wait3A_57 = tpu.memref_slice %arg2[%dma_wait3A_55, %dma_wait3A_56] : memref<10240x64xf32, #tpu.memory_space<hbm>> -> memref<128x64xf32, #tpu.memory_space<hbm>>
        tpu.wait_dma2 semaphore(%arg14 : memref<!tpu.dma_semaphore, #tpu.memory_space<semaphore_mem>>) src(%dma_wait3A_57 : memref<128x64xf32, #tpu.memory_space<hbm>>) dst(%arg9 : memref<128x64xf32, #tpu.memory_space<vmem>>)
        "tpu.region"() ({
          %run_scoped3A = tpu.sem_alloc : memref<!tpu.dma_semaphore, #tpu.memory_space<semaphore_mem>>
          %dma_start3A_115 = arith.constant 0 : i32
          %dma_start3A_116 = tpu.memref_slice %arg8[%add3A_52, %dma_start3A_115] : memref<48x128xi32, #tpu.memory_space<vmem>> -> memref<1x128xi32, #tpu.memory_space<vmem>>
          %dma_start3A_117 = tpu.memref_squeeze %dma_start3A_116 : memref<1x128xi32, #tpu.memory_space<vmem>> -> memref<128xi32, #tpu.memory_space<vmem>>
          %dma_start3A_118 = arith.constant 0 : i32
          %dma_start3A_119 = arith.constant 0 : i32
          %dma_start3A_120 = tpu.memref_slice %arg13[%dma_start3A_118, %dma_start3A_119] : memref<10240x64xf32, #tpu.memory_space<vmem_shared>> -> memref<10240x64xf32, #tpu.memory_space<vmem_shared>>
          tpu.enqueue_indirect_dma source(%arg9 : memref<128x64xf32, #tpu.memory_space<vmem>>) target(%dma_start3A_120 : memref<10240x64xf32, #tpu.memory_space<vmem_shared>>) offsets(%dma_start3A_117 : memref<128xi32, #tpu.memory_space<vmem>>) semaphore(%run_scoped3A : memref<!tpu.dma_semaphore, #tpu.memory_space<semaphore_mem>>) {add = true}
          %dma_wait3A_121 = arith.constant 0 : i32
          %dma_wait3A_122 = tpu.memref_slice %arg8[%add3A_52, %dma_wait3A_121] : memref<48x128xi32, #tpu.memory_space<vmem>> -> memref<1x128xi32, #tpu.memory_space<vmem>>
          %dma_wait3A_123 = tpu.memref_squeeze %dma_wait3A_122 : memref<1x128xi32, #tpu.memory_space<vmem>> -> memref<128xi32, #tpu.memory_space<vmem>>
          %dma_wait3A_124 = arith.constant 0 : i32
          %dma_wait3A_125 = arith.constant 0 : i32
          %dma_wait3A_126 = tpu.memref_slice %arg13[%dma_wait3A_124, %dma_wait3A_125] : memref<10240x64xf32, #tpu.memory_space<vmem_shared>> -> memref<10240x64xf32, #tpu.memory_space<vmem_shared>>
          tpu.wait_indirect_dma semaphore(%run_scoped3A : memref<!tpu.dma_semaphore, #tpu.memory_space<semaphore_mem>>) src(%arg9 : memref<128x64xf32, #tpu.memory_space<vmem>>) dst(%dma_wait3A_126 : memref<10240x64xf32, #tpu.memory_space<vmem_shared>>)
          tpu.yield
        }) : () -> ()
        %add3A_58 = arith.constant 4 : i32
        %add3A_59 = arith.addi %add3A_52, %add3A_58 : i32
        %lt3A = arith.constant 16 : i32
        %lt3A_60 = arith.cmpi slt, %add3A_59, %lt3A : i32
        %convert_element_type3A_61 = arith.extui %lt3A_60 : i1 to i32
        %cond3A_62 = arith.constant 0 : i32
        %cond3A_63 = arith.cmpi ne, %convert_element_type3A_61, %cond3A_62 : i32
        scf.if %cond3A_63 {
          %add3A_115 = arith.constant 4 : i32
          %add3A_116 = arith.addi %add3A_52, %add3A_115 : i32
          %dma_start3A_117 = arith.constant 0 : i32
          %dma_start3A_118 = tpu.memref_slice %arg7[%add3A_116, %dma_start3A_117] : memref<48x128xi32, #tpu.memory_space<vmem>> -> memref<1x128xi32, #tpu.memory_space<vmem>>
          %dma_start3A_119 = tpu.memref_squeeze %dma_start3A_118 : memref<1x128xi32, #tpu.memory_space<vmem>> -> memref<128xi32, #tpu.memory_space<vmem>>
          %dma_start3A_120 = arith.constant 0 : i32
          %dma_start3A_121 = arith.constant 0 : i32
          %dma_start3A_122 = tpu.memref_slice %arg2[%dma_start3A_120, %dma_start3A_121] : memref<10240x64xf32, #tpu.memory_space<hbm>> -> memref<10240x64xf32, #tpu.memory_space<hbm>>
          tpu.enqueue_indirect_dma source(%dma_start3A_122 : memref<10240x64xf32, #tpu.memory_space<hbm>>) target(%arg9 : memref<128x64xf32, #tpu.memory_space<vmem>>) offsets(%dma_start3A_119 : memref<128xi32, #tpu.memory_space<vmem>>) semaphore(%arg14 : memref<!tpu.dma_semaphore, #tpu.memory_space<semaphore_mem>>)
        } else {
        }
        %mul3A_64 = arith.constant 4 : i32
        %mul3A_65 = arith.muli %scan3A_48, %mul3A_64 : i32
        %add3A_66 = arith.constant 1 : i32
        %add3A_67 = arith.addi %mul3A_65, %add3A_66 : i32
        %dma_wait3A_68 = arith.constant 0 : i32
        %dma_wait3A_69 = arith.constant 0 : i32
        %dma_wait3A_70 = tpu.memref_slice %arg2[%dma_wait3A_68, %dma_wait3A_69] : memref<10240x64xf32, #tpu.memory_space<hbm>> -> memref<128x64xf32, #tpu.memory_space<hbm>>
        %dma_wait3A_71 = arith.constant 0 : i32
        %dma_wait3A_72 = arith.constant 0 : i32
        %dma_wait3A_73 = tpu.memref_slice %arg2[%dma_wait3A_71, %dma_wait3A_72] : memref<10240x64xf32, #tpu.memory_space<hbm>> -> memref<128x64xf32, #tpu.memory_space<hbm>>
        tpu.wait_dma2 semaphore(%arg15 : memref<!tpu.dma_semaphore, #tpu.memory_space<semaphore_mem>>) src(%dma_wait3A_73 : memref<128x64xf32, #tpu.memory_space<hbm>>) dst(%arg10 : memref<128x64xf32, #tpu.memory_space<vmem>>)
        "tpu.region"() ({
          %run_scoped3A = tpu.sem_alloc : memref<!tpu.dma_semaphore, #tpu.memory_space<semaphore_mem>>
          %dma_start3A_115 = arith.constant 0 : i32
          %dma_start3A_116 = tpu.memref_slice %arg8[%add3A_67, %dma_start3A_115] : memref<48x128xi32, #tpu.memory_space<vmem>> -> memref<1x128xi32, #tpu.memory_space<vmem>>
          %dma_start3A_117 = tpu.memref_squeeze %dma_start3A_116 : memref<1x128xi32, #tpu.memory_space<vmem>> -> memref<128xi32, #tpu.memory_space<vmem>>
          %dma_start3A_118 = arith.constant 0 : i32
          %dma_start3A_119 = arith.constant 0 : i32
          %dma_start3A_120 = tpu.memref_slice %arg13[%dma_start3A_118, %dma_start3A_119] : memref<10240x64xf32, #tpu.memory_space<vmem_shared>> -> memref<10240x64xf32, #tpu.memory_space<vmem_shared>>
          tpu.enqueue_indirect_dma source(%arg10 : memref<128x64xf32, #tpu.memory_space<vmem>>) target(%dma_start3A_120 : memref<10240x64xf32, #tpu.memory_space<vmem_shared>>) offsets(%dma_start3A_117 : memref<128xi32, #tpu.memory_space<vmem>>) semaphore(%run_scoped3A : memref<!tpu.dma_semaphore, #tpu.memory_space<semaphore_mem>>) {add = true}
          %dma_wait3A_121 = arith.constant 0 : i32
          %dma_wait3A_122 = tpu.memref_slice %arg8[%add3A_67, %dma_wait3A_121] : memref<48x128xi32, #tpu.memory_space<vmem>> -> memref<1x128xi32, #tpu.memory_space<vmem>>
          %dma_wait3A_123 = tpu.memref_squeeze %dma_wait3A_122 : memref<1x128xi32, #tpu.memory_space<vmem>> -> memref<128xi32, #tpu.memory_space<vmem>>
          %dma_wait3A_124 = arith.constant 0 : i32
          %dma_wait3A_125 = arith.constant 0 : i32
          %dma_wait3A_126 = tpu.memref_slice %arg13[%dma_wait3A_124, %dma_wait3A_125] : memref<10240x64xf32, #tpu.memory_space<vmem_shared>> -> memref<10240x64xf32, #tpu.memory_space<vmem_shared>>
          tpu.wait_indirect_dma semaphore(%run_scoped3A : memref<!tpu.dma_semaphore, #tpu.memory_space<semaphore_mem>>) src(%arg10 : memref<128x64xf32, #tpu.memory_space<vmem>>) dst(%dma_wait3A_126 : memref<10240x64xf32, #tpu.memory_space<vmem_shared>>)
          tpu.yield
        }) : () -> ()
        %add3A_74 = arith.constant 4 : i32
        %add3A_75 = arith.addi %add3A_67, %add3A_74 : i32
        %lt3A_76 = arith.constant 16 : i32
        %lt3A_77 = arith.cmpi slt, %add3A_75, %lt3A_76 : i32
        %convert_element_type3A_78 = arith.extui %lt3A_77 : i1 to i32
        %cond3A_79 = arith.constant 0 : i32
        %cond3A_80 = arith.cmpi ne, %convert_element_type3A_78, %cond3A_79 : i32
        scf.if %cond3A_80 {
          %add3A_115 = arith.constant 4 : i32
          %add3A_116 = arith.addi %add3A_67, %add3A_115 : i32
          %dma_start3A_117 = arith.constant 0 : i32
          %dma_start3A_118 = tpu.memref_slice %arg7[%add3A_116, %dma_start3A_117] : memref<48x128xi32, #tpu.memory_space<vmem>> -> memref<1x128xi32, #tpu.memory_space<vmem>>
          %dma_start3A_119 = tpu.memref_squeeze %dma_start3A_118 : memref<1x128xi32, #tpu.memory_space<vmem>> -> memref<128xi32, #tpu.memory_space<vmem>>
          %dma_start3A_120 = arith.constant 0 : i32
          %dma_start3A_121 = arith.constant 0 : i32
          %dma_start3A_122 = tpu.memref_slice %arg2[%dma_start3A_120, %dma_start3A_121] : memref<10240x64xf32, #tpu.memory_space<hbm>> -> memref<10240x64xf32, #tpu.memory_space<hbm>>
          tpu.enqueue_indirect_dma source(%dma_start3A_122 : memref<10240x64xf32, #tpu.memory_space<hbm>>) target(%arg10 : memref<128x64xf32, #tpu.memory_space<vmem>>) offsets(%dma_start3A_119 : memref<128xi32, #tpu.memory_space<vmem>>) semaphore(%arg15 : memref<!tpu.dma_semaphore, #tpu.memory_space<semaphore_mem>>)
        } else {
        }
        %mul3A_81 = arith.constant 4 : i32
        %mul3A_82 = arith.muli %scan3A_48, %mul3A_81 : i32
        %add3A_83 = arith.constant 2 : i32
        %add3A_84 = arith.addi %mul3A_82, %add3A_83 : i32
        %dma_wait3A_85 = arith.constant 0 : i32
        %dma_wait3A_86 = arith.constant 0 : i32
        %dma_wait3A_87 = tpu.memref_slice %arg2[%dma_wait3A_85, %dma_wait3A_86] : memref<10240x64xf32, #tpu.memory_space<hbm>> -> memref<128x64xf32, #tpu.memory_space<hbm>>
        %dma_wait3A_88 = arith.constant 0 : i32
        %dma_wait3A_89 = arith.constant 0 : i32
        %dma_wait3A_90 = tpu.memref_slice %arg2[%dma_wait3A_88, %dma_wait3A_89] : memref<10240x64xf32, #tpu.memory_space<hbm>> -> memref<128x64xf32, #tpu.memory_space<hbm>>
        tpu.wait_dma2 semaphore(%arg16 : memref<!tpu.dma_semaphore, #tpu.memory_space<semaphore_mem>>) src(%dma_wait3A_90 : memref<128x64xf32, #tpu.memory_space<hbm>>) dst(%arg11 : memref<128x64xf32, #tpu.memory_space<vmem>>)
        "tpu.region"() ({
          %run_scoped3A = tpu.sem_alloc : memref<!tpu.dma_semaphore, #tpu.memory_space<semaphore_mem>>
          %dma_start3A_115 = arith.constant 0 : i32
          %dma_start3A_116 = tpu.memref_slice %arg8[%add3A_84, %dma_start3A_115] : memref<48x128xi32, #tpu.memory_space<vmem>> -> memref<1x128xi32, #tpu.memory_space<vmem>>
          %dma_start3A_117 = tpu.memref_squeeze %dma_start3A_116 : memref<1x128xi32, #tpu.memory_space<vmem>> -> memref<128xi32, #tpu.memory_space<vmem>>
          %dma_start3A_118 = arith.constant 0 : i32
          %dma_start3A_119 = arith.constant 0 : i32
          %dma_start3A_120 = tpu.memref_slice %arg13[%dma_start3A_118, %dma_start3A_119] : memref<10240x64xf32, #tpu.memory_space<vmem_shared>> -> memref<10240x64xf32, #tpu.memory_space<vmem_shared>>
          tpu.enqueue_indirect_dma source(%arg11 : memref<128x64xf32, #tpu.memory_space<vmem>>) target(%dma_start3A_120 : memref<10240x64xf32, #tpu.memory_space<vmem_shared>>) offsets(%dma_start3A_117 : memref<128xi32, #tpu.memory_space<vmem>>) semaphore(%run_scoped3A : memref<!tpu.dma_semaphore, #tpu.memory_space<semaphore_mem>>) {add = true}
          %dma_wait3A_121 = arith.constant 0 : i32
          %dma_wait3A_122 = tpu.memref_slice %arg8[%add3A_84, %dma_wait3A_121] : memref<48x128xi32, #tpu.memory_space<vmem>> -> memref<1x128xi32, #tpu.memory_space<vmem>>
          %dma_wait3A_123 = tpu.memref_squeeze %dma_wait3A_122 : memref<1x128xi32, #tpu.memory_space<vmem>> -> memref<128xi32, #tpu.memory_space<vmem>>
          %dma_wait3A_124 = arith.constant 0 : i32
          %dma_wait3A_125 = arith.constant 0 : i32
          %dma_wait3A_126 = tpu.memref_slice %arg13[%dma_wait3A_124, %dma_wait3A_125] : memref<10240x64xf32, #tpu.memory_space<vmem_shared>> -> memref<10240x64xf32, #tpu.memory_space<vmem_shared>>
          tpu.wait_indirect_dma semaphore(%run_scoped3A : memref<!tpu.dma_semaphore, #tpu.memory_space<semaphore_mem>>) src(%arg11 : memref<128x64xf32, #tpu.memory_space<vmem>>) dst(%dma_wait3A_126 : memref<10240x64xf32, #tpu.memory_space<vmem_shared>>)
          tpu.yield
        }) : () -> ()
        %add3A_91 = arith.constant 4 : i32
        %add3A_92 = arith.addi %add3A_84, %add3A_91 : i32
        %lt3A_93 = arith.constant 16 : i32
        %lt3A_94 = arith.cmpi slt, %add3A_92, %lt3A_93 : i32
        %convert_element_type3A_95 = arith.extui %lt3A_94 : i1 to i32
        %cond3A_96 = arith.constant 0 : i32
        %cond3A_97 = arith.cmpi ne, %convert_element_type3A_95, %cond3A_96 : i32
        scf.if %cond3A_97 {
          %add3A_115 = arith.constant 4 : i32
          %add3A_116 = arith.addi %add3A_84, %add3A_115 : i32
          %dma_start3A_117 = arith.constant 0 : i32
          %dma_start3A_118 = tpu.memref_slice %arg7[%add3A_116, %dma_start3A_117] : memref<48x128xi32, #tpu.memory_space<vmem>> -> memref<1x128xi32, #tpu.memory_space<vmem>>
          %dma_start3A_119 = tpu.memref_squeeze %dma_start3A_118 : memref<1x128xi32, #tpu.memory_space<vmem>> -> memref<128xi32, #tpu.memory_space<vmem>>
          %dma_start3A_120 = arith.constant 0 : i32
          %dma_start3A_121 = arith.constant 0 : i32
          %dma_start3A_122 = tpu.memref_slice %arg2[%dma_start3A_120, %dma_start3A_121] : memref<10240x64xf32, #tpu.memory_space<hbm>> -> memref<10240x64xf32, #tpu.memory_space<hbm>>
          tpu.enqueue_indirect_dma source(%dma_start3A_122 : memref<10240x64xf32, #tpu.memory_space<hbm>>) target(%arg11 : memref<128x64xf32, #tpu.memory_space<vmem>>) offsets(%dma_start3A_119 : memref<128xi32, #tpu.memory_space<vmem>>) semaphore(%arg16 : memref<!tpu.dma_semaphore, #tpu.memory_space<semaphore_mem>>)
        } else {
        }
        %mul3A_98 = arith.constant 4 : i32
        %mul3A_99 = arith.muli %scan3A_48, %mul3A_98 : i32
        %add3A_100 = arith.constant 3 : i32
        %add3A_101 = arith.addi %mul3A_99, %add3A_100 : i32
        %dma_wait3A_102 = arith.constant 0 : i32
        %dma_wait3A_103 = arith.constant 0 : i32
        %dma_wait3A_104 = tpu.memref_slice %arg2[%dma_wait3A_102, %dma_wait3A_103] : memref<10240x64xf32, #tpu.memory_space<hbm>> -> memref<128x64xf32, #tpu.memory_space<hbm>>
        %dma_wait3A_105 = arith.constant 0 : i32
        %dma_wait3A_106 = arith.constant 0 : i32
        %dma_wait3A_107 = tpu.memref_slice %arg2[%dma_wait3A_105, %dma_wait3A_106] : memref<10240x64xf32, #tpu.memory_space<hbm>> -> memref<128x64xf32, #tpu.memory_space<hbm>>
        tpu.wait_dma2 semaphore(%arg17 : memref<!tpu.dma_semaphore, #tpu.memory_space<semaphore_mem>>) src(%dma_wait3A_107 : memref<128x64xf32, #tpu.memory_space<hbm>>) dst(%arg12 : memref<128x64xf32, #tpu.memory_space<vmem>>)
        "tpu.region"() ({
          %run_scoped3A = tpu.sem_alloc : memref<!tpu.dma_semaphore, #tpu.memory_space<semaphore_mem>>
          %dma_start3A_115 = arith.constant 0 : i32
          %dma_start3A_116 = tpu.memref_slice %arg8[%add3A_101, %dma_start3A_115] : memref<48x128xi32, #tpu.memory_space<vmem>> -> memref<1x128xi32, #tpu.memory_space<vmem>>
          %dma_start3A_117 = tpu.memref_squeeze %dma_start3A_116 : memref<1x128xi32, #tpu.memory_space<vmem>> -> memref<128xi32, #tpu.memory_space<vmem>>
          %dma_start3A_118 = arith.constant 0 : i32
          %dma_start3A_119 = arith.constant 0 : i32
          %dma_start3A_120 = tpu.memref_slice %arg13[%dma_start3A_118, %dma_start3A_119] : memref<10240x64xf32, #tpu.memory_space<vmem_shared>> -> memref<10240x64xf32, #tpu.memory_space<vmem_shared>>
          tpu.enqueue_indirect_dma source(%arg12 : memref<128x64xf32, #tpu.memory_space<vmem>>) target(%dma_start3A_120 : memref<10240x64xf32, #tpu.memory_space<vmem_shared>>) offsets(%dma_start3A_117 : memref<128xi32, #tpu.memory_space<vmem>>) semaphore(%run_scoped3A : memref<!tpu.dma_semaphore, #tpu.memory_space<semaphore_mem>>) {add = true}
          %dma_wait3A_121 = arith.constant 0 : i32
          %dma_wait3A_122 = tpu.memref_slice %arg8[%add3A_101, %dma_wait3A_121] : memref<48x128xi32, #tpu.memory_space<vmem>> -> memref<1x128xi32, #tpu.memory_space<vmem>>
          %dma_wait3A_123 = tpu.memref_squeeze %dma_wait3A_122 : memref<1x128xi32, #tpu.memory_space<vmem>> -> memref<128xi32, #tpu.memory_space<vmem>>
          %dma_wait3A_124 = arith.constant 0 : i32
          %dma_wait3A_125 = arith.constant 0 : i32
          %dma_wait3A_126 = tpu.memref_slice %arg13[%dma_wait3A_124, %dma_wait3A_125] : memref<10240x64xf32, #tpu.memory_space<vmem_shared>> -> memref<10240x64xf32, #tpu.memory_space<vmem_shared>>
          tpu.wait_indirect_dma semaphore(%run_scoped3A : memref<!tpu.dma_semaphore, #tpu.memory_space<semaphore_mem>>) src(%arg12 : memref<128x64xf32, #tpu.memory_space<vmem>>) dst(%dma_wait3A_126 : memref<10240x64xf32, #tpu.memory_space<vmem_shared>>)
          tpu.yield
        }) : () -> ()
        %add3A_108 = arith.constant 4 : i32
        %add3A_109 = arith.addi %add3A_101, %add3A_108 : i32
        %lt3A_110 = arith.constant 16 : i32
        %lt3A_111 = arith.cmpi slt, %add3A_109, %lt3A_110 : i32
        %convert_element_type3A_112 = arith.extui %lt3A_111 : i1 to i32
        %cond3A_113 = arith.constant 0 : i32
        %cond3A_114 = arith.cmpi ne, %convert_element_type3A_112, %cond3A_113 : i32
        scf.if %cond3A_114 {
          %add3A_115 = arith.constant 4 : i32
          %add3A_116 = arith.addi %add3A_101, %add3A_115 : i32
          %dma_start3A_117 = arith.constant 0 : i32
          %dma_start3A_118 = tpu.memref_slice %arg7[%add3A_116, %dma_start3A_117] : memref<48x128xi32, #tpu.memory_space<vmem>> -> memref<1x128xi32, #tpu.memory_space<vmem>>
          %dma_start3A_119 = tpu.memref_squeeze %dma_start3A_118 : memref<1x128xi32, #tpu.memory_space<vmem>> -> memref<128xi32, #tpu.memory_space<vmem>>
          %dma_start3A_120 = arith.constant 0 : i32
          %dma_start3A_121 = arith.constant 0 : i32
          %dma_start3A_122 = tpu.memref_slice %arg2[%dma_start3A_120, %dma_start3A_121] : memref<10240x64xf32, #tpu.memory_space<hbm>> -> memref<10240x64xf32, #tpu.memory_space<hbm>>
          tpu.enqueue_indirect_dma source(%dma_start3A_122 : memref<10240x64xf32, #tpu.memory_space<hbm>>) target(%arg12 : memref<128x64xf32, #tpu.memory_space<vmem>>) offsets(%dma_start3A_119 : memref<128xi32, #tpu.memory_space<vmem>>) semaphore(%arg17 : memref<!tpu.dma_semaphore, #tpu.memory_space<semaphore_mem>>)
        } else {
        }
      }
      %scan3A_47 = arith.constant 4 : i32
    } else {
    }
    %barrier3A_8 = arith.constant 0 : index
    tpu.barrier barrier_id(%barrier3A_8)
    %mul3A_9 = arith.constant 640 : i32
    %mul3A_10 = arith.muli %arg1, %mul3A_9 : i32
    %mul3A_11 = arith.constant 640 : i32
    %mul3A_12 = arith.muli %arg1, %mul3A_11 : i32
    "tpu.region"() ({
      %run_scoped3A = tpu.sem_alloc : memref<!tpu.dma_semaphore, #tpu.memory_space<semaphore_mem>>
      %dma_start3A = arith.constant 0 : i32
      %dma_start3A_13 = tpu.memref_slice %arg6[%arg0, %mul3A_12, %dma_start3A] : memref<2x10240x64xf32, #tpu.memory_space<hbm>> -> memref<1x640x64xf32, #tpu.memory_space<hbm>>
      %dma_start3A_14 = tpu.memref_squeeze %dma_start3A_13 : memref<1x640x64xf32, #tpu.memory_space<hbm>> -> memref<640x64xf32, #tpu.memory_space<hbm>>
      %dma_start3A_15 = arith.constant 0 : i32
      %dma_start3A_16 = tpu.memref_slice %arg13[%mul3A_10, %dma_start3A_15] : memref<10240x64xf32, #tpu.memory_space<vmem_shared>> -> memref<640x64xf32, #tpu.memory_space<vmem_shared>>
      tpu.enqueue_dma source(%dma_start3A_16 : memref<640x64xf32, #tpu.memory_space<vmem_shared>>) target(%dma_start3A_14 : memref<640x64xf32, #tpu.memory_space<hbm>>) target_semaphore(%run_scoped3A : memref<!tpu.dma_semaphore, #tpu.memory_space<semaphore_mem>>)
      %dma_wait3A = arith.constant 0 : i32
      %dma_wait3A_17 = tpu.memref_slice %arg6[%arg0, %mul3A_12, %dma_wait3A] : memref<2x10240x64xf32, #tpu.memory_space<hbm>> -> memref<1x640x64xf32, #tpu.memory_space<hbm>>
      %dma_wait3A_18 = tpu.memref_squeeze %dma_wait3A_17 : memref<1x640x64xf32, #tpu.memory_space<hbm>> -> memref<640x64xf32, #tpu.memory_space<hbm>>
      %dma_wait3A_19 = arith.constant 0 : i32
      %dma_wait3A_20 = tpu.memref_slice %arg13[%mul3A_10, %dma_wait3A_19] : memref<10240x64xf32, #tpu.memory_space<vmem_shared>> -> memref<640x64xf32, #tpu.memory_space<vmem_shared>>
      tpu.wait_dma2 semaphore(%run_scoped3A : memref<!tpu.dma_semaphore, #tpu.memory_space<semaphore_mem>>) src(%dma_wait3A_20 : memref<640x64xf32, #tpu.memory_space<vmem_shared>>) dst(%dma_wait3A_18 : memref<640x64xf32, #tpu.memory_space<hbm>>)
      tpu.yield
    }) : () -> ()
    return
  }
}

module attributes {stable_mosaic.version = 14 : i64} {
  func.func @body(%arg0: i32, %arg1: memref<1000x8xf32, #tpu.memory_space<vmem>>, %arg2: memref<1000x8xf32, #tpu.memory_space<vmem>>, %arg3: memref<1000x128xf32, #tpu.memory_space<vmem>>, %arg4: memref<1000x128xf32, #tpu.memory_space<vmem>>, %arg5: memref<1000x8xf32, #tpu.memory_space<vmem>>) attributes {dimension_semantics = [#tpu.dimension_semantics<arbitrary>], iteration_bounds = array<i64: 10>, scalar_prefetch = 0 : i64, scratch_operands = 0 : i64, tpu.core_type = #tpu.core_type<tc>, window_params = [{transform_indices = @transform_0, window_bounds = array<i64: 1000, 8>}, {transform_indices = @transform_1, window_bounds = array<i64: 1000, 8>}, {transform_indices = @transform_2, window_bounds = array<i64: 1000, 128>}, {transform_indices = @transform_3, window_bounds = array<i64: 1000, 128>}, {transform_indices = @transform_4, window_bounds = array<i64: 1000, 8>}]} {
    %get3A = arith.constant 0 : index
    %get3A_0 = arith.constant 0 : index
    %get3A_1 = vector.load %arg1[%get3A, %get3A_0] : memref<1000x8xf32, #tpu.memory_space<vmem>>, vector<1000x8xf32>
    %get3A_2 = arith.constant 0 : index
    %get3A_3 = arith.constant 0 : index
    %get3A_4 = vector.load %arg2[%get3A_2, %get3A_3] : memref<1000x8xf32, #tpu.memory_space<vmem>>, vector<1000x8xf32>
    %add3A = arith.addf %get3A_1, %get3A_4 : vector<1000x8xf32>
    %add3A_5 = arith.constant 1.000000e+00 : f32
    %add3A_6 = vector.broadcast %add3A_5 : f32 to vector<1000x8xf32>
    %add3A_7 = arith.addf %add3A, %add3A_6 : vector<1000x8xf32>
    %rsqrt3A = math.rsqrt %add3A_7 : vector<1000x8xf32>
    %swap3A = arith.constant 0 : index
    %swap3A_8 = arith.constant 0 : index
    %swap3A_9 = vector.load %arg5[%swap3A, %swap3A_8] : memref<1000x8xf32, #tpu.memory_space<vmem>>, vector<1000x8xf32>
    tpu.vector_store %arg5[%swap3A, %swap3A_8], %rsqrt3A {strides = array<i32>} : memref<1000x8xf32, #tpu.memory_space<vmem>>, vector<1000x8xf32>,
    %get3A_10 = arith.constant 0 : index
    %get3A_11 = arith.constant 0 : index
    %get3A_12 = vector.load %arg3[%get3A_10, %get3A_11] : memref<1000x128xf32, #tpu.memory_space<vmem>>, vector<1000x128xf32>
    %slice3A = vector.extract_strided_slice %rsqrt3A {offsets = [0, 0], sizes = [1000, 1], strides = [1, 1]} : vector<1000x8xf32> to vector<1000x1xf32>
    %mul3A = vector.broadcast %slice3A : vector<1000x1xf32> to vector<1000x128xf32>
    %mul3A_13 = arith.mulf %get3A_12, %mul3A : vector<1000x128xf32>
    %swap3A_14 = arith.constant 0 : index
    %swap3A_15 = arith.constant 0 : index
    %swap3A_16 = vector.load %arg4[%swap3A_14, %swap3A_15] : memref<1000x128xf32, #tpu.memory_space<vmem>>, vector<1000x128xf32>
    tpu.vector_store %arg4[%swap3A_14, %swap3A_15], %mul3A_13 {strides = array<i32>} : memref<1000x128xf32, #tpu.memory_space<vmem>>, vector<1000x128xf32>,
    return
  }
  func.func @transform_0(%arg0: i32) -> (i32, i32) {
    %c0_i32 = arith.constant 0 : i32
    %c0_i32_0 = arith.constant 0 : i32
    return %arg0, %c0_i32 : i32, i32
  }
  func.func @transform_1(%arg0: i32) -> (i32, i32) {
    %c0_i32 = arith.constant 0 : i32
    %c0_i32_0 = arith.constant 0 : i32
    return %arg0, %c0_i32 : i32, i32
  }
  func.func @transform_2(%arg0: i32) -> (i32, i32) {
    %c0_i32 = arith.constant 0 : i32
    %c0_i32_0 = arith.constant 0 : i32
    return %arg0, %c0_i32 : i32, i32
  }
  func.func @transform_3(%arg0: i32) -> (i32, i32) {
    %c0_i32 = arith.constant 0 : i32
    %c0_i32_0 = arith.constant 0 : i32
    return %arg0, %c0_i32 : i32, i32
  }
  func.func @transform_4(%arg0: i32) -> (i32, i32) {
    %c0_i32 = arith.constant 0 : i32
    %c0_i32_0 = arith.constant 0 : i32
    return %arg0, %c0_i32 : i32, i32
  }
}

module attributes {stable_mosaic.version = 14 : i64} {
  func.func @body(%arg0: i32, %arg1: memref<1000x128xf32, #tpu.memory_space<vmem>>, %arg2: memref<1000x128xf32, #tpu.memory_space<vmem>>, %arg3: memref<1000x128xf32, #tpu.memory_space<vmem>>, %arg4: memref<1000x8xf32, #tpu.memory_space<vmem>>, %arg5: memref<128x256xf32, #tpu.memory_space<vmem>>, %arg6: memref<1x256xf32, #tpu.memory_space<vmem>>, %arg7: memref<256x64xf32, #tpu.memory_space<vmem>>, %arg8: memref<1000x64xf32, #tpu.memory_space<vmem>>) attributes {dimension_semantics = [#tpu.dimension_semantics<arbitrary>], iteration_bounds = array<i64: 10>, scalar_prefetch = 0 : i64, scratch_operands = 0 : i64, tpu.core_type = #tpu.core_type<tc>, window_params = [{transform_indices = @transform_0, window_bounds = array<i64: 1000, 128>}, {transform_indices = @transform_1, window_bounds = array<i64: 1000, 128>}, {transform_indices = @transform_2, window_bounds = array<i64: 1000, 128>}, {transform_indices = @transform_3, window_bounds = array<i64: 1000, 8>}, {pipeline_mode = #tpu.pipeline_mode<synchronous>, transform_indices = @transform_4, window_bounds = array<i64: 128, 256>}, {pipeline_mode = #tpu.pipeline_mode<synchronous>, transform_indices = @transform_5, window_bounds = array<i64: 1, 256>}, {pipeline_mode = #tpu.pipeline_mode<synchronous>, transform_indices = @transform_6, window_bounds = array<i64: 256, 64>}, {transform_indices = @transform_7, window_bounds = array<i64: 1000, 64>}]} {
    %get3A = arith.constant 0 : index
    %get3A_0 = arith.constant 0 : index
    %get3A_1 = vector.load %arg4[%get3A, %get3A_0] : memref<1000x8xf32, #tpu.memory_space<vmem>>, vector<1000x8xf32>
    %slice3A = vector.extract_strided_slice %get3A_1 {offsets = [0, 0], sizes = [1000, 1], strides = [1, 1]} : vector<1000x8xf32> to vector<1000x1xf32>
    %get3A_2 = arith.constant 0 : index
    %get3A_3 = arith.constant 0 : index
    %get3A_4 = vector.load %arg1[%get3A_2, %get3A_3] : memref<1000x128xf32, #tpu.memory_space<vmem>>, vector<1000x128xf32>
    %get3A_5 = arith.constant 0 : index
    %get3A_6 = arith.constant 0 : index
    %get3A_7 = vector.load %arg2[%get3A_5, %get3A_6] : memref<1000x128xf32, #tpu.memory_space<vmem>>, vector<1000x128xf32>
    %add3A = arith.addf %get3A_4, %get3A_7 : vector<1000x128xf32>
    %get3A_8 = arith.constant 0 : index
    %get3A_9 = arith.constant 0 : index
    %get3A_10 = vector.load %arg3[%get3A_8, %get3A_9] : memref<1000x128xf32, #tpu.memory_space<vmem>>, vector<1000x128xf32>
    %add3A_11 = arith.addf %add3A, %get3A_10 : vector<1000x128xf32>
    %mul3A = vector.broadcast %slice3A : vector<1000x1xf32> to vector<1000x128xf32>
    %mul3A_12 = arith.mulf %add3A_11, %mul3A : vector<1000x128xf32>
    %get3A_13 = arith.constant 0 : index
    %get3A_14 = arith.constant 0 : index
    %get3A_15 = vector.load %arg5[%get3A_13, %get3A_14] : memref<128x256xf32, #tpu.memory_space<vmem>>, vector<128x256xf32>
    %dot_general3A = arith.constant dense<0.000000e+00> : vector<1000x256xf32>
    %dot_general3A_16 = tpu.matmul %mul3A_12, %get3A_15, %dot_general3A {dimension_numbers = #tpu.dot_dimension_numbers<[1], [0], [0], [1], [0, 0, 1, 1], [], []>, transpose_lhs_hint = false} : vector<1000x128xf32>, vector<128x256xf32>, vector<1000x256xf32> -> vector<1000x256xf32>
    %get3A_17 = arith.constant 0 : index
    %get3A_18 = arith.constant 0 : index
    %get3A_19 = vector.load %arg6[%get3A_17, %get3A_18] : memref<1x256xf32, #tpu.memory_space<vmem>>, vector<1x256xf32>
    %add3A_20 = vector.broadcast %get3A_19 : vector<1x256xf32> to vector<1000x256xf32>
    %add3A_21 = arith.addf %dot_general3A_16, %add3A_20 : vector<1000x256xf32>
    %max3A = arith.constant 0.000000e+00 : f32
    %max3A_22 = vector.broadcast %max3A : f32 to vector<1000x256xf32>
    %max3A_23 = arith.maximumf %add3A_21, %max3A_22 : vector<1000x256xf32>
    %get3A_24 = arith.constant 0 : index
    %get3A_25 = arith.constant 0 : index
    %get3A_26 = vector.load %arg7[%get3A_24, %get3A_25] : memref<256x64xf32, #tpu.memory_space<vmem>>, vector<256x64xf32>
    %dot_general3A_27 = arith.constant dense<0.000000e+00> : vector<1000x64xf32>
    %dot_general3A_28 = tpu.matmul %max3A_23, %get3A_26, %dot_general3A_27 {dimension_numbers = #tpu.dot_dimension_numbers<[1], [0], [0], [1], [0, 0, 1, 1], [], []>, transpose_lhs_hint = false} : vector<1000x256xf32>, vector<256x64xf32>, vector<1000x64xf32> -> vector<1000x64xf32>
    %mul3A_29 = vector.broadcast %slice3A : vector<1000x1xf32> to vector<1000x64xf32>
    %mul3A_30 = arith.mulf %dot_general3A_28, %mul3A_29 : vector<1000x64xf32>
    %swap3A = arith.constant 0 : index
    %swap3A_31 = arith.constant 0 : index
    %swap3A_32 = vector.load %arg8[%swap3A, %swap3A_31] : memref<1000x64xf32, #tpu.memory_space<vmem>>, vector<1000x64xf32>
    tpu.vector_store %arg8[%swap3A, %swap3A_31], %mul3A_30 {strides = array<i32>} : memref<1000x64xf32, #tpu.memory_space<vmem>>, vector<1000x64xf32>,
    return
  }
  func.func @transform_0(%arg0: i32) -> (i32, i32) {
    %c0_i32 = arith.constant 0 : i32
    %c0_i32_0 = arith.constant 0 : i32
    return %arg0, %c0_i32 : i32, i32
  }
  func.func @transform_1(%arg0: i32) -> (i32, i32) {
    %c0_i32 = arith.constant 0 : i32
    %c0_i32_0 = arith.constant 0 : i32
    return %arg0, %c0_i32 : i32, i32
  }
  func.func @transform_2(%arg0: i32) -> (i32, i32) {
    %c0_i32 = arith.constant 0 : i32
    %c0_i32_0 = arith.constant 0 : i32
    return %arg0, %c0_i32 : i32, i32
  }
  func.func @transform_3(%arg0: i32) -> (i32, i32) {
    %c0_i32 = arith.constant 0 : i32
    %c0_i32_0 = arith.constant 0 : i32
    return %arg0, %c0_i32 : i32, i32
  }
  func.func @transform_4(%arg0: i32) -> (i32, i32) {
    %c0_i32 = arith.constant 0 : i32
    %c0_i32_0 = arith.constant 0 : i32
    %c0_i32_1 = arith.constant 0 : i32
    return %c0_i32, %c0_i32_0 : i32, i32
  }
  func.func @transform_5(%arg0: i32) -> (i32, i32) {
    %c0_i32 = arith.constant 0 : i32
    %c0_i32_0 = arith.constant 0 : i32
    %c0_i32_1 = arith.constant 0 : i32
    return %c0_i32, %c0_i32_0 : i32, i32
  }
  func.func @transform_6(%arg0: i32) -> (i32, i32) {
    %c0_i32 = arith.constant 0 : i32
    %c0_i32_0 = arith.constant 0 : i32
    %c0_i32_1 = arith.constant 0 : i32
    return %c0_i32, %c0_i32_0 : i32, i32
  }
  func.func @transform_7(%arg0: i32) -> (i32, i32) {
    %c0_i32 = arith.constant 0 : i32
    %c0_i32_0 = arith.constant 0 : i32
    return %arg0, %c0_i32 : i32, i32
  }
}

module attributes {stable_mosaic.version = 14 : i64} {
  func.func @body(%arg0: i32, %arg1: memref<1000x64xf32, #tpu.memory_space<vmem>>, %arg2: memref<1000x64xf32, #tpu.memory_space<vmem>>, %arg3: memref<1000x64xf32, #tpu.memory_space<vmem>>, %arg4: memref<1000x8xf32, #tpu.memory_space<vmem>>, %arg5: memref<1x64xf32, #tpu.memory_space<vmem>>, %arg6: memref<1000x64xf32, #tpu.memory_space<vmem>>) attributes {dimension_semantics = [#tpu.dimension_semantics<arbitrary>], iteration_bounds = array<i64: 10>, scalar_prefetch = 0 : i64, scratch_operands = 0 : i64, tpu.core_type = #tpu.core_type<tc>, window_params = [{transform_indices = @transform_0, window_bounds = array<i64: 1000, 64>}, {transform_indices = @transform_1, window_bounds = array<i64: 1000, 64>}, {transform_indices = @transform_2, window_bounds = array<i64: 1000, 64>}, {transform_indices = @transform_3, window_bounds = array<i64: 1000, 8>}, {pipeline_mode = #tpu.pipeline_mode<synchronous>, transform_indices = @transform_4, window_bounds = array<i64: 1, 64>}, {transform_indices = @transform_5, window_bounds = array<i64: 1000, 64>}]} {
    %get3A = arith.constant 0 : index
    %get3A_0 = arith.constant 0 : index
    %get3A_1 = vector.load %arg4[%get3A, %get3A_0] : memref<1000x8xf32, #tpu.memory_space<vmem>>, vector<1000x8xf32>
    %slice3A = vector.extract_strided_slice %get3A_1 {offsets = [0, 0], sizes = [1000, 1], strides = [1, 1]} : vector<1000x8xf32> to vector<1000x1xf32>
    %get3A_2 = arith.constant 0 : index
    %get3A_3 = arith.constant 0 : index
    %get3A_4 = vector.load %arg1[%get3A_2, %get3A_3] : memref<1000x64xf32, #tpu.memory_space<vmem>>, vector<1000x64xf32>
    %get3A_5 = arith.constant 0 : index
    %get3A_6 = arith.constant 0 : index
    %get3A_7 = vector.load %arg2[%get3A_5, %get3A_6] : memref<1000x64xf32, #tpu.memory_space<vmem>>, vector<1000x64xf32>
    %add3A = arith.addf %get3A_4, %get3A_7 : vector<1000x64xf32>
    %get3A_8 = arith.constant 0 : index
    %get3A_9 = arith.constant 0 : index
    %get3A_10 = vector.load %arg3[%get3A_8, %get3A_9] : memref<1000x64xf32, #tpu.memory_space<vmem>>, vector<1000x64xf32>
    %add3A_11 = arith.addf %add3A, %get3A_10 : vector<1000x64xf32>
    %mul3A = vector.broadcast %slice3A : vector<1000x1xf32> to vector<1000x64xf32>
    %mul3A_12 = arith.mulf %add3A_11, %mul3A : vector<1000x64xf32>
    %get3A_13 = arith.constant 0 : index
    %get3A_14 = arith.constant 0 : index
    %get3A_15 = vector.load %arg5[%get3A_13, %get3A_14] : memref<1x64xf32, #tpu.memory_space<vmem>>, vector<1x64xf32>
    %add3A_16 = vector.broadcast %get3A_15 : vector<1x64xf32> to vector<1000x64xf32>
    %add3A_17 = arith.addf %mul3A_12, %add3A_16 : vector<1000x64xf32>
    %reduce_max3A = arith.constant dense<0xFF800000> : vector<1000xf32>
    %reduce_max3A_18 = vector.multi_reduction <maximumf>, %add3A_17, %reduce_max3A [1] : vector<1000x64xf32> to vector<1000xf32>
    %broadcast_in_dim3A = vector.shape_cast %reduce_max3A_18 : vector<1000xf32> to vector<1000x1xf32>
    %sub3A = vector.broadcast %broadcast_in_dim3A : vector<1000x1xf32> to vector<1000x64xf32>
    %sub3A_19 = arith.subf %add3A_17, %sub3A : vector<1000x64xf32>
    %exp3A = math.exp %sub3A_19 : vector<1000x64xf32>
    %reduce_sum3A = arith.constant dense<0.000000e+00> : vector<1000xf32>
    %reduce_sum3A_20 = vector.multi_reduction <add>, %exp3A, %reduce_sum3A [1] : vector<1000x64xf32> to vector<1000xf32>
    %broadcast_in_dim3A_21 = vector.shape_cast %reduce_sum3A_20 : vector<1000xf32> to vector<1000x1xf32>
    %log3A = math.log %broadcast_in_dim3A_21 : vector<1000x1xf32>
    %sub3A_22 = vector.broadcast %log3A : vector<1000x1xf32> to vector<1000x64xf32>
    %sub3A_23 = arith.subf %sub3A_19, %sub3A_22 : vector<1000x64xf32>
    %swap3A = arith.constant 0 : index
    %swap3A_24 = arith.constant 0 : index
    %swap3A_25 = vector.load %arg6[%swap3A, %swap3A_24] : memref<1000x64xf32, #tpu.memory_space<vmem>>, vector<1000x64xf32>
    tpu.vector_store %arg6[%swap3A, %swap3A_24], %sub3A_23 {strides = array<i32>} : memref<1000x64xf32, #tpu.memory_space<vmem>>, vector<1000x64xf32>,
    return
  }
  func.func @transform_0(%arg0: i32) -> (i32, i32) {
    %c0_i32 = arith.constant 0 : i32
    %c0_i32_0 = arith.constant 0 : i32
    return %arg0, %c0_i32 : i32, i32
  }
  func.func @transform_1(%arg0: i32) -> (i32, i32) {
    %c0_i32 = arith.constant 0 : i32
    %c0_i32_0 = arith.constant 0 : i32
    return %arg0, %c0_i32 : i32, i32
  }
  func.func @transform_2(%arg0: i32) -> (i32, i32) {
    %c0_i32 = arith.constant 0 : i32
    %c0_i32_0 = arith.constant 0 : i32
    return %arg0, %c0_i32 : i32, i32
  }
  func.func @transform_3(%arg0: i32) -> (i32, i32) {
    %c0_i32 = arith.constant 0 : i32
    %c0_i32_0 = arith.constant 0 : i32
    return %arg0, %c0_i32 : i32, i32
  }
  func.func @transform_4(%arg0: i32) -> (i32, i32) {
    %c0_i32 = arith.constant 0 : i32
    %c0_i32_0 = arith.constant 0 : i32
    %c0_i32_1 = arith.constant 0 : i32
    return %c0_i32, %c0_i32_0 : i32, i32
  }
  func.func @transform_5(%arg0: i32) -> (i32, i32) {
    %c0_i32 = arith.constant 0 : i32
    %c0_i32_0 = arith.constant 0 : i32
    return %arg0, %c0_i32 : i32, i32
  }
}

</mosaic_0001>

<sc_bundles>
// kernel: kernel.11.cloned.1.call-start
scs
__scs_entry_jumppad:
0x0: {  	(pc) =	sbr.rel $0x88, $3  }
0x1: {  	(tag) =	ssettag $0x0;
	lr =	simm.s32 $0x1  }
0x2: {  	[smem:$0x3F9B] =	sst lr;
	_ =	strace $0xD0000000  }
0x3: {  	_ = 	snop  }
0x4: {  	_ = 	snop  }
0x5: {  	_ = 	snop  }
0x6: {  	_ = 	snop  }
0x7: {  	_ = 	snop  }
__scs_overlays_trampoline_lowered:
0x8: {  	[smem:$0x3FAA] =	sst s0  }
0x9: {  	[smem:$0x3FAB] =	sst s1  }
0xa: {  	[smem:$0x3FAC] =	sst s2  }
0xb: {  	[smem:$0x3FAD] =	sst s3  }
0xc: {  	[smem:$0x3FAE] =	sst s4  }
0xd: {  	[smem:$0x3FAF] =	sst s5  }
0xe: {  	[smem:$0x3FB0] =	sst s6  }
0xf: {  	[smem:$0x3FB1] =	sst s7  }
0x10: {  	[smem:$0x3FB2] =	sst s8  }
0x11: {  	[smem:$0x3FB3] =	sst s9;
	s0 =	simm.s32 @!p0 $0x0  }
0x12: {  	s1 =	sld [smem:$0x3F99];
	s0 =	simm.s32 @p0 $0x1  }
0x13: {  	[smem:$0x3FB4] =	sst s0;
	s0 =	simm.s32 @!p1 $0x0  }
0x14: {  	s2 =	sld [smem:$0x3F98];
	s0 =	simm.s32 @p1 $0x1  }
0x15: {  	[smem:$0x3FB5] =	sst s0;
	s0 =	simm.s32 @!p2 $0x0  }
0x16: {  	s3 =	sld [smem:$0x3FDB];
	s0 =	simm.s32 @p2 $0x1  }
0x17: {  	s4 =	simm.s32 $0x1BF5;
	[smem:$0x3FB7] =	sst s0  }
0x18: {  	s0 =	sld [smem:$0x3F9A];
	_ =	swait.ge [sflag:s4], $0x0  }
0x19: {  	s7 =	sld [smem:$0x3F9B]  }
0x1a: {  	s8 =	sadd.s32 $0xFFFFE003, lr  }
0x1b: {  	s9 =	sadd.s32 $0xFFFFFEF7, lr;
	s5 =	simm.s32 $0xFFFFFFFF;
	p2 =	slt.u32 s8, $0xFFFFF086  }
0x1c: {  	p1 =	slt.u32 s9, $0xF7A;
	s5 =	simm.s32 @!p2 $0x0  }
0x1d: {  	s5 =	simm.s32 @p1 $0x1;
	p0 =	seq.s32 s7, s2  }
0x1e: {  	s7 =	smul.u32 @!p0 $0xF7A, s2;
	p2 =	seq.s32 @!p0 s5, $0x0  }
0x1f: {  	s9 =	smul.u32 $0xF7A, s1;
	s8 =	simm.s32 @!p0 $0x1BF5;
	p2 =	por !p2, p0  }
0x20: {  	[sflag:s8] =	ssyncset.s32 @!p0 $0xFFFFF086;
	s6 =	sadd.s32 @!p0 s3, s7;
	s7 =	simm.s32 @!p0 $0x108  }
0x21: {  	s3 =	sadd.s32 s3, s9;
	s6 =	sadd.s32 @!p0 $0x88, s6;
	s7 =	simm.s32 @p2 $0x1082  }
0x22: {  	[simem:s7], [sflag:s8] =	dma.local @!p0 [hbm:s6], $0xF7A  }
0x23: {  	s9 =	sor.u32 $0xD0000000, s2;
	s6 =	simm.s32 $0x108;
	_ =	swait.ge @!p0 [sflag:s8], $0x0  }
0x24: {  	s3 =	sadd.s32 $0x88, s3;
	s6 =	simm.s32 @!p1 $0x1082;
	[sflag:s4] =	ssyncset.s32 $0xFFFFF086  }
0x25: {  	[simem:s6], [sflag:s4] =	dma.local [hbm:s3], $0xF7A  }
0x26: {  	[smem:$0x3F9B] =	sst s1;
	(tag) =	ssettag s2;
	_ =	strace s9  }
0x27: {  	s1 =	sld [smem:$0x3FAB]  }
0x28: {  	s2 =	sld [smem:$0x3FAC]  }
0x29: {  	s4 =	sld [smem:$0x3FAE]  }
0x2a: {  	p0 =	seq.s32 s5, $0x0;
	s5 =	sld [smem:$0x3FAF]  }
0x2b: {  	s6 =	sld [smem:$0x3FB0]  }
0x2c: {  	s7 =	sld [smem:$0x3FB1]  }
0x2d: {  	s3 =	simm.s32 $0x108;
	s8 =	sld [smem:$0x3FB2]  }
0x2e: {  	s3 =	simm.s32 @!p0 $0x1082;
	s9 =	sld [smem:$0x3FB3]  }
0x2f: {  	lr =	sadd.s32 s0, s3;
	s0 =	sld [smem:$0x3FAA]  }
0x30: {  	s3 =	sld [smem:$0x3FAD]  }
0x31: {  	[smem:$0x3FB6] =	sst s10  }
0x32: {  	s10 =	sld [smem:$0x3FB4];
	_ =	sdelay $0x3  }
0x33: {  	p0 =	seq.s32 s10, $0x1;
	s10 =	sld [smem:$0x3FB6];
	_ =	sdelay $0x3  }
0x34: {  	[smem:$0x3FB6] =	sst s10  }
0x35: {  	s10 =	sld [smem:$0x3FB5];
	_ =	sdelay $0x3  }
0x36: {  	p1 =	seq.s32 s10, $0x1;
	s10 =	sld [smem:$0x3FB6];
	_ =	sdelay $0x3  }
0x37: {  	[smem:$0x3FB6] =	sst s10  }
0x38: {  	s10 =	sld [smem:$0x3FB7]  }
0x39: {  	_ = 	snop;
	(pc) =	sbr.ind lr, $3  }
0x3a: {  	_ = 	snop  }
0x3b: {  	_ = 	snop  }
0x3c: {  	p2 =	seq.s32 s10, $0x1;
	s10 =	sld [smem:$0x3FB6]  }
0x3d: {  	_ =	shalt  }
0x3e: {  	_ =	shalt  }
0x3f: {  	_ =	shalt  }
0x40: {  	_ =	shalt  }
0x41: {  	_ =	shalt  }
0x42: {  	_ =	shalt  }
0x43: {  	_ =	shalt  }
0x44: {  	_ =	shalt  }
0x45: {  	_ =	shalt  }
0x46: {  	_ =	shalt  }
0x47: {  	_ =	shalt  }
0x48: {  	_ =	shalt  }
0x49: {  	_ =	shalt  }
0x4a: {  	_ =	shalt  }
0x4b: {  	_ =	shalt  }
0x4c: {  	_ =	shalt  }
0x4d: {  	_ =	shalt  }
0x4e: {  	_ =	shalt  }
0x4f: {  	_ =	shalt  }
0x50: {  	_ =	shalt  }
0x51: {  	_ =	shalt  }
0x52: {  	_ =	shalt  }
0x53: {  	_ =	shalt  }
0x54: {  	_ =	shalt  }
0x55: {  	_ =	shalt  }
0x56: {  	_ =	shalt  }
0x57: {  	_ =	shalt  }
0x58: {  	_ =	shalt  }
0x59: {  	_ =	shalt  }
0x5a: {  	_ =	shalt  }
0x5b: {  	_ =	shalt  }
0x5c: {  	_ =	shalt  }
0x5d: {  	_ =	shalt  }
0x5e: {  	_ =	shalt  }
0x5f: {  	_ =	shalt  }
0x60: {  	_ =	shalt  }
0x61: {  	_ =	shalt  }
0x62: {  	_ =	shalt  }
0x63: {  	_ =	shalt  }
0x64: {  	_ =	shalt  }
0x65: {  	_ =	shalt  }
0x66: {  	_ =	shalt  }
0x67: {  	_ =	shalt  }
0x68: {  	_ =	shalt  }
0x69: {  	_ =	shalt  }
0x6a: {  	_ =	shalt  }
0x6b: {  	_ =	shalt  }
0x6c: {  	_ =	shalt  }
0x6d: {  	_ =	shalt  }
0x6e: {  	_ =	shalt  }
0x6f: {  	_ =	shalt  }
0x70: {  	_ =	shalt  }
0x71: {  	_ =	shalt  }
0x72: {  	_ =	shalt  }
0x73: {  	_ =	shalt  }
0x74: {  	_ =	shalt  }
0x75: {  	_ =	shalt  }
0x76: {  	_ =	shalt  }
0x77: {  	_ =	shalt  }
0x78: {  	_ =	shalt  }
0x79: {  	_ =	shalt  }
0x7a: {  	_ =	shalt  }
0x7b: {  	_ =	shalt  }
0x7c: {  	_ =	shalt  }
0x7d: {  	_ =	shalt  }
0x7e: {  	_ =	shalt  }
0x7f: {  	_ =	shalt  }
0x80: {  	_ =	shalt  }
0x81: {  	_ =	shalt  }
0x82: {  	_ =	shalt  }
0x83: {  	_ =	shalt  }
0x84: {  	_ =	shalt  }
0x85: {  	_ =	shalt  }
0x86: {  	_ =	shalt  }
0x87: {  	_ =	shalt  }
.Lfunc_end0:
.L_simem_size_0:
called_computation.1_lowered:
.L_overlay_start_0:
0x88: {  	s2 =	sld [smem:$0x3FD9]  }
0x89: {  	s3 =	sld [smem:$0x3FFE];
	_ =	sdelay $0x1  }
0x8a: {  	s1 =	srdreg.scid  }
0x8b: {  	s0 =	sand.u32 $0x1, s1  }
0x8c: {  	s17 =	sshll.u32 s0, $0xA;
	s2 =	sadd.s32 s3, s2  }
0x8d: {  	s2 =	sadd.s32 s2, s17  }
0x8e: {  	[smem:$0x3FC2] =	sst s2  }
0x8f: {  	_ = 	snop  }
0x90: {  	s2 =	sld [smem:$0x3FD0];
	(tm) =	ssettm $0x1  }
0x91: {  	s18 =	sld [smem:$0x3FFB];
	_ =	sdelay $0x3  }
0x92: {  	_ =	strace s18  }
0x93: {  	s3 =	sld [smem:$0x3FFC];
	_ =	sdelay $0x3  }
0x94: {  	_ =	strace s3  }
0x95: {  	s3 =	sld [smem:$0x3FFD];
	_ =	sdelay $0x3  }
0x96: {  	_ =	strace s3  }
0x97: {  	_ =	strace $0x8FFFFFFF  }
0x98: {  	s19 =	sld [smem:$0x3FDB];
	_ =	sdelay $0x1  }
0x99: {  	s4 =	simm.s32 $_scs_section_size  }
0x9a: {  	s5 =	simm.s32 $_size__tile_overlayer_lowered;
	s6 =	simm.s32 $_tile_overlayer_lowered  }
0x9b: {  	s22 =	simm.s32 $0x1BFF;
	s21 =	sshll.u32 s6, $0x1;
	s3 =	sadd.s32 s4, s19  }
0x9c: {  	s7 =	simm.s32 $0x0;
	s20 =	sshll.u32 s5, $0x1;
	s5 =	sadd.s32 s21, s3  }
0x9d: {  	[timem:s7], [sflag:s22] =	dma.local [hbm:s5], s20  }
0x9e: {  	_ =	swait.ge [sflag:s22], s20  }
0x9f: {  	s4 =	ssub.s32 $0x0, s20;
	[sflag:s22] =	ssyncset.done $0x0  }
0xa0: {  	[sflag:s22] =	ssyncadd.s32 s4;
	_ =	sdelay $0x1  }
0xa1: {  	s23 =	simm.s32 $0x1B8B  }
0xa2: {  	_ =	swait.ge [sflag:s23], $0x1  }
0xa3: {  	[sflag:s23] =	ssyncset.done $0x0  }
0xa4: {  	s25 =	simm.s32 $0x1B8E;
	s24 =	sld [smem:$0x3FFE];
	[sflag:s23] =	ssyncadd.s32 $0xFFFFFFFF  }
0xa5: {  	s26 =	simm.s32 $execute0_lowered;
	[smem:$0x3FD2] =	sst s25  }
0xa6: {  	s5 =	sshll.u32 s26, $0x1;
	_ =	strace $0x80000049;
	[dreg:$0x1] =	wrdreg $0xFFFFFFFF  }
0xa7: {  	s28 =	simm.s32 $_size_execute0_lowered;
	s3 =	sadd.s32 s3, s5;
	[dreg:$0x0] =	wrdreg $0x0  }
0xa8: {  	s5 =	sshll.u32 s28, $0x1;
	[dreg:$0x2] =	wrdreg s3  }
0xa9: {  	[dreg:$0x3] =	wrdreg s5  }
0xaa: {  	[dreg:$0x4] =	wrdreg $0xC0  }
0xab: {  	_ =	task [dreg:s7], $0x5FFFF  }
0xac: {  	[dreg:$0x1] =	wrdreg $0xFFFFFFFF  }
0xad: {  	[dreg:$0x0] =	wrdreg $0x60  }
0xae: {  	[dreg:$0x2] =	wrdreg s24  }
0xaf: {  	[dreg:$0x3] =	wrdreg s2  }
0xb0: {  	[dreg:$0x4] =	wrdreg $0xB0000  }
0xb1: {  	[dreg:$0x5] =	wrdreg $0x9  }
0xb2: {  	_ =	task.clear_ibuf [dreg:s7], $0x6FFFF;
	_ =	strace $0x90000049  }
0xb3: {  	s29 =	simm.s32 $0x9;
	_ =	strace $0x8000004B  }
0xb4: {  	_ =	swait.ge [sflag:s29], $0x1  }
0xb5: {  	[sflag:s29] =	ssyncadd.s32 $0xFFFFFFFF  }
0xb6: {  	_ =	strace $0x9000004B  }
0xb7: {  	_ =	sfence  }
0xb8: {  	s30 =	sld [smem:$0x0];
	_ =	sdelay $0x2  }
0xb9: {  	s31 =	sshll.u32 s1, $0xD;
	s1 =	sshrl.u32 s1, $0x2  }
0xba: {  	s3 =	sand.u32 $0x4000, s31;
	s1 =	sadd.s32 s1, s30  }
0xbb: {  	s0 =	sor.u32 s3, s0;
	s1 =	sshll.u32 s1, $0x11  }
0xbc: {  	s0 =	sor.u32 s1, s0  }
0xbd: {  	s0 =	sadd.s32 $0x8F2B, s0  }
0xbe: {  	[sflag:s0] =	ssyncadd.remote.s32 $0x1  }
0xbf: {  	_ =	sfence.sel $0xFFFF  }
0xc0: {  	[dreg:$0x0] =	wrdreg $0xFFFFFFFF;
	(pc) =	sbr.abs _section_cstart, $3  }
0xc1: {  	[dreg:$0x1] =	wrdreg $0xFFFFFFFF  }
0xc2: {  	_ =	task.clear_ibuf [dreg:s7], $0x2FFFF;
	_ =	strace $0x9FFFFFFF  }
0xc3: {  	(tm) =	ssettm $0x7FFFFFFF  }
tec
execute0_lowered:
.L_overlay_start_1:
0x0: {  	(tag) =	ssettag $0x1  }
0x1: {  	s0 =	rddreg [dreg:$0x0]  }
0x2: {  	s1 =	rddreg [dreg:$0x1]  }
0x3: {  	s2 =	rddreg [dreg:$0x2];
	s4 =	srdreg.scid  }
0x4: {  	s14 =	stileid.u32;
	s3 =	simm.s32 $0x0;
	s18 =	simm.s32 $0x3  }
0x5: {  	s19 =	simm.s32 $0x1800;
	s20 =	simm.s32 $0x80;
	s21 =	simm.s32 $0x3000  }
0x6: {  	s22 =	simm.s32 $0x7000;
	s23 =	simm.s32 $0x1;
	s28 =	simm.s32 $0x780  }
0x7: {  	s29 =	simm.s32 $0x2F00;
	s30 =	simm.s32 $0x2F80;
	s31 =	simm.s32 $0x0  }
0x8: {  	s7 =	sand.u32 $0x1, s4;
	s6 =	smul.u32 $0x14000, s14;
	[smem:$0x7FF] =	sst s3  }
0x9: {  	s4 =	sadd.s32 $0x37E00, s0;
	s13 =	sadd.s32 $0x6C00, s0;
	s11 =	smul.u32 $0x4800, s14  }
0xa: {  	s5 =	sadd.s32 $0x1600, s0;
	s24 =	sshll.u32 s14, $0x6;
	s25 =	smul.u32 $0x900, s14  }
0xb: {  	s14 =	sshll.u32 s14, $0x8;
	s8 =	smul.u32 $0x140000, s7;
	_ =	strace $0x8000004A  }
0xc: {  	s9 =	ssub.s32 $0x2, s7;
	p0 =	seq.s32 s7, $0x1;
	s14 =	sor.u32 $0x9000, s14  }
0xd: {  	s10 =	sshrl.u32 s9, $0x1;
	s17 =	sadd.s32 s6, s2;
	s11 =	sshrl.u32 s11, $0x3  }
0xe: {  	s7 =	sadd.s32 s13, s25;
	s8 =	sadd.s32 s6, s8;
	s16 =	ssub.s32 s9, s10  }
0xf: {  	s6 =	sor.u32 $0x1C03, s24;
	s26 =	sadd.s32 $0x300, s11;
	s12 =	sadd.s32 $0x600, s11  }
.Ltmp0:
0x10: {  	s17 =	sshrl.u32 s17, $0x3;
	s8 =	sshrl.u32 s8, $0x3;
	(pc) =	sbr.rel .LBB2_1-.Ltmp0, $4  }
0x11: {  	s9 =	sadd.s32 s13, s26;
	s10 =	sadd.s32 s1, s26;
	s11 =	sadd.s32 s13, s12  }
0x12: {  	s12 =	sadd.s32 s1, s12;
	s13 =	sadd.s32 s13, s14;
	s14 =	sadd.s32 s1, s14  }
0x13: {  	s16 =	smax.u32 s16, $0x1;
	s26 =	simm.s32 $0x1E80;
	s0 =	sadd.s32 s8, s0  }
0x14: {  	s8 =	sadd.s32 s1, s25;
	s25 =	simm.s32 $0x2;
	s15 =	sadd.s32 $0x5FE00, s0  }
.LBB2_9:
0x15: {  	[tilespmem:s3], [sflag:$0x3] =	stream.linear.gather [hbm4b:s13+s3], $0x800, $0x38;
	[tilespmem:$0x1F000] =	vst v63  }
0x16: {  	_ =	swait.ge [sflag:s18], $0x800  }
0x17: {  	[sflag:s18] =	ssyncset.done $0x0  }
0x18: {  	[sflag:s18] =	ssyncadd.s32 $0xFFFFF800  }
0x19: {  	[tilespmem:s19], [sflag:$0x3] =	stream.linear.gather [hbm4b:s14+s3], $0x800, $0x38;
	[tilespmem:$0x1F000] =	vst v63  }
0x1a: {  	_ =	swait.ge [sflag:s18], $0x800  }
0x1b: {  	[sflag:s18] =	ssyncset.done $0x0  }
0x1c: {  	[sflag:s18] =	ssyncadd.s32 $0xFFFFF800  }
0x1d: {  	[tilespmem:s21], [sflag:$0x1] =	stream.indirect.gather [hbm4b:s4+s20], $0x80, s3, s20, $0xb8;
	[tilespmem:$0x1F000] =	vst v63  }
0x1e: {  	_ = 	snop  }
0x1f: {  	[tilespmem:s22], [sflag:$0x2] =	stream.indirect.gather [hbm4b:s4+s20], $0x80, s20, s20, $0xb8;
	[tilespmem:$0x1F000] =	vst v63  }
0x20: {  	_ =	swait.ge [sflag:s23], $0x4000  }
0x21: {  	[sflag:s23] =	ssyncset.done $0x0  }
0x22: {  	[sflag:s23] =	ssyncadd.s32 $0xFFFFC000  }
0x23: {  	[spmem:s2] =	stream.indirect.scatter.add.f32 [tilespmem:s21], [sflag:$0x3], $0x80, s19, s20, $0xb8;
	[tilespmem:$0x1F000] =	vst v63  }
0x24: {  	_ =	swait.ge [sflag:s18], $0x4000  }
0x25: {  	[sflag:s18] =	ssyncset.done $0x0  }
0x26: {  	s0 =	simm.s32 $0x100;
	[sflag:s18] =	ssyncadd.s32 $0xFFFFC000  }
0x27: {  	[tilespmem:s21], [sflag:$0x1] =	stream.indirect.gather [hbm4b:s4+s20], $0x80, s0, s20, $0xb8;
	[tilespmem:$0x1F000] =	vst v63  }
0x28: {  	_ =	swait.ge [sflag:s25], $0x4000  }
0x29: {  	[sflag:s25] =	ssyncset.done $0x0  }
0x2a: {  	s1 =	simm.s32 $0x1880;
	[sflag:s25] =	ssyncadd.s32 $0xFFFFC000  }
0x2b: {  	[spmem:s2] =	stream.indirect.scatter.add.f32 [tilespmem:s22], [sflag:$0x3], $0x80, s1, s20, $0xb8;
	[tilespmem:$0x1F000] =	vst v63  }
0x2c: {  	_ =	swait.ge [sflag:s18], $0x4000  }
0x2d: {  	[sflag:s18] =	ssyncset.done $0x0  }
0x2e: {  	s24 =	simm.s32 $0x180;
	[sflag:s18] =	ssyncadd.s32 $0xFFFFC000  }
0x2f: {  	[tilespmem:s22], [sflag:$0x2] =	stream.indirect.gather [hbm4b:s4+s20], $0x80, s24, s20, $0xb8;
	[tilespmem:$0x1F000] =	vst v63  }
0x30: {  	_ =	swait.ge [sflag:s23], $0x4000  }
0x31: {  	[sflag:s23] =	ssyncset.done $0x0  }
0x32: {  	s1 =	simm.s32 $0x1900;
	[sflag:s23] =	ssyncadd.s32 $0xFFFFC000  }
0x33: {  	[spmem:s2] =	stream.indirect.scatter.add.f32 [tilespmem:s21], [sflag:$0x3], $0x80, s1, s20, $0xb8;
	[tilespmem:$0x1F000] =	vst v63  }
0x34: {  	_ =	swait.ge [sflag:s18], $0x4000  }
0x35: {  	[sflag:s18] =	ssyncset.done $0x0  }
0x36: {  	s24 =	simm.s32 $0x200;
	[sflag:s18] =	ssyncadd.s32 $0xFFFFC000  }
0x37: {  	[tilespmem:s21], [sflag:$0x1] =	stream.indirect.gather [hbm4b:s4+s20], $0x80, s24, s20, $0xb8;
	[tilespmem:$0x1F000] =	vst v63  }
0x38: {  	_ =	swait.ge [sflag:s25], $0x4000  }
0x39: {  	[sflag:s25] =	ssyncset.done $0x0  }
0x3a: {  	s1 =	simm.s32 $0x1980;
	[sflag:s25] =	ssyncadd.s32 $0xFFFFC000  }
0x3b: {  	[spmem:s2] =	stream.indirect.scatter.add.f32 [tilespmem:s22], [sflag:$0x3], $0x80, s1, s20, $0xb8;
	[tilespmem:$0x1F000] =	vst v63  }
0x3c: {  	_ =	swait.ge [sflag:s18], $0x4000  }
0x3d: {  	[sflag:s18] =	ssyncset.done $0x0  }
0x3e: {  	s24 =	simm.s32 $0x280;
	[sflag:s18] =	ssyncadd.s32 $0xFFFFC000  }
0x3f: {  	[tilespmem:s22], [sflag:$0x2] =	stream.indirect.gather [hbm4b:s4+s20], $0x80, s24, s20, $0xb8;
	[tilespmem:$0x1F000] =	vst v63  }
0x40: {  	_ =	swait.ge [sflag:s23], $0x4000  }
0x41: {  	[sflag:s23] =	ssyncset.done $0x0  }
0x42: {  	s1 =	simm.s32 $0x1A00;
	[sflag:s23] =	ssyncadd.s32 $0xFFFFC000  }
0x43: {  	[spmem:s2] =	stream.indirect.scatter.add.f32 [tilespmem:s21], [sflag:$0x3], $0x80, s1, s20, $0xb8;
	[tilespmem:$0x1F000] =	vst v63  }
0x44: {  	_ =	swait.ge [sflag:s18], $0x4000  }
0x45: {  	[sflag:s18] =	ssyncset.done $0x0  }
0x46: {  	s24 =	simm.s32 $0x300;
	[sflag:s18] =	ssyncadd.s32 $0xFFFFC000  }
0x47: {  	[tilespmem:s21], [sflag:$0x1] =	stream.indirect.gather [hbm4b:s4+s20], $0x80, s24, s20, $0xb8;
	[tilespmem:$0x1F000] =	vst v63  }
0x48: {  	_ =	swait.ge [sflag:s25], $0x4000  }
0x49: {  	[sflag:s25] =	ssyncset.done $0x0  }
0x4a: {  	s1 =	simm.s32 $0x1A80;
	[sflag:s25] =	ssyncadd.s32 $0xFFFFC000  }
0x4b: {  	[spmem:s2] =	stream.indirect.scatter.add.f32 [tilespmem:s22], [sflag:$0x3], $0x80, s1, s20, $0xb8;
	[tilespmem:$0x1F000] =	vst v63  }
0x4c: {  	_ =	swait.ge [sflag:s18], $0x4000  }
0x4d: {  	[sflag:s18] =	ssyncset.done $0x0  }
0x4e: {  	s24 =	simm.s32 $0x380;
	[sflag:s18] =	ssyncadd.s32 $0xFFFFC000  }
0x4f: {  	[tilespmem:s22], [sflag:$0x2] =	stream.indirect.gather [hbm4b:s4+s20], $0x80, s24, s20, $0xb8;
	[tilespmem:$0x1F000] =	vst v63  }
0x50: {  	_ =	swait.ge [sflag:s23], $0x4000  }
0x51: {  	[sflag:s23] =	ssyncset.done $0x0  }
0x52: {  	s1 =	simm.s32 $0x1B00;
	[sflag:s23] =	ssyncadd.s32 $0xFFFFC000  }
0x53: {  	[spmem:s2] =	stream.indirect.scatter.add.f32 [tilespmem:s21], [sflag:$0x3], $0x80, s1, s20, $0xb8;
	[tilespmem:$0x1F000] =	vst v63  }
0x54: {  	_ =	swait.ge [sflag:s18], $0x4000  }
0x55: {  	[sflag:s18] =	ssyncset.done $0x0  }
0x56: {  	s24 =	simm.s32 $0x400;
	[sflag:s18] =	ssyncadd.s32 $0xFFFFC000  }
0x57: {  	[tilespmem:s21], [sflag:$0x1] =	stream.indirect.gather [hbm4b:s4+s20], $0x80, s24, s20, $0xb8;
	[tilespmem:$0x1F000] =	vst v63  }
0x58: {  	_ =	swait.ge [sflag:s25], $0x4000  }
0x59: {  	[sflag:s25] =	ssyncset.done $0x0  }
0x5a: {  	s1 =	simm.s32 $0x1B80;
	[sflag:s25] =	ssyncadd.s32 $0xFFFFC000  }
0x5b: {  	[spmem:s2] =	stream.indirect.scatter.add.f32 [tilespmem:s22], [sflag:$0x3], $0x80, s1, s20, $0xb8;
	[tilespmem:$0x1F000] =	vst v63  }
0x5c: {  	_ =	swait.ge [sflag:s18], $0x4000  }
0x5d: {  	[sflag:s18] =	ssyncset.done $0x0  }
0x5e: {  	s24 =	simm.s32 $0x480;
	[sflag:s18] =	ssyncadd.s32 $0xFFFFC000  }
0x5f: {  	[tilespmem:s22], [sflag:$0x2] =	stream.indirect.gather [hbm4b:s4+s20], $0x80, s24, s20, $0xb8;
	[tilespmem:$0x1F000] =	vst v63  }
0x60: {  	_ =	swait.ge [sflag:s23], $0x4000  }
0x61: {  	[sflag:s23] =	ssyncset.done $0x0  }
0x62: {  	s1 =	simm.s32 $0x1C00;
	[sflag:s23] =	ssyncadd.s32 $0xFFFFC000  }
0x63: {  	[spmem:s2] =	stream.indirect.scatter.add.f32 [tilespmem:s21], [sflag:$0x3], $0x80, s1, s20, $0xb8;
	[tilespmem:$0x1F000] =	vst v63  }
0x64: {  	_ =	swait.ge [sflag:s18], $0x4000  }
0x65: {  	[sflag:s18] =	ssyncset.done $0x0  }
0x66: {  	s24 =	simm.s32 $0x500;
	[sflag:s18] =	ssyncadd.s32 $0xFFFFC000  }
0x67: {  	[tilespmem:s21], [sflag:$0x1] =	stream.indirect.gather [hbm4b:s4+s20], $0x80, s24, s20, $0xb8;
	[tilespmem:$0x1F000] =	vst v63  }
0x68: {  	_ =	swait.ge [sflag:s25], $0x4000  }
0x69: {  	[sflag:s25] =	ssyncset.done $0x0  }
0x6a: {  	s1 =	simm.s32 $0x1C80;
	[sflag:s25] =	ssyncadd.s32 $0xFFFFC000  }
0x6b: {  	[spmem:s2] =	stream.indirect.scatter.add.f32 [tilespmem:s22], [sflag:$0x3], $0x80, s1, s20, $0xb8;
	[tilespmem:$0x1F000] =	vst v63  }
0x6c: {  	_ =	swait.ge [sflag:s18], $0x4000  }
0x6d: {  	[sflag:s18] =	ssyncset.done $0x0  }
0x6e: {  	s24 =	simm.s32 $0x580;
	[sflag:s18] =	ssyncadd.s32 $0xFFFFC000  }
0x6f: {  	[tilespmem:s22], [sflag:$0x2] =	stream.indirect.gather [hbm4b:s4+s20], $0x80, s24, s20, $0xb8;
	[tilespmem:$0x1F000] =	vst v63  }
0x70: {  	_ =	swait.ge [sflag:s23], $0x4000  }
0x71: {  	[sflag:s23] =	ssyncset.done $0x0  }
0x72: {  	s1 =	simm.s32 $0x1D00;
	[sflag:s23] =	ssyncadd.s32 $0xFFFFC000  }
0x73: {  	[spmem:s2] =	stream.indirect.scatter.add.f32 [tilespmem:s21], [sflag:$0x3], $0x80, s1, s20, $0xb8;
	[tilespmem:$0x1F000] =	vst v63  }
0x74: {  	_ =	swait.ge [sflag:s18], $0x4000  }
0x75: {  	[sflag:s18] =	ssyncset.done $0x0  }
0x76: {  	s24 =	simm.s32 $0x600;
	[sflag:s18] =	ssyncadd.s32 $0xFFFFC000  }
0x77: {  	[tilespmem:s21], [sflag:$0x1] =	stream.indirect.gather [hbm4b:s4+s20], $0x80, s24, s20, $0xb8;
	[tilespmem:$0x1F000] =	vst v63  }
0x78: {  	_ =	swait.ge [sflag:s25], $0x4000  }
0x79: {  	[sflag:s25] =	ssyncset.done $0x0  }
0x7a: {  	s1 =	simm.s32 $0x1D80;
	[sflag:s25] =	ssyncadd.s32 $0xFFFFC000  }
0x7b: {  	[spmem:s2] =	stream.indirect.scatter.add.f32 [tilespmem:s22], [sflag:$0x3], $0x80, s1, s20, $0xb8;
	[tilespmem:$0x1F000] =	vst v63  }
0x7c: {  	_ =	swait.ge [sflag:s18], $0x4000  }
0x7d: {  	[sflag:s18] =	ssyncset.done $0x0  }
0x7e: {  	s24 =	simm.s32 $0x680;
	[sflag:s18] =	ssyncadd.s32 $0xFFFFC000  }
0x7f: {  	[tilespmem:s22], [sflag:$0x2] =	stream.indirect.gather [hbm4b:s4+s20], $0x80, s24, s20, $0xb8;
	[tilespmem:$0x1F000] =	vst v63  }
0x80: {  	_ =	swait.ge [sflag:s23], $0x4000  }
0x81: {  	[sflag:s23] =	ssyncset.done $0x0  }
0x82: {  	s1 =	simm.s32 $0x1E00;
	[sflag:s23] =	ssyncadd.s32 $0xFFFFC000  }
0x83: {  	[spmem:s2] =	stream.indirect.scatter.add.f32 [tilespmem:s21], [sflag:$0x3], $0x80, s1, s20, $0xb8;
	[tilespmem:$0x1F000] =	vst v63  }
0x84: {  	_ =	swait.ge [sflag:s18], $0x4000  }
0x85: {  	[sflag:s18] =	ssyncset.done $0x0  }
0x86: {  	s24 =	simm.s32 $0x700;
	[sflag:s18] =	ssyncadd.s32 $0xFFFFC000  }
0x87: {  	[tilespmem:s21], [sflag:$0x1] =	stream.indirect.gather [hbm4b:s4+s20], $0x80, s24, s20, $0xb8;
	[tilespmem:$0x1F000] =	vst v63  }
0x88: {  	_ =	swait.ge [sflag:s25], $0x4000  }
0x89: {  	[sflag:s25] =	ssyncset.done $0x0  }
0x8a: {  	[sflag:s25] =	ssyncadd.s32 $0xFFFFC000  }
0x8b: {  	[spmem:s2] =	stream.indirect.scatter.add.f32 [tilespmem:s22], [sflag:$0x3], $0x80, s26, s20, $0xb8;
	[tilespmem:$0x1F000] =	vst v63  }
0x8c: {  	_ =	swait.ge [sflag:s18], $0x4000  }
0x8d: {  	[sflag:s18] =	ssyncset.done $0x0  }
0x8e: {  	s0 =	simm.s32 $0x1F80;
	s1 =	simm.s32 $0x1F00;
	[sflag:s18] =	ssyncadd.s32 $0xFFFFC000  }
0x8f: {  	[tilespmem:s22], [sflag:$0x2] =	stream.indirect.gather [hbm4b:s4+s20], $0x80, s28, s20, $0xb8;
	[tilespmem:$0x1F000] =	vst v63  }
.LBB2_10:
0x90: {  	_ =	swait.ge [sflag:s23], $0x4000  }
0x91: {  	[sflag:s23] =	ssyncset.done $0x0  }
0x92: {  	[sflag:s23] =	ssyncadd.s32 $0xFFFFC000  }
0x93: {  	[spmem:s2] =	stream.indirect.scatter.add.f32 [tilespmem:s21], [sflag:$0x3], $0x80, s1, s20, $0xb8;
	[tilespmem:$0x1F000] =	vst v63  }
0x94: {  	_ =	swait.ge [sflag:s18], $0x4000  }
0x95: {  	[sflag:s18] =	ssyncset.done $0x0  }
0x96: {  	[sflag:s18] =	ssyncadd.s32 $0xFFFFC000  }
0x97: {  	_ =	swait.ge [sflag:s25], $0x4000  }
0x98: {  	[sflag:s25] =	ssyncset.done $0x0  }
0x99: {  	[sflag:s25] =	ssyncadd.s32 $0xFFFFC000  }
0x9a: {  	[spmem:s2] =	stream.indirect.scatter.add.f32 [tilespmem:s22], [sflag:$0x3], $0x80, s0, s20, $0xb8;
	[tilespmem:$0x1F000] =	vst v63  }
0x9b: {  	_ =	swait.ge [sflag:s18], $0x4000  }
0x9c: {  	s31 =	sadd.s32 $0x1, s31;
	[sflag:s18] =	ssyncset.done $0x0  }
0x9d: {  	p1 =	sne.s32 s31, s16;
	[sflag:s18] =	ssyncadd.s32 $0xFFFFC000  }
.Ltmp1:
0x9e: {  	[bflag:$0x0] =	sbarrier.arrive $0xFFFF;
	(pc) =	sbr.rel @!p1 .LBB2_11-.Ltmp1, $4  }
0x9f: {  	[hbm:s15], [sflag:s6] =	dma.local [spmem:s17], $0x2800  }
0xa0: {  	_ =	swait.ge [sflag:s18], $0x2800  }
0xa1: {  	[sflag:s18] =	ssyncset.done $0x0  }
0xa2: {  	[sflag:s18] =	ssyncadd.s32 $0xFFFFD800  }
.LBB2_1:
0xa3: {  	[spmem:s17], [sflag:s6] =	dma.local [hbm:s5], $0x2800  }
.Ltmp2:
0xa4: {  	_ =	swait.ge [sflag:s18], $0x2800;
	(pc) =	sbr.rel @p0 .LBB2_9-.Ltmp2, $3  }
0xa5: {  	[sflag:s18] =	ssyncset.done $0x0  }
0xa6: {  	[sflag:s18] =	ssyncadd.s32 $0xFFFFD800  }
0xa7: {  	[bflag:$0x0] =	sbarrier.arrive $0xFFFF;
	_ =	sdelay $0x1  }
0xa8: {  	s0 =	simm.s32 $0x0  }
0xa9: {  	[tilespmem:s0], [sflag:$0x3] =	stream.linear.gather [hbm4b:s7+s0], $0x1800, $0x38;
	[tilespmem:$0x1F000] =	vst v63  }
0xaa: {  	_ =	swait.ge [sflag:s18], $0x1800  }
0xab: {  	[sflag:s18] =	ssyncset.done $0x0  }
0xac: {  	[sflag:s18] =	ssyncadd.s32 $0xFFFFE800  }
0xad: {  	[tilespmem:s19], [sflag:$0x3] =	stream.linear.gather [hbm4b:s8+s0], $0x1800, $0x38;
	[tilespmem:$0x1F000] =	vst v63  }
0xae: {  	_ =	swait.ge [sflag:s18], $0x1800  }
0xaf: {  	[sflag:s18] =	ssyncset.done $0x0  }
0xb0: {  	[sflag:s18] =	ssyncadd.s32 $0xFFFFE800  }
0xb1: {  	[tilespmem:s21], [sflag:$0x1] =	stream.indirect.gather [hbm4b:s4+s20], $0x80, s0, s20, $0xb8;
	[tilespmem:$0x1F000] =	vst v63  }
0xb2: {  	_ = 	snop  }
0xb3: {  	[tilespmem:s22], [sflag:$0x2] =	stream.indirect.gather [hbm4b:s4+s20], $0x80, s20, s20, $0xb8;
	[tilespmem:$0x1F000] =	vst v63  }
0xb4: {  	_ =	swait.ge [sflag:s23], $0x4000  }
0xb5: {  	[sflag:s23] =	ssyncset.done $0x0  }
0xb6: {  	s24 =	simm.s32 $0x1800;
	[sflag:s23] =	ssyncadd.s32 $0xFFFFC000  }
0xb7: {  	[spmem:s2] =	stream.indirect.scatter.add.f32 [tilespmem:s21], [sflag:$0x3], $0x80, s24, s20, $0xb8;
	[tilespmem:$0x1F000] =	vst v63  }
0xb8: {  	_ =	swait.ge [sflag:s18], $0x4000  }
0xb9: {  	[sflag:s18] =	ssyncset.done $0x0  }
0xba: {  	s1 =	simm.s32 $0x100;
	[sflag:s18] =	ssyncadd.s32 $0xFFFFC000  }
0xbb: {  	[tilespmem:s21], [sflag:$0x1] =	stream.indirect.gather [hbm4b:s4+s20], $0x80, s1, s20, $0xb8;
	[tilespmem:$0x1F000] =	vst v63  }
0xbc: {  	_ =	swait.ge [sflag:s25], $0x4000  }
0xbd: {  	[sflag:s25] =	ssyncset.done $0x0  }
0xbe: {  	s24 =	simm.s32 $0x1880;
	[sflag:s25] =	ssyncadd.s32 $0xFFFFC000  }
0xbf: {  	[spmem:s2] =	stream.indirect.scatter.add.f32 [tilespmem:s22], [sflag:$0x3], $0x80, s24, s20, $0xb8;
	[tilespmem:$0x1F000] =	vst v63  }
0xc0: {  	_ =	swait.ge [sflag:s18], $0x4000  }
0xc1: {  	[sflag:s18] =	ssyncset.done $0x0  }
0xc2: {  	s0 =	simm.s32 $0x400;
	s1 =	simm.s32 $0x180;
	[sflag:s18] =	ssyncadd.s32 $0xFFFFC000  }
.LBB2_3:
0xc3: {  	[tilespmem:s22], [sflag:$0x2] =	stream.indirect.gather [hbm4b:s4+s20], $0x80, s1, s20, $0xb8;
	[tilespmem:$0x1F000] =	vst v63  }
0xc4: {  	s1 =	smov.u32 s0  }
0xc5: {  	p1 =	sne.s32 s0, $0x5800;
	s0 =	sadd.s32 $0x400, s0;
	_ =	swait.ge [sflag:s23], $0x4000  }
0xc6: {  	s1 =	sshra.s32 s1, $0x2;
	[sflag:s23] =	ssyncset.done $0x0  }
0xc7: {  	s24 =	sadd.s32 $0x1800, s1;
	[sflag:s23] =	ssyncadd.s32 $0xFFFFC000  }
0xc8: {  	[spmem:s2] =	stream.indirect.scatter.add.f32 [tilespmem:s21], [sflag:$0x3], $0x80, s24, s20, $0xb8;
	[tilespmem:$0x1F000] =	vst v63  }
0xc9: {  	_ =	swait.ge [sflag:s18], $0x4000  }
0xca: {  	[sflag:s18] =	ssyncset.done $0x0  }
0xcb: {  	s24 =	sadd.s32 $0x100, s1;
	[sflag:s18] =	ssyncadd.s32 $0xFFFFC000  }
0xcc: {  	[tilespmem:s21], [sflag:$0x1] =	stream.indirect.gather [hbm4b:s4+s20], $0x80, s24, s20, $0xb8;
	[tilespmem:$0x1F000] =	vst v63  }
0xcd: {  	_ =	swait.ge [sflag:s25], $0x4000  }
0xce: {  	[sflag:s25] =	ssyncset.done $0x0  }
.Ltmp3:
0xcf: {  	s24 =	sadd.s32 $0x1880, s1;
	[sflag:s25] =	ssyncadd.s32 $0xFFFFC000;
	(pc) =	sbr.rel @p1 .LBB2_3-.Ltmp3, $4  }
0xd0: {  	[spmem:s2] =	stream.indirect.scatter.add.f32 [tilespmem:s22], [sflag:$0x3], $0x80, s24, s20, $0xb8;
	[tilespmem:$0x1F000] =	vst v63  }
0xd1: {  	_ =	swait.ge [sflag:s18], $0x4000  }
0xd2: {  	[sflag:s18] =	ssyncset.done $0x0  }
0xd3: {  	s1 =	sadd.s32 $0x180, s1;
	[sflag:s18] =	ssyncadd.s32 $0xFFFFC000  }
0xd4: {  	[tilespmem:s22], [sflag:$0x2] =	stream.indirect.gather [hbm4b:s4+s20], $0x80, s1, s20, $0xb8;
	[tilespmem:$0x1F000] =	vst v63  }
0xd5: {  	_ =	swait.ge [sflag:s23], $0x4000  }
0xd6: {  	[sflag:s23] =	ssyncset.done $0x0  }
0xd7: {  	[sflag:s23] =	ssyncadd.s32 $0xFFFFC000  }
0xd8: {  	[spmem:s2] =	stream.indirect.scatter.add.f32 [tilespmem:s21], [sflag:$0x3], $0x80, s29, s20, $0xb8;
	[tilespmem:$0x1F000] =	vst v63  }
0xd9: {  	_ =	swait.ge [sflag:s18], $0x4000  }
0xda: {  	[sflag:s18] =	ssyncset.done $0x0  }
0xdb: {  	[sflag:s18] =	ssyncadd.s32 $0xFFFFC000  }
0xdc: {  	_ =	swait.ge [sflag:s25], $0x4000  }
0xdd: {  	[sflag:s25] =	ssyncset.done $0x0  }
0xde: {  	[sflag:s25] =	ssyncadd.s32 $0xFFFFC000  }
0xdf: {  	[spmem:s2] =	stream.indirect.scatter.add.f32 [tilespmem:s22], [sflag:$0x3], $0x80, s30, s20, $0xb8;
	[tilespmem:$0x1F000] =	vst v63  }
0xe0: {  	_ =	swait.ge [sflag:s18], $0x4000  }
0xe1: {  	[sflag:s18] =	ssyncset.done $0x0  }
0xe2: {  	s0 =	simm.s32 $0x0;
	[sflag:s18] =	ssyncadd.s32 $0xFFFFC000  }
0xe3: {  	[tilespmem:s0], [sflag:$0x3] =	stream.linear.gather [hbm4b:s9+s0], $0x1800, $0x38;
	[tilespmem:$0x1F000] =	vst v63  }
0xe4: {  	_ =	swait.ge [sflag:s18], $0x1800  }
0xe5: {  	[sflag:s18] =	ssyncset.done $0x0  }
0xe6: {  	[sflag:s18] =	ssyncadd.s32 $0xFFFFE800  }
0xe7: {  	[tilespmem:s19], [sflag:$0x3] =	stream.linear.gather [hbm4b:s10+s0], $0x1800, $0x38;
	[tilespmem:$0x1F000] =	vst v63  }
0xe8: {  	_ =	swait.ge [sflag:s18], $0x1800  }
0xe9: {  	[sflag:s18] =	ssyncset.done $0x0  }
0xea: {  	[sflag:s18] =	ssyncadd.s32 $0xFFFFE800  }
0xeb: {  	[tilespmem:s21], [sflag:$0x1] =	stream.indirect.gather [hbm4b:s4+s20], $0x80, s0, s20, $0xb8;
	[tilespmem:$0x1F000] =	vst v63  }
0xec: {  	_ = 	snop  }
0xed: {  	[tilespmem:s22], [sflag:$0x2] =	stream.indirect.gather [hbm4b:s4+s20], $0x80, s20, s20, $0xb8;
	[tilespmem:$0x1F000] =	vst v63  }
0xee: {  	_ =	swait.ge [sflag:s23], $0x4000  }
0xef: {  	[sflag:s23] =	ssyncset.done $0x0  }
0xf0: {  	s24 =	simm.s32 $0x1800;
	[sflag:s23] =	ssyncadd.s32 $0xFFFFC000  }
0xf1: {  	[spmem:s2] =	stream.indirect.scatter.add.f32 [tilespmem:s21], [sflag:$0x3], $0x80, s24, s20, $0xb8;
	[tilespmem:$0x1F000] =	vst v63  }
0xf2: {  	_ =	swait.ge [sflag:s18], $0x4000  }
0xf3: {  	[sflag:s18] =	ssyncset.done $0x0  }
0xf4: {  	s1 =	simm.s32 $0x100;
	[sflag:s18] =	ssyncadd.s32 $0xFFFFC000  }
0xf5: {  	[tilespmem:s21], [sflag:$0x1] =	stream.indirect.gather [hbm4b:s4+s20], $0x80, s1, s20, $0xb8;
	[tilespmem:$0x1F000] =	vst v63  }
0xf6: {  	_ =	swait.ge [sflag:s25], $0x4000  }
0xf7: {  	[sflag:s25] =	ssyncset.done $0x0  }
0xf8: {  	s24 =	simm.s32 $0x1880;
	[sflag:s25] =	ssyncadd.s32 $0xFFFFC000  }
0xf9: {  	[spmem:s2] =	stream.indirect.scatter.add.f32 [tilespmem:s22], [sflag:$0x3], $0x80, s24, s20, $0xb8;
	[tilespmem:$0x1F000] =	vst v63  }
0xfa: {  	_ =	swait.ge [sflag:s18], $0x4000  }
0xfb: {  	[sflag:s18] =	ssyncset.done $0x0  }
0xfc: {  	s0 =	simm.s32 $0x400;
	s1 =	simm.s32 $0x180;
	[sflag:s18] =	ssyncadd.s32 $0xFFFFC000  }
.LBB2_5:
0xfd: {  	[tilespmem:s22], [sflag:$0x2] =	stream.indirect.gather [hbm4b:s4+s20], $0x80, s1, s20, $0xb8;
	[tilespmem:$0x1F000] =	vst v63  }
0xfe: {  	s1 =	smov.u32 s0  }
0xff: {  	p1 =	sne.s32 s0, $0x5800;
	s0 =	sadd.s32 $0x400, s0;
	_ =	swait.ge [sflag:s23], $0x4000  }
0x100: {  	s1 =	sshra.s32 s1, $0x2;
	[sflag:s23] =	ssyncset.done $0x0  }
0x101: {  	s24 =	sadd.s32 $0x1800, s1;
	[sflag:s23] =	ssyncadd.s32 $0xFFFFC000  }
0x102: {  	[spmem:s2] =	stream.indirect.scatter.add.f32 [tilespmem:s21], [sflag:$0x3], $0x80, s24, s20, $0xb8;
	[tilespmem:$0x1F000] =	vst v63  }
0x103: {  	_ =	swait.ge [sflag:s18], $0x4000  }
0x104: {  	[sflag:s18] =	ssyncset.done $0x0  }
0x105: {  	s24 =	sadd.s32 $0x100, s1;
	[sflag:s18] =	ssyncadd.s32 $0xFFFFC000  }
0x106: {  	[tilespmem:s21], [sflag:$0x1] =	stream.indirect.gather [hbm4b:s4+s20], $0x80, s24, s20, $0xb8;
	[tilespmem:$0x1F000] =	vst v63  }
0x107: {  	_ =	swait.ge [sflag:s25], $0x4000  }
0x108: {  	[sflag:s25] =	ssyncset.done $0x0  }
.Ltmp4:
0x109: {  	s24 =	sadd.s32 $0x1880, s1;
	[sflag:s25] =	ssyncadd.s32 $0xFFFFC000;
	(pc) =	sbr.rel @p1 .LBB2_5-.Ltmp4, $4  }
0x10a: {  	[spmem:s2] =	stream.indirect.scatter.add.f32 [tilespmem:s22], [sflag:$0x3], $0x80, s24, s20, $0xb8;
	[tilespmem:$0x1F000] =	vst v63  }
0x10b: {  	_ =	swait.ge [sflag:s18], $0x4000  }
0x10c: {  	[sflag:s18] =	ssyncset.done $0x0  }
0x10d: {  	s1 =	sadd.s32 $0x180, s1;
	[sflag:s18] =	ssyncadd.s32 $0xFFFFC000  }
0x10e: {  	[tilespmem:s22], [sflag:$0x2] =	stream.indirect.gather [hbm4b:s4+s20], $0x80, s1, s20, $0xb8;
	[tilespmem:$0x1F000] =	vst v63  }
0x10f: {  	_ =	swait.ge [sflag:s23], $0x4000  }
0x110: {  	[sflag:s23] =	ssyncset.done $0x0  }
0x111: {  	[sflag:s23] =	ssyncadd.s32 $0xFFFFC000  }
0x112: {  	[spmem:s2] =	stream.indirect.scatter.add.f32 [tilespmem:s21], [sflag:$0x3], $0x80, s29, s20, $0xb8;
	[tilespmem:$0x1F000] =	vst v63  }
0x113: {  	_ =	swait.ge [sflag:s18], $0x4000  }
0x114: {  	[sflag:s18] =	ssyncset.done $0x0  }
0x115: {  	[sflag:s18] =	ssyncadd.s32 $0xFFFFC000  }
0x116: {  	_ =	swait.ge [sflag:s25], $0x4000  }
0x117: {  	[sflag:s25] =	ssyncset.done $0x0  }
0x118: {  	[sflag:s25] =	ssyncadd.s32 $0xFFFFC000  }
0x119: {  	[spmem:s2] =	stream.indirect.scatter.add.f32 [tilespmem:s22], [sflag:$0x3], $0x80, s30, s20, $0xb8;
	[tilespmem:$0x1F000] =	vst v63  }
0x11a: {  	_ =	swait.ge [sflag:s18], $0x4000  }
0x11b: {  	[sflag:s18] =	ssyncset.done $0x0  }
0x11c: {  	s0 =	simm.s32 $0x0;
	[sflag:s18] =	ssyncadd.s32 $0xFFFFC000  }
0x11d: {  	[tilespmem:s0], [sflag:$0x3] =	stream.linear.gather [hbm4b:s11+s0], $0x1800, $0x38;
	[tilespmem:$0x1F000] =	vst v63  }
0x11e: {  	_ =	swait.ge [sflag:s18], $0x1800  }
0x11f: {  	[sflag:s18] =	ssyncset.done $0x0  }
0x120: {  	[sflag:s18] =	ssyncadd.s32 $0xFFFFE800  }
0x121: {  	[tilespmem:s19], [sflag:$0x3] =	stream.linear.gather [hbm4b:s12+s0], $0x1800, $0x38;
	[tilespmem:$0x1F000] =	vst v63  }
0x122: {  	_ =	swait.ge [sflag:s18], $0x1800  }
0x123: {  	[sflag:s18] =	ssyncset.done $0x0  }
0x124: {  	[sflag:s18] =	ssyncadd.s32 $0xFFFFE800  }
0x125: {  	[tilespmem:s21], [sflag:$0x1] =	stream.indirect.gather [hbm4b:s4+s20], $0x80, s0, s20, $0xb8;
	[tilespmem:$0x1F000] =	vst v63  }
0x126: {  	_ = 	snop  }
0x127: {  	[tilespmem:s22], [sflag:$0x2] =	stream.indirect.gather [hbm4b:s4+s20], $0x80, s20, s20, $0xb8;
	[tilespmem:$0x1F000] =	vst v63  }
0x128: {  	_ =	swait.ge [sflag:s23], $0x4000  }
0x129: {  	[sflag:s23] =	ssyncset.done $0x0  }
0x12a: {  	s24 =	simm.s32 $0x1800;
	[sflag:s23] =	ssyncadd.s32 $0xFFFFC000  }
0x12b: {  	[spmem:s2] =	stream.indirect.scatter.add.f32 [tilespmem:s21], [sflag:$0x3], $0x80, s24, s20, $0xb8;
	[tilespmem:$0x1F000] =	vst v63  }
0x12c: {  	_ =	swait.ge [sflag:s18], $0x4000  }
0x12d: {  	[sflag:s18] =	ssyncset.done $0x0  }
0x12e: {  	s1 =	simm.s32 $0x100;
	[sflag:s18] =	ssyncadd.s32 $0xFFFFC000  }
0x12f: {  	[tilespmem:s21], [sflag:$0x1] =	stream.indirect.gather [hbm4b:s4+s20], $0x80, s1, s20, $0xb8;
	[tilespmem:$0x1F000] =	vst v63  }
0x130: {  	_ =	swait.ge [sflag:s25], $0x4000  }
0x131: {  	p1 =	por $0x0, $0x0;
	[sflag:s25] =	ssyncset.done $0x0  }
.Ltmp5:
0x132: {  	s24 =	simm.s32 $0x1880;
	[sflag:s25] =	ssyncadd.s32 $0xFFFFC000;
	(pc) =	sbr.rel @p1 .LBB2_8-.Ltmp5, $4  }
0x133: {  	[spmem:s2] =	stream.indirect.scatter.add.f32 [tilespmem:s22], [sflag:$0x3], $0x80, s24, s20, $0xb8;
	[tilespmem:$0x1F000] =	vst v63  }
0x134: {  	_ =	swait.ge [sflag:s18], $0x4000  }
0x135: {  	[sflag:s18] =	ssyncset.done $0x0  }
0x136: {  	s0 =	simm.s32 $0x400;
	s1 =	simm.s32 $0x180;
	[sflag:s18] =	ssyncadd.s32 $0xFFFFC000  }
.LBB2_7:
0x137: {  	[tilespmem:s22], [sflag:$0x2] =	stream.indirect.gather [hbm4b:s4+s20], $0x80, s1, s20, $0xb8;
	[tilespmem:$0x1F000] =	vst v63  }
0x138: {  	s1 =	smov.u32 s0  }
0x139: {  	p1 =	seq.s32 s0, $0x5800;
	s0 =	sadd.s32 $0x400, s0;
	_ =	swait.ge [sflag:s23], $0x4000  }
0x13a: {  	s1 =	sshra.s32 s1, $0x2;
	[sflag:s23] =	ssyncset.done $0x0  }
0x13b: {  	s24 =	sadd.s32 $0x1800, s1;
	[sflag:s23] =	ssyncadd.s32 $0xFFFFC000  }
0x13c: {  	[spmem:s2] =	stream.indirect.scatter.add.f32 [tilespmem:s21], [sflag:$0x3], $0x80, s24, s20, $0xb8;
	[tilespmem:$0x1F000] =	vst v63  }
0x13d: {  	_ =	swait.ge [sflag:s18], $0x4000  }
0x13e: {  	[sflag:s18] =	ssyncset.done $0x0  }
0x13f: {  	s24 =	sadd.s32 $0x100, s1;
	[sflag:s18] =	ssyncadd.s32 $0xFFFFC000  }
0x140: {  	[tilespmem:s21], [sflag:$0x1] =	stream.indirect.gather [hbm4b:s4+s20], $0x80, s24, s20, $0xb8;
	[tilespmem:$0x1F000] =	vst v63  }
0x141: {  	_ =	swait.ge [sflag:s25], $0x4000  }
0x142: {  	[sflag:s25] =	ssyncset.done $0x0  }
.Ltmp6:
0x143: {  	s24 =	sadd.s32 $0x1880, s1;
	[sflag:s25] =	ssyncadd.s32 $0xFFFFC000;
	(pc) =	sbr.rel @!p1 .LBB2_7-.Ltmp6, $4  }
0x144: {  	[spmem:s2] =	stream.indirect.scatter.add.f32 [tilespmem:s22], [sflag:$0x3], $0x80, s24, s20, $0xb8;
	[tilespmem:$0x1F000] =	vst v63  }
0x145: {  	_ =	swait.ge [sflag:s18], $0x4000  }
0x146: {  	[sflag:s18] =	ssyncset.done $0x0  }
0x147: {  	s1 =	sadd.s32 $0x180, s1;
	[sflag:s18] =	ssyncadd.s32 $0xFFFFC000  }
.LBB2_8:
.Ltmp7:
0x148: {  	(pc) =	sbr.rel .LBB2_10-.Ltmp7, $3  }
0x149: {  	_ =	sdelay $0x1  }
0x14a: {  	[tilespmem:s22], [sflag:$0x2] =	stream.indirect.gather [hbm4b:s4+s20], $0x80, s1, s20, $0xb8;
	[tilespmem:$0x1F000] =	vst v63  }
0x14b: {  	s0 =	simm.s32 $0x2F80;
	s1 =	simm.s32 $0x2F00  }
.LBB2_11:
0x14c: {  	_ =	sfence.sel $0x180000  }
0x14d: {  	[bflag:$0x0] =	sbarrier.arrive $0xFFFF  }
0x14e: {  	_ =	strace $0x9000004A  }
0x14f: {  	s0 =	stileid.u32;
	[bflag:$0x2] =	sbarrier.arrive $0xFFFF  }
0x150: {  	p0 =	sne.s32 s0, $0x0;
	s0 =	rddreg [dreg:$0x3]  }
0x151: {  	s0 =	sadd.s32 @!p0 $0x100000, s0  }
0x152: {  	[sflag:s0] =	ssyncadd.tile.s32 @!p0 $0x1;
	_ =	shalt  }
.Lfunc_end2:
_tile_overlayer_lowered:
.L_overlay_start_2:
0x153: {  	(tag) =	ssettag $0x2  }
0x154: {  	s0 =	rddreg [dreg:$0x0];
	s2 =	stileid.u32  }
0x155: {  	s1 =	rddreg [dreg:$0x1];
	p0 =	sne.s32 s2, $0x0  }
0x156: {  	s3 =	rddreg [dreg:$0x2];
	[bflag:$0x3] =	sbarrier.arrive $0xFFFF;
	s2 =	simm.s32 @!p0 $0x1C03  }
0x157: {  	[timem:s3], [sflag:s2] =	dma.local @!p0 [hbm:s0], s1  }
0x158: {  	s0 =	simm.s32 @!p0 $0x3  }
0x159: {  	_ =	swait.ge @!p0 [sflag:s0], s1  }
0x15a: {  	s1 =	ssub.s32 @!p0 $0x0, s1;
	[sflag:s0] =	ssyncset.done @!p0 $0x0  }
0x15b: {  	[sflag:s0] =	ssyncadd.s32 @!p0 s1  }
0x15c: {  	[bflag:$0x3] =	sbarrier.arrive $0xFFFF  }
0x15d: {  	_ =	shalt  }

// kernel: kernel.14.cloned.1.call-start
scs
__scs_entry_jumppad:
0x0: {  	(pc) =	sbr.rel $0x88, $3  }
0x1: {  	(tag) =	ssettag $0x0;
	lr =	simm.s32 $0x1  }
0x2: {  	[smem:$0x3F9B] =	sst lr;
	_ =	strace $0xD0000000  }
0x3: {  	_ = 	snop  }
0x4: {  	_ = 	snop  }
0x5: {  	_ = 	snop  }
0x6: {  	_ = 	snop  }
0x7: {  	_ = 	snop  }
__scs_overlays_trampoline_lowered:
0x8: {  	[smem:$0x3FAA] =	sst s0  }
0x9: {  	[smem:$0x3FAB] =	sst s1  }
0xa: {  	[smem:$0x3FAC] =	sst s2  }
0xb: {  	[smem:$0x3FAD] =	sst s3  }
0xc: {  	[smem:$0x3FAE] =	sst s4  }
0xd: {  	[smem:$0x3FAF] =	sst s5  }
0xe: {  	[smem:$0x3FB0] =	sst s6  }
0xf: {  	[smem:$0x3FB1] =	sst s7  }
0x10: {  	[smem:$0x3FB2] =	sst s8  }
0x11: {  	[smem:$0x3FB3] =	sst s9;
	s0 =	simm.s32 @!p0 $0x0  }
0x12: {  	s1 =	sld [smem:$0x3F99];
	s0 =	simm.s32 @p0 $0x1  }
0x13: {  	[smem:$0x3FB4] =	sst s0;
	s0 =	simm.s32 @!p1 $0x0  }
0x14: {  	s2 =	sld [smem:$0x3F98];
	s0 =	simm.s32 @p1 $0x1  }
0x15: {  	[smem:$0x3FB5] =	sst s0;
	s0 =	simm.s32 @!p2 $0x0  }
0x16: {  	s3 =	sld [smem:$0x3FDB];
	s0 =	simm.s32 @p2 $0x1  }
0x17: {  	s4 =	simm.s32 $0x1BF5;
	[smem:$0x3FB7] =	sst s0  }
0x18: {  	s0 =	sld [smem:$0x3F9A];
	_ =	swait.ge [sflag:s4], $0x0  }
0x19: {  	s7 =	sld [smem:$0x3F9B]  }
0x1a: {  	s8 =	sadd.s32 $0xFFFFE003, lr  }
0x1b: {  	s9 =	sadd.s32 $0xFFFFFEF7, lr;
	s5 =	simm.s32 $0xFFFFFFFF;
	p2 =	slt.u32 s8, $0xFFFFF086  }
0x1c: {  	p1 =	slt.u32 s9, $0xF7A;
	s5 =	simm.s32 @!p2 $0x0  }
0x1d: {  	s5 =	simm.s32 @p1 $0x1;
	p0 =	seq.s32 s7, s2  }
0x1e: {  	s7 =	smul.u32 @!p0 $0xF7A, s2;
	p2 =	seq.s32 @!p0 s5, $0x0  }
0x1f: {  	s9 =	smul.u32 $0xF7A, s1;
	s8 =	simm.s32 @!p0 $0x1BF5;
	p2 =	por !p2, p0  }
0x20: {  	[sflag:s8] =	ssyncset.s32 @!p0 $0xFFFFF086;
	s6 =	sadd.s32 @!p0 s3, s7;
	s7 =	simm.s32 @!p0 $0x108  }
0x21: {  	s3 =	sadd.s32 s3, s9;
	s6 =	sadd.s32 @!p0 $0x88, s6;
	s7 =	simm.s32 @p2 $0x1082  }
0x22: {  	[simem:s7], [sflag:s8] =	dma.local @!p0 [hbm:s6], $0xF7A  }
0x23: {  	s9 =	sor.u32 $0xD0000000, s2;
	s6 =	simm.s32 $0x108;
	_ =	swait.ge @!p0 [sflag:s8], $0x0  }
0x24: {  	s3 =	sadd.s32 $0x88, s3;
	s6 =	simm.s32 @!p1 $0x1082;
	[sflag:s4] =	ssyncset.s32 $0xFFFFF086  }
0x25: {  	[simem:s6], [sflag:s4] =	dma.local [hbm:s3], $0xF7A  }
0x26: {  	[smem:$0x3F9B] =	sst s1;
	(tag) =	ssettag s2;
	_ =	strace s9  }
0x27: {  	s1 =	sld [smem:$0x3FAB]  }
0x28: {  	s2 =	sld [smem:$0x3FAC]  }
0x29: {  	s4 =	sld [smem:$0x3FAE]  }
0x2a: {  	p0 =	seq.s32 s5, $0x0;
	s5 =	sld [smem:$0x3FAF]  }
0x2b: {  	s6 =	sld [smem:$0x3FB0]  }
0x2c: {  	s7 =	sld [smem:$0x3FB1]  }
0x2d: {  	s3 =	simm.s32 $0x108;
	s8 =	sld [smem:$0x3FB2]  }
0x2e: {  	s3 =	simm.s32 @!p0 $0x1082;
	s9 =	sld [smem:$0x3FB3]  }
0x2f: {  	lr =	sadd.s32 s0, s3;
	s0 =	sld [smem:$0x3FAA]  }
0x30: {  	s3 =	sld [smem:$0x3FAD]  }
0x31: {  	[smem:$0x3FB6] =	sst s10  }
0x32: {  	s10 =	sld [smem:$0x3FB4];
	_ =	sdelay $0x3  }
0x33: {  	p0 =	seq.s32 s10, $0x1;
	s10 =	sld [smem:$0x3FB6];
	_ =	sdelay $0x3  }
0x34: {  	[smem:$0x3FB6] =	sst s10  }
0x35: {  	s10 =	sld [smem:$0x3FB5];
	_ =	sdelay $0x3  }
0x36: {  	p1 =	seq.s32 s10, $0x1;
	s10 =	sld [smem:$0x3FB6];
	_ =	sdelay $0x3  }
0x37: {  	[smem:$0x3FB6] =	sst s10  }
0x38: {  	s10 =	sld [smem:$0x3FB7]  }
0x39: {  	_ = 	snop;
	(pc) =	sbr.ind lr, $3  }
0x3a: {  	_ = 	snop  }
0x3b: {  	_ = 	snop  }
0x3c: {  	p2 =	seq.s32 s10, $0x1;
	s10 =	sld [smem:$0x3FB6]  }
0x3d: {  	_ =	shalt  }
0x3e: {  	_ =	shalt  }
0x3f: {  	_ =	shalt  }
0x40: {  	_ =	shalt  }
0x41: {  	_ =	shalt  }
0x42: {  	_ =	shalt  }
0x43: {  	_ =	shalt  }
0x44: {  	_ =	shalt  }
0x45: {  	_ =	shalt  }
0x46: {  	_ =	shalt  }
0x47: {  	_ =	shalt  }
0x48: {  	_ =	shalt  }
0x49: {  	_ =	shalt  }
0x4a: {  	_ =	shalt  }
0x4b: {  	_ =	shalt  }
0x4c: {  	_ =	shalt  }
0x4d: {  	_ =	shalt  }
0x4e: {  	_ =	shalt  }
0x4f: {  	_ =	shalt  }
0x50: {  	_ =	shalt  }
0x51: {  	_ =	shalt  }
0x52: {  	_ =	shalt  }
0x53: {  	_ =	shalt  }
0x54: {  	_ =	shalt  }
0x55: {  	_ =	shalt  }
0x56: {  	_ =	shalt  }
0x57: {  	_ =	shalt  }
0x58: {  	_ =	shalt  }
0x59: {  	_ =	shalt  }
0x5a: {  	_ =	shalt  }
0x5b: {  	_ =	shalt  }
0x5c: {  	_ =	shalt  }
0x5d: {  	_ =	shalt  }
0x5e: {  	_ =	shalt  }
0x5f: {  	_ =	shalt  }
0x60: {  	_ =	shalt  }
0x61: {  	_ =	shalt  }
0x62: {  	_ =	shalt  }
0x63: {  	_ =	shalt  }
0x64: {  	_ =	shalt  }
0x65: {  	_ =	shalt  }
0x66: {  	_ =	shalt  }
0x67: {  	_ =	shalt  }
0x68: {  	_ =	shalt  }
0x69: {  	_ =	shalt  }
0x6a: {  	_ =	shalt  }
0x6b: {  	_ =	shalt  }
0x6c: {  	_ =	shalt  }
0x6d: {  	_ =	shalt  }
0x6e: {  	_ =	shalt  }
0x6f: {  	_ =	shalt  }
0x70: {  	_ =	shalt  }
0x71: {  	_ =	shalt  }
0x72: {  	_ =	shalt  }
0x73: {  	_ =	shalt  }
0x74: {  	_ =	shalt  }
0x75: {  	_ =	shalt  }
0x76: {  	_ =	shalt  }
0x77: {  	_ =	shalt  }
0x78: {  	_ =	shalt  }
0x79: {  	_ =	shalt  }
0x7a: {  	_ =	shalt  }
0x7b: {  	_ =	shalt  }
0x7c: {  	_ =	shalt  }
0x7d: {  	_ =	shalt  }
0x7e: {  	_ =	shalt  }
0x7f: {  	_ =	shalt  }
0x80: {  	_ =	shalt  }
0x81: {  	_ =	shalt  }
0x82: {  	_ =	shalt  }
0x83: {  	_ =	shalt  }
0x84: {  	_ =	shalt  }
0x85: {  	_ =	shalt  }
0x86: {  	_ =	shalt  }
0x87: {  	_ =	shalt  }
.Lfunc_end0:
.L_simem_size_0:
called_computation.2_lowered:
.L_overlay_start_0:
0x88: {  	s2 =	sld [smem:$0x3FD9]  }
0x89: {  	s3 =	sld [smem:$0x3FFE];
	_ =	sdelay $0x1  }
0x8a: {  	s1 =	srdreg.scid  }
0x8b: {  	s0 =	sand.u32 $0x1, s1  }
0x8c: {  	s17 =	sshll.u32 s0, $0xA;
	s2 =	sadd.s32 s3, s2  }
0x8d: {  	s2 =	sadd.s32 s2, s17  }
0x8e: {  	[smem:$0x3FC2] =	sst s2  }
0x8f: {  	_ = 	snop  }
0x90: {  	s2 =	sld [smem:$0x3FD0];
	(tm) =	ssettm $0x1  }
0x91: {  	s18 =	sld [smem:$0x3FFB];
	_ =	sdelay $0x3  }
0x92: {  	_ =	strace s18  }
0x93: {  	s3 =	sld [smem:$0x3FFC];
	_ =	sdelay $0x3  }
0x94: {  	_ =	strace s3  }
0x95: {  	s3 =	sld [smem:$0x3FFD];
	_ =	sdelay $0x3  }
0x96: {  	_ =	strace s3  }
0x97: {  	_ =	strace $0x8FFFFFFF  }
0x98: {  	s19 =	sld [smem:$0x3FDB];
	_ =	sdelay $0x1  }
0x99: {  	s4 =	simm.s32 $_scs_section_size  }
0x9a: {  	s5 =	simm.s32 $_size__tile_overlayer_lowered;
	s6 =	simm.s32 $_tile_overlayer_lowered  }
0x9b: {  	s22 =	simm.s32 $0x1BFF;
	s21 =	sshll.u32 s6, $0x1;
	s3 =	sadd.s32 s4, s19  }
0x9c: {  	s7 =	simm.s32 $0x0;
	s20 =	sshll.u32 s5, $0x1;
	s5 =	sadd.s32 s21, s3  }
0x9d: {  	[timem:s7], [sflag:s22] =	dma.local [hbm:s5], s20  }
0x9e: {  	_ =	swait.ge [sflag:s22], s20  }
0x9f: {  	s4 =	ssub.s32 $0x0, s20;
	[sflag:s22] =	ssyncset.done $0x0  }
0xa0: {  	[sflag:s22] =	ssyncadd.s32 s4;
	_ =	sdelay $0x1  }
0xa1: {  	s23 =	simm.s32 $0x1B8B  }
0xa2: {  	_ =	swait.ge [sflag:s23], $0x1  }
0xa3: {  	[sflag:s23] =	ssyncset.done $0x0  }
0xa4: {  	s25 =	simm.s32 $0x1B8E;
	s24 =	sld [smem:$0x3FFE];
	[sflag:s23] =	ssyncadd.s32 $0xFFFFFFFF  }
0xa5: {  	s26 =	simm.s32 $execute0_lowered;
	[smem:$0x3FD2] =	sst s25  }
0xa6: {  	s5 =	sshll.u32 s26, $0x1;
	_ =	strace $0x8000004C;
	[dreg:$0x1] =	wrdreg $0xFFFFFFFF  }
0xa7: {  	s28 =	simm.s32 $_size_execute0_lowered;
	s3 =	sadd.s32 s3, s5;
	[dreg:$0x0] =	wrdreg $0x0  }
0xa8: {  	s5 =	sshll.u32 s28, $0x1;
	[dreg:$0x2] =	wrdreg s3  }
0xa9: {  	[dreg:$0x3] =	wrdreg s5  }
0xaa: {  	[dreg:$0x4] =	wrdreg $0xC0  }
0xab: {  	_ =	task [dreg:s7], $0x5FFFF  }
0xac: {  	[dreg:$0x1] =	wrdreg $0xFFFFFFFF  }
0xad: {  	[dreg:$0x0] =	wrdreg $0x60  }
0xae: {  	[dreg:$0x2] =	wrdreg s24  }
0xaf: {  	[dreg:$0x3] =	wrdreg s2  }
0xb0: {  	[dreg:$0x4] =	wrdreg $0xB0000  }
0xb1: {  	[dreg:$0x5] =	wrdreg $0x9  }
0xb2: {  	_ =	task.clear_ibuf [dreg:s7], $0x6FFFF;
	_ =	strace $0x9000004C  }
0xb3: {  	s29 =	simm.s32 $0x9;
	_ =	strace $0x8000004E  }
0xb4: {  	_ =	swait.ge [sflag:s29], $0x1  }
0xb5: {  	[sflag:s29] =	ssyncadd.s32 $0xFFFFFFFF  }
0xb6: {  	_ =	strace $0x9000004E  }
0xb7: {  	_ =	sfence  }
0xb8: {  	s30 =	sld [smem:$0x0];
	_ =	sdelay $0x2  }
0xb9: {  	s31 =	sshll.u32 s1, $0xD;
	s1 =	sshrl.u32 s1, $0x2  }
0xba: {  	s3 =	sand.u32 $0x4000, s31;
	s1 =	sadd.s32 s1, s30  }
0xbb: {  	s0 =	sor.u32 s3, s0;
	s1 =	sshll.u32 s1, $0x11  }
0xbc: {  	s0 =	sor.u32 s1, s0  }
0xbd: {  	s0 =	sadd.s32 $0x8F2B, s0  }
0xbe: {  	[sflag:s0] =	ssyncadd.remote.s32 $0x1  }
0xbf: {  	_ =	sfence.sel $0xFFFF  }
0xc0: {  	[dreg:$0x0] =	wrdreg $0xFFFFFFFF;
	(pc) =	sbr.abs _section_cstart, $3  }
0xc1: {  	[dreg:$0x1] =	wrdreg $0xFFFFFFFF  }
0xc2: {  	_ =	task.clear_ibuf [dreg:s7], $0x2FFFF;
	_ =	strace $0x9FFFFFFF  }
0xc3: {  	(tm) =	ssettm $0x7FFFFFFF  }
tec
execute0_lowered:
.L_overlay_start_1:
0x0: {  	(tag) =	ssettag $0x1  }
0x1: {  	s0 =	rddreg [dreg:$0x0]  }
0x2: {  	s1 =	rddreg [dreg:$0x1]  }
0x3: {  	s2 =	rddreg [dreg:$0x2]  }
0x4: {  	s4 =	srdreg.scid;
	s14 =	stileid.u32  }
0x5: {  	s3 =	simm.s32 $0x0;
	s28 =	simm.s32 $0x1;
	s30 =	simm.s32 $0x2  }
0x6: {  	s29 =	simm.s32 $0x2E00;
	s31 =	simm.s32 $0x2E80;
	s6 =	smul.u32 $0xA000, s14  }
0x7: {  	s7 =	sand.u32 $0x1, s4;
	[smem:$0x7FF] =	sst s3;
	s11 =	smul.u32 $0x4800, s14  }
0x8: {  	s4 =	sadd.s32 $0x37E00, s0;
	s8 =	sadd.s32 $0x6C00, s0;
	s12 =	smul.u32 $0x900, s14  }
0x9: {  	s16 =	sshll.u32 s14, $0x6;
	s22 =	sshll.u32 s14, $0x8;
	s5 =	smul.u32 $0xA0000, s7  }
0xa: {  	_ =	strace $0x8000004D;
	s10 =	ssub.s32 $0x2, s7;
	p0 =	seq.s32 s7, $0x1  }
0xb: {  	s24 =	sor.u32 $0x9000, s22;
	s22 =	simm.s32 $0x5000;
	s15 =	sshrl.u32 s10, $0x1  }
0xc: {  	s13 =	sadd.s32 s6, s2;
	s17 =	sshrl.u32 s11, $0x3;
	s18 =	sadd.s32 s8, s12  }
0xd: {  	s20 =	sadd.s32 s1, s12;
	s26 =	sadd.s32 s8, s24;
	s14 =	sadd.s32 s1, s24  }
0xe: {  	s24 =	simm.s32 $0x7000;
	s9 =	sadd.s32 s6, s5;
	[dreg:$0x4] =	wrdreg s18  }
0xf: {  	s5 =	sadd.s32 $0x1600, s0;
	s6 =	sor.u32 $0x1C05, s16;
	[dreg:$0x5] =	wrdreg s20  }
0x10: {  	s19 =	sadd.s32 $0x300, s17;
	s23 =	sadd.s32 $0x600, s17;
	[dreg:$0xa] =	wrdreg s26  }
0x11: {  	s17 =	sshrl.u32 s13, $0x3;
	s18 =	simm.s32 $0x5;
	s20 =	simm.s32 $0x80  }
0x12: {  	s26 =	simm.s32 $0x9000;
	s9 =	sshrl.u32 s9, $0x3;
	s21 =	sadd.s32 s8, s19  }
0x13: {  	s7 =	sadd.s32 s1, s19;
	s25 =	sadd.s32 s8, s23;
	s19 =	simm.s32 $0x1800  }
0x14: {  	s8 =	simm.s32 $0x2F80;
	s0 =	sadd.s32 s9, s0;
	[dreg:$0x6] =	wrdreg s21  }
.Ltmp0:
0x15: {  	s9 =	ssub.s32 s10, s15;
	[dreg:$0x7] =	wrdreg s7;
	(pc) =	sbr.rel .LBB2_1-.Ltmp0, $4  }
0x16: {  	[dreg:$0x8] =	wrdreg s25;
	s7 =	sadd.s32 s1, s23;
	s21 =	simm.s32 $0x3000  }
0x17: {  	s23 =	simm.s32 $0x100;
	s25 =	simm.s32 $0x180;
	s1 =	simm.s32 $0x3  }
0x18: {  	[dreg:$0x9] =	wrdreg s7;
	s15 =	sadd.s32 $0x4BE00, s0;
	s16 =	smax.u32 s9, $0x1  }
0x19: {  	s0 =	simm.s32 $0x4;
	s7 =	simm.s32 $0x2F00;
	s9 =	simm.s32 $0x0  }
.LBB2_9:
0x1a: {  	s10 =	rddreg [dreg:$0xa]  }
0x1b: {  	[tilespmem:s3], [sflag:$0x5] =	stream.linear.gather [hbm4b:s10+s3], $0x800, $0x38;
	[tilespmem:$0x15000] =	vst v63  }
0x1c: {  	_ =	swait.ge [sflag:s18], $0x800  }
0x1d: {  	[sflag:s18] =	ssyncset.done $0x0  }
0x1e: {  	[sflag:s18] =	ssyncadd.s32 $0xFFFFF800  }
0x1f: {  	[tilespmem:s19], [sflag:$0x5] =	stream.linear.gather [hbm4b:s14+s3], $0x800, $0x38;
	[tilespmem:$0x15000] =	vst v63  }
0x20: {  	_ =	swait.ge [sflag:s18], $0x800  }
0x21: {  	[sflag:s18] =	ssyncset.done $0x0  }
0x22: {  	[sflag:s18] =	ssyncadd.s32 $0xFFFFF800  }
0x23: {  	[tilespmem:s21], [sflag:$0x1] =	stream.indirect.gather [hbm4b:s4+s20], $0x40, s3, s20, $0xb8;
	[tilespmem:$0x15000] =	vst v63  }
0x24: {  	_ = 	snop  }
0x25: {  	[tilespmem:s22], [sflag:$0x2] =	stream.indirect.gather [hbm4b:s4+s20], $0x40, s20, s20, $0xb8;
	[tilespmem:$0x15000] =	vst v63  }
0x26: {  	_ = 	snop  }
0x27: {  	[tilespmem:s24], [sflag:$0x3] =	stream.indirect.gather [hbm4b:s4+s20], $0x40, s23, s20, $0xb8;
	[tilespmem:$0x15000] =	vst v63  }
0x28: {  	_ = 	snop  }
0x29: {  	[tilespmem:s26], [sflag:$0x4] =	stream.indirect.gather [hbm4b:s4+s20], $0x40, s25, s20, $0xb8;
	[tilespmem:$0x15000] =	vst v63  }
0x2a: {  	_ =	swait.ge [sflag:s28], $0x2000  }
0x2b: {  	[sflag:s28] =	ssyncset.done $0x0  }
0x2c: {  	[sflag:s28] =	ssyncadd.s32 $0xFFFFE000  }
0x2d: {  	[spmem:s2] =	stream.indirect.scatter.add.f32 [tilespmem:s21], [sflag:$0x5], $0x40, s19, s20, $0xb8;
	[tilespmem:$0x15000] =	vst v63  }
0x2e: {  	_ =	swait.ge [sflag:s18], $0x2000  }
0x2f: {  	[sflag:s18] =	ssyncset.done $0x0  }
0x30: {  	s12 =	simm.s32 $0x200;
	[sflag:s18] =	ssyncadd.s32 $0xFFFFE000  }
0x31: {  	[tilespmem:s21], [sflag:$0x1] =	stream.indirect.gather [hbm4b:s4+s20], $0x40, s12, s20, $0xb8;
	[tilespmem:$0x15000] =	vst v63  }
0x32: {  	_ =	swait.ge [sflag:s30], $0x2000  }
0x33: {  	[sflag:s30] =	ssyncset.done $0x0  }
0x34: {  	s13 =	simm.s32 $0x1880;
	[sflag:s30] =	ssyncadd.s32 $0xFFFFE000  }
0x35: {  	[spmem:s2] =	stream.indirect.scatter.add.f32 [tilespmem:s22], [sflag:$0x5], $0x40, s13, s20, $0xb8;
	[tilespmem:$0x15000] =	vst v63  }
0x36: {  	_ =	swait.ge [sflag:s18], $0x2000  }
0x37: {  	[sflag:s18] =	ssyncset.done $0x0  }
0x38: {  	s11 =	simm.s32 $0x280;
	[sflag:s18] =	ssyncadd.s32 $0xFFFFE000  }
0x39: {  	[tilespmem:s22], [sflag:$0x2] =	stream.indirect.gather [hbm4b:s4+s20], $0x40, s11, s20, $0xb8;
	[tilespmem:$0x15000] =	vst v63  }
0x3a: {  	_ =	swait.ge [sflag:s1], $0x2000  }
0x3b: {  	[sflag:s1] =	ssyncset.done $0x0  }
0x3c: {  	s12 =	simm.s32 $0x1900;
	[sflag:s1] =	ssyncadd.s32 $0xFFFFE000  }
0x3d: {  	[spmem:s2] =	stream.indirect.scatter.add.f32 [tilespmem:s24], [sflag:$0x5], $0x40, s12, s20, $0xb8;
	[tilespmem:$0x15000] =	vst v63  }
0x3e: {  	_ =	swait.ge [sflag:s18], $0x2000  }
0x3f: {  	[sflag:s18] =	ssyncset.done $0x0  }
0x40: {  	s13 =	simm.s32 $0x300;
	[sflag:s18] =	ssyncadd.s32 $0xFFFFE000  }
0x41: {  	[tilespmem:s24], [sflag:$0x3] =	stream.indirect.gather [hbm4b:s4+s20], $0x40, s13, s20, $0xb8;
	[tilespmem:$0x15000] =	vst v63  }
0x42: {  	_ =	swait.ge [sflag:s0], $0x2000  }
0x43: {  	[sflag:s0] =	ssyncset.done $0x0  }
0x44: {  	s11 =	simm.s32 $0x1980;
	[sflag:s0] =	ssyncadd.s32 $0xFFFFE000  }
0x45: {  	[spmem:s2] =	stream.indirect.scatter.add.f32 [tilespmem:s26], [sflag:$0x5], $0x40, s11, s20, $0xb8;
	[tilespmem:$0x15000] =	vst v63  }
0x46: {  	_ =	swait.ge [sflag:s18], $0x2000  }
0x47: {  	[sflag:s18] =	ssyncset.done $0x0  }
0x48: {  	s12 =	simm.s32 $0x380;
	[sflag:s18] =	ssyncadd.s32 $0xFFFFE000  }
0x49: {  	[tilespmem:s26], [sflag:$0x4] =	stream.indirect.gather [hbm4b:s4+s20], $0x40, s12, s20, $0xb8;
	[tilespmem:$0x15000] =	vst v63  }
0x4a: {  	_ =	swait.ge [sflag:s28], $0x2000  }
0x4b: {  	[sflag:s28] =	ssyncset.done $0x0  }
0x4c: {  	s13 =	simm.s32 $0x1A00;
	[sflag:s28] =	ssyncadd.s32 $0xFFFFE000  }
0x4d: {  	[spmem:s2] =	stream.indirect.scatter.add.f32 [tilespmem:s21], [sflag:$0x5], $0x40, s13, s20, $0xb8;
	[tilespmem:$0x15000] =	vst v63  }
0x4e: {  	_ =	swait.ge [sflag:s18], $0x2000  }
0x4f: {  	[sflag:s18] =	ssyncset.done $0x0  }
0x50: {  	s11 =	simm.s32 $0x400;
	[sflag:s18] =	ssyncadd.s32 $0xFFFFE000  }
0x51: {  	[tilespmem:s21], [sflag:$0x1] =	stream.indirect.gather [hbm4b:s4+s20], $0x40, s11, s20, $0xb8;
	[tilespmem:$0x15000] =	vst v63  }
0x52: {  	_ =	swait.ge [sflag:s30], $0x2000  }
0x53: {  	[sflag:s30] =	ssyncset.done $0x0  }
0x54: {  	s12 =	simm.s32 $0x1A80;
	[sflag:s30] =	ssyncadd.s32 $0xFFFFE000  }
0x55: {  	[spmem:s2] =	stream.indirect.scatter.add.f32 [tilespmem:s22], [sflag:$0x5], $0x40, s12, s20, $0xb8;
	[tilespmem:$0x15000] =	vst v63  }
0x56: {  	_ =	swait.ge [sflag:s18], $0x2000  }
0x57: {  	[sflag:s18] =	ssyncset.done $0x0  }
0x58: {  	s13 =	simm.s32 $0x480;
	[sflag:s18] =	ssyncadd.s32 $0xFFFFE000  }
0x59: {  	[tilespmem:s22], [sflag:$0x2] =	stream.indirect.gather [hbm4b:s4+s20], $0x40, s13, s20, $0xb8;
	[tilespmem:$0x15000] =	vst v63  }
0x5a: {  	_ =	swait.ge [sflag:s1], $0x2000  }
0x5b: {  	[sflag:s1] =	ssyncset.done $0x0  }
0x5c: {  	s11 =	simm.s32 $0x1B00;
	[sflag:s1] =	ssyncadd.s32 $0xFFFFE000  }
0x5d: {  	[spmem:s2] =	stream.indirect.scatter.add.f32 [tilespmem:s24], [sflag:$0x5], $0x40, s11, s20, $0xb8;
	[tilespmem:$0x15000] =	vst v63  }
0x5e: {  	_ =	swait.ge [sflag:s18], $0x2000  }
0x5f: {  	[sflag:s18] =	ssyncset.done $0x0  }
0x60: {  	s12 =	simm.s32 $0x500;
	[sflag:s18] =	ssyncadd.s32 $0xFFFFE000  }
0x61: {  	[tilespmem:s24], [sflag:$0x3] =	stream.indirect.gather [hbm4b:s4+s20], $0x40, s12, s20, $0xb8;
	[tilespmem:$0x15000] =	vst v63  }
0x62: {  	_ =	swait.ge [sflag:s0], $0x2000  }
0x63: {  	[sflag:s0] =	ssyncset.done $0x0  }
0x64: {  	s13 =	simm.s32 $0x1B80;
	[sflag:s0] =	ssyncadd.s32 $0xFFFFE000  }
0x65: {  	[spmem:s2] =	stream.indirect.scatter.add.f32 [tilespmem:s26], [sflag:$0x5], $0x40, s13, s20, $0xb8;
	[tilespmem:$0x15000] =	vst v63  }
0x66: {  	_ =	swait.ge [sflag:s18], $0x2000  }
0x67: {  	[sflag:s18] =	ssyncset.done $0x0  }
0x68: {  	s11 =	simm.s32 $0x580;
	[sflag:s18] =	ssyncadd.s32 $0xFFFFE000  }
0x69: {  	[tilespmem:s26], [sflag:$0x4] =	stream.indirect.gather [hbm4b:s4+s20], $0x40, s11, s20, $0xb8;
	[tilespmem:$0x15000] =	vst v63  }
0x6a: {  	_ =	swait.ge [sflag:s28], $0x2000  }
0x6b: {  	[sflag:s28] =	ssyncset.done $0x0  }
0x6c: {  	s12 =	simm.s32 $0x1C00;
	[sflag:s28] =	ssyncadd.s32 $0xFFFFE000  }
0x6d: {  	[spmem:s2] =	stream.indirect.scatter.add.f32 [tilespmem:s21], [sflag:$0x5], $0x40, s12, s20, $0xb8;
	[tilespmem:$0x15000] =	vst v63  }
0x6e: {  	_ =	swait.ge [sflag:s18], $0x2000  }
0x6f: {  	[sflag:s18] =	ssyncset.done $0x0  }
0x70: {  	s13 =	simm.s32 $0x600;
	[sflag:s18] =	ssyncadd.s32 $0xFFFFE000  }
0x71: {  	[tilespmem:s21], [sflag:$0x1] =	stream.indirect.gather [hbm4b:s4+s20], $0x40, s13, s20, $0xb8;
	[tilespmem:$0x15000] =	vst v63  }
0x72: {  	_ =	swait.ge [sflag:s30], $0x2000  }
0x73: {  	[sflag:s30] =	ssyncset.done $0x0  }
0x74: {  	s11 =	simm.s32 $0x1C80;
	[sflag:s30] =	ssyncadd.s32 $0xFFFFE000  }
0x75: {  	[spmem:s2] =	stream.indirect.scatter.add.f32 [tilespmem:s22], [sflag:$0x5], $0x40, s11, s20, $0xb8;
	[tilespmem:$0x15000] =	vst v63  }
0x76: {  	_ =	swait.ge [sflag:s18], $0x2000  }
0x77: {  	[sflag:s18] =	ssyncset.done $0x0  }
0x78: {  	s12 =	simm.s32 $0x680;
	[sflag:s18] =	ssyncadd.s32 $0xFFFFE000  }
0x79: {  	[tilespmem:s22], [sflag:$0x2] =	stream.indirect.gather [hbm4b:s4+s20], $0x40, s12, s20, $0xb8;
	[tilespmem:$0x15000] =	vst v63  }
0x7a: {  	_ =	swait.ge [sflag:s1], $0x2000  }
0x7b: {  	[sflag:s1] =	ssyncset.done $0x0  }
0x7c: {  	s13 =	simm.s32 $0x1D00;
	[sflag:s1] =	ssyncadd.s32 $0xFFFFE000  }
0x7d: {  	[spmem:s2] =	stream.indirect.scatter.add.f32 [tilespmem:s24], [sflag:$0x5], $0x40, s13, s20, $0xb8;
	[tilespmem:$0x15000] =	vst v63  }
0x7e: {  	_ =	swait.ge [sflag:s18], $0x2000  }
0x7f: {  	[sflag:s18] =	ssyncset.done $0x0  }
0x80: {  	s11 =	simm.s32 $0x700;
	[sflag:s18] =	ssyncadd.s32 $0xFFFFE000  }
0x81: {  	[tilespmem:s24], [sflag:$0x3] =	stream.indirect.gather [hbm4b:s4+s20], $0x40, s11, s20, $0xb8;
	[tilespmem:$0x15000] =	vst v63  }
0x82: {  	_ =	swait.ge [sflag:s0], $0x2000  }
0x83: {  	[sflag:s0] =	ssyncset.done $0x0  }
0x84: {  	s12 =	simm.s32 $0x1D80;
	[sflag:s0] =	ssyncadd.s32 $0xFFFFE000  }
0x85: {  	[spmem:s2] =	stream.indirect.scatter.add.f32 [tilespmem:s26], [sflag:$0x5], $0x40, s12, s20, $0xb8;
	[tilespmem:$0x15000] =	vst v63  }
0x86: {  	_ =	swait.ge [sflag:s18], $0x2000  }
0x87: {  	[sflag:s18] =	ssyncset.done $0x0  }
0x88: {  	s10 =	simm.s32 $0x1F80;
	s13 =	simm.s32 $0x780;
	[sflag:s18] =	ssyncadd.s32 $0xFFFFE000  }
0x89: {  	[tilespmem:s26], [sflag:$0x4] =	stream.indirect.gather [hbm4b:s4+s20], $0x40, s13, s20, $0xb8;
	[tilespmem:$0x15000] =	vst v63  }
0x8a: {  	s11 =	simm.s32 $0x1F00;
	s12 =	simm.s32 $0x1E80;
	s13 =	simm.s32 $0x1E00  }
.LBB2_10:
0x8b: {  	_ =	swait.ge [sflag:s28], $0x2000  }
0x8c: {  	[sflag:s28] =	ssyncset.done $0x0  }
0x8d: {  	[sflag:s28] =	ssyncadd.s32 $0xFFFFE000  }
0x8e: {  	[spmem:s2] =	stream.indirect.scatter.add.f32 [tilespmem:s21], [sflag:$0x5], $0x40, s13, s20, $0xb8;
	[tilespmem:$0x15000] =	vst v63  }
0x8f: {  	_ =	swait.ge [sflag:s18], $0x2000  }
0x90: {  	[sflag:s18] =	ssyncset.done $0x0  }
0x91: {  	[sflag:s18] =	ssyncadd.s32 $0xFFFFE000  }
0x92: {  	_ =	swait.ge [sflag:s30], $0x2000  }
0x93: {  	[sflag:s30] =	ssyncset.done $0x0  }
0x94: {  	[sflag:s30] =	ssyncadd.s32 $0xFFFFE000  }
0x95: {  	[spmem:s2] =	stream.indirect.scatter.add.f32 [tilespmem:s22], [sflag:$0x5], $0x40, s12, s20, $0xb8;
	[tilespmem:$0x15000] =	vst v63  }
0x96: {  	_ =	swait.ge [sflag:s18], $0x2000  }
0x97: {  	[sflag:s18] =	ssyncset.done $0x0  }
0x98: {  	[sflag:s18] =	ssyncadd.s32 $0xFFFFE000  }
0x99: {  	_ =	swait.ge [sflag:s1], $0x2000  }
0x9a: {  	[sflag:s1] =	ssyncset.done $0x0  }
0x9b: {  	[sflag:s1] =	ssyncadd.s32 $0xFFFFE000  }
0x9c: {  	[spmem:s2] =	stream.indirect.scatter.add.f32 [tilespmem:s24], [sflag:$0x5], $0x40, s11, s20, $0xb8;
	[tilespmem:$0x15000] =	vst v63  }
0x9d: {  	_ =	swait.ge [sflag:s18], $0x2000  }
0x9e: {  	[sflag:s18] =	ssyncset.done $0x0  }
0x9f: {  	[sflag:s18] =	ssyncadd.s32 $0xFFFFE000  }
0xa0: {  	_ =	swait.ge [sflag:s0], $0x2000  }
0xa1: {  	[sflag:s0] =	ssyncset.done $0x0  }
0xa2: {  	[sflag:s0] =	ssyncadd.s32 $0xFFFFE000  }
0xa3: {  	[spmem:s2] =	stream.indirect.scatter.add.f32 [tilespmem:s26], [sflag:$0x5], $0x40, s10, s20, $0xb8;
	[tilespmem:$0x15000] =	vst v63  }
0xa4: {  	_ =	swait.ge [sflag:s18], $0x2000  }
0xa5: {  	s9 =	sadd.s32 $0x1, s9;
	[sflag:s18] =	ssyncset.done $0x0  }
0xa6: {  	p1 =	sne.s32 s9, s16;
	[sflag:s18] =	ssyncadd.s32 $0xFFFFE000  }
.Ltmp1:
0xa7: {  	[bflag:$0x0] =	sbarrier.arrive $0xFFFF;
	(pc) =	sbr.rel @!p1 .LBB2_11-.Ltmp1, $4  }
0xa8: {  	[hbm:s15], [sflag:s6] =	dma.local [spmem:s17], $0x1400  }
0xa9: {  	_ =	swait.ge [sflag:s18], $0x1400  }
0xaa: {  	[sflag:s18] =	ssyncset.done $0x0  }
0xab: {  	[sflag:s18] =	ssyncadd.s32 $0xFFFFEC00  }
.LBB2_1:
0xac: {  	[spmem:s17], [sflag:s6] =	dma.local [hbm:s5], $0x1400  }
.Ltmp2:
0xad: {  	_ =	swait.ge [sflag:s18], $0x1400;
	(pc) =	sbr.rel @p0 .LBB2_9-.Ltmp2, $3  }
0xae: {  	[sflag:s18] =	ssyncset.done $0x0  }
0xaf: {  	[sflag:s18] =	ssyncadd.s32 $0xFFFFEC00  }
0xb0: {  	[bflag:$0x0] =	sbarrier.arrive $0xFFFF;
	_ =	sdelay $0x1  }
0xb1: {  	s10 =	simm.s32 $0x0;
	s11 =	rddreg [dreg:$0x4]  }
0xb2: {  	[tilespmem:s10], [sflag:$0x5] =	stream.linear.gather [hbm4b:s11+s10], $0x1800, $0x38;
	[tilespmem:$0x15000] =	vst v63  }
0xb3: {  	_ =	swait.ge [sflag:s18], $0x1800  }
0xb4: {  	[sflag:s18] =	ssyncset.done $0x0  }
0xb5: {  	s12 =	rddreg [dreg:$0x5];
	[sflag:s18] =	ssyncadd.s32 $0xFFFFE800  }
0xb6: {  	[tilespmem:s19], [sflag:$0x5] =	stream.linear.gather [hbm4b:s12+s10], $0x1800, $0x38;
	[tilespmem:$0x15000] =	vst v63  }
0xb7: {  	_ =	swait.ge [sflag:s18], $0x1800  }
0xb8: {  	[sflag:s18] =	ssyncset.done $0x0  }
0xb9: {  	[sflag:s18] =	ssyncadd.s32 $0xFFFFE800  }
0xba: {  	[tilespmem:s21], [sflag:$0x1] =	stream.indirect.gather [hbm4b:s4+s20], $0x40, s10, s20, $0xb8;
	[tilespmem:$0x15000] =	vst v63  }
0xbb: {  	_ = 	snop  }
0xbc: {  	[tilespmem:s22], [sflag:$0x2] =	stream.indirect.gather [hbm4b:s4+s20], $0x40, s20, s20, $0xb8;
	[tilespmem:$0x15000] =	vst v63  }
0xbd: {  	_ = 	snop  }
0xbe: {  	[tilespmem:s24], [sflag:$0x3] =	stream.indirect.gather [hbm4b:s4+s20], $0x40, s23, s20, $0xb8;
	[tilespmem:$0x15000] =	vst v63  }
0xbf: {  	_ = 	snop  }
0xc0: {  	[tilespmem:s26], [sflag:$0x4] =	stream.indirect.gather [hbm4b:s4+s20], $0x40, s25, s20, $0xb8;
	[tilespmem:$0x15000] =	vst v63  }
0xc1: {  	_ =	swait.ge [sflag:s28], $0x2000  }
0xc2: {  	[sflag:s28] =	ssyncset.done $0x0  }
0xc3: {  	s13 =	simm.s32 $0x1800;
	[sflag:s28] =	ssyncadd.s32 $0xFFFFE000  }
0xc4: {  	[spmem:s2] =	stream.indirect.scatter.add.f32 [tilespmem:s21], [sflag:$0x5], $0x40, s13, s20, $0xb8;
	[tilespmem:$0x15000] =	vst v63  }
0xc5: {  	_ =	swait.ge [sflag:s18], $0x2000  }
0xc6: {  	[sflag:s18] =	ssyncset.done $0x0  }
0xc7: {  	s11 =	simm.s32 $0x200;
	[sflag:s18] =	ssyncadd.s32 $0xFFFFE000  }
0xc8: {  	[tilespmem:s21], [sflag:$0x1] =	stream.indirect.gather [hbm4b:s4+s20], $0x40, s11, s20, $0xb8;
	[tilespmem:$0x15000] =	vst v63  }
0xc9: {  	_ =	swait.ge [sflag:s30], $0x2000  }
0xca: {  	[sflag:s30] =	ssyncset.done $0x0  }
0xcb: {  	s12 =	simm.s32 $0x1880;
	[sflag:s30] =	ssyncadd.s32 $0xFFFFE000  }
0xcc: {  	[spmem:s2] =	stream.indirect.scatter.add.f32 [tilespmem:s22], [sflag:$0x5], $0x40, s12, s20, $0xb8;
	[tilespmem:$0x15000] =	vst v63  }
0xcd: {  	_ =	swait.ge [sflag:s18], $0x2000  }
0xce: {  	[sflag:s18] =	ssyncset.done $0x0  }
0xcf: {  	s13 =	simm.s32 $0x280;
	[sflag:s18] =	ssyncadd.s32 $0xFFFFE000  }
0xd0: {  	[tilespmem:s22], [sflag:$0x2] =	stream.indirect.gather [hbm4b:s4+s20], $0x40, s13, s20, $0xb8;
	[tilespmem:$0x15000] =	vst v63  }
0xd1: {  	_ =	swait.ge [sflag:s1], $0x2000  }
0xd2: {  	[sflag:s1] =	ssyncset.done $0x0  }
0xd3: {  	s11 =	simm.s32 $0x1900;
	[sflag:s1] =	ssyncadd.s32 $0xFFFFE000  }
0xd4: {  	[spmem:s2] =	stream.indirect.scatter.add.f32 [tilespmem:s24], [sflag:$0x5], $0x40, s11, s20, $0xb8;
	[tilespmem:$0x15000] =	vst v63  }
0xd5: {  	_ =	swait.ge [sflag:s18], $0x2000  }
0xd6: {  	[sflag:s18] =	ssyncset.done $0x0  }
0xd7: {  	s12 =	simm.s32 $0x300;
	[sflag:s18] =	ssyncadd.s32 $0xFFFFE000  }
0xd8: {  	[tilespmem:s24], [sflag:$0x3] =	stream.indirect.gather [hbm4b:s4+s20], $0x40, s12, s20, $0xb8;
	[tilespmem:$0x15000] =	vst v63  }
0xd9: {  	_ =	swait.ge [sflag:s0], $0x2000  }
0xda: {  	[sflag:s0] =	ssyncset.done $0x0  }
0xdb: {  	s13 =	simm.s32 $0x1980;
	[sflag:s0] =	ssyncadd.s32 $0xFFFFE000  }
0xdc: {  	[spmem:s2] =	stream.indirect.scatter.add.f32 [tilespmem:s26], [sflag:$0x5], $0x40, s13, s20, $0xb8;
	[tilespmem:$0x15000] =	vst v63  }
0xdd: {  	_ =	swait.ge [sflag:s18], $0x2000  }
0xde: {  	[sflag:s18] =	ssyncset.done $0x0  }
0xdf: {  	s10 =	simm.s32 $0x800;
	s11 =	simm.s32 $0x380;
	[sflag:s18] =	ssyncadd.s32 $0xFFFFE000  }
.LBB2_3:
0xe0: {  	[tilespmem:s26], [sflag:$0x4] =	stream.indirect.gather [hbm4b:s4+s20], $0x40, s11, s20, $0xb8;
	[tilespmem:$0x15000] =	vst v63  }
0xe1: {  	s11 =	smov.u32 s10  }
0xe2: {  	p1 =	sne.s32 s10, $0x5000;
	s10 =	sadd.s32 $0x800, s10;
	_ =	swait.ge [sflag:s28], $0x2000  }
0xe3: {  	s11 =	sshra.s32 s11, $0x2;
	[sflag:s28] =	ssyncset.done $0x0  }
0xe4: {  	s12 =	sadd.s32 $0x1800, s11;
	[sflag:s28] =	ssyncadd.s32 $0xFFFFE000  }
0xe5: {  	[spmem:s2] =	stream.indirect.scatter.add.f32 [tilespmem:s21], [sflag:$0x5], $0x40, s12, s20, $0xb8;
	[tilespmem:$0x15000] =	vst v63  }
0xe6: {  	_ =	swait.ge [sflag:s18], $0x2000  }
0xe7: {  	[sflag:s18] =	ssyncset.done $0x0  }
0xe8: {  	s12 =	sadd.s32 $0x200, s11;
	[sflag:s18] =	ssyncadd.s32 $0xFFFFE000  }
0xe9: {  	[tilespmem:s21], [sflag:$0x1] =	stream.indirect.gather [hbm4b:s4+s20], $0x40, s12, s20, $0xb8;
	[tilespmem:$0x15000] =	vst v63  }
0xea: {  	_ =	swait.ge [sflag:s30], $0x2000  }
0xeb: {  	[sflag:s30] =	ssyncset.done $0x0  }
0xec: {  	s12 =	sadd.s32 $0x1880, s11;
	[sflag:s30] =	ssyncadd.s32 $0xFFFFE000  }
0xed: {  	[spmem:s2] =	stream.indirect.scatter.add.f32 [tilespmem:s22], [sflag:$0x5], $0x40, s12, s20, $0xb8;
	[tilespmem:$0x15000] =	vst v63  }
0xee: {  	_ =	swait.ge [sflag:s18], $0x2000  }
0xef: {  	[sflag:s18] =	ssyncset.done $0x0  }
0xf0: {  	s12 =	sadd.s32 $0x280, s11;
	[sflag:s18] =	ssyncadd.s32 $0xFFFFE000  }
0xf1: {  	[tilespmem:s22], [sflag:$0x2] =	stream.indirect.gather [hbm4b:s4+s20], $0x40, s12, s20, $0xb8;
	[tilespmem:$0x15000] =	vst v63  }
0xf2: {  	_ =	swait.ge [sflag:s1], $0x2000  }
0xf3: {  	[sflag:s1] =	ssyncset.done $0x0  }
0xf4: {  	s12 =	sadd.s32 $0x1900, s11;
	[sflag:s1] =	ssyncadd.s32 $0xFFFFE000  }
0xf5: {  	[spmem:s2] =	stream.indirect.scatter.add.f32 [tilespmem:s24], [sflag:$0x5], $0x40, s12, s20, $0xb8;
	[tilespmem:$0x15000] =	vst v63  }
0xf6: {  	_ =	swait.ge [sflag:s18], $0x2000  }
0xf7: {  	[sflag:s18] =	ssyncset.done $0x0  }
0xf8: {  	s12 =	sadd.s32 $0x300, s11;
	[sflag:s18] =	ssyncadd.s32 $0xFFFFE000  }
0xf9: {  	[tilespmem:s24], [sflag:$0x3] =	stream.indirect.gather [hbm4b:s4+s20], $0x40, s12, s20, $0xb8;
	[tilespmem:$0x15000] =	vst v63  }
0xfa: {  	_ =	swait.ge [sflag:s0], $0x2000  }
0xfb: {  	[sflag:s0] =	ssyncset.done $0x0  }
.Ltmp3:
0xfc: {  	s12 =	sadd.s32 $0x1980, s11;
	[sflag:s0] =	ssyncadd.s32 $0xFFFFE000;
	(pc) =	sbr.rel @p1 .LBB2_3-.Ltmp3, $4  }
0xfd: {  	[spmem:s2] =	stream.indirect.scatter.add.f32 [tilespmem:s26], [sflag:$0x5], $0x40, s12, s20, $0xb8;
	[tilespmem:$0x15000] =	vst v63  }
0xfe: {  	_ =	swait.ge [sflag:s18], $0x2000  }
0xff: {  	[sflag:s18] =	ssyncset.done $0x0  }
0x100: {  	s11 =	sadd.s32 $0x380, s11;
	[sflag:s18] =	ssyncadd.s32 $0xFFFFE000  }
0x101: {  	[tilespmem:s26], [sflag:$0x4] =	stream.indirect.gather [hbm4b:s4+s20], $0x40, s11, s20, $0xb8;
	[tilespmem:$0x15000] =	vst v63  }
0x102: {  	_ =	swait.ge [sflag:s28], $0x2000  }
0x103: {  	[sflag:s28] =	ssyncset.done $0x0  }
0x104: {  	[sflag:s28] =	ssyncadd.s32 $0xFFFFE000  }
0x105: {  	[spmem:s2] =	stream.indirect.scatter.add.f32 [tilespmem:s21], [sflag:$0x5], $0x40, s29, s20, $0xb8;
	[tilespmem:$0x15000] =	vst v63  }
0x106: {  	_ =	swait.ge [sflag:s18], $0x2000  }
0x107: {  	[sflag:s18] =	ssyncset.done $0x0  }
0x108: {  	[sflag:s18] =	ssyncadd.s32 $0xFFFFE000  }
0x109: {  	_ =	swait.ge [sflag:s30], $0x2000  }
0x10a: {  	[sflag:s30] =	ssyncset.done $0x0  }
0x10b: {  	[sflag:s30] =	ssyncadd.s32 $0xFFFFE000  }
0x10c: {  	[spmem:s2] =	stream.indirect.scatter.add.f32 [tilespmem:s22], [sflag:$0x5], $0x40, s31, s20, $0xb8;
	[tilespmem:$0x15000] =	vst v63  }
0x10d: {  	_ =	swait.ge [sflag:s18], $0x2000  }
0x10e: {  	[sflag:s18] =	ssyncset.done $0x0  }
0x10f: {  	[sflag:s18] =	ssyncadd.s32 $0xFFFFE000  }
0x110: {  	_ =	swait.ge [sflag:s1], $0x2000  }
0x111: {  	[sflag:s1] =	ssyncset.done $0x0  }
0x112: {  	[sflag:s1] =	ssyncadd.s32 $0xFFFFE000  }
0x113: {  	[spmem:s2] =	stream.indirect.scatter.add.f32 [tilespmem:s24], [sflag:$0x5], $0x40, s7, s20, $0xb8;
	[tilespmem:$0x15000] =	vst v63  }
0x114: {  	_ =	swait.ge [sflag:s18], $0x2000  }
0x115: {  	[sflag:s18] =	ssyncset.done $0x0  }
0x116: {  	[sflag:s18] =	ssyncadd.s32 $0xFFFFE000  }
0x117: {  	_ =	swait.ge [sflag:s0], $0x2000  }
0x118: {  	[sflag:s0] =	ssyncset.done $0x0  }
0x119: {  	[sflag:s0] =	ssyncadd.s32 $0xFFFFE000  }
0x11a: {  	[spmem:s2] =	stream.indirect.scatter.add.f32 [tilespmem:s26], [sflag:$0x5], $0x40, s8, s20, $0xb8;
	[tilespmem:$0x15000] =	vst v63  }
0x11b: {  	_ =	swait.ge [sflag:s18], $0x2000  }
0x11c: {  	[sflag:s18] =	ssyncset.done $0x0  }
0x11d: {  	s10 =	simm.s32 $0x0;
	s13 =	rddreg [dreg:$0x6];
	[sflag:s18] =	ssyncadd.s32 $0xFFFFE000  }
0x11e: {  	[tilespmem:s10], [sflag:$0x5] =	stream.linear.gather [hbm4b:s13+s10], $0x1800, $0x38;
	[tilespmem:$0x15000] =	vst v63  }
0x11f: {  	_ =	swait.ge [sflag:s18], $0x1800  }
0x120: {  	[sflag:s18] =	ssyncset.done $0x0  }
0x121: {  	s12 =	rddreg [dreg:$0x7];
	[sflag:s18] =	ssyncadd.s32 $0xFFFFE800  }
0x122: {  	[tilespmem:s19], [sflag:$0x5] =	stream.linear.gather [hbm4b:s12+s10], $0x1800, $0x38;
	[tilespmem:$0x15000] =	vst v63  }
0x123: {  	_ =	swait.ge [sflag:s18], $0x1800  }
0x124: {  	[sflag:s18] =	ssyncset.done $0x0  }
0x125: {  	[sflag:s18] =	ssyncadd.s32 $0xFFFFE800  }
0x126: {  	[tilespmem:s21], [sflag:$0x1] =	stream.indirect.gather [hbm4b:s4+s20], $0x40, s10, s20, $0xb8;
	[tilespmem:$0x15000] =	vst v63  }
0x127: {  	_ = 	snop  }
0x128: {  	[tilespmem:s22], [sflag:$0x2] =	stream.indirect.gather [hbm4b:s4+s20], $0x40, s20, s20, $0xb8;
	[tilespmem:$0x15000] =	vst v63  }
0x129: {  	_ = 	snop  }
0x12a: {  	[tilespmem:s24], [sflag:$0x3] =	stream.indirect.gather [hbm4b:s4+s20], $0x40, s23, s20, $0xb8;
	[tilespmem:$0x15000] =	vst v63  }
0x12b: {  	_ = 	snop  }
0x12c: {  	[tilespmem:s26], [sflag:$0x4] =	stream.indirect.gather [hbm4b:s4+s20], $0x40, s25, s20, $0xb8;
	[tilespmem:$0x15000] =	vst v63  }
0x12d: {  	_ =	swait.ge [sflag:s28], $0x2000  }
0x12e: {  	[sflag:s28] =	ssyncset.done $0x0  }
0x12f: {  	s13 =	simm.s32 $0x1800;
	[sflag:s28] =	ssyncadd.s32 $0xFFFFE000  }
0x130: {  	[spmem:s2] =	stream.indirect.scatter.add.f32 [tilespmem:s21], [sflag:$0x5], $0x40, s13, s20, $0xb8;
	[tilespmem:$0x15000] =	vst v63  }
0x131: {  	_ =	swait.ge [sflag:s18], $0x2000  }
0x132: {  	[sflag:s18] =	ssyncset.done $0x0  }
0x133: {  	s11 =	simm.s32 $0x200;
	[sflag:s18] =	ssyncadd.s32 $0xFFFFE000  }
0x134: {  	[tilespmem:s21], [sflag:$0x1] =	stream.indirect.gather [hbm4b:s4+s20], $0x40, s11, s20, $0xb8;
	[tilespmem:$0x15000] =	vst v63  }
0x135: {  	_ =	swait.ge [sflag:s30], $0x2000  }
0x136: {  	[sflag:s30] =	ssyncset.done $0x0  }
0x137: {  	s12 =	simm.s32 $0x1880;
	[sflag:s30] =	ssyncadd.s32 $0xFFFFE000  }
0x138: {  	[spmem:s2] =	stream.indirect.scatter.add.f32 [tilespmem:s22], [sflag:$0x5], $0x40, s12, s20, $0xb8;
	[tilespmem:$0x15000] =	vst v63  }
0x139: {  	_ =	swait.ge [sflag:s18], $0x2000  }
0x13a: {  	[sflag:s18] =	ssyncset.done $0x0  }
0x13b: {  	s13 =	simm.s32 $0x280;
	[sflag:s18] =	ssyncadd.s32 $0xFFFFE000  }
0x13c: {  	[tilespmem:s22], [sflag:$0x2] =	stream.indirect.gather [hbm4b:s4+s20], $0x40, s13, s20, $0xb8;
	[tilespmem:$0x15000] =	vst v63  }
0x13d: {  	_ =	swait.ge [sflag:s1], $0x2000  }
0x13e: {  	[sflag:s1] =	ssyncset.done $0x0  }
0x13f: {  	s11 =	simm.s32 $0x1900;
	[sflag:s1] =	ssyncadd.s32 $0xFFFFE000  }
0x140: {  	[spmem:s2] =	stream.indirect.scatter.add.f32 [tilespmem:s24], [sflag:$0x5], $0x40, s11, s20, $0xb8;
	[tilespmem:$0x15000] =	vst v63  }
0x141: {  	_ =	swait.ge [sflag:s18], $0x2000  }
0x142: {  	[sflag:s18] =	ssyncset.done $0x0  }
0x143: {  	s12 =	simm.s32 $0x300;
	[sflag:s18] =	ssyncadd.s32 $0xFFFFE000  }
0x144: {  	[tilespmem:s24], [sflag:$0x3] =	stream.indirect.gather [hbm4b:s4+s20], $0x40, s12, s20, $0xb8;
	[tilespmem:$0x15000] =	vst v63  }
0x145: {  	_ =	swait.ge [sflag:s0], $0x2000  }
0x146: {  	[sflag:s0] =	ssyncset.done $0x0  }
0x147: {  	s13 =	simm.s32 $0x1980;
	[sflag:s0] =	ssyncadd.s32 $0xFFFFE000  }
0x148: {  	[spmem:s2] =	stream.indirect.scatter.add.f32 [tilespmem:s26], [sflag:$0x5], $0x40, s13, s20, $0xb8;
	[tilespmem:$0x15000] =	vst v63  }
0x149: {  	_ =	swait.ge [sflag:s18], $0x2000  }
0x14a: {  	[sflag:s18] =	ssyncset.done $0x0  }
0x14b: {  	s10 =	simm.s32 $0x800;
	s11 =	simm.s32 $0x380;
	[sflag:s18] =	ssyncadd.s32 $0xFFFFE000  }
.LBB2_5:
0x14c: {  	[tilespmem:s26], [sflag:$0x4] =	stream.indirect.gather [hbm4b:s4+s20], $0x40, s11, s20, $0xb8;
	[tilespmem:$0x15000] =	vst v63  }
0x14d: {  	s11 =	smov.u32 s10  }
0x14e: {  	p1 =	sne.s32 s10, $0x5000;
	s10 =	sadd.s32 $0x800, s10;
	_ =	swait.ge [sflag:s28], $0x2000  }
0x14f: {  	s11 =	sshra.s32 s11, $0x2;
	[sflag:s28] =	ssyncset.done $0x0  }
0x150: {  	s12 =	sadd.s32 $0x1800, s11;
	[sflag:s28] =	ssyncadd.s32 $0xFFFFE000  }
0x151: {  	[spmem:s2] =	stream.indirect.scatter.add.f32 [tilespmem:s21], [sflag:$0x5], $0x40, s12, s20, $0xb8;
	[tilespmem:$0x15000] =	vst v63  }
0x152: {  	_ =	swait.ge [sflag:s18], $0x2000  }
0x153: {  	[sflag:s18] =	ssyncset.done $0x0  }
0x154: {  	s12 =	sadd.s32 $0x200, s11;
	[sflag:s18] =	ssyncadd.s32 $0xFFFFE000  }
0x155: {  	[tilespmem:s21], [sflag:$0x1] =	stream.indirect.gather [hbm4b:s4+s20], $0x40, s12, s20, $0xb8;
	[tilespmem:$0x15000] =	vst v63  }
0x156: {  	_ =	swait.ge [sflag:s30], $0x2000  }
0x157: {  	[sflag:s30] =	ssyncset.done $0x0  }
0x158: {  	s12 =	sadd.s32 $0x1880, s11;
	[sflag:s30] =	ssyncadd.s32 $0xFFFFE000  }
0x159: {  	[spmem:s2] =	stream.indirect.scatter.add.f32 [tilespmem:s22], [sflag:$0x5], $0x40, s12, s20, $0xb8;
	[tilespmem:$0x15000] =	vst v63  }
0x15a: {  	_ =	swait.ge [sflag:s18], $0x2000  }
0x15b: {  	[sflag:s18] =	ssyncset.done $0x0  }
0x15c: {  	s12 =	sadd.s32 $0x280, s11;
	[sflag:s18] =	ssyncadd.s32 $0xFFFFE000  }
0x15d: {  	[tilespmem:s22], [sflag:$0x2] =	stream.indirect.gather [hbm4b:s4+s20], $0x40, s12, s20, $0xb8;
	[tilespmem:$0x15000] =	vst v63  }
0x15e: {  	_ =	swait.ge [sflag:s1], $0x2000  }
0x15f: {  	[sflag:s1] =	ssyncset.done $0x0  }
0x160: {  	s12 =	sadd.s32 $0x1900, s11;
	[sflag:s1] =	ssyncadd.s32 $0xFFFFE000  }
0x161: {  	[spmem:s2] =	stream.indirect.scatter.add.f32 [tilespmem:s24], [sflag:$0x5], $0x40, s12, s20, $0xb8;
	[tilespmem:$0x15000] =	vst v63  }
0x162: {  	_ =	swait.ge [sflag:s18], $0x2000  }
0x163: {  	[sflag:s18] =	ssyncset.done $0x0  }
0x164: {  	s12 =	sadd.s32 $0x300, s11;
	[sflag:s18] =	ssyncadd.s32 $0xFFFFE000  }
0x165: {  	[tilespmem:s24], [sflag:$0x3] =	stream.indirect.gather [hbm4b:s4+s20], $0x40, s12, s20, $0xb8;
	[tilespmem:$0x15000] =	vst v63  }
0x166: {  	_ =	swait.ge [sflag:s0], $0x2000  }
0x167: {  	[sflag:s0] =	ssyncset.done $0x0  }
.Ltmp4:
0x168: {  	s12 =	sadd.s32 $0x1980, s11;
	[sflag:s0] =	ssyncadd.s32 $0xFFFFE000;
	(pc) =	sbr.rel @p1 .LBB2_5-.Ltmp4, $4  }
0x169: {  	[spmem:s2] =	stream.indirect.scatter.add.f32 [tilespmem:s26], [sflag:$0x5], $0x40, s12, s20, $0xb8;
	[tilespmem:$0x15000] =	vst v63  }
0x16a: {  	_ =	swait.ge [sflag:s18], $0x2000  }
0x16b: {  	[sflag:s18] =	ssyncset.done $0x0  }
0x16c: {  	s11 =	sadd.s32 $0x380, s11;
	[sflag:s18] =	ssyncadd.s32 $0xFFFFE000  }
0x16d: {  	[tilespmem:s26], [sflag:$0x4] =	stream.indirect.gather [hbm4b:s4+s20], $0x40, s11, s20, $0xb8;
	[tilespmem:$0x15000] =	vst v63  }
0x16e: {  	_ =	swait.ge [sflag:s28], $0x2000  }
0x16f: {  	[sflag:s28] =	ssyncset.done $0x0  }
0x170: {  	[sflag:s28] =	ssyncadd.s32 $0xFFFFE000  }
0x171: {  	[spmem:s2] =	stream.indirect.scatter.add.f32 [tilespmem:s21], [sflag:$0x5], $0x40, s29, s20, $0xb8;
	[tilespmem:$0x15000] =	vst v63  }
0x172: {  	_ =	swait.ge [sflag:s18], $0x2000  }
0x173: {  	[sflag:s18] =	ssyncset.done $0x0  }
0x174: {  	[sflag:s18] =	ssyncadd.s32 $0xFFFFE000  }
0x175: {  	_ =	swait.ge [sflag:s30], $0x2000  }
0x176: {  	[sflag:s30] =	ssyncset.done $0x0  }
0x177: {  	[sflag:s30] =	ssyncadd.s32 $0xFFFFE000  }
0x178: {  	[spmem:s2] =	stream.indirect.scatter.add.f32 [tilespmem:s22], [sflag:$0x5], $0x40, s31, s20, $0xb8;
	[tilespmem:$0x15000] =	vst v63  }
0x179: {  	_ =	swait.ge [sflag:s18], $0x2000  }
0x17a: {  	[sflag:s18] =	ssyncset.done $0x0  }
0x17b: {  	[sflag:s18] =	ssyncadd.s32 $0xFFFFE000  }
0x17c: {  	_ =	swait.ge [sflag:s1], $0x2000  }
0x17d: {  	[sflag:s1] =	ssyncset.done $0x0  }
0x17e: {  	[sflag:s1] =	ssyncadd.s32 $0xFFFFE000  }
0x17f: {  	[spmem:s2] =	stream.indirect.scatter.add.f32 [tilespmem:s24], [sflag:$0x5], $0x40, s7, s20, $0xb8;
	[tilespmem:$0x15000] =	vst v63  }
0x180: {  	_ =	swait.ge [sflag:s18], $0x2000  }
0x181: {  	[sflag:s18] =	ssyncset.done $0x0  }
0x182: {  	[sflag:s18] =	ssyncadd.s32 $0xFFFFE000  }
0x183: {  	_ =	swait.ge [sflag:s0], $0x2000  }
0x184: {  	[sflag:s0] =	ssyncset.done $0x0  }
0x185: {  	[sflag:s0] =	ssyncadd.s32 $0xFFFFE000  }
0x186: {  	[spmem:s2] =	stream.indirect.scatter.add.f32 [tilespmem:s26], [sflag:$0x5], $0x40, s8, s20, $0xb8;
	[tilespmem:$0x15000] =	vst v63  }
0x187: {  	_ =	swait.ge [sflag:s18], $0x2000  }
0x188: {  	[sflag:s18] =	ssyncset.done $0x0  }
0x189: {  	s10 =	simm.s32 $0x0;
	s13 =	rddreg [dreg:$0x8];
	[sflag:s18] =	ssyncadd.s32 $0xFFFFE000  }
0x18a: {  	[tilespmem:s10], [sflag:$0x5] =	stream.linear.gather [hbm4b:s13+s10], $0x1800, $0x38;
	[tilespmem:$0x15000] =	vst v63  }
0x18b: {  	_ =	swait.ge [sflag:s18], $0x1800  }
0x18c: {  	[sflag:s18] =	ssyncset.done $0x0  }
0x18d: {  	s12 =	rddreg [dreg:$0x9];
	[sflag:s18] =	ssyncadd.s32 $0xFFFFE800  }
0x18e: {  	[tilespmem:s19], [sflag:$0x5] =	stream.linear.gather [hbm4b:s12+s10], $0x1800, $0x38;
	[tilespmem:$0x15000] =	vst v63  }
0x18f: {  	_ =	swait.ge [sflag:s18], $0x1800  }
0x190: {  	[sflag:s18] =	ssyncset.done $0x0  }
0x191: {  	[sflag:s18] =	ssyncadd.s32 $0xFFFFE800  }
0x192: {  	[tilespmem:s21], [sflag:$0x1] =	stream.indirect.gather [hbm4b:s4+s20], $0x40, s10, s20, $0xb8;
	[tilespmem:$0x15000] =	vst v63  }
0x193: {  	_ = 	snop  }
0x194: {  	[tilespmem:s22], [sflag:$0x2] =	stream.indirect.gather [hbm4b:s4+s20], $0x40, s20, s20, $0xb8;
	[tilespmem:$0x15000] =	vst v63  }
0x195: {  	_ = 	snop  }
0x196: {  	[tilespmem:s24], [sflag:$0x3] =	stream.indirect.gather [hbm4b:s4+s20], $0x40, s23, s20, $0xb8;
	[tilespmem:$0x15000] =	vst v63  }
0x197: {  	_ = 	snop  }
0x198: {  	[tilespmem:s26], [sflag:$0x4] =	stream.indirect.gather [hbm4b:s4+s20], $0x40, s25, s20, $0xb8;
	[tilespmem:$0x15000] =	vst v63  }
0x199: {  	_ =	swait.ge [sflag:s28], $0x2000  }
0x19a: {  	[sflag:s28] =	ssyncset.done $0x0  }
0x19b: {  	s13 =	simm.s32 $0x1800;
	[sflag:s28] =	ssyncadd.s32 $0xFFFFE000  }
0x19c: {  	[spmem:s2] =	stream.indirect.scatter.add.f32 [tilespmem:s21], [sflag:$0x5], $0x40, s13, s20, $0xb8;
	[tilespmem:$0x15000] =	vst v63  }
0x19d: {  	_ =	swait.ge [sflag:s18], $0x2000  }
0x19e: {  	[sflag:s18] =	ssyncset.done $0x0  }
0x19f: {  	s11 =	simm.s32 $0x200;
	[sflag:s18] =	ssyncadd.s32 $0xFFFFE000  }
0x1a0: {  	[tilespmem:s21], [sflag:$0x1] =	stream.indirect.gather [hbm4b:s4+s20], $0x40, s11, s20, $0xb8;
	[tilespmem:$0x15000] =	vst v63  }
0x1a1: {  	_ =	swait.ge [sflag:s30], $0x2000  }
0x1a2: {  	[sflag:s30] =	ssyncset.done $0x0  }
0x1a3: {  	s12 =	simm.s32 $0x1880;
	[sflag:s30] =	ssyncadd.s32 $0xFFFFE000  }
0x1a4: {  	[spmem:s2] =	stream.indirect.scatter.add.f32 [tilespmem:s22], [sflag:$0x5], $0x40, s12, s20, $0xb8;
	[tilespmem:$0x15000] =	vst v63  }
0x1a5: {  	_ =	swait.ge [sflag:s18], $0x2000  }
0x1a6: {  	[sflag:s18] =	ssyncset.done $0x0  }
0x1a7: {  	s13 =	simm.s32 $0x280;
	[sflag:s18] =	ssyncadd.s32 $0xFFFFE000  }
0x1a8: {  	[tilespmem:s22], [sflag:$0x2] =	stream.indirect.gather [hbm4b:s4+s20], $0x40, s13, s20, $0xb8;
	[tilespmem:$0x15000] =	vst v63  }
0x1a9: {  	_ =	swait.ge [sflag:s1], $0x2000  }
0x1aa: {  	[sflag:s1] =	ssyncset.done $0x0  }
0x1ab: {  	s11 =	simm.s32 $0x1900;
	[sflag:s1] =	ssyncadd.s32 $0xFFFFE000  }
0x1ac: {  	[spmem:s2] =	stream.indirect.scatter.add.f32 [tilespmem:s24], [sflag:$0x5], $0x40, s11, s20, $0xb8;
	[tilespmem:$0x15000] =	vst v63  }
0x1ad: {  	_ =	swait.ge [sflag:s18], $0x2000  }
0x1ae: {  	[sflag:s18] =	ssyncset.done $0x0  }
0x1af: {  	s12 =	simm.s32 $0x300;
	[sflag:s18] =	ssyncadd.s32 $0xFFFFE000  }
0x1b0: {  	[tilespmem:s24], [sflag:$0x3] =	stream.indirect.gather [hbm4b:s4+s20], $0x40, s12, s20, $0xb8;
	[tilespmem:$0x15000] =	vst v63  }
0x1b1: {  	_ =	swait.ge [sflag:s0], $0x2000  }
0x1b2: {  	p1 =	por $0x0, $0x0;
	[sflag:s0] =	ssyncset.done $0x0  }
.Ltmp5:
0x1b3: {  	s13 =	simm.s32 $0x1980;
	[sflag:s0] =	ssyncadd.s32 $0xFFFFE000;
	(pc) =	sbr.rel @p1 .LBB2_8-.Ltmp5, $4  }
0x1b4: {  	[spmem:s2] =	stream.indirect.scatter.add.f32 [tilespmem:s26], [sflag:$0x5], $0x40, s13, s20, $0xb8;
	[tilespmem:$0x15000] =	vst v63  }
0x1b5: {  	_ =	swait.ge [sflag:s18], $0x2000  }
0x1b6: {  	[sflag:s18] =	ssyncset.done $0x0  }
0x1b7: {  	s10 =	simm.s32 $0x800;
	s11 =	simm.s32 $0x380;
	[sflag:s18] =	ssyncadd.s32 $0xFFFFE000  }
.LBB2_7:
0x1b8: {  	[tilespmem:s26], [sflag:$0x4] =	stream.indirect.gather [hbm4b:s4+s20], $0x40, s11, s20, $0xb8;
	[tilespmem:$0x15000] =	vst v63  }
0x1b9: {  	s11 =	smov.u32 s10  }
0x1ba: {  	p1 =	seq.s32 s10, $0x5000;
	s10 =	sadd.s32 $0x800, s10;
	_ =	swait.ge [sflag:s28], $0x2000  }
0x1bb: {  	s11 =	sshra.s32 s11, $0x2;
	[sflag:s28] =	ssyncset.done $0x0  }
0x1bc: {  	s12 =	sadd.s32 $0x1800, s11;
	[sflag:s28] =	ssyncadd.s32 $0xFFFFE000  }
0x1bd: {  	[spmem:s2] =	stream.indirect.scatter.add.f32 [tilespmem:s21], [sflag:$0x5], $0x40, s12, s20, $0xb8;
	[tilespmem:$0x15000] =	vst v63  }
0x1be: {  	_ =	swait.ge [sflag:s18], $0x2000  }
0x1bf: {  	[sflag:s18] =	ssyncset.done $0x0  }
0x1c0: {  	s12 =	sadd.s32 $0x200, s11;
	[sflag:s18] =	ssyncadd.s32 $0xFFFFE000  }
0x1c1: {  	[tilespmem:s21], [sflag:$0x1] =	stream.indirect.gather [hbm4b:s4+s20], $0x40, s12, s20, $0xb8;
	[tilespmem:$0x15000] =	vst v63  }
0x1c2: {  	_ =	swait.ge [sflag:s30], $0x2000  }
0x1c3: {  	[sflag:s30] =	ssyncset.done $0x0  }
0x1c4: {  	s12 =	sadd.s32 $0x1880, s11;
	[sflag:s30] =	ssyncadd.s32 $0xFFFFE000  }
0x1c5: {  	[spmem:s2] =	stream.indirect.scatter.add.f32 [tilespmem:s22], [sflag:$0x5], $0x40, s12, s20, $0xb8;
	[tilespmem:$0x15000] =	vst v63  }
0x1c6: {  	_ =	swait.ge [sflag:s18], $0x2000  }
0x1c7: {  	[sflag:s18] =	ssyncset.done $0x0  }
0x1c8: {  	s12 =	sadd.s32 $0x280, s11;
	[sflag:s18] =	ssyncadd.s32 $0xFFFFE000  }
0x1c9: {  	[tilespmem:s22], [sflag:$0x2] =	stream.indirect.gather [hbm4b:s4+s20], $0x40, s12, s20, $0xb8;
	[tilespmem:$0x15000] =	vst v63  }
0x1ca: {  	_ =	swait.ge [sflag:s1], $0x2000  }
0x1cb: {  	[sflag:s1] =	ssyncset.done $0x0  }
0x1cc: {  	s12 =	sadd.s32 $0x1900, s11;
	[sflag:s1] =	ssyncadd.s32 $0xFFFFE000  }
0x1cd: {  	[spmem:s2] =	stream.indirect.scatter.add.f32 [tilespmem:s24], [sflag:$0x5], $0x40, s12, s20, $0xb8;
	[tilespmem:$0x15000] =	vst v63  }
0x1ce: {  	_ =	swait.ge [sflag:s18], $0x2000  }
0x1cf: {  	[sflag:s18] =	ssyncset.done $0x0  }
0x1d0: {  	s12 =	sadd.s32 $0x300, s11;
	[sflag:s18] =	ssyncadd.s32 $0xFFFFE000  }
0x1d1: {  	[tilespmem:s24], [sflag:$0x3] =	stream.indirect.gather [hbm4b:s4+s20], $0x40, s12, s20, $0xb8;
	[tilespmem:$0x15000] =	vst v63  }
0x1d2: {  	_ =	swait.ge [sflag:s0], $0x2000  }
0x1d3: {  	[sflag:s0] =	ssyncset.done $0x0  }
.Ltmp6:
0x1d4: {  	s12 =	sadd.s32 $0x1980, s11;
	[sflag:s0] =	ssyncadd.s32 $0xFFFFE000;
	(pc) =	sbr.rel @!p1 .LBB2_7-.Ltmp6, $4  }
0x1d5: {  	[spmem:s2] =	stream.indirect.scatter.add.f32 [tilespmem:s26], [sflag:$0x5], $0x40, s12, s20, $0xb8;
	[tilespmem:$0x15000] =	vst v63  }
0x1d6: {  	_ =	swait.ge [sflag:s18], $0x2000  }
0x1d7: {  	[sflag:s18] =	ssyncset.done $0x0  }
0x1d8: {  	s11 =	sadd.s32 $0x380, s11;
	[sflag:s18] =	ssyncadd.s32 $0xFFFFE000  }
.LBB2_8:
.Ltmp7:
0x1d9: {  	(pc) =	sbr.rel .LBB2_10-.Ltmp7, $4  }
0x1da: {  	_ = 	snop  }
0x1db: {  	[tilespmem:s26], [sflag:$0x4] =	stream.indirect.gather [hbm4b:s4+s20], $0x40, s11, s20, $0xb8;
	[tilespmem:$0x15000] =	vst v63  }
0x1dc: {  	s10 =	simm.s32 $0x2F80  }
0x1dd: {  	s11 =	simm.s32 $0x2F00;
	s12 =	simm.s32 $0x2E80;
	s13 =	simm.s32 $0x2E00  }
.LBB2_11:
0x1de: {  	_ =	sfence.sel $0x180000  }
0x1df: {  	[bflag:$0x0] =	sbarrier.arrive $0xFFFF  }
0x1e0: {  	_ =	strace $0x9000004D  }
0x1e1: {  	s0 =	stileid.u32;
	[bflag:$0x2] =	sbarrier.arrive $0xFFFF  }
0x1e2: {  	p0 =	sne.s32 s0, $0x0;
	s0 =	rddreg [dreg:$0x3]  }
0x1e3: {  	s0 =	sadd.s32 @!p0 $0x100000, s0  }
0x1e4: {  	[sflag:s0] =	ssyncadd.tile.s32 @!p0 $0x1;
	_ =	shalt  }
.Lfunc_end2:
_tile_overlayer_lowered:
.L_overlay_start_2:
0x1e5: {  	(tag) =	ssettag $0x2  }
0x1e6: {  	s0 =	rddreg [dreg:$0x0];
	s2 =	stileid.u32  }
0x1e7: {  	s1 =	rddreg [dreg:$0x1];
	p0 =	sne.s32 s2, $0x0  }
0x1e8: {  	s3 =	rddreg [dreg:$0x2];
	[bflag:$0x3] =	sbarrier.arrive $0xFFFF;
	s2 =	simm.s32 @!p0 $0x1C05  }
0x1e9: {  	[timem:s3], [sflag:s2] =	dma.local @!p0 [hbm:s0], s1  }
0x1ea: {  	s0 =	simm.s32 @!p0 $0x5  }
0x1eb: {  	_ =	swait.ge @!p0 [sflag:s0], s1  }
0x1ec: {  	s1 =	ssub.s32 @!p0 $0x0, s1;
	[sflag:s0] =	ssyncset.done @!p0 $0x0  }
0x1ed: {  	[sflag:s0] =	ssyncadd.s32 @!p0 s1  }
0x1ee: {  	[bflag:$0x3] =	sbarrier.arrive $0xFFFF  }
0x1ef: {  	_ =	shalt  }

// kernel: kernel.8.cloned.1.call-start
scs
__scs_entry_jumppad:
0x0: {  	(pc) =	sbr.rel $0x88, $3  }
0x1: {  	(tag) =	ssettag $0x0;
	lr =	simm.s32 $0x1  }
0x2: {  	[smem:$0x3F9B] =	sst lr;
	_ =	strace $0xD0000000  }
0x3: {  	_ = 	snop  }
0x4: {  	_ = 	snop  }
0x5: {  	_ = 	snop  }
0x6: {  	_ = 	snop  }
0x7: {  	_ = 	snop  }
__scs_overlays_trampoline_lowered:
0x8: {  	[smem:$0x3FAA] =	sst s0  }
0x9: {  	[smem:$0x3FAB] =	sst s1  }
0xa: {  	[smem:$0x3FAC] =	sst s2  }
0xb: {  	[smem:$0x3FAD] =	sst s3  }
0xc: {  	[smem:$0x3FAE] =	sst s4  }
0xd: {  	[smem:$0x3FAF] =	sst s5  }
0xe: {  	[smem:$0x3FB0] =	sst s6  }
0xf: {  	[smem:$0x3FB1] =	sst s7  }
0x10: {  	[smem:$0x3FB2] =	sst s8  }
0x11: {  	[smem:$0x3FB3] =	sst s9;
	s0 =	simm.s32 @!p0 $0x0  }
0x12: {  	s1 =	sld [smem:$0x3F99];
	s0 =	simm.s32 @p0 $0x1  }
0x13: {  	[smem:$0x3FB4] =	sst s0;
	s0 =	simm.s32 @!p1 $0x0  }
0x14: {  	s2 =	sld [smem:$0x3F98];
	s0 =	simm.s32 @p1 $0x1  }
0x15: {  	[smem:$0x3FB5] =	sst s0;
	s0 =	simm.s32 @!p2 $0x0  }
0x16: {  	s3 =	sld [smem:$0x3FDB];
	s0 =	simm.s32 @p2 $0x1  }
0x17: {  	s4 =	simm.s32 $0x1BF5;
	[smem:$0x3FB7] =	sst s0  }
0x18: {  	s0 =	sld [smem:$0x3F9A];
	_ =	swait.ge [sflag:s4], $0x0  }
0x19: {  	s7 =	sld [smem:$0x3F9B]  }
0x1a: {  	s8 =	sadd.s32 $0xFFFFE003, lr  }
0x1b: {  	s9 =	sadd.s32 $0xFFFFFEF7, lr;
	s5 =	simm.s32 $0xFFFFFFFF;
	p2 =	slt.u32 s8, $0xFFFFF086  }
0x1c: {  	p1 =	slt.u32 s9, $0xF7A;
	s5 =	simm.s32 @!p2 $0x0  }
0x1d: {  	s5 =	simm.s32 @p1 $0x1;
	p0 =	seq.s32 s7, s2  }
0x1e: {  	s7 =	smul.u32 @!p0 $0xF7A, s2;
	p2 =	seq.s32 @!p0 s5, $0x0  }
0x1f: {  	s9 =	smul.u32 $0xF7A, s1;
	s8 =	simm.s32 @!p0 $0x1BF5;
	p2 =	por !p2, p0  }
0x20: {  	[sflag:s8] =	ssyncset.s32 @!p0 $0xFFFFF086;
	s6 =	sadd.s32 @!p0 s3, s7;
	s7 =	simm.s32 @!p0 $0x108  }
0x21: {  	s3 =	sadd.s32 s3, s9;
	s6 =	sadd.s32 @!p0 $0x88, s6;
	s7 =	simm.s32 @p2 $0x1082  }
0x22: {  	[simem:s7], [sflag:s8] =	dma.local @!p0 [hbm:s6], $0xF7A  }
0x23: {  	s9 =	sor.u32 $0xD0000000, s2;
	s6 =	simm.s32 $0x108;
	_ =	swait.ge @!p0 [sflag:s8], $0x0  }
0x24: {  	s3 =	sadd.s32 $0x88, s3;
	s6 =	simm.s32 @!p1 $0x1082;
	[sflag:s4] =	ssyncset.s32 $0xFFFFF086  }
0x25: {  	[simem:s6], [sflag:s4] =	dma.local [hbm:s3], $0xF7A  }
0x26: {  	[smem:$0x3F9B] =	sst s1;
	(tag) =	ssettag s2;
	_ =	strace s9  }
0x27: {  	s1 =	sld [smem:$0x3FAB]  }
0x28: {  	s2 =	sld [smem:$0x3FAC]  }
0x29: {  	s4 =	sld [smem:$0x3FAE]  }
0x2a: {  	p0 =	seq.s32 s5, $0x0;
	s5 =	sld [smem:$0x3FAF]  }
0x2b: {  	s6 =	sld [smem:$0x3FB0]  }
0x2c: {  	s7 =	sld [smem:$0x3FB1]  }
0x2d: {  	s3 =	simm.s32 $0x108;
	s8 =	sld [smem:$0x3FB2]  }
0x2e: {  	s3 =	simm.s32 @!p0 $0x1082;
	s9 =	sld [smem:$0x3FB3]  }
0x2f: {  	lr =	sadd.s32 s0, s3;
	s0 =	sld [smem:$0x3FAA]  }
0x30: {  	s3 =	sld [smem:$0x3FAD]  }
0x31: {  	[smem:$0x3FB6] =	sst s10  }
0x32: {  	s10 =	sld [smem:$0x3FB4];
	_ =	sdelay $0x3  }
0x33: {  	p0 =	seq.s32 s10, $0x1;
	s10 =	sld [smem:$0x3FB6];
	_ =	sdelay $0x3  }
0x34: {  	[smem:$0x3FB6] =	sst s10  }
0x35: {  	s10 =	sld [smem:$0x3FB5];
	_ =	sdelay $0x3  }
0x36: {  	p1 =	seq.s32 s10, $0x1;
	s10 =	sld [smem:$0x3FB6];
	_ =	sdelay $0x3  }
0x37: {  	[smem:$0x3FB6] =	sst s10  }
0x38: {  	s10 =	sld [smem:$0x3FB7]  }
0x39: {  	_ = 	snop;
	(pc) =	sbr.ind lr, $3  }
0x3a: {  	_ = 	snop  }
0x3b: {  	_ = 	snop  }
0x3c: {  	p2 =	seq.s32 s10, $0x1;
	s10 =	sld [smem:$0x3FB6]  }
0x3d: {  	_ =	shalt  }
0x3e: {  	_ =	shalt  }
0x3f: {  	_ =	shalt  }
0x40: {  	_ =	shalt  }
0x41: {  	_ =	shalt  }
0x42: {  	_ =	shalt  }
0x43: {  	_ =	shalt  }
0x44: {  	_ =	shalt  }
0x45: {  	_ =	shalt  }
0x46: {  	_ =	shalt  }
0x47: {  	_ =	shalt  }
0x48: {  	_ =	shalt  }
0x49: {  	_ =	shalt  }
0x4a: {  	_ =	shalt  }
0x4b: {  	_ =	shalt  }
0x4c: {  	_ =	shalt  }
0x4d: {  	_ =	shalt  }
0x4e: {  	_ =	shalt  }
0x4f: {  	_ =	shalt  }
0x50: {  	_ =	shalt  }
0x51: {  	_ =	shalt  }
0x52: {  	_ =	shalt  }
0x53: {  	_ =	shalt  }
0x54: {  	_ =	shalt  }
0x55: {  	_ =	shalt  }
0x56: {  	_ =	shalt  }
0x57: {  	_ =	shalt  }
0x58: {  	_ =	shalt  }
0x59: {  	_ =	shalt  }
0x5a: {  	_ =	shalt  }
0x5b: {  	_ =	shalt  }
0x5c: {  	_ =	shalt  }
0x5d: {  	_ =	shalt  }
0x5e: {  	_ =	shalt  }
0x5f: {  	_ =	shalt  }
0x60: {  	_ =	shalt  }
0x61: {  	_ =	shalt  }
0x62: {  	_ =	shalt  }
0x63: {  	_ =	shalt  }
0x64: {  	_ =	shalt  }
0x65: {  	_ =	shalt  }
0x66: {  	_ =	shalt  }
0x67: {  	_ =	shalt  }
0x68: {  	_ =	shalt  }
0x69: {  	_ =	shalt  }
0x6a: {  	_ =	shalt  }
0x6b: {  	_ =	shalt  }
0x6c: {  	_ =	shalt  }
0x6d: {  	_ =	shalt  }
0x6e: {  	_ =	shalt  }
0x6f: {  	_ =	shalt  }
0x70: {  	_ =	shalt  }
0x71: {  	_ =	shalt  }
0x72: {  	_ =	shalt  }
0x73: {  	_ =	shalt  }
0x74: {  	_ =	shalt  }
0x75: {  	_ =	shalt  }
0x76: {  	_ =	shalt  }
0x77: {  	_ =	shalt  }
0x78: {  	_ =	shalt  }
0x79: {  	_ =	shalt  }
0x7a: {  	_ =	shalt  }
0x7b: {  	_ =	shalt  }
0x7c: {  	_ =	shalt  }
0x7d: {  	_ =	shalt  }
0x7e: {  	_ =	shalt  }
0x7f: {  	_ =	shalt  }
0x80: {  	_ =	shalt  }
0x81: {  	_ =	shalt  }
0x82: {  	_ =	shalt  }
0x83: {  	_ =	shalt  }
0x84: {  	_ =	shalt  }
0x85: {  	_ =	shalt  }
0x86: {  	_ =	shalt  }
0x87: {  	_ =	shalt  }
.Lfunc_end0:
.L_simem_size_0:
called_computation_lowered:
.L_overlay_start_0:
0x88: {  	s2 =	sld [smem:$0x3FD9]  }
0x89: {  	s3 =	sld [smem:$0x3FFE];
	_ =	sdelay $0x1  }
0x8a: {  	s1 =	srdreg.scid  }
0x8b: {  	s0 =	sand.u32 $0x1, s1  }
0x8c: {  	s17 =	sshll.u32 s0, $0xA;
	s2 =	sadd.s32 s3, s2  }
0x8d: {  	s2 =	sadd.s32 s2, s17  }
0x8e: {  	[smem:$0x3FC2] =	sst s2  }
0x8f: {  	_ = 	snop  }
0x90: {  	s2 =	sld [smem:$0x3FD0];
	(tm) =	ssettm $0x1  }
0x91: {  	s18 =	sld [smem:$0x3FFB];
	_ =	sdelay $0x3  }
0x92: {  	_ =	strace s18  }
0x93: {  	s3 =	sld [smem:$0x3FFC];
	_ =	sdelay $0x3  }
0x94: {  	_ =	strace s3  }
0x95: {  	s3 =	sld [smem:$0x3FFD];
	_ =	sdelay $0x3  }
0x96: {  	_ =	strace s3  }
0x97: {  	_ =	strace $0x8FFFFFFF  }
0x98: {  	s19 =	sld [smem:$0x3FDB];
	_ =	sdelay $0x1  }
0x99: {  	s4 =	simm.s32 $_scs_section_size  }
0x9a: {  	s5 =	simm.s32 $_size__tile_overlayer_lowered;
	s6 =	simm.s32 $_tile_overlayer_lowered  }
0x9b: {  	s22 =	simm.s32 $0x1BFF;
	s21 =	sshll.u32 s6, $0x1;
	s3 =	sadd.s32 s4, s19  }
0x9c: {  	s7 =	simm.s32 $0x0;
	s20 =	sshll.u32 s5, $0x1;
	s5 =	sadd.s32 s21, s3  }
0x9d: {  	[timem:s7], [sflag:s22] =	dma.local [hbm:s5], s20  }
0x9e: {  	_ =	swait.ge [sflag:s22], s20  }
0x9f: {  	s4 =	ssub.s32 $0x0, s20;
	[sflag:s22] =	ssyncset.done $0x0  }
0xa0: {  	[sflag:s22] =	ssyncadd.s32 s4;
	_ =	sdelay $0x1  }
0xa1: {  	s23 =	simm.s32 $0x1B8B  }
0xa2: {  	_ =	swait.ge [sflag:s23], $0x1  }
0xa3: {  	[sflag:s23] =	ssyncset.done $0x0  }
0xa4: {  	s25 =	simm.s32 $0x1B8E;
	s24 =	sld [smem:$0x3FFE];
	[sflag:s23] =	ssyncadd.s32 $0xFFFFFFFF  }
0xa5: {  	s26 =	simm.s32 $execute0_lowered;
	[smem:$0x3FD2] =	sst s25  }
0xa6: {  	s5 =	sshll.u32 s26, $0x1;
	_ =	strace $0x80000046;
	[dreg:$0x1] =	wrdreg $0xFFFFFFFF  }
0xa7: {  	s28 =	simm.s32 $_size_execute0_lowered;
	s3 =	sadd.s32 s3, s5;
	[dreg:$0x0] =	wrdreg $0x0  }
0xa8: {  	s5 =	sshll.u32 s28, $0x1;
	[dreg:$0x2] =	wrdreg s3  }
0xa9: {  	[dreg:$0x3] =	wrdreg s5  }
0xaa: {  	[dreg:$0x4] =	wrdreg $0xC0  }
0xab: {  	_ =	task [dreg:s7], $0x5FFFF  }
0xac: {  	[dreg:$0x1] =	wrdreg $0xFFFFFFFF  }
0xad: {  	[dreg:$0x0] =	wrdreg $0x60  }
0xae: {  	[dreg:$0x2] =	wrdreg s2  }
0xaf: {  	[dreg:$0x3] =	wrdreg s24  }
0xb0: {  	[dreg:$0x4] =	wrdreg $0x2C000  }
0xb1: {  	[dreg:$0x5] =	wrdreg $0x9  }
0xb2: {  	_ =	task.clear_ibuf [dreg:s7], $0x6FFFF;
	_ =	strace $0x90000046  }
0xb3: {  	s29 =	simm.s32 $0x9;
	_ =	strace $0x80000048  }
0xb4: {  	_ =	swait.ge [sflag:s29], $0x1  }
0xb5: {  	[sflag:s29] =	ssyncadd.s32 $0xFFFFFFFF  }
0xb6: {  	_ =	strace $0x90000048  }
0xb7: {  	_ =	sfence  }
0xb8: {  	s30 =	sld [smem:$0x0];
	_ =	sdelay $0x2  }
0xb9: {  	s31 =	sshll.u32 s1, $0xD;
	s1 =	sshrl.u32 s1, $0x2  }
0xba: {  	s3 =	sand.u32 $0x4000, s31;
	s1 =	sadd.s32 s1, s30  }
0xbb: {  	s0 =	sor.u32 s3, s0;
	s1 =	sshll.u32 s1, $0x11  }
0xbc: {  	s0 =	sor.u32 s1, s0  }
0xbd: {  	s0 =	sadd.s32 $0x8F2B, s0  }
0xbe: {  	[sflag:s0] =	ssyncadd.remote.s32 $0x1  }
0xbf: {  	_ =	sfence.sel $0xFFFF  }
0xc0: {  	[dreg:$0x0] =	wrdreg $0xFFFFFFFF;
	(pc) =	sbr.abs _section_cstart, $3  }
0xc1: {  	[dreg:$0x1] =	wrdreg $0xFFFFFFFF  }
0xc2: {  	_ =	task.clear_ibuf [dreg:s7], $0x2FFFF;
	_ =	strace $0x9FFFFFFF  }
0xc3: {  	(tm) =	ssettm $0x7FFFFFFF  }
tec
execute0_lowered:
.L_overlay_start_1:
0x0: {  	(tag) =	ssettag $0x1  }
0x1: {  	s7 =	rddreg [dreg:$0x0]  }
0x2: {  	s6 =	rddreg [dreg:$0x1]  }
0x3: {  	s2 =	rddreg [dreg:$0x2]  }
0x4: {  	s0 =	rddreg [dreg:$0x3]  }
0x5: {  	s4 =	srdreg.scid;
	s1 =	stileid.u32;
	s3 =	simm.s32 $0x0  }
0x6: {  	s13 =	simm.s32 $0x80;
	s14 =	simm.s32 $0x0;
	s8 =	sand.u32 $0x1, s4  }
0x7: {  	s9 =	smul.u32 $0x1400, s1;
	[smem:$0x7FF] =	sst s3;
	s4 =	sadd.s32 $0x1A00, s6  }
0x8: {  	s5 =	sadd.s32 $0x1600, s6;
	s11 =	sshll.u32 s1, $0x1;
	s31 =	sshll.u32 s1, $0x6  }
0x9: {  	s10 =	smul.u32 $0x14000, s8;
	_ =	strace $0x80000047;
	s12 =	ssub.s32 $0x2, s8  }
0xa: {  	s8 =	sor.u32 s8, s11;
	s11 =	simm.s32 $0x1;
	s28 =	sshrl.u32 s12, $0x1  }
0xb: {  	s8 =	smul.u32 $0x500, s8;
	s30 =	sadd.s32 s9, s2;
	s10 =	sadd.s32 s9, s10  }
0xc: {  	s29 =	ssub.s32 s12, s28;
	s12 =	simm.s32 $0x2800;
	s10 =	sshrl.u32 s10, $0x3  }
0xd: {  	s7 =	sadd.s32 s7, s8;
	s9 =	smax.u32 s29, $0x1;
	s10 =	sadd.s32 s10, s6  }
0xe: {  	s6 =	sor.u32 $0x1C01, s31;
	s8 =	sadd.s32 $0x1C00, s10;
	s10 =	sshrl.u32 s30, $0x3  }
.LBB2_1:
0xf: {  	[spmem:s10], [sflag:s6] =	dma.local [hbm:s5], $0x280  }
0x10: {  	_ =	swait.ge [sflag:s11], $0x280  }
0x11: {  	[sflag:s11] =	ssyncset.done $0x0  }
0x12: {  	[sflag:s11] =	ssyncadd.s32 $0xFFFFFD80  }
0x13: {  	[tilespmem:s3], [sflag:$0x1] =	stream.linear.gather [hbm4b:s7+s3], $0x2800, $0x38;
	[tilespmem:$0x4000] =	vst v63  }
0x14: {  	_ =	swait.ge [sflag:s11], $0x2800  }
0x15: {  	[sflag:s11] =	ssyncset.done $0x0  }
0x16: {  	[sflag:s11] =	ssyncadd.s32 $0xFFFFD800  }
0x17: {  	[tilespmem:s12], [sflag:$0x1] =	stream.linear.gather [hbm4b:s4+s3], $0x400, $0x38;
	[tilespmem:$0x4000] =	vst v63  }
0x18: {  	_ =	swait.ge [sflag:s11], $0x400  }
0x19: {  	[sflag:s11] =	ssyncset.done $0x0  }
0x1a: {  	[sflag:s11] =	ssyncadd.s32 $0xFFFFFC00  }
0x1b: {  	s15 =	simm.s32 $0x0;
	[bflag:$0x0] =	sbarrier.arrive $0xFFFF  }
0x1c: {  	[spmem:s2] =	stream.indirect.scatter.add.f32 [tilespmem:s12], [sflag:$0x1], $0x8, s15, s13, $0xb8;
	[tilespmem:$0x4000] =	vst v63  }
0x1d: {  	_ =	swait.ge [sflag:s11], $0x400  }
0x1e: {  	s15 =	simm.s32 $0x200;
	[sflag:s11] =	ssyncset.done $0x0  }
.LBB2_2:
0x1f: {  	s16 =	sshra.s32 s15, $0x2;
	[sflag:s11] =	ssyncadd.s32 $0xFFFFFC00;
	p0 =	sne.s32 s15, $0x9E00  }
0x20: {  	[spmem:s2] =	stream.indirect.scatter.add.f32 [tilespmem:s12], [sflag:$0x1], $0x8, s16, s13, $0xb8;
	[tilespmem:$0x4000] =	vst v63  }
.Ltmp0:
0x21: {  	_ = 	snop;
	(pc) =	sbr.rel @p0 .LBB2_2-.Ltmp0, $4  }
0x22: {  	_ = 	snop  }
0x23: {  	s15 =	sadd.s32 $0x200, s15  }
0x24: {  	_ =	swait.ge [sflag:s11], $0x400  }
0x25: {  	[sflag:s11] =	ssyncset.done $0x0  }
0x26: {  	s14 =	sadd.s32 $0x1, s14  }
0x27: {  	[sflag:s11] =	ssyncadd.s32 $0xFFFFFC00;
	p0 =	sne.s32 s14, s9  }
.Ltmp1:
0x28: {  	[bflag:$0x0] =	sbarrier.arrive $0xFFFF;
	(pc) =	sbr.rel @p0 .LBB2_1-.Ltmp1, $4  }
0x29: {  	[hbm:s8], [sflag:s6] =	dma.local [spmem:s10], $0x280  }
0x2a: {  	_ =	swait.ge [sflag:s11], $0x280  }
0x2b: {  	[sflag:s11] =	ssyncset.done $0x0  }
0x2c: {  	[sflag:s11] =	ssyncadd.s32 $0xFFFFFD80  }
0x2d: {  	_ =	sfence.sel $0x180000  }
0x2e: {  	[bflag:$0x0] =	sbarrier.arrive $0xFFFF  }
0x2f: {  	p0 =	sne.s32 s1, $0x0;
	_ =	strace $0x90000047  }
0x30: {  	s0 =	sadd.s32 @!p0 $0x100000, s0;
	[bflag:$0x2] =	sbarrier.arrive $0xFFFF  }
0x31: {  	[sflag:s0] =	ssyncadd.tile.s32 @!p0 $0x1;
	_ =	shalt  }
.Lfunc_end2:
_tile_overlayer_lowered:
.L_overlay_start_2:
0x32: {  	(tag) =	ssettag $0x2  }
0x33: {  	s0 =	rddreg [dreg:$0x0];
	s2 =	stileid.u32  }
0x34: {  	s1 =	rddreg [dreg:$0x1];
	p0 =	sne.s32 s2, $0x0  }
0x35: {  	s3 =	rddreg [dreg:$0x2];
	[bflag:$0x3] =	sbarrier.arrive $0xFFFF;
	s2 =	simm.s32 @!p0 $0x1C01  }
0x36: {  	[timem:s3], [sflag:s2] =	dma.local @!p0 [hbm:s0], s1  }
0x37: {  	s0 =	simm.s32 @!p0 $0x1  }
0x38: {  	_ =	swait.ge @!p0 [sflag:s0], s1  }
0x39: {  	s1 =	ssub.s32 @!p0 $0x0, s1;
	[sflag:s0] =	ssyncset.done @!p0 $0x0  }
0x3a: {  	[sflag:s0] =	ssyncadd.s32 @!p0 s1  }
0x3b: {  	[bflag:$0x3] =	sbarrier.arrive $0xFFFF  }
0x3c: {  	_ =	shalt  }

</sc_bundles>
